<compile_context>
chip_gen: v7x
topology: tpu7x:2x2x1
jax: 0.10.2.dev20260603
libtpu: 0.0.44.dev20260713+nightly
codegen_flags: <defaults>
</compile_context>

<pallas_src>
import functools

import jax
import jax.numpy as jnp
from jax import lax
from jax.experimental import pallas as pl
from jax.experimental.pallas import tpu as pltpu
from jax.experimental.pallas import tpu_sc as plsc

N_TOK = 32768
D_MODEL = 768
N_EXPERTS = 64
TOP_K = 8
BT = 4096

NC = 2
NS = 16
L = 16
NW = NC * NS
TOK_PER_W = N_TOK // NW
CHUNK = 256
GROUPS = CHUNK // L


def _tc_body(x_ref, w_ref, b_ref, scores_ref, scores_t_ref):
    logits = jnp.dot(x_ref[...], w_ref[...], preferred_element_type=jnp.float32)
    scores = jax.nn.sigmoid(logits + b_ref[...])
    scores_ref[...] = scores
    scores_t_ref[...] = scores.T


def _tc_scores(x, W, b):
    return pl.pallas_call(
        _tc_body,
        grid=(N_TOK // BT,),
        in_specs=[
            pl.BlockSpec((BT, D_MODEL), lambda t: (t, 0)),
            pl.BlockSpec((D_MODEL, N_EXPERTS), lambda t: (0, 0)),
            pl.BlockSpec((1, N_EXPERTS), lambda t: (0, 0)),
        ],
        out_specs=[
            pl.BlockSpec((BT, N_EXPERTS), lambda t: (t, 0)),
            pl.BlockSpec((N_EXPERTS, BT), lambda t: (0, t)),
        ],
        out_shape=[
            jax.ShapeDtypeStruct((N_TOK, N_EXPERTS), jnp.float32),
            jax.ShapeDtypeStruct((N_EXPERTS, N_TOK), jnp.float32),
        ],
    )(x, W, b.reshape(1, N_EXPERTS))


@functools.partial(
    pl.kernel,
    out_type=[
        jax.ShapeDtypeStruct((TOP_K, N_TOK), jnp.float32),
        jax.ShapeDtypeStruct((TOP_K, N_TOK), jnp.int32),
    ],
    mesh=plsc.VectorSubcoreMesh(core_axis_name="c", subcore_axis_name="s"),
    scratch_types=[
        pltpu.VMEM((N_EXPERTS, CHUNK), jnp.float32),
        pltpu.VMEM((TOP_K, CHUNK), jnp.float32),
        pltpu.VMEM((TOP_K, CHUNK), jnp.int32),
    ],
)
def _sc_topk(scores_t_hbm, g_hbm, i_hbm, sc_v, g_v, i_v):
    wid = lax.axis_index("s") * NC + lax.axis_index("c")
    base_tok = wid * TOK_PER_W

    def chunk_body(ci, carry):
        tok0 = base_tok + ci * CHUNK
        pltpu.sync_copy(scores_t_hbm.at[:, pl.ds(tok0, CHUNK)], sc_v)

        def group_body(gi, c2):
            tbase = gi * L
            v = [jnp.full((L,), -2.0, jnp.float32) for _ in range(TOP_K)]
            ix = [jnp.zeros((L,), jnp.int32) for _ in range(TOP_K)]
            for e in range(N_EXPERTS):
                s = sc_v[e, pl.ds(tbase, L)]
                ei = jnp.full((L,), e, jnp.int32)
                for j in range(TOP_K):
                    m = s > v[j]
                    nv = jnp.where(m, s, v[j])
                    ns = jnp.where(m, v[j], s)
                    ni = jnp.where(m, ei, ix[j])
                    nei = jnp.where(m, ix[j], ei)
                    v[j] = nv
                    ix[j] = ni
                    s = ns
                    ei = nei
            total = v[0]
            for j in range(1, TOP_K):
                total = total + v[j]
            inv = 1.0 / total
            for j in range(TOP_K):
                g_v[j, pl.ds(tbase, L)] = v[j] * inv
                i_v[j, pl.ds(tbase, L)] = ix[j]
            return c2

        lax.fori_loop(0, GROUPS, group_body, 0)
        pltpu.sync_copy(g_v, g_hbm.at[:, pl.ds(tok0, CHUNK)])
        pltpu.sync_copy(i_v, i_hbm.at[:, pl.ds(tok0, CHUNK)])
        return carry

    lax.fori_loop(0, TOK_PER_W // CHUNK, chunk_body, 0)


def kernel(x, W, b):
    scores, scores_t = _tc_scores(x, W, b)
    g_t, i_t = _sc_topk(scores_t)
    return (g_t.T, i_t.T, scores)

# --- scband reference (transcript-rebuilt; emitter-appended) ---
"""Pipeline reference for scband-noisy-kgate-20289425506607 (READ-ONLY COPY).

The authoritative reference and input builder live on the scoring server;
editing this copy changes nothing except your own understanding.
"""

import jax, jax.numpy as jnp
import numpy as np

N_TOK = 32768
D_MODEL = 768
N_EXPERTS = 64
TOP_K = 8


def setup_inputs(seed: int = 0) -> dict:
    key = jax.random.key(seed)
    k1, k2 = jax.random.split(key, 2)
    x = jax.random.normal(k1, (N_TOK, D_MODEL), dtype=jnp.float32)
    W = jax.random.normal(k2, (D_MODEL, N_EXPERTS), dtype=jnp.float32) * 0.02
    b = jnp.zeros((N_EXPERTS,), dtype=jnp.float32)
    return {"x": x, "W": W, "b": b}


def reference(x, W, b):
    # Dense projection to expert centroids (all-gather/psum_scatter collapse to a
    # plain dense matmul in the single-device faithful reference)
    logits = jnp.einsum('tc,ce->te', x, W) + b
    # local_scores -> sigmoid; all_gather over 'tensor' is identity here
    scores = jax.nn.sigmoid(logits)
    # top(): per-token top-k over experts, then normalize gate values
    g_i, i = jax.lax.top_k(scores, TOP_K)
    g = g_i / jnp.sum(g_i, axis=-1, keepdims=True)
    return (g, i, scores)

if __name__ == "__main__":
    import jax
    _d = setup_inputs()
    print(jax.jit(kernel)(*tuple(_d.values())))

</pallas_src>

<mosaic_0001>
#map = affine_map<(d0, d1) -> (0, 0)>
module attributes {stable_mosaic.version = 14 : i64} {
  func.func @_sc_topk(%arg0: i32, %arg1: i32, %arg2: memref<64x32768xf32, #tpu.memory_space<hbm>>, %arg3: memref<8x32768xf32, #tpu.memory_space<hbm>>, %arg4: memref<8x32768xi32, #tpu.memory_space<hbm>>, %arg5: memref<64x256xf32, #tpu.memory_space<vmem>>, %arg6: memref<8x256xf32, #tpu.memory_space<vmem>>, %arg7: memref<8x256xi32, #tpu.memory_space<vmem>>) attributes {dimension_semantics = [#tpu.dimension_semantics<core_parallel>, #tpu.dimension_semantics<subcore_parallel>], iteration_bounds = array<i64: 2, 16>, scalar_prefetch = 0 : i64, scratch_operands = 3 : i64, tpu.core_type = #tpu.core_type<sc_vector_subcore>, window_params = [{transform_indices = #map}, {transform_indices = #map}, {transform_indices = #map}]} {
    %mul3A = arith.constant 2 : i32
    %mul3A_0 = arith.muli %arg1, %mul3A : i32
    %add3A = arith.addi %mul3A_0, %arg0 : i32
    %mul3A_1 = arith.constant 1024 : i32
    %mul3A_2 = arith.muli %add3A, %mul3A_1 : i32
    %scan3A = arith.constant 0 : i32
    %scan3A_3 = arith.constant 0 : i32
    %scan3A_4 = arith.constant 4 : i32
    %scan3A_5 = arith.addi %scan3A_3, %scan3A_4 : i32
    %scan3A_6 = arith.constant 1 : i32
    scf.for %scan3A_8 = %scan3A_3 to %scan3A_5 step %scan3A_6  : i32 {
      %mul3A_9 = arith.constant 256 : i32
      %mul3A_10 = arith.muli %scan3A_8, %mul3A_9 : i32
      %add3A_11 = arith.addi %mul3A_2, %mul3A_10 : i32
      "tpu.region"() ({
        %run_scoped3A = tpu.sem_alloc : memref<!tpu.dma_semaphore, #tpu.memory_space<semaphore_mem>>
        %dma_start3A = arith.constant 0 : i32
        %dma_start3A_18 = tpu.memref_slice %arg2[%dma_start3A, %add3A_11] : memref<64x32768xf32, #tpu.memory_space<hbm>> -> memref<64x256xf32, #tpu.memory_space<hbm>>
        %dma_start3A_19 = arith.constant 0 : i32
        %dma_start3A_20 = tpu.memref_slice %arg2[%dma_start3A_19, %add3A_11] : memref<64x32768xf32, #tpu.memory_space<hbm>> -> memref<64x256xf32, #tpu.memory_space<hbm>>
        tpu.enqueue_dma source(%dma_start3A_20 : memref<64x256xf32, #tpu.memory_space<hbm>>) target(%arg5 : memref<64x256xf32, #tpu.memory_space<vmem>>) target_semaphore(%run_scoped3A : memref<!tpu.dma_semaphore, #tpu.memory_space<semaphore_mem>>)
        %dma_wait3A = arith.constant 0 : i32
        %dma_wait3A_21 = tpu.memref_slice %arg2[%dma_wait3A, %add3A_11] : memref<64x32768xf32, #tpu.memory_space<hbm>> -> memref<64x256xf32, #tpu.memory_space<hbm>>
        %dma_wait3A_22 = arith.constant 0 : i32
        %dma_wait3A_23 = tpu.memref_slice %arg2[%dma_wait3A_22, %add3A_11] : memref<64x32768xf32, #tpu.memory_space<hbm>> -> memref<64x256xf32, #tpu.memory_space<hbm>>
        tpu.wait_dma2 semaphore(%run_scoped3A : memref<!tpu.dma_semaphore, #tpu.memory_space<semaphore_mem>>) src(%dma_wait3A_23 : memref<64x256xf32, #tpu.memory_space<hbm>>) dst(%arg5 : memref<64x256xf32, #tpu.memory_space<vmem>>)
        tpu.yield
      }) : () -> ()
      %scan3A_12 = arith.constant 0 : i32
      %scan3A_13 = arith.constant 0 : i32
      %scan3A_14 = arith.constant 16 : i32
      %scan3A_15 = arith.addi %scan3A_13, %scan3A_14 : i32
      %scan3A_16 = arith.constant 1 : i32
      scf.for %scan3A_18 = %scan3A_13 to %scan3A_15 step %scan3A_16  : i32 {
        %mul3A_19 = arith.constant 16 : i32
        %mul3A_20 = arith.muli %scan3A_18, %mul3A_19 : i32
        %broadcast_in_dim3A = arith.constant -2.000000e+00 : f32
        %broadcast_in_dim3A_21 = vector.broadcast %broadcast_in_dim3A : f32 to vector<16xf32>
        %broadcast_in_dim3A_22 = arith.constant -2.000000e+00 : f32
        %broadcast_in_dim3A_23 = vector.broadcast %broadcast_in_dim3A_22 : f32 to vector<16xf32>
        %broadcast_in_dim3A_24 = arith.constant -2.000000e+00 : f32
        %broadcast_in_dim3A_25 = vector.broadcast %broadcast_in_dim3A_24 : f32 to vector<16xf32>
        %broadcast_in_dim3A_26 = arith.constant -2.000000e+00 : f32
        %broadcast_in_dim3A_27 = vector.broadcast %broadcast_in_dim3A_26 : f32 to vector<16xf32>
        %broadcast_in_dim3A_28 = arith.constant -2.000000e+00 : f32
        %broadcast_in_dim3A_29 = vector.broadcast %broadcast_in_dim3A_28 : f32 to vector<16xf32>
        %broadcast_in_dim3A_30 = arith.constant -2.000000e+00 : f32
        %broadcast_in_dim3A_31 = vector.broadcast %broadcast_in_dim3A_30 : f32 to vector<16xf32>
        %broadcast_in_dim3A_32 = arith.constant -2.000000e+00 : f32
        %broadcast_in_dim3A_33 = vector.broadcast %broadcast_in_dim3A_32 : f32 to vector<16xf32>
        %broadcast_in_dim3A_34 = arith.constant -2.000000e+00 : f32
        %broadcast_in_dim3A_35 = vector.broadcast %broadcast_in_dim3A_34 : f32 to vector<16xf32>
        %broadcast_in_dim3A_36 = arith.constant 0 : i32
        %broadcast_in_dim3A_37 = vector.broadcast %broadcast_in_dim3A_36 : i32 to vector<16xi32>
        %broadcast_in_dim3A_38 = arith.constant 0 : i32
        %broadcast_in_dim3A_39 = vector.broadcast %broadcast_in_dim3A_38 : i32 to vector<16xi32>
        %broadcast_in_dim3A_40 = arith.constant 0 : i32
        %broadcast_in_dim3A_41 = vector.broadcast %broadcast_in_dim3A_40 : i32 to vector<16xi32>
        %broadcast_in_dim3A_42 = arith.constant 0 : i32
        %broadcast_in_dim3A_43 = vector.broadcast %broadcast_in_dim3A_42 : i32 to vector<16xi32>
        %broadcast_in_dim3A_44 = arith.constant 0 : i32
        %broadcast_in_dim3A_45 = vector.broadcast %broadcast_in_dim3A_44 : i32 to vector<16xi32>
        %broadcast_in_dim3A_46 = arith.constant 0 : i32
        %broadcast_in_dim3A_47 = vector.broadcast %broadcast_in_dim3A_46 : i32 to vector<16xi32>
        %broadcast_in_dim3A_48 = arith.constant 0 : i32
        %broadcast_in_dim3A_49 = vector.broadcast %broadcast_in_dim3A_48 : i32 to vector<16xi32>
        %broadcast_in_dim3A_50 = arith.constant 0 : i32
        %broadcast_in_dim3A_51 = vector.broadcast %broadcast_in_dim3A_50 : i32 to vector<16xi32>
        %get3A = arith.constant 0 : i32
        %get3A_52 = arith.index_cast %get3A : i32 to index
        %get3A_53 = arith.index_cast %mul3A_20 : i32 to index
        %get3A_54 = tpu.vector_load %arg5[%get3A_52, %get3A_53] {strides = array<i32>} : memref<64x256xf32, #tpu.memory_space<vmem>>, vector<1x16xf32>,
        %get3A_55 = vector.shape_cast %get3A_54 : vector<1x16xf32> to vector<16xf32>
        %broadcast_in_dim3A_56 = arith.constant 0 : i32
        %broadcast_in_dim3A_57 = vector.broadcast %broadcast_in_dim3A_56 : i32 to vector<16xi32>
        %gt3A = arith.cmpf ogt, %get3A_55, %broadcast_in_dim3A_21 : vector<16xf32>
        %select_n3A = arith.select %gt3A, %get3A_55, %broadcast_in_dim3A_21 : vector<16xi1>, vector<16xf32>
        %select_n3A_58 = arith.select %gt3A, %broadcast_in_dim3A_21, %get3A_55 : vector<16xi1>, vector<16xf32>
        %select_n3A_59 = arith.select %gt3A, %broadcast_in_dim3A_57, %broadcast_in_dim3A_37 : vector<16xi1>, vector<16xi32>
        %select_n3A_60 = arith.select %gt3A, %broadcast_in_dim3A_37, %broadcast_in_dim3A_57 : vector<16xi1>, vector<16xi32>
        %gt3A_61 = arith.cmpf ogt, %select_n3A_58, %broadcast_in_dim3A_23 : vector<16xf32>
        %select_n3A_62 = arith.select %gt3A_61, %select_n3A_58, %broadcast_in_dim3A_23 : vector<16xi1>, vector<16xf32>
        %select_n3A_63 = arith.select %gt3A_61, %broadcast_in_dim3A_23, %select_n3A_58 : vector<16xi1>, vector<16xf32>
        %select_n3A_64 = arith.select %gt3A_61, %select_n3A_60, %broadcast_in_dim3A_39 : vector<16xi1>, vector<16xi32>
        %select_n3A_65 = arith.select %gt3A_61, %broadcast_in_dim3A_39, %select_n3A_60 : vector<16xi1>, vector<16xi32>
        %gt3A_66 = arith.cmpf ogt, %select_n3A_63, %broadcast_in_dim3A_25 : vector<16xf32>
        %select_n3A_67 = arith.select %gt3A_66, %select_n3A_63, %broadcast_in_dim3A_25 : vector<16xi1>, vector<16xf32>
        %select_n3A_68 = arith.select %gt3A_66, %broadcast_in_dim3A_25, %select_n3A_63 : vector<16xi1>, vector<16xf32>
        %select_n3A_69 = arith.select %gt3A_66, %select_n3A_65, %broadcast_in_dim3A_41 : vector<16xi1>, vector<16xi32>
        %select_n3A_70 = arith.select %gt3A_66, %broadcast_in_dim3A_41, %select_n3A_65 : vector<16xi1>, vector<16xi32>
        %gt3A_71 = arith.cmpf ogt, %select_n3A_68, %broadcast_in_dim3A_27 : vector<16xf32>
        %select_n3A_72 = arith.select %gt3A_71, %select_n3A_68, %broadcast_in_dim3A_27 : vector<16xi1>, vector<16xf32>
        %select_n3A_73 = arith.select %gt3A_71, %broadcast_in_dim3A_27, %select_n3A_68 : vector<16xi1>, vector<16xf32>
        %select_n3A_74 = arith.select %gt3A_71, %select_n3A_70, %broadcast_in_dim3A_43 : vector<16xi1>, vector<16xi32>
        %select_n3A_75 = arith.select %gt3A_71, %broadcast_in_dim3A_43, %select_n3A_70 : vector<16xi1>, vector<16xi32>
        %gt3A_76 = arith.cmpf ogt, %select_n3A_73, %broadcast_in_dim3A_29 : vector<16xf32>
        %select_n3A_77 = arith.select %gt3A_76, %select_n3A_73, %broadcast_in_dim3A_29 : vector<16xi1>, vector<16xf32>
        %select_n3A_78 = arith.select %gt3A_76, %broadcast_in_dim3A_29, %select_n3A_73 : vector<16xi1>, vector<16xf32>
        %select_n3A_79 = arith.select %gt3A_76, %select_n3A_75, %broadcast_in_dim3A_45 : vector<16xi1>, vector<16xi32>
        %select_n3A_80 = arith.select %gt3A_76, %broadcast_in_dim3A_45, %select_n3A_75 : vector<16xi1>, vector<16xi32>
        %gt3A_81 = arith.cmpf ogt, %select_n3A_78, %broadcast_in_dim3A_31 : vector<16xf32>
        %select_n3A_82 = arith.select %gt3A_81, %select_n3A_78, %broadcast_in_dim3A_31 : vector<16xi1>, vector<16xf32>
        %select_n3A_83 = arith.select %gt3A_81, %broadcast_in_dim3A_31, %select_n3A_78 : vector<16xi1>, vector<16xf32>
        %select_n3A_84 = arith.select %gt3A_81, %select_n3A_80, %broadcast_in_dim3A_47 : vector<16xi1>, vector<16xi32>
        %select_n3A_85 = arith.select %gt3A_81, %broadcast_in_dim3A_47, %select_n3A_80 : vector<16xi1>, vector<16xi32>
        %gt3A_86 = arith.cmpf ogt, %select_n3A_83, %broadcast_in_dim3A_33 : vector<16xf32>
        %select_n3A_87 = arith.select %gt3A_86, %select_n3A_83, %broadcast_in_dim3A_33 : vector<16xi1>, vector<16xf32>
        %select_n3A_88 = arith.select %gt3A_86, %broadcast_in_dim3A_33, %select_n3A_83 : vector<16xi1>, vector<16xf32>
        %select_n3A_89 = arith.select %gt3A_86, %select_n3A_85, %broadcast_in_dim3A_49 : vector<16xi1>, vector<16xi32>
        %select_n3A_90 = arith.select %gt3A_86, %broadcast_in_dim3A_49, %select_n3A_85 : vector<16xi1>, vector<16xi32>
        %gt3A_91 = arith.cmpf ogt, %select_n3A_88, %broadcast_in_dim3A_35 : vector<16xf32>
        %select_n3A_92 = arith.select %gt3A_91, %select_n3A_88, %broadcast_in_dim3A_35 : vector<16xi1>, vector<16xf32>
        %select_n3A_93 = arith.select %gt3A_91, %broadcast_in_dim3A_35, %select_n3A_88 : vector<16xi1>, vector<16xf32>
        %select_n3A_94 = arith.select %gt3A_91, %select_n3A_90, %broadcast_in_dim3A_51 : vector<16xi1>, vector<16xi32>
        %select_n3A_95 = arith.select %gt3A_91, %broadcast_in_dim3A_51, %select_n3A_90 : vector<16xi1>, vector<16xi32>
        %get3A_96 = arith.constant 1 : i32
        %get3A_97 = arith.index_cast %get3A_96 : i32 to index
        %get3A_98 = arith.index_cast %mul3A_20 : i32 to index
        %get3A_99 = tpu.vector_load %arg5[%get3A_97, %get3A_98] {strides = array<i32>} : memref<64x256xf32, #tpu.memory_space<vmem>>, vector<1x16xf32>,
        %get3A_100 = vector.shape_cast %get3A_99 : vector<1x16xf32> to vector<16xf32>
        %broadcast_in_dim3A_101 = arith.constant 1 : i32
        %broadcast_in_dim3A_102 = vector.broadcast %broadcast_in_dim3A_101 : i32 to vector<16xi32>
        %gt3A_103 = arith.cmpf ogt, %get3A_100, %select_n3A : vector<16xf32>
        %select_n3A_104 = arith.select %gt3A_103, %get3A_100, %select_n3A : vector<16xi1>, vector<16xf32>
        %select_n3A_105 = arith.select %gt3A_103, %select_n3A, %get3A_100 : vector<16xi1>, vector<16xf32>
        %select_n3A_106 = arith.select %gt3A_103, %broadcast_in_dim3A_102, %select_n3A_59 : vector<16xi1>, vector<16xi32>
        %select_n3A_107 = arith.select %gt3A_103, %select_n3A_59, %broadcast_in_dim3A_102 : vector<16xi1>, vector<16xi32>
        %gt3A_108 = arith.cmpf ogt, %select_n3A_105, %select_n3A_62 : vector<16xf32>
        %select_n3A_109 = arith.select %gt3A_108, %select_n3A_105, %select_n3A_62 : vector<16xi1>, vector<16xf32>
        %select_n3A_110 = arith.select %gt3A_108, %select_n3A_62, %select_n3A_105 : vector<16xi1>, vector<16xf32>
        %select_n3A_111 = arith.select %gt3A_108, %select_n3A_107, %select_n3A_64 : vector<16xi1>, vector<16xi32>
        %select_n3A_112 = arith.select %gt3A_108, %select_n3A_64, %select_n3A_107 : vector<16xi1>, vector<16xi32>
        %gt3A_113 = arith.cmpf ogt, %select_n3A_110, %select_n3A_67 : vector<16xf32>
        %select_n3A_114 = arith.select %gt3A_113, %select_n3A_110, %select_n3A_67 : vector<16xi1>, vector<16xf32>
        %select_n3A_115 = arith.select %gt3A_113, %select_n3A_67, %select_n3A_110 : vector<16xi1>, vector<16xf32>
        %select_n3A_116 = arith.select %gt3A_113, %select_n3A_112, %select_n3A_69 : vector<16xi1>, vector<16xi32>
        %select_n3A_117 = arith.select %gt3A_113, %select_n3A_69, %select_n3A_112 : vector<16xi1>, vector<16xi32>
        %gt3A_118 = arith.cmpf ogt, %select_n3A_115, %select_n3A_72 : vector<16xf32>
        %select_n3A_119 = arith.select %gt3A_118, %select_n3A_115, %select_n3A_72 : vector<16xi1>, vector<16xf32>
        %select_n3A_120 = arith.select %gt3A_118, %select_n3A_72, %select_n3A_115 : vector<16xi1>, vector<16xf32>
        %select_n3A_121 = arith.select %gt3A_118, %select_n3A_117, %select_n3A_74 : vector<16xi1>, vector<16xi32>
        %select_n3A_122 = arith.select %gt3A_118, %select_n3A_74, %select_n3A_117 : vector<16xi1>, vector<16xi32>
        %gt3A_123 = arith.cmpf ogt, %select_n3A_120, %select_n3A_77 : vector<16xf32>
        %select_n3A_124 = arith.select %gt3A_123, %select_n3A_120, %select_n3A_77 : vector<16xi1>, vector<16xf32>
        %select_n3A_125 = arith.select %gt3A_123, %select_n3A_77, %select_n3A_120 : vector<16xi1>, vector<16xf32>
        %select_n3A_126 = arith.select %gt3A_123, %select_n3A_122, %select_n3A_79 : vector<16xi1>, vector<16xi32>
        %select_n3A_127 = arith.select %gt3A_123, %select_n3A_79, %select_n3A_122 : vector<16xi1>, vector<16xi32>
        %gt3A_128 = arith.cmpf ogt, %select_n3A_125, %select_n3A_82 : vector<16xf32>
        %select_n3A_129 = arith.select %gt3A_128, %select_n3A_125, %select_n3A_82 : vector<16xi1>, vector<16xf32>
        %select_n3A_130 = arith.select %gt3A_128, %select_n3A_82, %select_n3A_125 : vector<16xi1>, vector<16xf32>
        %select_n3A_131 = arith.select %gt3A_128, %select_n3A_127, %select_n3A_84 : vector<16xi1>, vector<16xi32>
        %select_n3A_132 = arith.select %gt3A_128, %select_n3A_84, %select_n3A_127 : vector<16xi1>, vector<16xi32>
        %gt3A_133 = arith.cmpf ogt, %select_n3A_130, %select_n3A_87 : vector<16xf32>
        %select_n3A_134 = arith.select %gt3A_133, %select_n3A_130, %select_n3A_87 : vector<16xi1>, vector<16xf32>
        %select_n3A_135 = arith.select %gt3A_133, %select_n3A_87, %select_n3A_130 : vector<16xi1>, vector<16xf32>
        %select_n3A_136 = arith.select %gt3A_133, %select_n3A_132, %select_n3A_89 : vector<16xi1>, vector<16xi32>
        %select_n3A_137 = arith.select %gt3A_133, %select_n3A_89, %select_n3A_132 : vector<16xi1>, vector<16xi32>
        %gt3A_138 = arith.cmpf ogt, %select_n3A_135, %select_n3A_92 : vector<16xf32>
        %select_n3A_139 = arith.select %gt3A_138, %select_n3A_135, %select_n3A_92 : vector<16xi1>, vector<16xf32>
        %select_n3A_140 = arith.select %gt3A_138, %select_n3A_92, %select_n3A_135 : vector<16xi1>, vector<16xf32>
        %select_n3A_141 = arith.select %gt3A_138, %select_n3A_137, %select_n3A_94 : vector<16xi1>, vector<16xi32>
        %select_n3A_142 = arith.select %gt3A_138, %select_n3A_94, %select_n3A_137 : vector<16xi1>, vector<16xi32>
        %get3A_143 = arith.constant 2 : i32
        %get3A_144 = arith.index_cast %get3A_143 : i32 to index
        %get3A_145 = arith.index_cast %mul3A_20 : i32 to index
        %get3A_146 = tpu.vector_load %arg5[%get3A_144, %get3A_145] {strides = array<i32>} : memref<64x256xf32, #tpu.memory_space<vmem>>, vector<1x16xf32>,
        %get3A_147 = vector.shape_cast %get3A_146 : vector<1x16xf32> to vector<16xf32>
        %broadcast_in_dim3A_148 = arith.constant 2 : i32
        %broadcast_in_dim3A_149 = vector.broadcast %broadcast_in_dim3A_148 : i32 to vector<16xi32>
        %gt3A_150 = arith.cmpf ogt, %get3A_147, %select_n3A_104 : vector<16xf32>
        %select_n3A_151 = arith.select %gt3A_150, %get3A_147, %select_n3A_104 : vector<16xi1>, vector<16xf32>
        %select_n3A_152 = arith.select %gt3A_150, %select_n3A_104, %get3A_147 : vector<16xi1>, vector<16xf32>
        %select_n3A_153 = arith.select %gt3A_150, %broadcast_in_dim3A_149, %select_n3A_106 : vector<16xi1>, vector<16xi32>
        %select_n3A_154 = arith.select %gt3A_150, %select_n3A_106, %broadcast_in_dim3A_149 : vector<16xi1>, vector<16xi32>
        %gt3A_155 = arith.cmpf ogt, %select_n3A_152, %select_n3A_109 : vector<16xf32>
        %select_n3A_156 = arith.select %gt3A_155, %select_n3A_152, %select_n3A_109 : vector<16xi1>, vector<16xf32>
        %select_n3A_157 = arith.select %gt3A_155, %select_n3A_109, %select_n3A_152 : vector<16xi1>, vector<16xf32>
        %select_n3A_158 = arith.select %gt3A_155, %select_n3A_154, %select_n3A_111 : vector<16xi1>, vector<16xi32>
        %select_n3A_159 = arith.select %gt3A_155, %select_n3A_111, %select_n3A_154 : vector<16xi1>, vector<16xi32>
        %gt3A_160 = arith.cmpf ogt, %select_n3A_157, %select_n3A_114 : vector<16xf32>
        %select_n3A_161 = arith.select %gt3A_160, %select_n3A_157, %select_n3A_114 : vector<16xi1>, vector<16xf32>
        %select_n3A_162 = arith.select %gt3A_160, %select_n3A_114, %select_n3A_157 : vector<16xi1>, vector<16xf32>
        %select_n3A_163 = arith.select %gt3A_160, %select_n3A_159, %select_n3A_116 : vector<16xi1>, vector<16xi32>
        %select_n3A_164 = arith.select %gt3A_160, %select_n3A_116, %select_n3A_159 : vector<16xi1>, vector<16xi32>
        %gt3A_165 = arith.cmpf ogt, %select_n3A_162, %select_n3A_119 : vector<16xf32>
        %select_n3A_166 = arith.select %gt3A_165, %select_n3A_162, %select_n3A_119 : vector<16xi1>, vector<16xf32>
        %select_n3A_167 = arith.select %gt3A_165, %select_n3A_119, %select_n3A_162 : vector<16xi1>, vector<16xf32>
        %select_n3A_168 = arith.select %gt3A_165, %select_n3A_164, %select_n3A_121 : vector<16xi1>, vector<16xi32>
        %select_n3A_169 = arith.select %gt3A_165, %select_n3A_121, %select_n3A_164 : vector<16xi1>, vector<16xi32>
        %gt3A_170 = arith.cmpf ogt, %select_n3A_167, %select_n3A_124 : vector<16xf32>
        %select_n3A_171 = arith.select %gt3A_170, %select_n3A_167, %select_n3A_124 : vector<16xi1>, vector<16xf32>
        %select_n3A_172 = arith.select %gt3A_170, %select_n3A_124, %select_n3A_167 : vector<16xi1>, vector<16xf32>
        %select_n3A_173 = arith.select %gt3A_170, %select_n3A_169, %select_n3A_126 : vector<16xi1>, vector<16xi32>
        %select_n3A_174 = arith.select %gt3A_170, %select_n3A_126, %select_n3A_169 : vector<16xi1>, vector<16xi32>
        %gt3A_175 = arith.cmpf ogt, %select_n3A_172, %select_n3A_129 : vector<16xf32>
        %select_n3A_176 = arith.select %gt3A_175, %select_n3A_172, %select_n3A_129 : vector<16xi1>, vector<16xf32>
        %select_n3A_177 = arith.select %gt3A_175, %select_n3A_129, %select_n3A_172 : vector<16xi1>, vector<16xf32>
        %select_n3A_178 = arith.select %gt3A_175, %select_n3A_174, %select_n3A_131 : vector<16xi1>, vector<16xi32>
        %select_n3A_179 = arith.select %gt3A_175, %select_n3A_131, %select_n3A_174 : vector<16xi1>, vector<16xi32>
        %gt3A_180 = arith.cmpf ogt, %select_n3A_177, %select_n3A_134 : vector<16xf32>
        %select_n3A_181 = arith.select %gt3A_180, %select_n3A_177, %select_n3A_134 : vector<16xi1>, vector<16xf32>
        %select_n3A_182 = arith.select %gt3A_180, %select_n3A_134, %select_n3A_177 : vector<16xi1>, vector<16xf32>
        %select_n3A_183 = arith.select %gt3A_180, %select_n3A_179, %select_n3A_136 : vector<16xi1>, vector<16xi32>
        %select_n3A_184 = arith.select %gt3A_180, %select_n3A_136, %select_n3A_179 : vector<16xi1>, vector<16xi32>
        %gt3A_185 = arith.cmpf ogt, %select_n3A_182, %select_n3A_139 : vector<16xf32>
        %select_n3A_186 = arith.select %gt3A_185, %select_n3A_182, %select_n3A_139 : vector<16xi1>, vector<16xf32>
        %select_n3A_187 = arith.select %gt3A_185, %select_n3A_139, %select_n3A_182 : vector<16xi1>, vector<16xf32>
        %select_n3A_188 = arith.select %gt3A_185, %select_n3A_184, %select_n3A_141 : vector<16xi1>, vector<16xi32>
        %select_n3A_189 = arith.select %gt3A_185, %select_n3A_141, %select_n3A_184 : vector<16xi1>, vector<16xi32>
        %get3A_190 = arith.constant 3 : i32
        %get3A_191 = arith.index_cast %get3A_190 : i32 to index
        %get3A_192 = arith.index_cast %mul3A_20 : i32 to index
        %get3A_193 = tpu.vector_load %arg5[%get3A_191, %get3A_192] {strides = array<i32>} : memref<64x256xf32, #tpu.memory_space<vmem>>, vector<1x16xf32>,
        %get3A_194 = vector.shape_cast %get3A_193 : vector<1x16xf32> to vector<16xf32>
        %broadcast_in_dim3A_195 = arith.constant 3 : i32
        %broadcast_in_dim3A_196 = vector.broadcast %broadcast_in_dim3A_195 : i32 to vector<16xi32>
        %gt3A_197 = arith.cmpf ogt, %get3A_194, %select_n3A_151 : vector<16xf32>
        %select_n3A_198 = arith.select %gt3A_197, %get3A_194, %select_n3A_151 : vector<16xi1>, vector<16xf32>
        %select_n3A_199 = arith.select %gt3A_197, %select_n3A_151, %get3A_194 : vector<16xi1>, vector<16xf32>
        %select_n3A_200 = arith.select %gt3A_197, %broadcast_in_dim3A_196, %select_n3A_153 : vector<16xi1>, vector<16xi32>
        %select_n3A_201 = arith.select %gt3A_197, %select_n3A_153, %broadcast_in_dim3A_196 : vector<16xi1>, vector<16xi32>
        %gt3A_202 = arith.cmpf ogt, %select_n3A_199, %select_n3A_156 : vector<16xf32>
        %select_n3A_203 = arith.select %gt3A_202, %select_n3A_199, %select_n3A_156 : vector<16xi1>, vector<16xf32>
        %select_n3A_204 = arith.select %gt3A_202, %select_n3A_156, %select_n3A_199 : vector<16xi1>, vector<16xf32>
        %select_n3A_205 = arith.select %gt3A_202, %select_n3A_201, %select_n3A_158 : vector<16xi1>, vector<16xi32>
        %select_n3A_206 = arith.select %gt3A_202, %select_n3A_158, %select_n3A_201 : vector<16xi1>, vector<16xi32>
        %gt3A_207 = arith.cmpf ogt, %select_n3A_204, %select_n3A_161 : vector<16xf32>
        %select_n3A_208 = arith.select %gt3A_207, %select_n3A_204, %select_n3A_161 : vector<16xi1>, vector<16xf32>
        %select_n3A_209 = arith.select %gt3A_207, %select_n3A_161, %select_n3A_204 : vector<16xi1>, vector<16xf32>
        %select_n3A_210 = arith.select %gt3A_207, %select_n3A_206, %select_n3A_163 : vector<16xi1>, vector<16xi32>
        %select_n3A_211 = arith.select %gt3A_207, %select_n3A_163, %select_n3A_206 : vector<16xi1>, vector<16xi32>
        %gt3A_212 = arith.cmpf ogt, %select_n3A_209, %select_n3A_166 : vector<16xf32>
        %select_n3A_213 = arith.select %gt3A_212, %select_n3A_209, %select_n3A_166 : vector<16xi1>, vector<16xf32>
        %select_n3A_214 = arith.select %gt3A_212, %select_n3A_166, %select_n3A_209 : vector<16xi1>, vector<16xf32>
        %select_n3A_215 = arith.select %gt3A_212, %select_n3A_211, %select_n3A_168 : vector<16xi1>, vector<16xi32>
        %select_n3A_216 = arith.select %gt3A_212, %select_n3A_168, %select_n3A_211 : vector<16xi1>, vector<16xi32>
        %gt3A_217 = arith.cmpf ogt, %select_n3A_214, %select_n3A_171 : vector<16xf32>
        %select_n3A_218 = arith.select %gt3A_217, %select_n3A_214, %select_n3A_171 : vector<16xi1>, vector<16xf32>
        %select_n3A_219 = arith.select %gt3A_217, %select_n3A_171, %select_n3A_214 : vector<16xi1>, vector<16xf32>
        %select_n3A_220 = arith.select %gt3A_217, %select_n3A_216, %select_n3A_173 : vector<16xi1>, vector<16xi32>
        %select_n3A_221 = arith.select %gt3A_217, %select_n3A_173, %select_n3A_216 : vector<16xi1>, vector<16xi32>
        %gt3A_222 = arith.cmpf ogt, %select_n3A_219, %select_n3A_176 : vector<16xf32>
        %select_n3A_223 = arith.select %gt3A_222, %select_n3A_219, %select_n3A_176 : vector<16xi1>, vector<16xf32>
        %select_n3A_224 = arith.select %gt3A_222, %select_n3A_176, %select_n3A_219 : vector<16xi1>, vector<16xf32>
        %select_n3A_225 = arith.select %gt3A_222, %select_n3A_221, %select_n3A_178 : vector<16xi1>, vector<16xi32>
        %select_n3A_226 = arith.select %gt3A_222, %select_n3A_178, %select_n3A_221 : vector<16xi1>, vector<16xi32>
        %gt3A_227 = arith.cmpf ogt, %select_n3A_224, %select_n3A_181 : vector<16xf32>
        %select_n3A_228 = arith.select %gt3A_227, %select_n3A_224, %select_n3A_181 : vector<16xi1>, vector<16xf32>
        %select_n3A_229 = arith.select %gt3A_227, %select_n3A_181, %select_n3A_224 : vector<16xi1>, vector<16xf32>
        %select_n3A_230 = arith.select %gt3A_227, %select_n3A_226, %select_n3A_183 : vector<16xi1>, vector<16xi32>
        %select_n3A_231 = arith.select %gt3A_227, %select_n3A_183, %select_n3A_226 : vector<16xi1>, vector<16xi32>
        %gt3A_232 = arith.cmpf ogt, %select_n3A_229, %select_n3A_186 : vector<16xf32>
        %select_n3A_233 = arith.select %gt3A_232, %select_n3A_229, %select_n3A_186 : vector<16xi1>, vector<16xf32>
        %select_n3A_234 = arith.select %gt3A_232, %select_n3A_186, %select_n3A_229 : vector<16xi1>, vector<16xf32>
        %select_n3A_235 = arith.select %gt3A_232, %select_n3A_231, %select_n3A_188 : vector<16xi1>, vector<16xi32>
        %select_n3A_236 = arith.select %gt3A_232, %select_n3A_188, %select_n3A_231 : vector<16xi1>, vector<16xi32>
        %get3A_237 = arith.constant 4 : i32
        %get3A_238 = arith.index_cast %get3A_237 : i32 to index
        %get3A_239 = arith.index_cast %mul3A_20 : i32 to index
        %get3A_240 = tpu.vector_load %arg5[%get3A_238, %get3A_239] {strides = array<i32>} : memref<64x256xf32, #tpu.memory_space<vmem>>, vector<1x16xf32>,
        %get3A_241 = vector.shape_cast %get3A_240 : vector<1x16xf32> to vector<16xf32>
        %broadcast_in_dim3A_242 = arith.constant 4 : i32
        %broadcast_in_dim3A_243 = vector.broadcast %broadcast_in_dim3A_242 : i32 to vector<16xi32>
        %gt3A_244 = arith.cmpf ogt, %get3A_241, %select_n3A_198 : vector<16xf32>
        %select_n3A_245 = arith.select %gt3A_244, %get3A_241, %select_n3A_198 : vector<16xi1>, vector<16xf32>
        %select_n3A_246 = arith.select %gt3A_244, %select_n3A_198, %get3A_241 : vector<16xi1>, vector<16xf32>
        %select_n3A_247 = arith.select %gt3A_244, %broadcast_in_dim3A_243, %select_n3A_200 : vector<16xi1>, vector<16xi32>
        %select_n3A_248 = arith.select %gt3A_244, %select_n3A_200, %broadcast_in_dim3A_243 : vector<16xi1>, vector<16xi32>
        %gt3A_249 = arith.cmpf ogt, %select_n3A_246, %select_n3A_203 : vector<16xf32>
        %select_n3A_250 = arith.select %gt3A_249, %select_n3A_246, %select_n3A_203 : vector<16xi1>, vector<16xf32>
        %select_n3A_251 = arith.select %gt3A_249, %select_n3A_203, %select_n3A_246 : vector<16xi1>, vector<16xf32>
        %select_n3A_252 = arith.select %gt3A_249, %select_n3A_248, %select_n3A_205 : vector<16xi1>, vector<16xi32>
        %select_n3A_253 = arith.select %gt3A_249, %select_n3A_205, %select_n3A_248 : vector<16xi1>, vector<16xi32>
        %gt3A_254 = arith.cmpf ogt, %select_n3A_251, %select_n3A_208 : vector<16xf32>
        %select_n3A_255 = arith.select %gt3A_254, %select_n3A_251, %select_n3A_208 : vector<16xi1>, vector<16xf32>
        %select_n3A_256 = arith.select %gt3A_254, %select_n3A_208, %select_n3A_251 : vector<16xi1>, vector<16xf32>
        %select_n3A_257 = arith.select %gt3A_254, %select_n3A_253, %select_n3A_210 : vector<16xi1>, vector<16xi32>
        %select_n3A_258 = arith.select %gt3A_254, %select_n3A_210, %select_n3A_253 : vector<16xi1>, vector<16xi32>
        %gt3A_259 = arith.cmpf ogt, %select_n3A_256, %select_n3A_213 : vector<16xf32>
        %select_n3A_260 = arith.select %gt3A_259, %select_n3A_256, %select_n3A_213 : vector<16xi1>, vector<16xf32>
        %select_n3A_261 = arith.select %gt3A_259, %select_n3A_213, %select_n3A_256 : vector<16xi1>, vector<16xf32>
        %select_n3A_262 = arith.select %gt3A_259, %select_n3A_258, %select_n3A_215 : vector<16xi1>, vector<16xi32>
        %select_n3A_263 = arith.select %gt3A_259, %select_n3A_215, %select_n3A_258 : vector<16xi1>, vector<16xi32>
        %gt3A_264 = arith.cmpf ogt, %select_n3A_261, %select_n3A_218 : vector<16xf32>
        %select_n3A_265 = arith.select %gt3A_264, %select_n3A_261, %select_n3A_218 : vector<16xi1>, vector<16xf32>
        %select_n3A_266 = arith.select %gt3A_264, %select_n3A_218, %select_n3A_261 : vector<16xi1>, vector<16xf32>
        %select_n3A_267 = arith.select %gt3A_264, %select_n3A_263, %select_n3A_220 : vector<16xi1>, vector<16xi32>
        %select_n3A_268 = arith.select %gt3A_264, %select_n3A_220, %select_n3A_263 : vector<16xi1>, vector<16xi32>
        %gt3A_269 = arith.cmpf ogt, %select_n3A_266, %select_n3A_223 : vector<16xf32>
        %select_n3A_270 = arith.select %gt3A_269, %select_n3A_266, %select_n3A_223 : vector<16xi1>, vector<16xf32>
        %select_n3A_271 = arith.select %gt3A_269, %select_n3A_223, %select_n3A_266 : vector<16xi1>, vector<16xf32>
        %select_n3A_272 = arith.select %gt3A_269, %select_n3A_268, %select_n3A_225 : vector<16xi1>, vector<16xi32>
        %select_n3A_273 = arith.select %gt3A_269, %select_n3A_225, %select_n3A_268 : vector<16xi1>, vector<16xi32>
        %gt3A_274 = arith.cmpf ogt, %select_n3A_271, %select_n3A_228 : vector<16xf32>
        %select_n3A_275 = arith.select %gt3A_274, %select_n3A_271, %select_n3A_228 : vector<16xi1>, vector<16xf32>
        %select_n3A_276 = arith.select %gt3A_274, %select_n3A_228, %select_n3A_271 : vector<16xi1>, vector<16xf32>
        %select_n3A_277 = arith.select %gt3A_274, %select_n3A_273, %select_n3A_230 : vector<16xi1>, vector<16xi32>
        %select_n3A_278 = arith.select %gt3A_274, %select_n3A_230, %select_n3A_273 : vector<16xi1>, vector<16xi32>
        %gt3A_279 = arith.cmpf ogt, %select_n3A_276, %select_n3A_233 : vector<16xf32>
        %select_n3A_280 = arith.select %gt3A_279, %select_n3A_276, %select_n3A_233 : vector<16xi1>, vector<16xf32>
        %select_n3A_281 = arith.select %gt3A_279, %select_n3A_233, %select_n3A_276 : vector<16xi1>, vector<16xf32>
        %select_n3A_282 = arith.select %gt3A_279, %select_n3A_278, %select_n3A_235 : vector<16xi1>, vector<16xi32>
        %select_n3A_283 = arith.select %gt3A_279, %select_n3A_235, %select_n3A_278 : vector<16xi1>, vector<16xi32>
        %get3A_284 = arith.constant 5 : i32
        %get3A_285 = arith.index_cast %get3A_284 : i32 to index
        %get3A_286 = arith.index_cast %mul3A_20 : i32 to index
        %get3A_287 = tpu.vector_load %arg5[%get3A_285, %get3A_286] {strides = array<i32>} : memref<64x256xf32, #tpu.memory_space<vmem>>, vector<1x16xf32>,
        %get3A_288 = vector.shape_cast %get3A_287 : vector<1x16xf32> to vector<16xf32>
        %broadcast_in_dim3A_289 = arith.constant 5 : i32
        %broadcast_in_dim3A_290 = vector.broadcast %broadcast_in_dim3A_289 : i32 to vector<16xi32>
        %gt3A_291 = arith.cmpf ogt, %get3A_288, %select_n3A_245 : vector<16xf32>
        %select_n3A_292 = arith.select %gt3A_291, %get3A_288, %select_n3A_245 : vector<16xi1>, vector<16xf32>
        %select_n3A_293 = arith.select %gt3A_291, %select_n3A_245, %get3A_288 : vector<16xi1>, vector<16xf32>
        %select_n3A_294 = arith.select %gt3A_291, %broadcast_in_dim3A_290, %select_n3A_247 : vector<16xi1>, vector<16xi32>
        %select_n3A_295 = arith.select %gt3A_291, %select_n3A_247, %broadcast_in_dim3A_290 : vector<16xi1>, vector<16xi32>
        %gt3A_296 = arith.cmpf ogt, %select_n3A_293, %select_n3A_250 : vector<16xf32>
        %select_n3A_297 = arith.select %gt3A_296, %select_n3A_293, %select_n3A_250 : vector<16xi1>, vector<16xf32>
        %select_n3A_298 = arith.select %gt3A_296, %select_n3A_250, %select_n3A_293 : vector<16xi1>, vector<16xf32>
        %select_n3A_299 = arith.select %gt3A_296, %select_n3A_295, %select_n3A_252 : vector<16xi1>, vector<16xi32>
        %select_n3A_300 = arith.select %gt3A_296, %select_n3A_252, %select_n3A_295 : vector<16xi1>, vector<16xi32>
        %gt3A_301 = arith.cmpf ogt, %select_n3A_298, %select_n3A_255 : vector<16xf32>
        %select_n3A_302 = arith.select %gt3A_301, %select_n3A_298, %select_n3A_255 : vector<16xi1>, vector<16xf32>
        %select_n3A_303 = arith.select %gt3A_301, %select_n3A_255, %select_n3A_298 : vector<16xi1>, vector<16xf32>
        %select_n3A_304 = arith.select %gt3A_301, %select_n3A_300, %select_n3A_257 : vector<16xi1>, vector<16xi32>
        %select_n3A_305 = arith.select %gt3A_301, %select_n3A_257, %select_n3A_300 : vector<16xi1>, vector<16xi32>
        %gt3A_306 = arith.cmpf ogt, %select_n3A_303, %select_n3A_260 : vector<16xf32>
        %select_n3A_307 = arith.select %gt3A_306, %select_n3A_303, %select_n3A_260 : vector<16xi1>, vector<16xf32>
        %select_n3A_308 = arith.select %gt3A_306, %select_n3A_260, %select_n3A_303 : vector<16xi1>, vector<16xf32>
        %select_n3A_309 = arith.select %gt3A_306, %select_n3A_305, %select_n3A_262 : vector<16xi1>, vector<16xi32>
        %select_n3A_310 = arith.select %gt3A_306, %select_n3A_262, %select_n3A_305 : vector<16xi1>, vector<16xi32>
        %gt3A_311 = arith.cmpf ogt, %select_n3A_308, %select_n3A_265 : vector<16xf32>
        %select_n3A_312 = arith.select %gt3A_311, %select_n3A_308, %select_n3A_265 : vector<16xi1>, vector<16xf32>
        %select_n3A_313 = arith.select %gt3A_311, %select_n3A_265, %select_n3A_308 : vector<16xi1>, vector<16xf32>
        %select_n3A_314 = arith.select %gt3A_311, %select_n3A_310, %select_n3A_267 : vector<16xi1>, vector<16xi32>
        %select_n3A_315 = arith.select %gt3A_311, %select_n3A_267, %select_n3A_310 : vector<16xi1>, vector<16xi32>
        %gt3A_316 = arith.cmpf ogt, %select_n3A_313, %select_n3A_270 : vector<16xf32>
        %select_n3A_317 = arith.select %gt3A_316, %select_n3A_313, %select_n3A_270 : vector<16xi1>, vector<16xf32>
        %select_n3A_318 = arith.select %gt3A_316, %select_n3A_270, %select_n3A_313 : vector<16xi1>, vector<16xf32>
        %select_n3A_319 = arith.select %gt3A_316, %select_n3A_315, %select_n3A_272 : vector<16xi1>, vector<16xi32>
        %select_n3A_320 = arith.select %gt3A_316, %select_n3A_272, %select_n3A_315 : vector<16xi1>, vector<16xi32>
        %gt3A_321 = arith.cmpf ogt, %select_n3A_318, %select_n3A_275 : vector<16xf32>
        %select_n3A_322 = arith.select %gt3A_321, %select_n3A_318, %select_n3A_275 : vector<16xi1>, vector<16xf32>
        %select_n3A_323 = arith.select %gt3A_321, %select_n3A_275, %select_n3A_318 : vector<16xi1>, vector<16xf32>
        %select_n3A_324 = arith.select %gt3A_321, %select_n3A_320, %select_n3A_277 : vector<16xi1>, vector<16xi32>
        %select_n3A_325 = arith.select %gt3A_321, %select_n3A_277, %select_n3A_320 : vector<16xi1>, vector<16xi32>
        %gt3A_326 = arith.cmpf ogt, %select_n3A_323, %select_n3A_280 : vector<16xf32>
        %select_n3A_327 = arith.select %gt3A_326, %select_n3A_323, %select_n3A_280 : vector<16xi1>, vector<16xf32>
        %select_n3A_328 = arith.select %gt3A_326, %select_n3A_280, %select_n3A_323 : vector<16xi1>, vector<16xf32>
        %select_n3A_329 = arith.select %gt3A_326, %select_n3A_325, %select_n3A_282 : vector<16xi1>, vector<16xi32>
        %select_n3A_330 = arith.select %gt3A_326, %select_n3A_282, %select_n3A_325 : vector<16xi1>, vector<16xi32>
        %get3A_331 = arith.constant 6 : i32
        %get3A_332 = arith.index_cast %get3A_331 : i32 to index
        %get3A_333 = arith.index_cast %mul3A_20 : i32 to index
        %get3A_334 = tpu.vector_load %arg5[%get3A_332, %get3A_333] {strides = array<i32>} : memref<64x256xf32, #tpu.memory_space<vmem>>, vector<1x16xf32>,
        %get3A_335 = vector.shape_cast %get3A_334 : vector<1x16xf32> to vector<16xf32>
        %broadcast_in_dim3A_336 = arith.constant 6 : i32
        %broadcast_in_dim3A_337 = vector.broadcast %broadcast_in_dim3A_336 : i32 to vector<16xi32>
        %gt3A_338 = arith.cmpf ogt, %get3A_335, %select_n3A_292 : vector<16xf32>
        %select_n3A_339 = arith.select %gt3A_338, %get3A_335, %select_n3A_292 : vector<16xi1>, vector<16xf32>
        %select_n3A_340 = arith.select %gt3A_338, %select_n3A_292, %get3A_335 : vector<16xi1>, vector<16xf32>
        %select_n3A_341 = arith.select %gt3A_338, %broadcast_in_dim3A_337, %select_n3A_294 : vector<16xi1>, vector<16xi32>
        %select_n3A_342 = arith.select %gt3A_338, %select_n3A_294, %broadcast_in_dim3A_337 : vector<16xi1>, vector<16xi32>
        %gt3A_343 = arith.cmpf ogt, %select_n3A_340, %select_n3A_297 : vector<16xf32>
        %select_n3A_344 = arith.select %gt3A_343, %select_n3A_340, %select_n3A_297 : vector<16xi1>, vector<16xf32>
        %select_n3A_345 = arith.select %gt3A_343, %select_n3A_297, %select_n3A_340 : vector<16xi1>, vector<16xf32>
        %select_n3A_346 = arith.select %gt3A_343, %select_n3A_342, %select_n3A_299 : vector<16xi1>, vector<16xi32>
        %select_n3A_347 = arith.select %gt3A_343, %select_n3A_299, %select_n3A_342 : vector<16xi1>, vector<16xi32>
        %gt3A_348 = arith.cmpf ogt, %select_n3A_345, %select_n3A_302 : vector<16xf32>
        %select_n3A_349 = arith.select %gt3A_348, %select_n3A_345, %select_n3A_302 : vector<16xi1>, vector<16xf32>
        %select_n3A_350 = arith.select %gt3A_348, %select_n3A_302, %select_n3A_345 : vector<16xi1>, vector<16xf32>
        %select_n3A_351 = arith.select %gt3A_348, %select_n3A_347, %select_n3A_304 : vector<16xi1>, vector<16xi32>
        %select_n3A_352 = arith.select %gt3A_348, %select_n3A_304, %select_n3A_347 : vector<16xi1>, vector<16xi32>
        %gt3A_353 = arith.cmpf ogt, %select_n3A_350, %select_n3A_307 : vector<16xf32>
        %select_n3A_354 = arith.select %gt3A_353, %select_n3A_350, %select_n3A_307 : vector<16xi1>, vector<16xf32>
        %select_n3A_355 = arith.select %gt3A_353, %select_n3A_307, %select_n3A_350 : vector<16xi1>, vector<16xf32>
        %select_n3A_356 = arith.select %gt3A_353, %select_n3A_352, %select_n3A_309 : vector<16xi1>, vector<16xi32>
        %select_n3A_357 = arith.select %gt3A_353, %select_n3A_309, %select_n3A_352 : vector<16xi1>, vector<16xi32>
        %gt3A_358 = arith.cmpf ogt, %select_n3A_355, %select_n3A_312 : vector<16xf32>
        %select_n3A_359 = arith.select %gt3A_358, %select_n3A_355, %select_n3A_312 : vector<16xi1>, vector<16xf32>
        %select_n3A_360 = arith.select %gt3A_358, %select_n3A_312, %select_n3A_355 : vector<16xi1>, vector<16xf32>
        %select_n3A_361 = arith.select %gt3A_358, %select_n3A_357, %select_n3A_314 : vector<16xi1>, vector<16xi32>
        %select_n3A_362 = arith.select %gt3A_358, %select_n3A_314, %select_n3A_357 : vector<16xi1>, vector<16xi32>
        %gt3A_363 = arith.cmpf ogt, %select_n3A_360, %select_n3A_317 : vector<16xf32>
        %select_n3A_364 = arith.select %gt3A_363, %select_n3A_360, %select_n3A_317 : vector<16xi1>, vector<16xf32>
        %select_n3A_365 = arith.select %gt3A_363, %select_n3A_317, %select_n3A_360 : vector<16xi1>, vector<16xf32>
        %select_n3A_366 = arith.select %gt3A_363, %select_n3A_362, %select_n3A_319 : vector<16xi1>, vector<16xi32>
        %select_n3A_367 = arith.select %gt3A_363, %select_n3A_319, %select_n3A_362 : vector<16xi1>, vector<16xi32>
        %gt3A_368 = arith.cmpf ogt, %select_n3A_365, %select_n3A_322 : vector<16xf32>
        %select_n3A_369 = arith.select %gt3A_368, %select_n3A_365, %select_n3A_322 : vector<16xi1>, vector<16xf32>
        %select_n3A_370 = arith.select %gt3A_368, %select_n3A_322, %select_n3A_365 : vector<16xi1>, vector<16xf32>
        %select_n3A_371 = arith.select %gt3A_368, %select_n3A_367, %select_n3A_324 : vector<16xi1>, vector<16xi32>
        %select_n3A_372 = arith.select %gt3A_368, %select_n3A_324, %select_n3A_367 : vector<16xi1>, vector<16xi32>
        %gt3A_373 = arith.cmpf ogt, %select_n3A_370, %select_n3A_327 : vector<16xf32>
        %select_n3A_374 = arith.select %gt3A_373, %select_n3A_370, %select_n3A_327 : vector<16xi1>, vector<16xf32>
        %select_n3A_375 = arith.select %gt3A_373, %select_n3A_327, %select_n3A_370 : vector<16xi1>, vector<16xf32>
        %select_n3A_376 = arith.select %gt3A_373, %select_n3A_372, %select_n3A_329 : vector<16xi1>, vector<16xi32>
        %select_n3A_377 = arith.select %gt3A_373, %select_n3A_329, %select_n3A_372 : vector<16xi1>, vector<16xi32>
        %get3A_378 = arith.constant 7 : i32
        %get3A_379 = arith.index_cast %get3A_378 : i32 to index
        %get3A_380 = arith.index_cast %mul3A_20 : i32 to index
        %get3A_381 = tpu.vector_load %arg5[%get3A_379, %get3A_380] {strides = array<i32>} : memref<64x256xf32, #tpu.memory_space<vmem>>, vector<1x16xf32>,
        %get3A_382 = vector.shape_cast %get3A_381 : vector<1x16xf32> to vector<16xf32>
        %broadcast_in_dim3A_383 = arith.constant 7 : i32
        %broadcast_in_dim3A_384 = vector.broadcast %broadcast_in_dim3A_383 : i32 to vector<16xi32>
        %gt3A_385 = arith.cmpf ogt, %get3A_382, %select_n3A_339 : vector<16xf32>
        %select_n3A_386 = arith.select %gt3A_385, %get3A_382, %select_n3A_339 : vector<16xi1>, vector<16xf32>
        %select_n3A_387 = arith.select %gt3A_385, %select_n3A_339, %get3A_382 : vector<16xi1>, vector<16xf32>
        %select_n3A_388 = arith.select %gt3A_385, %broadcast_in_dim3A_384, %select_n3A_341 : vector<16xi1>, vector<16xi32>
        %select_n3A_389 = arith.select %gt3A_385, %select_n3A_341, %broadcast_in_dim3A_384 : vector<16xi1>, vector<16xi32>
        %gt3A_390 = arith.cmpf ogt, %select_n3A_387, %select_n3A_344 : vector<16xf32>
        %select_n3A_391 = arith.select %gt3A_390, %select_n3A_387, %select_n3A_344 : vector<16xi1>, vector<16xf32>
        %select_n3A_392 = arith.select %gt3A_390, %select_n3A_344, %select_n3A_387 : vector<16xi1>, vector<16xf32>
        %select_n3A_393 = arith.select %gt3A_390, %select_n3A_389, %select_n3A_346 : vector<16xi1>, vector<16xi32>
        %select_n3A_394 = arith.select %gt3A_390, %select_n3A_346, %select_n3A_389 : vector<16xi1>, vector<16xi32>
        %gt3A_395 = arith.cmpf ogt, %select_n3A_392, %select_n3A_349 : vector<16xf32>
        %select_n3A_396 = arith.select %gt3A_395, %select_n3A_392, %select_n3A_349 : vector<16xi1>, vector<16xf32>
        %select_n3A_397 = arith.select %gt3A_395, %select_n3A_349, %select_n3A_392 : vector<16xi1>, vector<16xf32>
        %select_n3A_398 = arith.select %gt3A_395, %select_n3A_394, %select_n3A_351 : vector<16xi1>, vector<16xi32>
        %select_n3A_399 = arith.select %gt3A_395, %select_n3A_351, %select_n3A_394 : vector<16xi1>, vector<16xi32>
        %gt3A_400 = arith.cmpf ogt, %select_n3A_397, %select_n3A_354 : vector<16xf32>
        %select_n3A_401 = arith.select %gt3A_400, %select_n3A_397, %select_n3A_354 : vector<16xi1>, vector<16xf32>
        %select_n3A_402 = arith.select %gt3A_400, %select_n3A_354, %select_n3A_397 : vector<16xi1>, vector<16xf32>
        %select_n3A_403 = arith.select %gt3A_400, %select_n3A_399, %select_n3A_356 : vector<16xi1>, vector<16xi32>
        %select_n3A_404 = arith.select %gt3A_400, %select_n3A_356, %select_n3A_399 : vector<16xi1>, vector<16xi32>
        %gt3A_405 = arith.cmpf ogt, %select_n3A_402, %select_n3A_359 : vector<16xf32>
        %select_n3A_406 = arith.select %gt3A_405, %select_n3A_402, %select_n3A_359 : vector<16xi1>, vector<16xf32>
        %select_n3A_407 = arith.select %gt3A_405, %select_n3A_359, %select_n3A_402 : vector<16xi1>, vector<16xf32>
        %select_n3A_408 = arith.select %gt3A_405, %select_n3A_404, %select_n3A_361 : vector<16xi1>, vector<16xi32>
        %select_n3A_409 = arith.select %gt3A_405, %select_n3A_361, %select_n3A_404 : vector<16xi1>, vector<16xi32>
        %gt3A_410 = arith.cmpf ogt, %select_n3A_407, %select_n3A_364 : vector<16xf32>
        %select_n3A_411 = arith.select %gt3A_410, %select_n3A_407, %select_n3A_364 : vector<16xi1>, vector<16xf32>
        %select_n3A_412 = arith.select %gt3A_410, %select_n3A_364, %select_n3A_407 : vector<16xi1>, vector<16xf32>
        %select_n3A_413 = arith.select %gt3A_410, %select_n3A_409, %select_n3A_366 : vector<16xi1>, vector<16xi32>
        %select_n3A_414 = arith.select %gt3A_410, %select_n3A_366, %select_n3A_409 : vector<16xi1>, vector<16xi32>
        %gt3A_415 = arith.cmpf ogt, %select_n3A_412, %select_n3A_369 : vector<16xf32>
        %select_n3A_416 = arith.select %gt3A_415, %select_n3A_412, %select_n3A_369 : vector<16xi1>, vector<16xf32>
        %select_n3A_417 = arith.select %gt3A_415, %select_n3A_369, %select_n3A_412 : vector<16xi1>, vector<16xf32>
        %select_n3A_418 = arith.select %gt3A_415, %select_n3A_414, %select_n3A_371 : vector<16xi1>, vector<16xi32>
        %select_n3A_419 = arith.select %gt3A_415, %select_n3A_371, %select_n3A_414 : vector<16xi1>, vector<16xi32>
        %gt3A_420 = arith.cmpf ogt, %select_n3A_417, %select_n3A_374 : vector<16xf32>
        %select_n3A_421 = arith.select %gt3A_420, %select_n3A_417, %select_n3A_374 : vector<16xi1>, vector<16xf32>
        %select_n3A_422 = arith.select %gt3A_420, %select_n3A_374, %select_n3A_417 : vector<16xi1>, vector<16xf32>
        %select_n3A_423 = arith.select %gt3A_420, %select_n3A_419, %select_n3A_376 : vector<16xi1>, vector<16xi32>
        %select_n3A_424 = arith.select %gt3A_420, %select_n3A_376, %select_n3A_419 : vector<16xi1>, vector<16xi32>
        %get3A_425 = arith.constant 8 : i32
        %get3A_426 = arith.index_cast %get3A_425 : i32 to index
        %get3A_427 = arith.index_cast %mul3A_20 : i32 to index
        %get3A_428 = tpu.vector_load %arg5[%get3A_426, %get3A_427] {strides = array<i32>} : memref<64x256xf32, #tpu.memory_space<vmem>>, vector<1x16xf32>,
        %get3A_429 = vector.shape_cast %get3A_428 : vector<1x16xf32> to vector<16xf32>
        %broadcast_in_dim3A_430 = arith.constant 8 : i32
        %broadcast_in_dim3A_431 = vector.broadcast %broadcast_in_dim3A_430 : i32 to vector<16xi32>
        %gt3A_432 = arith.cmpf ogt, %get3A_429, %select_n3A_386 : vector<16xf32>
        %select_n3A_433 = arith.select %gt3A_432, %get3A_429, %select_n3A_386 : vector<16xi1>, vector<16xf32>
        %select_n3A_434 = arith.select %gt3A_432, %select_n3A_386, %get3A_429 : vector<16xi1>, vector<16xf32>
        %select_n3A_435 = arith.select %gt3A_432, %broadcast_in_dim3A_431, %select_n3A_388 : vector<16xi1>, vector<16xi32>
        %select_n3A_436 = arith.select %gt3A_432, %select_n3A_388, %broadcast_in_dim3A_431 : vector<16xi1>, vector<16xi32>
        %gt3A_437 = arith.cmpf ogt, %select_n3A_434, %select_n3A_391 : vector<16xf32>
        %select_n3A_438 = arith.select %gt3A_437, %select_n3A_434, %select_n3A_391 : vector<16xi1>, vector<16xf32>
        %select_n3A_439 = arith.select %gt3A_437, %select_n3A_391, %select_n3A_434 : vector<16xi1>, vector<16xf32>
        %select_n3A_440 = arith.select %gt3A_437, %select_n3A_436, %select_n3A_393 : vector<16xi1>, vector<16xi32>
        %select_n3A_441 = arith.select %gt3A_437, %select_n3A_393, %select_n3A_436 : vector<16xi1>, vector<16xi32>
        %gt3A_442 = arith.cmpf ogt, %select_n3A_439, %select_n3A_396 : vector<16xf32>
        %select_n3A_443 = arith.select %gt3A_442, %select_n3A_439, %select_n3A_396 : vector<16xi1>, vector<16xf32>
        %select_n3A_444 = arith.select %gt3A_442, %select_n3A_396, %select_n3A_439 : vector<16xi1>, vector<16xf32>
        %select_n3A_445 = arith.select %gt3A_442, %select_n3A_441, %select_n3A_398 : vector<16xi1>, vector<16xi32>
        %select_n3A_446 = arith.select %gt3A_442, %select_n3A_398, %select_n3A_441 : vector<16xi1>, vector<16xi32>
        %gt3A_447 = arith.cmpf ogt, %select_n3A_444, %select_n3A_401 : vector<16xf32>
        %select_n3A_448 = arith.select %gt3A_447, %select_n3A_444, %select_n3A_401 : vector<16xi1>, vector<16xf32>
        %select_n3A_449 = arith.select %gt3A_447, %select_n3A_401, %select_n3A_444 : vector<16xi1>, vector<16xf32>
        %select_n3A_450 = arith.select %gt3A_447, %select_n3A_446, %select_n3A_403 : vector<16xi1>, vector<16xi32>
        %select_n3A_451 = arith.select %gt3A_447, %select_n3A_403, %select_n3A_446 : vector<16xi1>, vector<16xi32>
        %gt3A_452 = arith.cmpf ogt, %select_n3A_449, %select_n3A_406 : vector<16xf32>
        %select_n3A_453 = arith.select %gt3A_452, %select_n3A_449, %select_n3A_406 : vector<16xi1>, vector<16xf32>
        %select_n3A_454 = arith.select %gt3A_452, %select_n3A_406, %select_n3A_449 : vector<16xi1>, vector<16xf32>
        %select_n3A_455 = arith.select %gt3A_452, %select_n3A_451, %select_n3A_408 : vector<16xi1>, vector<16xi32>
        %select_n3A_456 = arith.select %gt3A_452, %select_n3A_408, %select_n3A_451 : vector<16xi1>, vector<16xi32>
        %gt3A_457 = arith.cmpf ogt, %select_n3A_454, %select_n3A_411 : vector<16xf32>
        %select_n3A_458 = arith.select %gt3A_457, %select_n3A_454, %select_n3A_411 : vector<16xi1>, vector<16xf32>
        %select_n3A_459 = arith.select %gt3A_457, %select_n3A_411, %select_n3A_454 : vector<16xi1>, vector<16xf32>
        %select_n3A_460 = arith.select %gt3A_457, %select_n3A_456, %select_n3A_413 : vector<16xi1>, vector<16xi32>
        %select_n3A_461 = arith.select %gt3A_457, %select_n3A_413, %select_n3A_456 : vector<16xi1>, vector<16xi32>
        %gt3A_462 = arith.cmpf ogt, %select_n3A_459, %select_n3A_416 : vector<16xf32>
        %select_n3A_463 = arith.select %gt3A_462, %select_n3A_459, %select_n3A_416 : vector<16xi1>, vector<16xf32>
        %select_n3A_464 = arith.select %gt3A_462, %select_n3A_416, %select_n3A_459 : vector<16xi1>, vector<16xf32>
        %select_n3A_465 = arith.select %gt3A_462, %select_n3A_461, %select_n3A_418 : vector<16xi1>, vector<16xi32>
        %select_n3A_466 = arith.select %gt3A_462, %select_n3A_418, %select_n3A_461 : vector<16xi1>, vector<16xi32>
        %gt3A_467 = arith.cmpf ogt, %select_n3A_464, %select_n3A_421 : vector<16xf32>
        %select_n3A_468 = arith.select %gt3A_467, %select_n3A_464, %select_n3A_421 : vector<16xi1>, vector<16xf32>
        %select_n3A_469 = arith.select %gt3A_467, %select_n3A_421, %select_n3A_464 : vector<16xi1>, vector<16xf32>
        %select_n3A_470 = arith.select %gt3A_467, %select_n3A_466, %select_n3A_423 : vector<16xi1>, vector<16xi32>
        %select_n3A_471 = arith.select %gt3A_467, %select_n3A_423, %select_n3A_466 : vector<16xi1>, vector<16xi32>
        %get3A_472 = arith.constant 9 : i32
        %get3A_473 = arith.index_cast %get3A_472 : i32 to index
        %get3A_474 = arith.index_cast %mul3A_20 : i32 to index
        %get3A_475 = tpu.vector_load %arg5[%get3A_473, %get3A_474] {strides = array<i32>} : memref<64x256xf32, #tpu.memory_space<vmem>>, vector<1x16xf32>,
        %get3A_476 = vector.shape_cast %get3A_475 : vector<1x16xf32> to vector<16xf32>
        %broadcast_in_dim3A_477 = arith.constant 9 : i32
        %broadcast_in_dim3A_478 = vector.broadcast %broadcast_in_dim3A_477 : i32 to vector<16xi32>
        %gt3A_479 = arith.cmpf ogt, %get3A_476, %select_n3A_433 : vector<16xf32>
        %select_n3A_480 = arith.select %gt3A_479, %get3A_476, %select_n3A_433 : vector<16xi1>, vector<16xf32>
        %select_n3A_481 = arith.select %gt3A_479, %select_n3A_433, %get3A_476 : vector<16xi1>, vector<16xf32>
        %select_n3A_482 = arith.select %gt3A_479, %broadcast_in_dim3A_478, %select_n3A_435 : vector<16xi1>, vector<16xi32>
        %select_n3A_483 = arith.select %gt3A_479, %select_n3A_435, %broadcast_in_dim3A_478 : vector<16xi1>, vector<16xi32>
        %gt3A_484 = arith.cmpf ogt, %select_n3A_481, %select_n3A_438 : vector<16xf32>
        %select_n3A_485 = arith.select %gt3A_484, %select_n3A_481, %select_n3A_438 : vector<16xi1>, vector<16xf32>
        %select_n3A_486 = arith.select %gt3A_484, %select_n3A_438, %select_n3A_481 : vector<16xi1>, vector<16xf32>
        %select_n3A_487 = arith.select %gt3A_484, %select_n3A_483, %select_n3A_440 : vector<16xi1>, vector<16xi32>
        %select_n3A_488 = arith.select %gt3A_484, %select_n3A_440, %select_n3A_483 : vector<16xi1>, vector<16xi32>
        %gt3A_489 = arith.cmpf ogt, %select_n3A_486, %select_n3A_443 : vector<16xf32>
        %select_n3A_490 = arith.select %gt3A_489, %select_n3A_486, %select_n3A_443 : vector<16xi1>, vector<16xf32>
        %select_n3A_491 = arith.select %gt3A_489, %select_n3A_443, %select_n3A_486 : vector<16xi1>, vector<16xf32>
        %select_n3A_492 = arith.select %gt3A_489, %select_n3A_488, %select_n3A_445 : vector<16xi1>, vector<16xi32>
        %select_n3A_493 = arith.select %gt3A_489, %select_n3A_445, %select_n3A_488 : vector<16xi1>, vector<16xi32>
        %gt3A_494 = arith.cmpf ogt, %select_n3A_491, %select_n3A_448 : vector<16xf32>
        %select_n3A_495 = arith.select %gt3A_494, %select_n3A_491, %select_n3A_448 : vector<16xi1>, vector<16xf32>
        %select_n3A_496 = arith.select %gt3A_494, %select_n3A_448, %select_n3A_491 : vector<16xi1>, vector<16xf32>
        %select_n3A_497 = arith.select %gt3A_494, %select_n3A_493, %select_n3A_450 : vector<16xi1>, vector<16xi32>
        %select_n3A_498 = arith.select %gt3A_494, %select_n3A_450, %select_n3A_493 : vector<16xi1>, vector<16xi32>
        %gt3A_499 = arith.cmpf ogt, %select_n3A_496, %select_n3A_453 : vector<16xf32>
        %select_n3A_500 = arith.select %gt3A_499, %select_n3A_496, %select_n3A_453 : vector<16xi1>, vector<16xf32>
        %select_n3A_501 = arith.select %gt3A_499, %select_n3A_453, %select_n3A_496 : vector<16xi1>, vector<16xf32>
        %select_n3A_502 = arith.select %gt3A_499, %select_n3A_498, %select_n3A_455 : vector<16xi1>, vector<16xi32>
        %select_n3A_503 = arith.select %gt3A_499, %select_n3A_455, %select_n3A_498 : vector<16xi1>, vector<16xi32>
        %gt3A_504 = arith.cmpf ogt, %select_n3A_501, %select_n3A_458 : vector<16xf32>
        %select_n3A_505 = arith.select %gt3A_504, %select_n3A_501, %select_n3A_458 : vector<16xi1>, vector<16xf32>
        %select_n3A_506 = arith.select %gt3A_504, %select_n3A_458, %select_n3A_501 : vector<16xi1>, vector<16xf32>
        %select_n3A_507 = arith.select %gt3A_504, %select_n3A_503, %select_n3A_460 : vector<16xi1>, vector<16xi32>
        %select_n3A_508 = arith.select %gt3A_504, %select_n3A_460, %select_n3A_503 : vector<16xi1>, vector<16xi32>
        %gt3A_509 = arith.cmpf ogt, %select_n3A_506, %select_n3A_463 : vector<16xf32>
        %select_n3A_510 = arith.select %gt3A_509, %select_n3A_506, %select_n3A_463 : vector<16xi1>, vector<16xf32>
        %select_n3A_511 = arith.select %gt3A_509, %select_n3A_463, %select_n3A_506 : vector<16xi1>, vector<16xf32>
        %select_n3A_512 = arith.select %gt3A_509, %select_n3A_508, %select_n3A_465 : vector<16xi1>, vector<16xi32>
        %select_n3A_513 = arith.select %gt3A_509, %select_n3A_465, %select_n3A_508 : vector<16xi1>, vector<16xi32>
        %gt3A_514 = arith.cmpf ogt, %select_n3A_511, %select_n3A_468 : vector<16xf32>
        %select_n3A_515 = arith.select %gt3A_514, %select_n3A_511, %select_n3A_468 : vector<16xi1>, vector<16xf32>
        %select_n3A_516 = arith.select %gt3A_514, %select_n3A_468, %select_n3A_511 : vector<16xi1>, vector<16xf32>
        %select_n3A_517 = arith.select %gt3A_514, %select_n3A_513, %select_n3A_470 : vector<16xi1>, vector<16xi32>
        %select_n3A_518 = arith.select %gt3A_514, %select_n3A_470, %select_n3A_513 : vector<16xi1>, vector<16xi32>
        %get3A_519 = arith.constant 10 : i32
        %get3A_520 = arith.index_cast %get3A_519 : i32 to index
        %get3A_521 = arith.index_cast %mul3A_20 : i32 to index
        %get3A_522 = tpu.vector_load %arg5[%get3A_520, %get3A_521] {strides = array<i32>} : memref<64x256xf32, #tpu.memory_space<vmem>>, vector<1x16xf32>,
        %get3A_523 = vector.shape_cast %get3A_522 : vector<1x16xf32> to vector<16xf32>
        %broadcast_in_dim3A_524 = arith.constant 10 : i32
        %broadcast_in_dim3A_525 = vector.broadcast %broadcast_in_dim3A_524 : i32 to vector<16xi32>
        %gt3A_526 = arith.cmpf ogt, %get3A_523, %select_n3A_480 : vector<16xf32>
        %select_n3A_527 = arith.select %gt3A_526, %get3A_523, %select_n3A_480 : vector<16xi1>, vector<16xf32>
        %select_n3A_528 = arith.select %gt3A_526, %select_n3A_480, %get3A_523 : vector<16xi1>, vector<16xf32>
        %select_n3A_529 = arith.select %gt3A_526, %broadcast_in_dim3A_525, %select_n3A_482 : vector<16xi1>, vector<16xi32>
        %select_n3A_530 = arith.select %gt3A_526, %select_n3A_482, %broadcast_in_dim3A_525 : vector<16xi1>, vector<16xi32>
        %gt3A_531 = arith.cmpf ogt, %select_n3A_528, %select_n3A_485 : vector<16xf32>
        %select_n3A_532 = arith.select %gt3A_531, %select_n3A_528, %select_n3A_485 : vector<16xi1>, vector<16xf32>
        %select_n3A_533 = arith.select %gt3A_531, %select_n3A_485, %select_n3A_528 : vector<16xi1>, vector<16xf32>
        %select_n3A_534 = arith.select %gt3A_531, %select_n3A_530, %select_n3A_487 : vector<16xi1>, vector<16xi32>
        %select_n3A_535 = arith.select %gt3A_531, %select_n3A_487, %select_n3A_530 : vector<16xi1>, vector<16xi32>
        %gt3A_536 = arith.cmpf ogt, %select_n3A_533, %select_n3A_490 : vector<16xf32>
        %select_n3A_537 = arith.select %gt3A_536, %select_n3A_533, %select_n3A_490 : vector<16xi1>, vector<16xf32>
        %select_n3A_538 = arith.select %gt3A_536, %select_n3A_490, %select_n3A_533 : vector<16xi1>, vector<16xf32>
        %select_n3A_539 = arith.select %gt3A_536, %select_n3A_535, %select_n3A_492 : vector<16xi1>, vector<16xi32>
        %select_n3A_540 = arith.select %gt3A_536, %select_n3A_492, %select_n3A_535 : vector<16xi1>, vector<16xi32>
        %gt3A_541 = arith.cmpf ogt, %select_n3A_538, %select_n3A_495 : vector<16xf32>
        %select_n3A_542 = arith.select %gt3A_541, %select_n3A_538, %select_n3A_495 : vector<16xi1>, vector<16xf32>
        %select_n3A_543 = arith.select %gt3A_541, %select_n3A_495, %select_n3A_538 : vector<16xi1>, vector<16xf32>
        %select_n3A_544 = arith.select %gt3A_541, %select_n3A_540, %select_n3A_497 : vector<16xi1>, vector<16xi32>
        %select_n3A_545 = arith.select %gt3A_541, %select_n3A_497, %select_n3A_540 : vector<16xi1>, vector<16xi32>
        %gt3A_546 = arith.cmpf ogt, %select_n3A_543, %select_n3A_500 : vector<16xf32>
        %select_n3A_547 = arith.select %gt3A_546, %select_n3A_543, %select_n3A_500 : vector<16xi1>, vector<16xf32>
        %select_n3A_548 = arith.select %gt3A_546, %select_n3A_500, %select_n3A_543 : vector<16xi1>, vector<16xf32>
        %select_n3A_549 = arith.select %gt3A_546, %select_n3A_545, %select_n3A_502 : vector<16xi1>, vector<16xi32>
        %select_n3A_550 = arith.select %gt3A_546, %select_n3A_502, %select_n3A_545 : vector<16xi1>, vector<16xi32>
        %gt3A_551 = arith.cmpf ogt, %select_n3A_548, %select_n3A_505 : vector<16xf32>
        %select_n3A_552 = arith.select %gt3A_551, %select_n3A_548, %select_n3A_505 : vector<16xi1>, vector<16xf32>
        %select_n3A_553 = arith.select %gt3A_551, %select_n3A_505, %select_n3A_548 : vector<16xi1>, vector<16xf32>
        %select_n3A_554 = arith.select %gt3A_551, %select_n3A_550, %select_n3A_507 : vector<16xi1>, vector<16xi32>
        %select_n3A_555 = arith.select %gt3A_551, %select_n3A_507, %select_n3A_550 : vector<16xi1>, vector<16xi32>
        %gt3A_556 = arith.cmpf ogt, %select_n3A_553, %select_n3A_510 : vector<16xf32>
        %select_n3A_557 = arith.select %gt3A_556, %select_n3A_553, %select_n3A_510 : vector<16xi1>, vector<16xf32>
        %select_n3A_558 = arith.select %gt3A_556, %select_n3A_510, %select_n3A_553 : vector<16xi1>, vector<16xf32>
        %select_n3A_559 = arith.select %gt3A_556, %select_n3A_555, %select_n3A_512 : vector<16xi1>, vector<16xi32>
        %select_n3A_560 = arith.select %gt3A_556, %select_n3A_512, %select_n3A_555 : vector<16xi1>, vector<16xi32>
        %gt3A_561 = arith.cmpf ogt, %select_n3A_558, %select_n3A_515 : vector<16xf32>
        %select_n3A_562 = arith.select %gt3A_561, %select_n3A_558, %select_n3A_515 : vector<16xi1>, vector<16xf32>
        %select_n3A_563 = arith.select %gt3A_561, %select_n3A_515, %select_n3A_558 : vector<16xi1>, vector<16xf32>
        %select_n3A_564 = arith.select %gt3A_561, %select_n3A_560, %select_n3A_517 : vector<16xi1>, vector<16xi32>
        %select_n3A_565 = arith.select %gt3A_561, %select_n3A_517, %select_n3A_560 : vector<16xi1>, vector<16xi32>
        %get3A_566 = arith.constant 11 : i32
        %get3A_567 = arith.index_cast %get3A_566 : i32 to index
        %get3A_568 = arith.index_cast %mul3A_20 : i32 to index
        %get3A_569 = tpu.vector_load %arg5[%get3A_567, %get3A_568] {strides = array<i32>} : memref<64x256xf32, #tpu.memory_space<vmem>>, vector<1x16xf32>,
        %get3A_570 = vector.shape_cast %get3A_569 : vector<1x16xf32> to vector<16xf32>
        %broadcast_in_dim3A_571 = arith.constant 11 : i32
        %broadcast_in_dim3A_572 = vector.broadcast %broadcast_in_dim3A_571 : i32 to vector<16xi32>
        %gt3A_573 = arith.cmpf ogt, %get3A_570, %select_n3A_527 : vector<16xf32>
        %select_n3A_574 = arith.select %gt3A_573, %get3A_570, %select_n3A_527 : vector<16xi1>, vector<16xf32>
        %select_n3A_575 = arith.select %gt3A_573, %select_n3A_527, %get3A_570 : vector<16xi1>, vector<16xf32>
        %select_n3A_576 = arith.select %gt3A_573, %broadcast_in_dim3A_572, %select_n3A_529 : vector<16xi1>, vector<16xi32>
        %select_n3A_577 = arith.select %gt3A_573, %select_n3A_529, %broadcast_in_dim3A_572 : vector<16xi1>, vector<16xi32>
        %gt3A_578 = arith.cmpf ogt, %select_n3A_575, %select_n3A_532 : vector<16xf32>
        %select_n3A_579 = arith.select %gt3A_578, %select_n3A_575, %select_n3A_532 : vector<16xi1>, vector<16xf32>
        %select_n3A_580 = arith.select %gt3A_578, %select_n3A_532, %select_n3A_575 : vector<16xi1>, vector<16xf32>
        %select_n3A_581 = arith.select %gt3A_578, %select_n3A_577, %select_n3A_534 : vector<16xi1>, vector<16xi32>
        %select_n3A_582 = arith.select %gt3A_578, %select_n3A_534, %select_n3A_577 : vector<16xi1>, vector<16xi32>
        %gt3A_583 = arith.cmpf ogt, %select_n3A_580, %select_n3A_537 : vector<16xf32>
        %select_n3A_584 = arith.select %gt3A_583, %select_n3A_580, %select_n3A_537 : vector<16xi1>, vector<16xf32>
        %select_n3A_585 = arith.select %gt3A_583, %select_n3A_537, %select_n3A_580 : vector<16xi1>, vector<16xf32>
        %select_n3A_586 = arith.select %gt3A_583, %select_n3A_582, %select_n3A_539 : vector<16xi1>, vector<16xi32>
        %select_n3A_587 = arith.select %gt3A_583, %select_n3A_539, %select_n3A_582 : vector<16xi1>, vector<16xi32>
        %gt3A_588 = arith.cmpf ogt, %select_n3A_585, %select_n3A_542 : vector<16xf32>
        %select_n3A_589 = arith.select %gt3A_588, %select_n3A_585, %select_n3A_542 : vector<16xi1>, vector<16xf32>
        %select_n3A_590 = arith.select %gt3A_588, %select_n3A_542, %select_n3A_585 : vector<16xi1>, vector<16xf32>
        %select_n3A_591 = arith.select %gt3A_588, %select_n3A_587, %select_n3A_544 : vector<16xi1>, vector<16xi32>
        %select_n3A_592 = arith.select %gt3A_588, %select_n3A_544, %select_n3A_587 : vector<16xi1>, vector<16xi32>
        %gt3A_593 = arith.cmpf ogt, %select_n3A_590, %select_n3A_547 : vector<16xf32>
        %select_n3A_594 = arith.select %gt3A_593, %select_n3A_590, %select_n3A_547 : vector<16xi1>, vector<16xf32>
        %select_n3A_595 = arith.select %gt3A_593, %select_n3A_547, %select_n3A_590 : vector<16xi1>, vector<16xf32>
        %select_n3A_596 = arith.select %gt3A_593, %select_n3A_592, %select_n3A_549 : vector<16xi1>, vector<16xi32>
        %select_n3A_597 = arith.select %gt3A_593, %select_n3A_549, %select_n3A_592 : vector<16xi1>, vector<16xi32>
        %gt3A_598 = arith.cmpf ogt, %select_n3A_595, %select_n3A_552 : vector<16xf32>
        %select_n3A_599 = arith.select %gt3A_598, %select_n3A_595, %select_n3A_552 : vector<16xi1>, vector<16xf32>
        %select_n3A_600 = arith.select %gt3A_598, %select_n3A_552, %select_n3A_595 : vector<16xi1>, vector<16xf32>
        %select_n3A_601 = arith.select %gt3A_598, %select_n3A_597, %select_n3A_554 : vector<16xi1>, vector<16xi32>
        %select_n3A_602 = arith.select %gt3A_598, %select_n3A_554, %select_n3A_597 : vector<16xi1>, vector<16xi32>
        %gt3A_603 = arith.cmpf ogt, %select_n3A_600, %select_n3A_557 : vector<16xf32>
        %select_n3A_604 = arith.select %gt3A_603, %select_n3A_600, %select_n3A_557 : vector<16xi1>, vector<16xf32>
        %select_n3A_605 = arith.select %gt3A_603, %select_n3A_557, %select_n3A_600 : vector<16xi1>, vector<16xf32>
        %select_n3A_606 = arith.select %gt3A_603, %select_n3A_602, %select_n3A_559 : vector<16xi1>, vector<16xi32>
        %select_n3A_607 = arith.select %gt3A_603, %select_n3A_559, %select_n3A_602 : vector<16xi1>, vector<16xi32>
        %gt3A_608 = arith.cmpf ogt, %select_n3A_605, %select_n3A_562 : vector<16xf32>
        %select_n3A_609 = arith.select %gt3A_608, %select_n3A_605, %select_n3A_562 : vector<16xi1>, vector<16xf32>
        %select_n3A_610 = arith.select %gt3A_608, %select_n3A_562, %select_n3A_605 : vector<16xi1>, vector<16xf32>
        %select_n3A_611 = arith.select %gt3A_608, %select_n3A_607, %select_n3A_564 : vector<16xi1>, vector<16xi32>
        %select_n3A_612 = arith.select %gt3A_608, %select_n3A_564, %select_n3A_607 : vector<16xi1>, vector<16xi32>
        %get3A_613 = arith.constant 12 : i32
        %get3A_614 = arith.index_cast %get3A_613 : i32 to index
        %get3A_615 = arith.index_cast %mul3A_20 : i32 to index
        %get3A_616 = tpu.vector_load %arg5[%get3A_614, %get3A_615] {strides = array<i32>} : memref<64x256xf32, #tpu.memory_space<vmem>>, vector<1x16xf32>,
        %get3A_617 = vector.shape_cast %get3A_616 : vector<1x16xf32> to vector<16xf32>
        %broadcast_in_dim3A_618 = arith.constant 12 : i32
        %broadcast_in_dim3A_619 = vector.broadcast %broadcast_in_dim3A_618 : i32 to vector<16xi32>
        %gt3A_620 = arith.cmpf ogt, %get3A_617, %select_n3A_574 : vector<16xf32>
        %select_n3A_621 = arith.select %gt3A_620, %get3A_617, %select_n3A_574 : vector<16xi1>, vector<16xf32>
        %select_n3A_622 = arith.select %gt3A_620, %select_n3A_574, %get3A_617 : vector<16xi1>, vector<16xf32>
        %select_n3A_623 = arith.select %gt3A_620, %broadcast_in_dim3A_619, %select_n3A_576 : vector<16xi1>, vector<16xi32>
        %select_n3A_624 = arith.select %gt3A_620, %select_n3A_576, %broadcast_in_dim3A_619 : vector<16xi1>, vector<16xi32>
        %gt3A_625 = arith.cmpf ogt, %select_n3A_622, %select_n3A_579 : vector<16xf32>
        %select_n3A_626 = arith.select %gt3A_625, %select_n3A_622, %select_n3A_579 : vector<16xi1>, vector<16xf32>
        %select_n3A_627 = arith.select %gt3A_625, %select_n3A_579, %select_n3A_622 : vector<16xi1>, vector<16xf32>
        %select_n3A_628 = arith.select %gt3A_625, %select_n3A_624, %select_n3A_581 : vector<16xi1>, vector<16xi32>
        %select_n3A_629 = arith.select %gt3A_625, %select_n3A_581, %select_n3A_624 : vector<16xi1>, vector<16xi32>
        %gt3A_630 = arith.cmpf ogt, %select_n3A_627, %select_n3A_584 : vector<16xf32>
        %select_n3A_631 = arith.select %gt3A_630, %select_n3A_627, %select_n3A_584 : vector<16xi1>, vector<16xf32>
        %select_n3A_632 = arith.select %gt3A_630, %select_n3A_584, %select_n3A_627 : vector<16xi1>, vector<16xf32>
        %select_n3A_633 = arith.select %gt3A_630, %select_n3A_629, %select_n3A_586 : vector<16xi1>, vector<16xi32>
        %select_n3A_634 = arith.select %gt3A_630, %select_n3A_586, %select_n3A_629 : vector<16xi1>, vector<16xi32>
        %gt3A_635 = arith.cmpf ogt, %select_n3A_632, %select_n3A_589 : vector<16xf32>
        %select_n3A_636 = arith.select %gt3A_635, %select_n3A_632, %select_n3A_589 : vector<16xi1>, vector<16xf32>
        %select_n3A_637 = arith.select %gt3A_635, %select_n3A_589, %select_n3A_632 : vector<16xi1>, vector<16xf32>
        %select_n3A_638 = arith.select %gt3A_635, %select_n3A_634, %select_n3A_591 : vector<16xi1>, vector<16xi32>
        %select_n3A_639 = arith.select %gt3A_635, %select_n3A_591, %select_n3A_634 : vector<16xi1>, vector<16xi32>
        %gt3A_640 = arith.cmpf ogt, %select_n3A_637, %select_n3A_594 : vector<16xf32>
        %select_n3A_641 = arith.select %gt3A_640, %select_n3A_637, %select_n3A_594 : vector<16xi1>, vector<16xf32>
        %select_n3A_642 = arith.select %gt3A_640, %select_n3A_594, %select_n3A_637 : vector<16xi1>, vector<16xf32>
        %select_n3A_643 = arith.select %gt3A_640, %select_n3A_639, %select_n3A_596 : vector<16xi1>, vector<16xi32>
        %select_n3A_644 = arith.select %gt3A_640, %select_n3A_596, %select_n3A_639 : vector<16xi1>, vector<16xi32>
        %gt3A_645 = arith.cmpf ogt, %select_n3A_642, %select_n3A_599 : vector<16xf32>
        %select_n3A_646 = arith.select %gt3A_645, %select_n3A_642, %select_n3A_599 : vector<16xi1>, vector<16xf32>
        %select_n3A_647 = arith.select %gt3A_645, %select_n3A_599, %select_n3A_642 : vector<16xi1>, vector<16xf32>
        %select_n3A_648 = arith.select %gt3A_645, %select_n3A_644, %select_n3A_601 : vector<16xi1>, vector<16xi32>
        %select_n3A_649 = arith.select %gt3A_645, %select_n3A_601, %select_n3A_644 : vector<16xi1>, vector<16xi32>
        %gt3A_650 = arith.cmpf ogt, %select_n3A_647, %select_n3A_604 : vector<16xf32>
        %select_n3A_651 = arith.select %gt3A_650, %select_n3A_647, %select_n3A_604 : vector<16xi1>, vector<16xf32>
        %select_n3A_652 = arith.select %gt3A_650, %select_n3A_604, %select_n3A_647 : vector<16xi1>, vector<16xf32>
        %select_n3A_653 = arith.select %gt3A_650, %select_n3A_649, %select_n3A_606 : vector<16xi1>, vector<16xi32>
        %select_n3A_654 = arith.select %gt3A_650, %select_n3A_606, %select_n3A_649 : vector<16xi1>, vector<16xi32>
        %gt3A_655 = arith.cmpf ogt, %select_n3A_652, %select_n3A_609 : vector<16xf32>
        %select_n3A_656 = arith.select %gt3A_655, %select_n3A_652, %select_n3A_609 : vector<16xi1>, vector<16xf32>
        %select_n3A_657 = arith.select %gt3A_655, %select_n3A_609, %select_n3A_652 : vector<16xi1>, vector<16xf32>
        %select_n3A_658 = arith.select %gt3A_655, %select_n3A_654, %select_n3A_611 : vector<16xi1>, vector<16xi32>
        %select_n3A_659 = arith.select %gt3A_655, %select_n3A_611, %select_n3A_654 : vector<16xi1>, vector<16xi32>
        %get3A_660 = arith.constant 13 : i32
        %get3A_661 = arith.index_cast %get3A_660 : i32 to index
        %get3A_662 = arith.index_cast %mul3A_20 : i32 to index
        %get3A_663 = tpu.vector_load %arg5[%get3A_661, %get3A_662] {strides = array<i32>} : memref<64x256xf32, #tpu.memory_space<vmem>>, vector<1x16xf32>,
        %get3A_664 = vector.shape_cast %get3A_663 : vector<1x16xf32> to vector<16xf32>
        %broadcast_in_dim3A_665 = arith.constant 13 : i32
        %broadcast_in_dim3A_666 = vector.broadcast %broadcast_in_dim3A_665 : i32 to vector<16xi32>
        %gt3A_667 = arith.cmpf ogt, %get3A_664, %select_n3A_621 : vector<16xf32>
        %select_n3A_668 = arith.select %gt3A_667, %get3A_664, %select_n3A_621 : vector<16xi1>, vector<16xf32>
        %select_n3A_669 = arith.select %gt3A_667, %select_n3A_621, %get3A_664 : vector<16xi1>, vector<16xf32>
        %select_n3A_670 = arith.select %gt3A_667, %broadcast_in_dim3A_666, %select_n3A_623 : vector<16xi1>, vector<16xi32>
        %select_n3A_671 = arith.select %gt3A_667, %select_n3A_623, %broadcast_in_dim3A_666 : vector<16xi1>, vector<16xi32>
        %gt3A_672 = arith.cmpf ogt, %select_n3A_669, %select_n3A_626 : vector<16xf32>
        %select_n3A_673 = arith.select %gt3A_672, %select_n3A_669, %select_n3A_626 : vector<16xi1>, vector<16xf32>
        %select_n3A_674 = arith.select %gt3A_672, %select_n3A_626, %select_n3A_669 : vector<16xi1>, vector<16xf32>
        %select_n3A_675 = arith.select %gt3A_672, %select_n3A_671, %select_n3A_628 : vector<16xi1>, vector<16xi32>
        %select_n3A_676 = arith.select %gt3A_672, %select_n3A_628, %select_n3A_671 : vector<16xi1>, vector<16xi32>
        %gt3A_677 = arith.cmpf ogt, %select_n3A_674, %select_n3A_631 : vector<16xf32>
        %select_n3A_678 = arith.select %gt3A_677, %select_n3A_674, %select_n3A_631 : vector<16xi1>, vector<16xf32>
        %select_n3A_679 = arith.select %gt3A_677, %select_n3A_631, %select_n3A_674 : vector<16xi1>, vector<16xf32>
        %select_n3A_680 = arith.select %gt3A_677, %select_n3A_676, %select_n3A_633 : vector<16xi1>, vector<16xi32>
        %select_n3A_681 = arith.select %gt3A_677, %select_n3A_633, %select_n3A_676 : vector<16xi1>, vector<16xi32>
        %gt3A_682 = arith.cmpf ogt, %select_n3A_679, %select_n3A_636 : vector<16xf32>
        %select_n3A_683 = arith.select %gt3A_682, %select_n3A_679, %select_n3A_636 : vector<16xi1>, vector<16xf32>
        %select_n3A_684 = arith.select %gt3A_682, %select_n3A_636, %select_n3A_679 : vector<16xi1>, vector<16xf32>
        %select_n3A_685 = arith.select %gt3A_682, %select_n3A_681, %select_n3A_638 : vector<16xi1>, vector<16xi32>
        %select_n3A_686 = arith.select %gt3A_682, %select_n3A_638, %select_n3A_681 : vector<16xi1>, vector<16xi32>
        %gt3A_687 = arith.cmpf ogt, %select_n3A_684, %select_n3A_641 : vector<16xf32>
        %select_n3A_688 = arith.select %gt3A_687, %select_n3A_684, %select_n3A_641 : vector<16xi1>, vector<16xf32>
        %select_n3A_689 = arith.select %gt3A_687, %select_n3A_641, %select_n3A_684 : vector<16xi1>, vector<16xf32>
        %select_n3A_690 = arith.select %gt3A_687, %select_n3A_686, %select_n3A_643 : vector<16xi1>, vector<16xi32>
        %select_n3A_691 = arith.select %gt3A_687, %select_n3A_643, %select_n3A_686 : vector<16xi1>, vector<16xi32>
        %gt3A_692 = arith.cmpf ogt, %select_n3A_689, %select_n3A_646 : vector<16xf32>
        %select_n3A_693 = arith.select %gt3A_692, %select_n3A_689, %select_n3A_646 : vector<16xi1>, vector<16xf32>
        %select_n3A_694 = arith.select %gt3A_692, %select_n3A_646, %select_n3A_689 : vector<16xi1>, vector<16xf32>
        %select_n3A_695 = arith.select %gt3A_692, %select_n3A_691, %select_n3A_648 : vector<16xi1>, vector<16xi32>
        %select_n3A_696 = arith.select %gt3A_692, %select_n3A_648, %select_n3A_691 : vector<16xi1>, vector<16xi32>
        %gt3A_697 = arith.cmpf ogt, %select_n3A_694, %select_n3A_651 : vector<16xf32>
        %select_n3A_698 = arith.select %gt3A_697, %select_n3A_694, %select_n3A_651 : vector<16xi1>, vector<16xf32>
        %select_n3A_699 = arith.select %gt3A_697, %select_n3A_651, %select_n3A_694 : vector<16xi1>, vector<16xf32>
        %select_n3A_700 = arith.select %gt3A_697, %select_n3A_696, %select_n3A_653 : vector<16xi1>, vector<16xi32>
        %select_n3A_701 = arith.select %gt3A_697, %select_n3A_653, %select_n3A_696 : vector<16xi1>, vector<16xi32>
        %gt3A_702 = arith.cmpf ogt, %select_n3A_699, %select_n3A_656 : vector<16xf32>
        %select_n3A_703 = arith.select %gt3A_702, %select_n3A_699, %select_n3A_656 : vector<16xi1>, vector<16xf32>
        %select_n3A_704 = arith.select %gt3A_702, %select_n3A_656, %select_n3A_699 : vector<16xi1>, vector<16xf32>
        %select_n3A_705 = arith.select %gt3A_702, %select_n3A_701, %select_n3A_658 : vector<16xi1>, vector<16xi32>
        %select_n3A_706 = arith.select %gt3A_702, %select_n3A_658, %select_n3A_701 : vector<16xi1>, vector<16xi32>
        %get3A_707 = arith.constant 14 : i32
        %get3A_708 = arith.index_cast %get3A_707 : i32 to index
        %get3A_709 = arith.index_cast %mul3A_20 : i32 to index
        %get3A_710 = tpu.vector_load %arg5[%get3A_708, %get3A_709] {strides = array<i32>} : memref<64x256xf32, #tpu.memory_space<vmem>>, vector<1x16xf32>,
        %get3A_711 = vector.shape_cast %get3A_710 : vector<1x16xf32> to vector<16xf32>
        %broadcast_in_dim3A_712 = arith.constant 14 : i32
        %broadcast_in_dim3A_713 = vector.broadcast %broadcast_in_dim3A_712 : i32 to vector<16xi32>
        %gt3A_714 = arith.cmpf ogt, %get3A_711, %select_n3A_668 : vector<16xf32>
        %select_n3A_715 = arith.select %gt3A_714, %get3A_711, %select_n3A_668 : vector<16xi1>, vector<16xf32>
        %select_n3A_716 = arith.select %gt3A_714, %select_n3A_668, %get3A_711 : vector<16xi1>, vector<16xf32>
        %select_n3A_717 = arith.select %gt3A_714, %broadcast_in_dim3A_713, %select_n3A_670 : vector<16xi1>, vector<16xi32>
        %select_n3A_718 = arith.select %gt3A_714, %select_n3A_670, %broadcast_in_dim3A_713 : vector<16xi1>, vector<16xi32>
        %gt3A_719 = arith.cmpf ogt, %select_n3A_716, %select_n3A_673 : vector<16xf32>
        %select_n3A_720 = arith.select %gt3A_719, %select_n3A_716, %select_n3A_673 : vector<16xi1>, vector<16xf32>
        %select_n3A_721 = arith.select %gt3A_719, %select_n3A_673, %select_n3A_716 : vector<16xi1>, vector<16xf32>
        %select_n3A_722 = arith.select %gt3A_719, %select_n3A_718, %select_n3A_675 : vector<16xi1>, vector<16xi32>
        %select_n3A_723 = arith.select %gt3A_719, %select_n3A_675, %select_n3A_718 : vector<16xi1>, vector<16xi32>
        %gt3A_724 = arith.cmpf ogt, %select_n3A_721, %select_n3A_678 : vector<16xf32>
        %select_n3A_725 = arith.select %gt3A_724, %select_n3A_721, %select_n3A_678 : vector<16xi1>, vector<16xf32>
        %select_n3A_726 = arith.select %gt3A_724, %select_n3A_678, %select_n3A_721 : vector<16xi1>, vector<16xf32>
        %select_n3A_727 = arith.select %gt3A_724, %select_n3A_723, %select_n3A_680 : vector<16xi1>, vector<16xi32>
        %select_n3A_728 = arith.select %gt3A_724, %select_n3A_680, %select_n3A_723 : vector<16xi1>, vector<16xi32>
        %gt3A_729 = arith.cmpf ogt, %select_n3A_726, %select_n3A_683 : vector<16xf32>
        %select_n3A_730 = arith.select %gt3A_729, %select_n3A_726, %select_n3A_683 : vector<16xi1>, vector<16xf32>
        %select_n3A_731 = arith.select %gt3A_729, %select_n3A_683, %select_n3A_726 : vector<16xi1>, vector<16xf32>
        %select_n3A_732 = arith.select %gt3A_729, %select_n3A_728, %select_n3A_685 : vector<16xi1>, vector<16xi32>
        %select_n3A_733 = arith.select %gt3A_729, %select_n3A_685, %select_n3A_728 : vector<16xi1>, vector<16xi32>
        %gt3A_734 = arith.cmpf ogt, %select_n3A_731, %select_n3A_688 : vector<16xf32>
        %select_n3A_735 = arith.select %gt3A_734, %select_n3A_731, %select_n3A_688 : vector<16xi1>, vector<16xf32>
        %select_n3A_736 = arith.select %gt3A_734, %select_n3A_688, %select_n3A_731 : vector<16xi1>, vector<16xf32>
        %select_n3A_737 = arith.select %gt3A_734, %select_n3A_733, %select_n3A_690 : vector<16xi1>, vector<16xi32>
        %select_n3A_738 = arith.select %gt3A_734, %select_n3A_690, %select_n3A_733 : vector<16xi1>, vector<16xi32>
        %gt3A_739 = arith.cmpf ogt, %select_n3A_736, %select_n3A_693 : vector<16xf32>
        %select_n3A_740 = arith.select %gt3A_739, %select_n3A_736, %select_n3A_693 : vector<16xi1>, vector<16xf32>
        %select_n3A_741 = arith.select %gt3A_739, %select_n3A_693, %select_n3A_736 : vector<16xi1>, vector<16xf32>
        %select_n3A_742 = arith.select %gt3A_739, %select_n3A_738, %select_n3A_695 : vector<16xi1>, vector<16xi32>
        %select_n3A_743 = arith.select %gt3A_739, %select_n3A_695, %select_n3A_738 : vector<16xi1>, vector<16xi32>
        %gt3A_744 = arith.cmpf ogt, %select_n3A_741, %select_n3A_698 : vector<16xf32>
        %select_n3A_745 = arith.select %gt3A_744, %select_n3A_741, %select_n3A_698 : vector<16xi1>, vector<16xf32>
        %select_n3A_746 = arith.select %gt3A_744, %select_n3A_698, %select_n3A_741 : vector<16xi1>, vector<16xf32>
        %select_n3A_747 = arith.select %gt3A_744, %select_n3A_743, %select_n3A_700 : vector<16xi1>, vector<16xi32>
        %select_n3A_748 = arith.select %gt3A_744, %select_n3A_700, %select_n3A_743 : vector<16xi1>, vector<16xi32>
        %gt3A_749 = arith.cmpf ogt, %select_n3A_746, %select_n3A_703 : vector<16xf32>
        %select_n3A_750 = arith.select %gt3A_749, %select_n3A_746, %select_n3A_703 : vector<16xi1>, vector<16xf32>
        %select_n3A_751 = arith.select %gt3A_749, %select_n3A_703, %select_n3A_746 : vector<16xi1>, vector<16xf32>
        %select_n3A_752 = arith.select %gt3A_749, %select_n3A_748, %select_n3A_705 : vector<16xi1>, vector<16xi32>
        %select_n3A_753 = arith.select %gt3A_749, %select_n3A_705, %select_n3A_748 : vector<16xi1>, vector<16xi32>
        %get3A_754 = arith.constant 15 : i32
        %get3A_755 = arith.index_cast %get3A_754 : i32 to index
        %get3A_756 = arith.index_cast %mul3A_20 : i32 to index
        %get3A_757 = tpu.vector_load %arg5[%get3A_755, %get3A_756] {strides = array<i32>} : memref<64x256xf32, #tpu.memory_space<vmem>>, vector<1x16xf32>,
        %get3A_758 = vector.shape_cast %get3A_757 : vector<1x16xf32> to vector<16xf32>
        %broadcast_in_dim3A_759 = arith.constant 15 : i32
        %broadcast_in_dim3A_760 = vector.broadcast %broadcast_in_dim3A_759 : i32 to vector<16xi32>
        %gt3A_761 = arith.cmpf ogt, %get3A_758, %select_n3A_715 : vector<16xf32>
        %select_n3A_762 = arith.select %gt3A_761, %get3A_758, %select_n3A_715 : vector<16xi1>, vector<16xf32>
        %select_n3A_763 = arith.select %gt3A_761, %select_n3A_715, %get3A_758 : vector<16xi1>, vector<16xf32>
        %select_n3A_764 = arith.select %gt3A_761, %broadcast_in_dim3A_760, %select_n3A_717 : vector<16xi1>, vector<16xi32>
        %select_n3A_765 = arith.select %gt3A_761, %select_n3A_717, %broadcast_in_dim3A_760 : vector<16xi1>, vector<16xi32>
        %gt3A_766 = arith.cmpf ogt, %select_n3A_763, %select_n3A_720 : vector<16xf32>
        %select_n3A_767 = arith.select %gt3A_766, %select_n3A_763, %select_n3A_720 : vector<16xi1>, vector<16xf32>
        %select_n3A_768 = arith.select %gt3A_766, %select_n3A_720, %select_n3A_763 : vector<16xi1>, vector<16xf32>
        %select_n3A_769 = arith.select %gt3A_766, %select_n3A_765, %select_n3A_722 : vector<16xi1>, vector<16xi32>
        %select_n3A_770 = arith.select %gt3A_766, %select_n3A_722, %select_n3A_765 : vector<16xi1>, vector<16xi32>
        %gt3A_771 = arith.cmpf ogt, %select_n3A_768, %select_n3A_725 : vector<16xf32>
        %select_n3A_772 = arith.select %gt3A_771, %select_n3A_768, %select_n3A_725 : vector<16xi1>, vector<16xf32>
        %select_n3A_773 = arith.select %gt3A_771, %select_n3A_725, %select_n3A_768 : vector<16xi1>, vector<16xf32>
        %select_n3A_774 = arith.select %gt3A_771, %select_n3A_770, %select_n3A_727 : vector<16xi1>, vector<16xi32>
        %select_n3A_775 = arith.select %gt3A_771, %select_n3A_727, %select_n3A_770 : vector<16xi1>, vector<16xi32>
        %gt3A_776 = arith.cmpf ogt, %select_n3A_773, %select_n3A_730 : vector<16xf32>
        %select_n3A_777 = arith.select %gt3A_776, %select_n3A_773, %select_n3A_730 : vector<16xi1>, vector<16xf32>
        %select_n3A_778 = arith.select %gt3A_776, %select_n3A_730, %select_n3A_773 : vector<16xi1>, vector<16xf32>
        %select_n3A_779 = arith.select %gt3A_776, %select_n3A_775, %select_n3A_732 : vector<16xi1>, vector<16xi32>
        %select_n3A_780 = arith.select %gt3A_776, %select_n3A_732, %select_n3A_775 : vector<16xi1>, vector<16xi32>
        %gt3A_781 = arith.cmpf ogt, %select_n3A_778, %select_n3A_735 : vector<16xf32>
        %select_n3A_782 = arith.select %gt3A_781, %select_n3A_778, %select_n3A_735 : vector<16xi1>, vector<16xf32>
        %select_n3A_783 = arith.select %gt3A_781, %select_n3A_735, %select_n3A_778 : vector<16xi1>, vector<16xf32>
        %select_n3A_784 = arith.select %gt3A_781, %select_n3A_780, %select_n3A_737 : vector<16xi1>, vector<16xi32>
        %select_n3A_785 = arith.select %gt3A_781, %select_n3A_737, %select_n3A_780 : vector<16xi1>, vector<16xi32>
        %gt3A_786 = arith.cmpf ogt, %select_n3A_783, %select_n3A_740 : vector<16xf32>
        %select_n3A_787 = arith.select %gt3A_786, %select_n3A_783, %select_n3A_740 : vector<16xi1>, vector<16xf32>
        %select_n3A_788 = arith.select %gt3A_786, %select_n3A_740, %select_n3A_783 : vector<16xi1>, vector<16xf32>
        %select_n3A_789 = arith.select %gt3A_786, %select_n3A_785, %select_n3A_742 : vector<16xi1>, vector<16xi32>
        %select_n3A_790 = arith.select %gt3A_786, %select_n3A_742, %select_n3A_785 : vector<16xi1>, vector<16xi32>
        %gt3A_791 = arith.cmpf ogt, %select_n3A_788, %select_n3A_745 : vector<16xf32>
        %select_n3A_792 = arith.select %gt3A_791, %select_n3A_788, %select_n3A_745 : vector<16xi1>, vector<16xf32>
        %select_n3A_793 = arith.select %gt3A_791, %select_n3A_745, %select_n3A_788 : vector<16xi1>, vector<16xf32>
        %select_n3A_794 = arith.select %gt3A_791, %select_n3A_790, %select_n3A_747 : vector<16xi1>, vector<16xi32>
        %select_n3A_795 = arith.select %gt3A_791, %select_n3A_747, %select_n3A_790 : vector<16xi1>, vector<16xi32>
        %gt3A_796 = arith.cmpf ogt, %select_n3A_793, %select_n3A_750 : vector<16xf32>
        %select_n3A_797 = arith.select %gt3A_796, %select_n3A_793, %select_n3A_750 : vector<16xi1>, vector<16xf32>
        %select_n3A_798 = arith.select %gt3A_796, %select_n3A_750, %select_n3A_793 : vector<16xi1>, vector<16xf32>
        %select_n3A_799 = arith.select %gt3A_796, %select_n3A_795, %select_n3A_752 : vector<16xi1>, vector<16xi32>
        %select_n3A_800 = arith.select %gt3A_796, %select_n3A_752, %select_n3A_795 : vector<16xi1>, vector<16xi32>
        %get3A_801 = arith.constant 16 : i32
        %get3A_802 = arith.index_cast %get3A_801 : i32 to index
        %get3A_803 = arith.index_cast %mul3A_20 : i32 to index
        %get3A_804 = tpu.vector_load %arg5[%get3A_802, %get3A_803] {strides = array<i32>} : memref<64x256xf32, #tpu.memory_space<vmem>>, vector<1x16xf32>,
        %get3A_805 = vector.shape_cast %get3A_804 : vector<1x16xf32> to vector<16xf32>
        %broadcast_in_dim3A_806 = arith.constant 16 : i32
        %broadcast_in_dim3A_807 = vector.broadcast %broadcast_in_dim3A_806 : i32 to vector<16xi32>
        %gt3A_808 = arith.cmpf ogt, %get3A_805, %select_n3A_762 : vector<16xf32>
        %select_n3A_809 = arith.select %gt3A_808, %get3A_805, %select_n3A_762 : vector<16xi1>, vector<16xf32>
        %select_n3A_810 = arith.select %gt3A_808, %select_n3A_762, %get3A_805 : vector<16xi1>, vector<16xf32>
        %select_n3A_811 = arith.select %gt3A_808, %broadcast_in_dim3A_807, %select_n3A_764 : vector<16xi1>, vector<16xi32>
        %select_n3A_812 = arith.select %gt3A_808, %select_n3A_764, %broadcast_in_dim3A_807 : vector<16xi1>, vector<16xi32>
        %gt3A_813 = arith.cmpf ogt, %select_n3A_810, %select_n3A_767 : vector<16xf32>
        %select_n3A_814 = arith.select %gt3A_813, %select_n3A_810, %select_n3A_767 : vector<16xi1>, vector<16xf32>
        %select_n3A_815 = arith.select %gt3A_813, %select_n3A_767, %select_n3A_810 : vector<16xi1>, vector<16xf32>
        %select_n3A_816 = arith.select %gt3A_813, %select_n3A_812, %select_n3A_769 : vector<16xi1>, vector<16xi32>
        %select_n3A_817 = arith.select %gt3A_813, %select_n3A_769, %select_n3A_812 : vector<16xi1>, vector<16xi32>
        %gt3A_818 = arith.cmpf ogt, %select_n3A_815, %select_n3A_772 : vector<16xf32>
        %select_n3A_819 = arith.select %gt3A_818, %select_n3A_815, %select_n3A_772 : vector<16xi1>, vector<16xf32>
        %select_n3A_820 = arith.select %gt3A_818, %select_n3A_772, %select_n3A_815 : vector<16xi1>, vector<16xf32>
        %select_n3A_821 = arith.select %gt3A_818, %select_n3A_817, %select_n3A_774 : vector<16xi1>, vector<16xi32>
        %select_n3A_822 = arith.select %gt3A_818, %select_n3A_774, %select_n3A_817 : vector<16xi1>, vector<16xi32>
        %gt3A_823 = arith.cmpf ogt, %select_n3A_820, %select_n3A_777 : vector<16xf32>
        %select_n3A_824 = arith.select %gt3A_823, %select_n3A_820, %select_n3A_777 : vector<16xi1>, vector<16xf32>
        %select_n3A_825 = arith.select %gt3A_823, %select_n3A_777, %select_n3A_820 : vector<16xi1>, vector<16xf32>
        %select_n3A_826 = arith.select %gt3A_823, %select_n3A_822, %select_n3A_779 : vector<16xi1>, vector<16xi32>
        %select_n3A_827 = arith.select %gt3A_823, %select_n3A_779, %select_n3A_822 : vector<16xi1>, vector<16xi32>
        %gt3A_828 = arith.cmpf ogt, %select_n3A_825, %select_n3A_782 : vector<16xf32>
        %select_n3A_829 = arith.select %gt3A_828, %select_n3A_825, %select_n3A_782 : vector<16xi1>, vector<16xf32>
        %select_n3A_830 = arith.select %gt3A_828, %select_n3A_782, %select_n3A_825 : vector<16xi1>, vector<16xf32>
        %select_n3A_831 = arith.select %gt3A_828, %select_n3A_827, %select_n3A_784 : vector<16xi1>, vector<16xi32>
        %select_n3A_832 = arith.select %gt3A_828, %select_n3A_784, %select_n3A_827 : vector<16xi1>, vector<16xi32>
        %gt3A_833 = arith.cmpf ogt, %select_n3A_830, %select_n3A_787 : vector<16xf32>
        %select_n3A_834 = arith.select %gt3A_833, %select_n3A_830, %select_n3A_787 : vector<16xi1>, vector<16xf32>
        %select_n3A_835 = arith.select %gt3A_833, %select_n3A_787, %select_n3A_830 : vector<16xi1>, vector<16xf32>
        %select_n3A_836 = arith.select %gt3A_833, %select_n3A_832, %select_n3A_789 : vector<16xi1>, vector<16xi32>
        %select_n3A_837 = arith.select %gt3A_833, %select_n3A_789, %select_n3A_832 : vector<16xi1>, vector<16xi32>
        %gt3A_838 = arith.cmpf ogt, %select_n3A_835, %select_n3A_792 : vector<16xf32>
        %select_n3A_839 = arith.select %gt3A_838, %select_n3A_835, %select_n3A_792 : vector<16xi1>, vector<16xf32>
        %select_n3A_840 = arith.select %gt3A_838, %select_n3A_792, %select_n3A_835 : vector<16xi1>, vector<16xf32>
        %select_n3A_841 = arith.select %gt3A_838, %select_n3A_837, %select_n3A_794 : vector<16xi1>, vector<16xi32>
        %select_n3A_842 = arith.select %gt3A_838, %select_n3A_794, %select_n3A_837 : vector<16xi1>, vector<16xi32>
        %gt3A_843 = arith.cmpf ogt, %select_n3A_840, %select_n3A_797 : vector<16xf32>
        %select_n3A_844 = arith.select %gt3A_843, %select_n3A_840, %select_n3A_797 : vector<16xi1>, vector<16xf32>
        %select_n3A_845 = arith.select %gt3A_843, %select_n3A_797, %select_n3A_840 : vector<16xi1>, vector<16xf32>
        %select_n3A_846 = arith.select %gt3A_843, %select_n3A_842, %select_n3A_799 : vector<16xi1>, vector<16xi32>
        %select_n3A_847 = arith.select %gt3A_843, %select_n3A_799, %select_n3A_842 : vector<16xi1>, vector<16xi32>
        %get3A_848 = arith.constant 17 : i32
        %get3A_849 = arith.index_cast %get3A_848 : i32 to index
        %get3A_850 = arith.index_cast %mul3A_20 : i32 to index
        %get3A_851 = tpu.vector_load %arg5[%get3A_849, %get3A_850] {strides = array<i32>} : memref<64x256xf32, #tpu.memory_space<vmem>>, vector<1x16xf32>,
        %get3A_852 = vector.shape_cast %get3A_851 : vector<1x16xf32> to vector<16xf32>
        %broadcast_in_dim3A_853 = arith.constant 17 : i32
        %broadcast_in_dim3A_854 = vector.broadcast %broadcast_in_dim3A_853 : i32 to vector<16xi32>
        %gt3A_855 = arith.cmpf ogt, %get3A_852, %select_n3A_809 : vector<16xf32>
        %select_n3A_856 = arith.select %gt3A_855, %get3A_852, %select_n3A_809 : vector<16xi1>, vector<16xf32>
        %select_n3A_857 = arith.select %gt3A_855, %select_n3A_809, %get3A_852 : vector<16xi1>, vector<16xf32>
        %select_n3A_858 = arith.select %gt3A_855, %broadcast_in_dim3A_854, %select_n3A_811 : vector<16xi1>, vector<16xi32>
        %select_n3A_859 = arith.select %gt3A_855, %select_n3A_811, %broadcast_in_dim3A_854 : vector<16xi1>, vector<16xi32>
        %gt3A_860 = arith.cmpf ogt, %select_n3A_857, %select_n3A_814 : vector<16xf32>
        %select_n3A_861 = arith.select %gt3A_860, %select_n3A_857, %select_n3A_814 : vector<16xi1>, vector<16xf32>
        %select_n3A_862 = arith.select %gt3A_860, %select_n3A_814, %select_n3A_857 : vector<16xi1>, vector<16xf32>
        %select_n3A_863 = arith.select %gt3A_860, %select_n3A_859, %select_n3A_816 : vector<16xi1>, vector<16xi32>
        %select_n3A_864 = arith.select %gt3A_860, %select_n3A_816, %select_n3A_859 : vector<16xi1>, vector<16xi32>
        %gt3A_865 = arith.cmpf ogt, %select_n3A_862, %select_n3A_819 : vector<16xf32>
        %select_n3A_866 = arith.select %gt3A_865, %select_n3A_862, %select_n3A_819 : vector<16xi1>, vector<16xf32>
        %select_n3A_867 = arith.select %gt3A_865, %select_n3A_819, %select_n3A_862 : vector<16xi1>, vector<16xf32>
        %select_n3A_868 = arith.select %gt3A_865, %select_n3A_864, %select_n3A_821 : vector<16xi1>, vector<16xi32>
        %select_n3A_869 = arith.select %gt3A_865, %select_n3A_821, %select_n3A_864 : vector<16xi1>, vector<16xi32>
        %gt3A_870 = arith.cmpf ogt, %select_n3A_867, %select_n3A_824 : vector<16xf32>
        %select_n3A_871 = arith.select %gt3A_870, %select_n3A_867, %select_n3A_824 : vector<16xi1>, vector<16xf32>
        %select_n3A_872 = arith.select %gt3A_870, %select_n3A_824, %select_n3A_867 : vector<16xi1>, vector<16xf32>
        %select_n3A_873 = arith.select %gt3A_870, %select_n3A_869, %select_n3A_826 : vector<16xi1>, vector<16xi32>
        %select_n3A_874 = arith.select %gt3A_870, %select_n3A_826, %select_n3A_869 : vector<16xi1>, vector<16xi32>
        %gt3A_875 = arith.cmpf ogt, %select_n3A_872, %select_n3A_829 : vector<16xf32>
        %select_n3A_876 = arith.select %gt3A_875, %select_n3A_872, %select_n3A_829 : vector<16xi1>, vector<16xf32>
        %select_n3A_877 = arith.select %gt3A_875, %select_n3A_829, %select_n3A_872 : vector<16xi1>, vector<16xf32>
        %select_n3A_878 = arith.select %gt3A_875, %select_n3A_874, %select_n3A_831 : vector<16xi1>, vector<16xi32>
        %select_n3A_879 = arith.select %gt3A_875, %select_n3A_831, %select_n3A_874 : vector<16xi1>, vector<16xi32>
        %gt3A_880 = arith.cmpf ogt, %select_n3A_877, %select_n3A_834 : vector<16xf32>
        %select_n3A_881 = arith.select %gt3A_880, %select_n3A_877, %select_n3A_834 : vector<16xi1>, vector<16xf32>
        %select_n3A_882 = arith.select %gt3A_880, %select_n3A_834, %select_n3A_877 : vector<16xi1>, vector<16xf32>
        %select_n3A_883 = arith.select %gt3A_880, %select_n3A_879, %select_n3A_836 : vector<16xi1>, vector<16xi32>
        %select_n3A_884 = arith.select %gt3A_880, %select_n3A_836, %select_n3A_879 : vector<16xi1>, vector<16xi32>
        %gt3A_885 = arith.cmpf ogt, %select_n3A_882, %select_n3A_839 : vector<16xf32>
        %select_n3A_886 = arith.select %gt3A_885, %select_n3A_882, %select_n3A_839 : vector<16xi1>, vector<16xf32>
        %select_n3A_887 = arith.select %gt3A_885, %select_n3A_839, %select_n3A_882 : vector<16xi1>, vector<16xf32>
        %select_n3A_888 = arith.select %gt3A_885, %select_n3A_884, %select_n3A_841 : vector<16xi1>, vector<16xi32>
        %select_n3A_889 = arith.select %gt3A_885, %select_n3A_841, %select_n3A_884 : vector<16xi1>, vector<16xi32>
        %gt3A_890 = arith.cmpf ogt, %select_n3A_887, %select_n3A_844 : vector<16xf32>
        %select_n3A_891 = arith.select %gt3A_890, %select_n3A_887, %select_n3A_844 : vector<16xi1>, vector<16xf32>
        %select_n3A_892 = arith.select %gt3A_890, %select_n3A_844, %select_n3A_887 : vector<16xi1>, vector<16xf32>
        %select_n3A_893 = arith.select %gt3A_890, %select_n3A_889, %select_n3A_846 : vector<16xi1>, vector<16xi32>
        %select_n3A_894 = arith.select %gt3A_890, %select_n3A_846, %select_n3A_889 : vector<16xi1>, vector<16xi32>
        %get3A_895 = arith.constant 18 : i32
        %get3A_896 = arith.index_cast %get3A_895 : i32 to index
        %get3A_897 = arith.index_cast %mul3A_20 : i32 to index
        %get3A_898 = tpu.vector_load %arg5[%get3A_896, %get3A_897] {strides = array<i32>} : memref<64x256xf32, #tpu.memory_space<vmem>>, vector<1x16xf32>,
        %get3A_899 = vector.shape_cast %get3A_898 : vector<1x16xf32> to vector<16xf32>
        %broadcast_in_dim3A_900 = arith.constant 18 : i32
        %broadcast_in_dim3A_901 = vector.broadcast %broadcast_in_dim3A_900 : i32 to vector<16xi32>
        %gt3A_902 = arith.cmpf ogt, %get3A_899, %select_n3A_856 : vector<16xf32>
        %select_n3A_903 = arith.select %gt3A_902, %get3A_899, %select_n3A_856 : vector<16xi1>, vector<16xf32>
        %select_n3A_904 = arith.select %gt3A_902, %select_n3A_856, %get3A_899 : vector<16xi1>, vector<16xf32>
        %select_n3A_905 = arith.select %gt3A_902, %broadcast_in_dim3A_901, %select_n3A_858 : vector<16xi1>, vector<16xi32>
        %select_n3A_906 = arith.select %gt3A_902, %select_n3A_858, %broadcast_in_dim3A_901 : vector<16xi1>, vector<16xi32>
        %gt3A_907 = arith.cmpf ogt, %select_n3A_904, %select_n3A_861 : vector<16xf32>
        %select_n3A_908 = arith.select %gt3A_907, %select_n3A_904, %select_n3A_861 : vector<16xi1>, vector<16xf32>
        %select_n3A_909 = arith.select %gt3A_907, %select_n3A_861, %select_n3A_904 : vector<16xi1>, vector<16xf32>
        %select_n3A_910 = arith.select %gt3A_907, %select_n3A_906, %select_n3A_863 : vector<16xi1>, vector<16xi32>
        %select_n3A_911 = arith.select %gt3A_907, %select_n3A_863, %select_n3A_906 : vector<16xi1>, vector<16xi32>
        %gt3A_912 = arith.cmpf ogt, %select_n3A_909, %select_n3A_866 : vector<16xf32>
        %select_n3A_913 = arith.select %gt3A_912, %select_n3A_909, %select_n3A_866 : vector<16xi1>, vector<16xf32>
        %select_n3A_914 = arith.select %gt3A_912, %select_n3A_866, %select_n3A_909 : vector<16xi1>, vector<16xf32>
        %select_n3A_915 = arith.select %gt3A_912, %select_n3A_911, %select_n3A_868 : vector<16xi1>, vector<16xi32>
        %select_n3A_916 = arith.select %gt3A_912, %select_n3A_868, %select_n3A_911 : vector<16xi1>, vector<16xi32>
        %gt3A_917 = arith.cmpf ogt, %select_n3A_914, %select_n3A_871 : vector<16xf32>
        %select_n3A_918 = arith.select %gt3A_917, %select_n3A_914, %select_n3A_871 : vector<16xi1>, vector<16xf32>
        %select_n3A_919 = arith.select %gt3A_917, %select_n3A_871, %select_n3A_914 : vector<16xi1>, vector<16xf32>
        %select_n3A_920 = arith.select %gt3A_917, %select_n3A_916, %select_n3A_873 : vector<16xi1>, vector<16xi32>
        %select_n3A_921 = arith.select %gt3A_917, %select_n3A_873, %select_n3A_916 : vector<16xi1>, vector<16xi32>
        %gt3A_922 = arith.cmpf ogt, %select_n3A_919, %select_n3A_876 : vector<16xf32>
        %select_n3A_923 = arith.select %gt3A_922, %select_n3A_919, %select_n3A_876 : vector<16xi1>, vector<16xf32>
        %select_n3A_924 = arith.select %gt3A_922, %select_n3A_876, %select_n3A_919 : vector<16xi1>, vector<16xf32>
        %select_n3A_925 = arith.select %gt3A_922, %select_n3A_921, %select_n3A_878 : vector<16xi1>, vector<16xi32>
        %select_n3A_926 = arith.select %gt3A_922, %select_n3A_878, %select_n3A_921 : vector<16xi1>, vector<16xi32>
        %gt3A_927 = arith.cmpf ogt, %select_n3A_924, %select_n3A_881 : vector<16xf32>
        %select_n3A_928 = arith.select %gt3A_927, %select_n3A_924, %select_n3A_881 : vector<16xi1>, vector<16xf32>
        %select_n3A_929 = arith.select %gt3A_927, %select_n3A_881, %select_n3A_924 : vector<16xi1>, vector<16xf32>
        %select_n3A_930 = arith.select %gt3A_927, %select_n3A_926, %select_n3A_883 : vector<16xi1>, vector<16xi32>
        %select_n3A_931 = arith.select %gt3A_927, %select_n3A_883, %select_n3A_926 : vector<16xi1>, vector<16xi32>
        %gt3A_932 = arith.cmpf ogt, %select_n3A_929, %select_n3A_886 : vector<16xf32>
        %select_n3A_933 = arith.select %gt3A_932, %select_n3A_929, %select_n3A_886 : vector<16xi1>, vector<16xf32>
        %select_n3A_934 = arith.select %gt3A_932, %select_n3A_886, %select_n3A_929 : vector<16xi1>, vector<16xf32>
        %select_n3A_935 = arith.select %gt3A_932, %select_n3A_931, %select_n3A_888 : vector<16xi1>, vector<16xi32>
        %select_n3A_936 = arith.select %gt3A_932, %select_n3A_888, %select_n3A_931 : vector<16xi1>, vector<16xi32>
        %gt3A_937 = arith.cmpf ogt, %select_n3A_934, %select_n3A_891 : vector<16xf32>
        %select_n3A_938 = arith.select %gt3A_937, %select_n3A_934, %select_n3A_891 : vector<16xi1>, vector<16xf32>
        %select_n3A_939 = arith.select %gt3A_937, %select_n3A_891, %select_n3A_934 : vector<16xi1>, vector<16xf32>
        %select_n3A_940 = arith.select %gt3A_937, %select_n3A_936, %select_n3A_893 : vector<16xi1>, vector<16xi32>
        %select_n3A_941 = arith.select %gt3A_937, %select_n3A_893, %select_n3A_936 : vector<16xi1>, vector<16xi32>
        %get3A_942 = arith.constant 19 : i32
        %get3A_943 = arith.index_cast %get3A_942 : i32 to index
        %get3A_944 = arith.index_cast %mul3A_20 : i32 to index
        %get3A_945 = tpu.vector_load %arg5[%get3A_943, %get3A_944] {strides = array<i32>} : memref<64x256xf32, #tpu.memory_space<vmem>>, vector<1x16xf32>,
        %get3A_946 = vector.shape_cast %get3A_945 : vector<1x16xf32> to vector<16xf32>
        %broadcast_in_dim3A_947 = arith.constant 19 : i32
        %broadcast_in_dim3A_948 = vector.broadcast %broadcast_in_dim3A_947 : i32 to vector<16xi32>
        %gt3A_949 = arith.cmpf ogt, %get3A_946, %select_n3A_903 : vector<16xf32>
        %select_n3A_950 = arith.select %gt3A_949, %get3A_946, %select_n3A_903 : vector<16xi1>, vector<16xf32>
        %select_n3A_951 = arith.select %gt3A_949, %select_n3A_903, %get3A_946 : vector<16xi1>, vector<16xf32>
        %select_n3A_952 = arith.select %gt3A_949, %broadcast_in_dim3A_948, %select_n3A_905 : vector<16xi1>, vector<16xi32>
        %select_n3A_953 = arith.select %gt3A_949, %select_n3A_905, %broadcast_in_dim3A_948 : vector<16xi1>, vector<16xi32>
        %gt3A_954 = arith.cmpf ogt, %select_n3A_951, %select_n3A_908 : vector<16xf32>
        %select_n3A_955 = arith.select %gt3A_954, %select_n3A_951, %select_n3A_908 : vector<16xi1>, vector<16xf32>
        %select_n3A_956 = arith.select %gt3A_954, %select_n3A_908, %select_n3A_951 : vector<16xi1>, vector<16xf32>
        %select_n3A_957 = arith.select %gt3A_954, %select_n3A_953, %select_n3A_910 : vector<16xi1>, vector<16xi32>
        %select_n3A_958 = arith.select %gt3A_954, %select_n3A_910, %select_n3A_953 : vector<16xi1>, vector<16xi32>
        %gt3A_959 = arith.cmpf ogt, %select_n3A_956, %select_n3A_913 : vector<16xf32>
        %select_n3A_960 = arith.select %gt3A_959, %select_n3A_956, %select_n3A_913 : vector<16xi1>, vector<16xf32>
        %select_n3A_961 = arith.select %gt3A_959, %select_n3A_913, %select_n3A_956 : vector<16xi1>, vector<16xf32>
        %select_n3A_962 = arith.select %gt3A_959, %select_n3A_958, %select_n3A_915 : vector<16xi1>, vector<16xi32>
        %select_n3A_963 = arith.select %gt3A_959, %select_n3A_915, %select_n3A_958 : vector<16xi1>, vector<16xi32>
        %gt3A_964 = arith.cmpf ogt, %select_n3A_961, %select_n3A_918 : vector<16xf32>
        %select_n3A_965 = arith.select %gt3A_964, %select_n3A_961, %select_n3A_918 : vector<16xi1>, vector<16xf32>
        %select_n3A_966 = arith.select %gt3A_964, %select_n3A_918, %select_n3A_961 : vector<16xi1>, vector<16xf32>
        %select_n3A_967 = arith.select %gt3A_964, %select_n3A_963, %select_n3A_920 : vector<16xi1>, vector<16xi32>
        %select_n3A_968 = arith.select %gt3A_964, %select_n3A_920, %select_n3A_963 : vector<16xi1>, vector<16xi32>
        %gt3A_969 = arith.cmpf ogt, %select_n3A_966, %select_n3A_923 : vector<16xf32>
        %select_n3A_970 = arith.select %gt3A_969, %select_n3A_966, %select_n3A_923 : vector<16xi1>, vector<16xf32>
        %select_n3A_971 = arith.select %gt3A_969, %select_n3A_923, %select_n3A_966 : vector<16xi1>, vector<16xf32>
        %select_n3A_972 = arith.select %gt3A_969, %select_n3A_968, %select_n3A_925 : vector<16xi1>, vector<16xi32>
        %select_n3A_973 = arith.select %gt3A_969, %select_n3A_925, %select_n3A_968 : vector<16xi1>, vector<16xi32>
        %gt3A_974 = arith.cmpf ogt, %select_n3A_971, %select_n3A_928 : vector<16xf32>
        %select_n3A_975 = arith.select %gt3A_974, %select_n3A_971, %select_n3A_928 : vector<16xi1>, vector<16xf32>
        %select_n3A_976 = arith.select %gt3A_974, %select_n3A_928, %select_n3A_971 : vector<16xi1>, vector<16xf32>
        %select_n3A_977 = arith.select %gt3A_974, %select_n3A_973, %select_n3A_930 : vector<16xi1>, vector<16xi32>
        %select_n3A_978 = arith.select %gt3A_974, %select_n3A_930, %select_n3A_973 : vector<16xi1>, vector<16xi32>
        %gt3A_979 = arith.cmpf ogt, %select_n3A_976, %select_n3A_933 : vector<16xf32>
        %select_n3A_980 = arith.select %gt3A_979, %select_n3A_976, %select_n3A_933 : vector<16xi1>, vector<16xf32>
        %select_n3A_981 = arith.select %gt3A_979, %select_n3A_933, %select_n3A_976 : vector<16xi1>, vector<16xf32>
        %select_n3A_982 = arith.select %gt3A_979, %select_n3A_978, %select_n3A_935 : vector<16xi1>, vector<16xi32>
        %select_n3A_983 = arith.select %gt3A_979, %select_n3A_935, %select_n3A_978 : vector<16xi1>, vector<16xi32>
        %gt3A_984 = arith.cmpf ogt, %select_n3A_981, %select_n3A_938 : vector<16xf32>
        %select_n3A_985 = arith.select %gt3A_984, %select_n3A_981, %select_n3A_938 : vector<16xi1>, vector<16xf32>
        %select_n3A_986 = arith.select %gt3A_984, %select_n3A_938, %select_n3A_981 : vector<16xi1>, vector<16xf32>
        %select_n3A_987 = arith.select %gt3A_984, %select_n3A_983, %select_n3A_940 : vector<16xi1>, vector<16xi32>
        %select_n3A_988 = arith.select %gt3A_984, %select_n3A_940, %select_n3A_983 : vector<16xi1>, vector<16xi32>
        %get3A_989 = arith.constant 20 : i32
        %get3A_990 = arith.index_cast %get3A_989 : i32 to index
        %get3A_991 = arith.index_cast %mul3A_20 : i32 to index
        %get3A_992 = tpu.vector_load %arg5[%get3A_990, %get3A_991] {strides = array<i32>} : memref<64x256xf32, #tpu.memory_space<vmem>>, vector<1x16xf32>,
        %get3A_993 = vector.shape_cast %get3A_992 : vector<1x16xf32> to vector<16xf32>
        %broadcast_in_dim3A_994 = arith.constant 20 : i32
        %broadcast_in_dim3A_995 = vector.broadcast %broadcast_in_dim3A_994 : i32 to vector<16xi32>
        %gt3A_996 = arith.cmpf ogt, %get3A_993, %select_n3A_950 : vector<16xf32>
        %select_n3A_997 = arith.select %gt3A_996, %get3A_993, %select_n3A_950 : vector<16xi1>, vector<16xf32>
        %select_n3A_998 = arith.select %gt3A_996, %select_n3A_950, %get3A_993 : vector<16xi1>, vector<16xf32>
        %select_n3A_999 = arith.select %gt3A_996, %broadcast_in_dim3A_995, %select_n3A_952 : vector<16xi1>, vector<16xi32>
        %select_n3A_1000 = arith.select %gt3A_996, %select_n3A_952, %broadcast_in_dim3A_995 : vector<16xi1>, vector<16xi32>
        %gt3A_1001 = arith.cmpf ogt, %select_n3A_998, %select_n3A_955 : vector<16xf32>
        %select_n3A_1002 = arith.select %gt3A_1001, %select_n3A_998, %select_n3A_955 : vector<16xi1>, vector<16xf32>
        %select_n3A_1003 = arith.select %gt3A_1001, %select_n3A_955, %select_n3A_998 : vector<16xi1>, vector<16xf32>
        %select_n3A_1004 = arith.select %gt3A_1001, %select_n3A_1000, %select_n3A_957 : vector<16xi1>, vector<16xi32>
        %select_n3A_1005 = arith.select %gt3A_1001, %select_n3A_957, %select_n3A_1000 : vector<16xi1>, vector<16xi32>
        %gt3A_1006 = arith.cmpf ogt, %select_n3A_1003, %select_n3A_960 : vector<16xf32>
        %select_n3A_1007 = arith.select %gt3A_1006, %select_n3A_1003, %select_n3A_960 : vector<16xi1>, vector<16xf32>
        %select_n3A_1008 = arith.select %gt3A_1006, %select_n3A_960, %select_n3A_1003 : vector<16xi1>, vector<16xf32>
        %select_n3A_1009 = arith.select %gt3A_1006, %select_n3A_1005, %select_n3A_962 : vector<16xi1>, vector<16xi32>
        %select_n3A_1010 = arith.select %gt3A_1006, %select_n3A_962, %select_n3A_1005 : vector<16xi1>, vector<16xi32>
        %gt3A_1011 = arith.cmpf ogt, %select_n3A_1008, %select_n3A_965 : vector<16xf32>
        %select_n3A_1012 = arith.select %gt3A_1011, %select_n3A_1008, %select_n3A_965 : vector<16xi1>, vector<16xf32>
        %select_n3A_1013 = arith.select %gt3A_1011, %select_n3A_965, %select_n3A_1008 : vector<16xi1>, vector<16xf32>
        %select_n3A_1014 = arith.select %gt3A_1011, %select_n3A_1010, %select_n3A_967 : vector<16xi1>, vector<16xi32>
        %select_n3A_1015 = arith.select %gt3A_1011, %select_n3A_967, %select_n3A_1010 : vector<16xi1>, vector<16xi32>
        %gt3A_1016 = arith.cmpf ogt, %select_n3A_1013, %select_n3A_970 : vector<16xf32>
        %select_n3A_1017 = arith.select %gt3A_1016, %select_n3A_1013, %select_n3A_970 : vector<16xi1>, vector<16xf32>
        %select_n3A_1018 = arith.select %gt3A_1016, %select_n3A_970, %select_n3A_1013 : vector<16xi1>, vector<16xf32>
        %select_n3A_1019 = arith.select %gt3A_1016, %select_n3A_1015, %select_n3A_972 : vector<16xi1>, vector<16xi32>
        %select_n3A_1020 = arith.select %gt3A_1016, %select_n3A_972, %select_n3A_1015 : vector<16xi1>, vector<16xi32>
        %gt3A_1021 = arith.cmpf ogt, %select_n3A_1018, %select_n3A_975 : vector<16xf32>
        %select_n3A_1022 = arith.select %gt3A_1021, %select_n3A_1018, %select_n3A_975 : vector<16xi1>, vector<16xf32>
        %select_n3A_1023 = arith.select %gt3A_1021, %select_n3A_975, %select_n3A_1018 : vector<16xi1>, vector<16xf32>
        %select_n3A_1024 = arith.select %gt3A_1021, %select_n3A_1020, %select_n3A_977 : vector<16xi1>, vector<16xi32>
        %select_n3A_1025 = arith.select %gt3A_1021, %select_n3A_977, %select_n3A_1020 : vector<16xi1>, vector<16xi32>
        %gt3A_1026 = arith.cmpf ogt, %select_n3A_1023, %select_n3A_980 : vector<16xf32>
        %select_n3A_1027 = arith.select %gt3A_1026, %select_n3A_1023, %select_n3A_980 : vector<16xi1>, vector<16xf32>
        %select_n3A_1028 = arith.select %gt3A_1026, %select_n3A_980, %select_n3A_1023 : vector<16xi1>, vector<16xf32>
        %select_n3A_1029 = arith.select %gt3A_1026, %select_n3A_1025, %select_n3A_982 : vector<16xi1>, vector<16xi32>
        %select_n3A_1030 = arith.select %gt3A_1026, %select_n3A_982, %select_n3A_1025 : vector<16xi1>, vector<16xi32>
        %gt3A_1031 = arith.cmpf ogt, %select_n3A_1028, %select_n3A_985 : vector<16xf32>
        %select_n3A_1032 = arith.select %gt3A_1031, %select_n3A_1028, %select_n3A_985 : vector<16xi1>, vector<16xf32>
        %select_n3A_1033 = arith.select %gt3A_1031, %select_n3A_985, %select_n3A_1028 : vector<16xi1>, vector<16xf32>
        %select_n3A_1034 = arith.select %gt3A_1031, %select_n3A_1030, %select_n3A_987 : vector<16xi1>, vector<16xi32>
        %select_n3A_1035 = arith.select %gt3A_1031, %select_n3A_987, %select_n3A_1030 : vector<16xi1>, vector<16xi32>
        %get3A_1036 = arith.constant 21 : i32
        %get3A_1037 = arith.index_cast %get3A_1036 : i32 to index
        %get3A_1038 = arith.index_cast %mul3A_20 : i32 to index
        %get3A_1039 = tpu.vector_load %arg5[%get3A_1037, %get3A_1038] {strides = array<i32>} : memref<64x256xf32, #tpu.memory_space<vmem>>, vector<1x16xf32>,
        %get3A_1040 = vector.shape_cast %get3A_1039 : vector<1x16xf32> to vector<16xf32>
        %broadcast_in_dim3A_1041 = arith.constant 21 : i32
        %broadcast_in_dim3A_1042 = vector.broadcast %broadcast_in_dim3A_1041 : i32 to vector<16xi32>
        %gt3A_1043 = arith.cmpf ogt, %get3A_1040, %select_n3A_997 : vector<16xf32>
        %select_n3A_1044 = arith.select %gt3A_1043, %get3A_1040, %select_n3A_997 : vector<16xi1>, vector<16xf32>
        %select_n3A_1045 = arith.select %gt3A_1043, %select_n3A_997, %get3A_1040 : vector<16xi1>, vector<16xf32>
        %select_n3A_1046 = arith.select %gt3A_1043, %broadcast_in_dim3A_1042, %select_n3A_999 : vector<16xi1>, vector<16xi32>
        %select_n3A_1047 = arith.select %gt3A_1043, %select_n3A_999, %broadcast_in_dim3A_1042 : vector<16xi1>, vector<16xi32>
        %gt3A_1048 = arith.cmpf ogt, %select_n3A_1045, %select_n3A_1002 : vector<16xf32>
        %select_n3A_1049 = arith.select %gt3A_1048, %select_n3A_1045, %select_n3A_1002 : vector<16xi1>, vector<16xf32>
        %select_n3A_1050 = arith.select %gt3A_1048, %select_n3A_1002, %select_n3A_1045 : vector<16xi1>, vector<16xf32>
        %select_n3A_1051 = arith.select %gt3A_1048, %select_n3A_1047, %select_n3A_1004 : vector<16xi1>, vector<16xi32>
        %select_n3A_1052 = arith.select %gt3A_1048, %select_n3A_1004, %select_n3A_1047 : vector<16xi1>, vector<16xi32>
        %gt3A_1053 = arith.cmpf ogt, %select_n3A_1050, %select_n3A_1007 : vector<16xf32>
        %select_n3A_1054 = arith.select %gt3A_1053, %select_n3A_1050, %select_n3A_1007 : vector<16xi1>, vector<16xf32>
        %select_n3A_1055 = arith.select %gt3A_1053, %select_n3A_1007, %select_n3A_1050 : vector<16xi1>, vector<16xf32>
        %select_n3A_1056 = arith.select %gt3A_1053, %select_n3A_1052, %select_n3A_1009 : vector<16xi1>, vector<16xi32>
        %select_n3A_1057 = arith.select %gt3A_1053, %select_n3A_1009, %select_n3A_1052 : vector<16xi1>, vector<16xi32>
        %gt3A_1058 = arith.cmpf ogt, %select_n3A_1055, %select_n3A_1012 : vector<16xf32>
        %select_n3A_1059 = arith.select %gt3A_1058, %select_n3A_1055, %select_n3A_1012 : vector<16xi1>, vector<16xf32>
        %select_n3A_1060 = arith.select %gt3A_1058, %select_n3A_1012, %select_n3A_1055 : vector<16xi1>, vector<16xf32>
        %select_n3A_1061 = arith.select %gt3A_1058, %select_n3A_1057, %select_n3A_1014 : vector<16xi1>, vector<16xi32>
        %select_n3A_1062 = arith.select %gt3A_1058, %select_n3A_1014, %select_n3A_1057 : vector<16xi1>, vector<16xi32>
        %gt3A_1063 = arith.cmpf ogt, %select_n3A_1060, %select_n3A_1017 : vector<16xf32>
        %select_n3A_1064 = arith.select %gt3A_1063, %select_n3A_1060, %select_n3A_1017 : vector<16xi1>, vector<16xf32>
        %select_n3A_1065 = arith.select %gt3A_1063, %select_n3A_1017, %select_n3A_1060 : vector<16xi1>, vector<16xf32>
        %select_n3A_1066 = arith.select %gt3A_1063, %select_n3A_1062, %select_n3A_1019 : vector<16xi1>, vector<16xi32>
        %select_n3A_1067 = arith.select %gt3A_1063, %select_n3A_1019, %select_n3A_1062 : vector<16xi1>, vector<16xi32>
        %gt3A_1068 = arith.cmpf ogt, %select_n3A_1065, %select_n3A_1022 : vector<16xf32>
        %select_n3A_1069 = arith.select %gt3A_1068, %select_n3A_1065, %select_n3A_1022 : vector<16xi1>, vector<16xf32>
        %select_n3A_1070 = arith.select %gt3A_1068, %select_n3A_1022, %select_n3A_1065 : vector<16xi1>, vector<16xf32>
        %select_n3A_1071 = arith.select %gt3A_1068, %select_n3A_1067, %select_n3A_1024 : vector<16xi1>, vector<16xi32>
        %select_n3A_1072 = arith.select %gt3A_1068, %select_n3A_1024, %select_n3A_1067 : vector<16xi1>, vector<16xi32>
        %gt3A_1073 = arith.cmpf ogt, %select_n3A_1070, %select_n3A_1027 : vector<16xf32>
        %select_n3A_1074 = arith.select %gt3A_1073, %select_n3A_1070, %select_n3A_1027 : vector<16xi1>, vector<16xf32>
        %select_n3A_1075 = arith.select %gt3A_1073, %select_n3A_1027, %select_n3A_1070 : vector<16xi1>, vector<16xf32>
        %select_n3A_1076 = arith.select %gt3A_1073, %select_n3A_1072, %select_n3A_1029 : vector<16xi1>, vector<16xi32>
        %select_n3A_1077 = arith.select %gt3A_1073, %select_n3A_1029, %select_n3A_1072 : vector<16xi1>, vector<16xi32>
        %gt3A_1078 = arith.cmpf ogt, %select_n3A_1075, %select_n3A_1032 : vector<16xf32>
        %select_n3A_1079 = arith.select %gt3A_1078, %select_n3A_1075, %select_n3A_1032 : vector<16xi1>, vector<16xf32>
        %select_n3A_1080 = arith.select %gt3A_1078, %select_n3A_1032, %select_n3A_1075 : vector<16xi1>, vector<16xf32>
        %select_n3A_1081 = arith.select %gt3A_1078, %select_n3A_1077, %select_n3A_1034 : vector<16xi1>, vector<16xi32>
        %select_n3A_1082 = arith.select %gt3A_1078, %select_n3A_1034, %select_n3A_1077 : vector<16xi1>, vector<16xi32>
        %get3A_1083 = arith.constant 22 : i32
        %get3A_1084 = arith.index_cast %get3A_1083 : i32 to index
        %get3A_1085 = arith.index_cast %mul3A_20 : i32 to index
        %get3A_1086 = tpu.vector_load %arg5[%get3A_1084, %get3A_1085] {strides = array<i32>} : memref<64x256xf32, #tpu.memory_space<vmem>>, vector<1x16xf32>,
        %get3A_1087 = vector.shape_cast %get3A_1086 : vector<1x16xf32> to vector<16xf32>
        %broadcast_in_dim3A_1088 = arith.constant 22 : i32
        %broadcast_in_dim3A_1089 = vector.broadcast %broadcast_in_dim3A_1088 : i32 to vector<16xi32>
        %gt3A_1090 = arith.cmpf ogt, %get3A_1087, %select_n3A_1044 : vector<16xf32>
        %select_n3A_1091 = arith.select %gt3A_1090, %get3A_1087, %select_n3A_1044 : vector<16xi1>, vector<16xf32>
        %select_n3A_1092 = arith.select %gt3A_1090, %select_n3A_1044, %get3A_1087 : vector<16xi1>, vector<16xf32>
        %select_n3A_1093 = arith.select %gt3A_1090, %broadcast_in_dim3A_1089, %select_n3A_1046 : vector<16xi1>, vector<16xi32>
        %select_n3A_1094 = arith.select %gt3A_1090, %select_n3A_1046, %broadcast_in_dim3A_1089 : vector<16xi1>, vector<16xi32>
        %gt3A_1095 = arith.cmpf ogt, %select_n3A_1092, %select_n3A_1049 : vector<16xf32>
        %select_n3A_1096 = arith.select %gt3A_1095, %select_n3A_1092, %select_n3A_1049 : vector<16xi1>, vector<16xf32>
        %select_n3A_1097 = arith.select %gt3A_1095, %select_n3A_1049, %select_n3A_1092 : vector<16xi1>, vector<16xf32>
        %select_n3A_1098 = arith.select %gt3A_1095, %select_n3A_1094, %select_n3A_1051 : vector<16xi1>, vector<16xi32>
        %select_n3A_1099 = arith.select %gt3A_1095, %select_n3A_1051, %select_n3A_1094 : vector<16xi1>, vector<16xi32>
        %gt3A_1100 = arith.cmpf ogt, %select_n3A_1097, %select_n3A_1054 : vector<16xf32>
        %select_n3A_1101 = arith.select %gt3A_1100, %select_n3A_1097, %select_n3A_1054 : vector<16xi1>, vector<16xf32>
        %select_n3A_1102 = arith.select %gt3A_1100, %select_n3A_1054, %select_n3A_1097 : vector<16xi1>, vector<16xf32>
        %select_n3A_1103 = arith.select %gt3A_1100, %select_n3A_1099, %select_n3A_1056 : vector<16xi1>, vector<16xi32>
        %select_n3A_1104 = arith.select %gt3A_1100, %select_n3A_1056, %select_n3A_1099 : vector<16xi1>, vector<16xi32>
        %gt3A_1105 = arith.cmpf ogt, %select_n3A_1102, %select_n3A_1059 : vector<16xf32>
        %select_n3A_1106 = arith.select %gt3A_1105, %select_n3A_1102, %select_n3A_1059 : vector<16xi1>, vector<16xf32>
        %select_n3A_1107 = arith.select %gt3A_1105, %select_n3A_1059, %select_n3A_1102 : vector<16xi1>, vector<16xf32>
        %select_n3A_1108 = arith.select %gt3A_1105, %select_n3A_1104, %select_n3A_1061 : vector<16xi1>, vector<16xi32>
        %select_n3A_1109 = arith.select %gt3A_1105, %select_n3A_1061, %select_n3A_1104 : vector<16xi1>, vector<16xi32>
        %gt3A_1110 = arith.cmpf ogt, %select_n3A_1107, %select_n3A_1064 : vector<16xf32>
        %select_n3A_1111 = arith.select %gt3A_1110, %select_n3A_1107, %select_n3A_1064 : vector<16xi1>, vector<16xf32>
        %select_n3A_1112 = arith.select %gt3A_1110, %select_n3A_1064, %select_n3A_1107 : vector<16xi1>, vector<16xf32>
        %select_n3A_1113 = arith.select %gt3A_1110, %select_n3A_1109, %select_n3A_1066 : vector<16xi1>, vector<16xi32>
        %select_n3A_1114 = arith.select %gt3A_1110, %select_n3A_1066, %select_n3A_1109 : vector<16xi1>, vector<16xi32>
        %gt3A_1115 = arith.cmpf ogt, %select_n3A_1112, %select_n3A_1069 : vector<16xf32>
        %select_n3A_1116 = arith.select %gt3A_1115, %select_n3A_1112, %select_n3A_1069 : vector<16xi1>, vector<16xf32>
        %select_n3A_1117 = arith.select %gt3A_1115, %select_n3A_1069, %select_n3A_1112 : vector<16xi1>, vector<16xf32>
        %select_n3A_1118 = arith.select %gt3A_1115, %select_n3A_1114, %select_n3A_1071 : vector<16xi1>, vector<16xi32>
        %select_n3A_1119 = arith.select %gt3A_1115, %select_n3A_1071, %select_n3A_1114 : vector<16xi1>, vector<16xi32>
        %gt3A_1120 = arith.cmpf ogt, %select_n3A_1117, %select_n3A_1074 : vector<16xf32>
        %select_n3A_1121 = arith.select %gt3A_1120, %select_n3A_1117, %select_n3A_1074 : vector<16xi1>, vector<16xf32>
        %select_n3A_1122 = arith.select %gt3A_1120, %select_n3A_1074, %select_n3A_1117 : vector<16xi1>, vector<16xf32>
        %select_n3A_1123 = arith.select %gt3A_1120, %select_n3A_1119, %select_n3A_1076 : vector<16xi1>, vector<16xi32>
        %select_n3A_1124 = arith.select %gt3A_1120, %select_n3A_1076, %select_n3A_1119 : vector<16xi1>, vector<16xi32>
        %gt3A_1125 = arith.cmpf ogt, %select_n3A_1122, %select_n3A_1079 : vector<16xf32>
        %select_n3A_1126 = arith.select %gt3A_1125, %select_n3A_1122, %select_n3A_1079 : vector<16xi1>, vector<16xf32>
        %select_n3A_1127 = arith.select %gt3A_1125, %select_n3A_1079, %select_n3A_1122 : vector<16xi1>, vector<16xf32>
        %select_n3A_1128 = arith.select %gt3A_1125, %select_n3A_1124, %select_n3A_1081 : vector<16xi1>, vector<16xi32>
        %select_n3A_1129 = arith.select %gt3A_1125, %select_n3A_1081, %select_n3A_1124 : vector<16xi1>, vector<16xi32>
        %get3A_1130 = arith.constant 23 : i32
        %get3A_1131 = arith.index_cast %get3A_1130 : i32 to index
        %get3A_1132 = arith.index_cast %mul3A_20 : i32 to index
        %get3A_1133 = tpu.vector_load %arg5[%get3A_1131, %get3A_1132] {strides = array<i32>} : memref<64x256xf32, #tpu.memory_space<vmem>>, vector<1x16xf32>,
        %get3A_1134 = vector.shape_cast %get3A_1133 : vector<1x16xf32> to vector<16xf32>
        %broadcast_in_dim3A_1135 = arith.constant 23 : i32
        %broadcast_in_dim3A_1136 = vector.broadcast %broadcast_in_dim3A_1135 : i32 to vector<16xi32>
        %gt3A_1137 = arith.cmpf ogt, %get3A_1134, %select_n3A_1091 : vector<16xf32>
        %select_n3A_1138 = arith.select %gt3A_1137, %get3A_1134, %select_n3A_1091 : vector<16xi1>, vector<16xf32>
        %select_n3A_1139 = arith.select %gt3A_1137, %select_n3A_1091, %get3A_1134 : vector<16xi1>, vector<16xf32>
        %select_n3A_1140 = arith.select %gt3A_1137, %broadcast_in_dim3A_1136, %select_n3A_1093 : vector<16xi1>, vector<16xi32>
        %select_n3A_1141 = arith.select %gt3A_1137, %select_n3A_1093, %broadcast_in_dim3A_1136 : vector<16xi1>, vector<16xi32>
        %gt3A_1142 = arith.cmpf ogt, %select_n3A_1139, %select_n3A_1096 : vector<16xf32>
        %select_n3A_1143 = arith.select %gt3A_1142, %select_n3A_1139, %select_n3A_1096 : vector<16xi1>, vector<16xf32>
        %select_n3A_1144 = arith.select %gt3A_1142, %select_n3A_1096, %select_n3A_1139 : vector<16xi1>, vector<16xf32>
        %select_n3A_1145 = arith.select %gt3A_1142, %select_n3A_1141, %select_n3A_1098 : vector<16xi1>, vector<16xi32>
        %select_n3A_1146 = arith.select %gt3A_1142, %select_n3A_1098, %select_n3A_1141 : vector<16xi1>, vector<16xi32>
        %gt3A_1147 = arith.cmpf ogt, %select_n3A_1144, %select_n3A_1101 : vector<16xf32>
        %select_n3A_1148 = arith.select %gt3A_1147, %select_n3A_1144, %select_n3A_1101 : vector<16xi1>, vector<16xf32>
        %select_n3A_1149 = arith.select %gt3A_1147, %select_n3A_1101, %select_n3A_1144 : vector<16xi1>, vector<16xf32>
        %select_n3A_1150 = arith.select %gt3A_1147, %select_n3A_1146, %select_n3A_1103 : vector<16xi1>, vector<16xi32>
        %select_n3A_1151 = arith.select %gt3A_1147, %select_n3A_1103, %select_n3A_1146 : vector<16xi1>, vector<16xi32>
        %gt3A_1152 = arith.cmpf ogt, %select_n3A_1149, %select_n3A_1106 : vector<16xf32>
        %select_n3A_1153 = arith.select %gt3A_1152, %select_n3A_1149, %select_n3A_1106 : vector<16xi1>, vector<16xf32>
        %select_n3A_1154 = arith.select %gt3A_1152, %select_n3A_1106, %select_n3A_1149 : vector<16xi1>, vector<16xf32>
        %select_n3A_1155 = arith.select %gt3A_1152, %select_n3A_1151, %select_n3A_1108 : vector<16xi1>, vector<16xi32>
        %select_n3A_1156 = arith.select %gt3A_1152, %select_n3A_1108, %select_n3A_1151 : vector<16xi1>, vector<16xi32>
        %gt3A_1157 = arith.cmpf ogt, %select_n3A_1154, %select_n3A_1111 : vector<16xf32>
        %select_n3A_1158 = arith.select %gt3A_1157, %select_n3A_1154, %select_n3A_1111 : vector<16xi1>, vector<16xf32>
        %select_n3A_1159 = arith.select %gt3A_1157, %select_n3A_1111, %select_n3A_1154 : vector<16xi1>, vector<16xf32>
        %select_n3A_1160 = arith.select %gt3A_1157, %select_n3A_1156, %select_n3A_1113 : vector<16xi1>, vector<16xi32>
        %select_n3A_1161 = arith.select %gt3A_1157, %select_n3A_1113, %select_n3A_1156 : vector<16xi1>, vector<16xi32>
        %gt3A_1162 = arith.cmpf ogt, %select_n3A_1159, %select_n3A_1116 : vector<16xf32>
        %select_n3A_1163 = arith.select %gt3A_1162, %select_n3A_1159, %select_n3A_1116 : vector<16xi1>, vector<16xf32>
        %select_n3A_1164 = arith.select %gt3A_1162, %select_n3A_1116, %select_n3A_1159 : vector<16xi1>, vector<16xf32>
        %select_n3A_1165 = arith.select %gt3A_1162, %select_n3A_1161, %select_n3A_1118 : vector<16xi1>, vector<16xi32>
        %select_n3A_1166 = arith.select %gt3A_1162, %select_n3A_1118, %select_n3A_1161 : vector<16xi1>, vector<16xi32>
        %gt3A_1167 = arith.cmpf ogt, %select_n3A_1164, %select_n3A_1121 : vector<16xf32>
        %select_n3A_1168 = arith.select %gt3A_1167, %select_n3A_1164, %select_n3A_1121 : vector<16xi1>, vector<16xf32>
        %select_n3A_1169 = arith.select %gt3A_1167, %select_n3A_1121, %select_n3A_1164 : vector<16xi1>, vector<16xf32>
        %select_n3A_1170 = arith.select %gt3A_1167, %select_n3A_1166, %select_n3A_1123 : vector<16xi1>, vector<16xi32>
        %select_n3A_1171 = arith.select %gt3A_1167, %select_n3A_1123, %select_n3A_1166 : vector<16xi1>, vector<16xi32>
        %gt3A_1172 = arith.cmpf ogt, %select_n3A_1169, %select_n3A_1126 : vector<16xf32>
        %select_n3A_1173 = arith.select %gt3A_1172, %select_n3A_1169, %select_n3A_1126 : vector<16xi1>, vector<16xf32>
        %select_n3A_1174 = arith.select %gt3A_1172, %select_n3A_1126, %select_n3A_1169 : vector<16xi1>, vector<16xf32>
        %select_n3A_1175 = arith.select %gt3A_1172, %select_n3A_1171, %select_n3A_1128 : vector<16xi1>, vector<16xi32>
        %select_n3A_1176 = arith.select %gt3A_1172, %select_n3A_1128, %select_n3A_1171 : vector<16xi1>, vector<16xi32>
        %get3A_1177 = arith.constant 24 : i32
        %get3A_1178 = arith.index_cast %get3A_1177 : i32 to index
        %get3A_1179 = arith.index_cast %mul3A_20 : i32 to index
        %get3A_1180 = tpu.vector_load %arg5[%get3A_1178, %get3A_1179] {strides = array<i32>} : memref<64x256xf32, #tpu.memory_space<vmem>>, vector<1x16xf32>,
        %get3A_1181 = vector.shape_cast %get3A_1180 : vector<1x16xf32> to vector<16xf32>
        %broadcast_in_dim3A_1182 = arith.constant 24 : i32
        %broadcast_in_dim3A_1183 = vector.broadcast %broadcast_in_dim3A_1182 : i32 to vector<16xi32>
        %gt3A_1184 = arith.cmpf ogt, %get3A_1181, %select_n3A_1138 : vector<16xf32>
        %select_n3A_1185 = arith.select %gt3A_1184, %get3A_1181, %select_n3A_1138 : vector<16xi1>, vector<16xf32>
        %select_n3A_1186 = arith.select %gt3A_1184, %select_n3A_1138, %get3A_1181 : vector<16xi1>, vector<16xf32>
        %select_n3A_1187 = arith.select %gt3A_1184, %broadcast_in_dim3A_1183, %select_n3A_1140 : vector<16xi1>, vector<16xi32>
        %select_n3A_1188 = arith.select %gt3A_1184, %select_n3A_1140, %broadcast_in_dim3A_1183 : vector<16xi1>, vector<16xi32>
        %gt3A_1189 = arith.cmpf ogt, %select_n3A_1186, %select_n3A_1143 : vector<16xf32>
        %select_n3A_1190 = arith.select %gt3A_1189, %select_n3A_1186, %select_n3A_1143 : vector<16xi1>, vector<16xf32>
        %select_n3A_1191 = arith.select %gt3A_1189, %select_n3A_1143, %select_n3A_1186 : vector<16xi1>, vector<16xf32>
        %select_n3A_1192 = arith.select %gt3A_1189, %select_n3A_1188, %select_n3A_1145 : vector<16xi1>, vector<16xi32>
        %select_n3A_1193 = arith.select %gt3A_1189, %select_n3A_1145, %select_n3A_1188 : vector<16xi1>, vector<16xi32>
        %gt3A_1194 = arith.cmpf ogt, %select_n3A_1191, %select_n3A_1148 : vector<16xf32>
        %select_n3A_1195 = arith.select %gt3A_1194, %select_n3A_1191, %select_n3A_1148 : vector<16xi1>, vector<16xf32>
        %select_n3A_1196 = arith.select %gt3A_1194, %select_n3A_1148, %select_n3A_1191 : vector<16xi1>, vector<16xf32>
        %select_n3A_1197 = arith.select %gt3A_1194, %select_n3A_1193, %select_n3A_1150 : vector<16xi1>, vector<16xi32>
        %select_n3A_1198 = arith.select %gt3A_1194, %select_n3A_1150, %select_n3A_1193 : vector<16xi1>, vector<16xi32>
        %gt3A_1199 = arith.cmpf ogt, %select_n3A_1196, %select_n3A_1153 : vector<16xf32>
        %select_n3A_1200 = arith.select %gt3A_1199, %select_n3A_1196, %select_n3A_1153 : vector<16xi1>, vector<16xf32>
        %select_n3A_1201 = arith.select %gt3A_1199, %select_n3A_1153, %select_n3A_1196 : vector<16xi1>, vector<16xf32>
        %select_n3A_1202 = arith.select %gt3A_1199, %select_n3A_1198, %select_n3A_1155 : vector<16xi1>, vector<16xi32>
        %select_n3A_1203 = arith.select %gt3A_1199, %select_n3A_1155, %select_n3A_1198 : vector<16xi1>, vector<16xi32>
        %gt3A_1204 = arith.cmpf ogt, %select_n3A_1201, %select_n3A_1158 : vector<16xf32>
        %select_n3A_1205 = arith.select %gt3A_1204, %select_n3A_1201, %select_n3A_1158 : vector<16xi1>, vector<16xf32>
        %select_n3A_1206 = arith.select %gt3A_1204, %select_n3A_1158, %select_n3A_1201 : vector<16xi1>, vector<16xf32>
        %select_n3A_1207 = arith.select %gt3A_1204, %select_n3A_1203, %select_n3A_1160 : vector<16xi1>, vector<16xi32>
        %select_n3A_1208 = arith.select %gt3A_1204, %select_n3A_1160, %select_n3A_1203 : vector<16xi1>, vector<16xi32>
        %gt3A_1209 = arith.cmpf ogt, %select_n3A_1206, %select_n3A_1163 : vector<16xf32>
        %select_n3A_1210 = arith.select %gt3A_1209, %select_n3A_1206, %select_n3A_1163 : vector<16xi1>, vector<16xf32>
        %select_n3A_1211 = arith.select %gt3A_1209, %select_n3A_1163, %select_n3A_1206 : vector<16xi1>, vector<16xf32>
        %select_n3A_1212 = arith.select %gt3A_1209, %select_n3A_1208, %select_n3A_1165 : vector<16xi1>, vector<16xi32>
        %select_n3A_1213 = arith.select %gt3A_1209, %select_n3A_1165, %select_n3A_1208 : vector<16xi1>, vector<16xi32>
        %gt3A_1214 = arith.cmpf ogt, %select_n3A_1211, %select_n3A_1168 : vector<16xf32>
        %select_n3A_1215 = arith.select %gt3A_1214, %select_n3A_1211, %select_n3A_1168 : vector<16xi1>, vector<16xf32>
        %select_n3A_1216 = arith.select %gt3A_1214, %select_n3A_1168, %select_n3A_1211 : vector<16xi1>, vector<16xf32>
        %select_n3A_1217 = arith.select %gt3A_1214, %select_n3A_1213, %select_n3A_1170 : vector<16xi1>, vector<16xi32>
        %select_n3A_1218 = arith.select %gt3A_1214, %select_n3A_1170, %select_n3A_1213 : vector<16xi1>, vector<16xi32>
        %gt3A_1219 = arith.cmpf ogt, %select_n3A_1216, %select_n3A_1173 : vector<16xf32>
        %select_n3A_1220 = arith.select %gt3A_1219, %select_n3A_1216, %select_n3A_1173 : vector<16xi1>, vector<16xf32>
        %select_n3A_1221 = arith.select %gt3A_1219, %select_n3A_1173, %select_n3A_1216 : vector<16xi1>, vector<16xf32>
        %select_n3A_1222 = arith.select %gt3A_1219, %select_n3A_1218, %select_n3A_1175 : vector<16xi1>, vector<16xi32>
        %select_n3A_1223 = arith.select %gt3A_1219, %select_n3A_1175, %select_n3A_1218 : vector<16xi1>, vector<16xi32>
        %get3A_1224 = arith.constant 25 : i32
        %get3A_1225 = arith.index_cast %get3A_1224 : i32 to index
        %get3A_1226 = arith.index_cast %mul3A_20 : i32 to index
        %get3A_1227 = tpu.vector_load %arg5[%get3A_1225, %get3A_1226] {strides = array<i32>} : memref<64x256xf32, #tpu.memory_space<vmem>>, vector<1x16xf32>,
        %get3A_1228 = vector.shape_cast %get3A_1227 : vector<1x16xf32> to vector<16xf32>
        %broadcast_in_dim3A_1229 = arith.constant 25 : i32
        %broadcast_in_dim3A_1230 = vector.broadcast %broadcast_in_dim3A_1229 : i32 to vector<16xi32>
        %gt3A_1231 = arith.cmpf ogt, %get3A_1228, %select_n3A_1185 : vector<16xf32>
        %select_n3A_1232 = arith.select %gt3A_1231, %get3A_1228, %select_n3A_1185 : vector<16xi1>, vector<16xf32>
        %select_n3A_1233 = arith.select %gt3A_1231, %select_n3A_1185, %get3A_1228 : vector<16xi1>, vector<16xf32>
        %select_n3A_1234 = arith.select %gt3A_1231, %broadcast_in_dim3A_1230, %select_n3A_1187 : vector<16xi1>, vector<16xi32>
        %select_n3A_1235 = arith.select %gt3A_1231, %select_n3A_1187, %broadcast_in_dim3A_1230 : vector<16xi1>, vector<16xi32>
        %gt3A_1236 = arith.cmpf ogt, %select_n3A_1233, %select_n3A_1190 : vector<16xf32>
        %select_n3A_1237 = arith.select %gt3A_1236, %select_n3A_1233, %select_n3A_1190 : vector<16xi1>, vector<16xf32>
        %select_n3A_1238 = arith.select %gt3A_1236, %select_n3A_1190, %select_n3A_1233 : vector<16xi1>, vector<16xf32>
        %select_n3A_1239 = arith.select %gt3A_1236, %select_n3A_1235, %select_n3A_1192 : vector<16xi1>, vector<16xi32>
        %select_n3A_1240 = arith.select %gt3A_1236, %select_n3A_1192, %select_n3A_1235 : vector<16xi1>, vector<16xi32>
        %gt3A_1241 = arith.cmpf ogt, %select_n3A_1238, %select_n3A_1195 : vector<16xf32>
        %select_n3A_1242 = arith.select %gt3A_1241, %select_n3A_1238, %select_n3A_1195 : vector<16xi1>, vector<16xf32>
        %select_n3A_1243 = arith.select %gt3A_1241, %select_n3A_1195, %select_n3A_1238 : vector<16xi1>, vector<16xf32>
        %select_n3A_1244 = arith.select %gt3A_1241, %select_n3A_1240, %select_n3A_1197 : vector<16xi1>, vector<16xi32>
        %select_n3A_1245 = arith.select %gt3A_1241, %select_n3A_1197, %select_n3A_1240 : vector<16xi1>, vector<16xi32>
        %gt3A_1246 = arith.cmpf ogt, %select_n3A_1243, %select_n3A_1200 : vector<16xf32>
        %select_n3A_1247 = arith.select %gt3A_1246, %select_n3A_1243, %select_n3A_1200 : vector<16xi1>, vector<16xf32>
        %select_n3A_1248 = arith.select %gt3A_1246, %select_n3A_1200, %select_n3A_1243 : vector<16xi1>, vector<16xf32>
        %select_n3A_1249 = arith.select %gt3A_1246, %select_n3A_1245, %select_n3A_1202 : vector<16xi1>, vector<16xi32>
        %select_n3A_1250 = arith.select %gt3A_1246, %select_n3A_1202, %select_n3A_1245 : vector<16xi1>, vector<16xi32>
        %gt3A_1251 = arith.cmpf ogt, %select_n3A_1248, %select_n3A_1205 : vector<16xf32>
        %select_n3A_1252 = arith.select %gt3A_1251, %select_n3A_1248, %select_n3A_1205 : vector<16xi1>, vector<16xf32>
        %select_n3A_1253 = arith.select %gt3A_1251, %select_n3A_1205, %select_n3A_1248 : vector<16xi1>, vector<16xf32>
        %select_n3A_1254 = arith.select %gt3A_1251, %select_n3A_1250, %select_n3A_1207 : vector<16xi1>, vector<16xi32>
        %select_n3A_1255 = arith.select %gt3A_1251, %select_n3A_1207, %select_n3A_1250 : vector<16xi1>, vector<16xi32>
        %gt3A_1256 = arith.cmpf ogt, %select_n3A_1253, %select_n3A_1210 : vector<16xf32>
        %select_n3A_1257 = arith.select %gt3A_1256, %select_n3A_1253, %select_n3A_1210 : vector<16xi1>, vector<16xf32>
        %select_n3A_1258 = arith.select %gt3A_1256, %select_n3A_1210, %select_n3A_1253 : vector<16xi1>, vector<16xf32>
        %select_n3A_1259 = arith.select %gt3A_1256, %select_n3A_1255, %select_n3A_1212 : vector<16xi1>, vector<16xi32>
        %select_n3A_1260 = arith.select %gt3A_1256, %select_n3A_1212, %select_n3A_1255 : vector<16xi1>, vector<16xi32>
        %gt3A_1261 = arith.cmpf ogt, %select_n3A_1258, %select_n3A_1215 : vector<16xf32>
        %select_n3A_1262 = arith.select %gt3A_1261, %select_n3A_1258, %select_n3A_1215 : vector<16xi1>, vector<16xf32>
        %select_n3A_1263 = arith.select %gt3A_1261, %select_n3A_1215, %select_n3A_1258 : vector<16xi1>, vector<16xf32>
        %select_n3A_1264 = arith.select %gt3A_1261, %select_n3A_1260, %select_n3A_1217 : vector<16xi1>, vector<16xi32>
        %select_n3A_1265 = arith.select %gt3A_1261, %select_n3A_1217, %select_n3A_1260 : vector<16xi1>, vector<16xi32>
        %gt3A_1266 = arith.cmpf ogt, %select_n3A_1263, %select_n3A_1220 : vector<16xf32>
        %select_n3A_1267 = arith.select %gt3A_1266, %select_n3A_1263, %select_n3A_1220 : vector<16xi1>, vector<16xf32>
        %select_n3A_1268 = arith.select %gt3A_1266, %select_n3A_1220, %select_n3A_1263 : vector<16xi1>, vector<16xf32>
        %select_n3A_1269 = arith.select %gt3A_1266, %select_n3A_1265, %select_n3A_1222 : vector<16xi1>, vector<16xi32>
        %select_n3A_1270 = arith.select %gt3A_1266, %select_n3A_1222, %select_n3A_1265 : vector<16xi1>, vector<16xi32>
        %get3A_1271 = arith.constant 26 : i32
        %get3A_1272 = arith.index_cast %get3A_1271 : i32 to index
        %get3A_1273 = arith.index_cast %mul3A_20 : i32 to index
        %get3A_1274 = tpu.vector_load %arg5[%get3A_1272, %get3A_1273] {strides = array<i32>} : memref<64x256xf32, #tpu.memory_space<vmem>>, vector<1x16xf32>,
        %get3A_1275 = vector.shape_cast %get3A_1274 : vector<1x16xf32> to vector<16xf32>
        %broadcast_in_dim3A_1276 = arith.constant 26 : i32
        %broadcast_in_dim3A_1277 = vector.broadcast %broadcast_in_dim3A_1276 : i32 to vector<16xi32>
        %gt3A_1278 = arith.cmpf ogt, %get3A_1275, %select_n3A_1232 : vector<16xf32>
        %select_n3A_1279 = arith.select %gt3A_1278, %get3A_1275, %select_n3A_1232 : vector<16xi1>, vector<16xf32>
        %select_n3A_1280 = arith.select %gt3A_1278, %select_n3A_1232, %get3A_1275 : vector<16xi1>, vector<16xf32>
        %select_n3A_1281 = arith.select %gt3A_1278, %broadcast_in_dim3A_1277, %select_n3A_1234 : vector<16xi1>, vector<16xi32>
        %select_n3A_1282 = arith.select %gt3A_1278, %select_n3A_1234, %broadcast_in_dim3A_1277 : vector<16xi1>, vector<16xi32>
        %gt3A_1283 = arith.cmpf ogt, %select_n3A_1280, %select_n3A_1237 : vector<16xf32>
        %select_n3A_1284 = arith.select %gt3A_1283, %select_n3A_1280, %select_n3A_1237 : vector<16xi1>, vector<16xf32>
        %select_n3A_1285 = arith.select %gt3A_1283, %select_n3A_1237, %select_n3A_1280 : vector<16xi1>, vector<16xf32>
        %select_n3A_1286 = arith.select %gt3A_1283, %select_n3A_1282, %select_n3A_1239 : vector<16xi1>, vector<16xi32>
        %select_n3A_1287 = arith.select %gt3A_1283, %select_n3A_1239, %select_n3A_1282 : vector<16xi1>, vector<16xi32>
        %gt3A_1288 = arith.cmpf ogt, %select_n3A_1285, %select_n3A_1242 : vector<16xf32>
        %select_n3A_1289 = arith.select %gt3A_1288, %select_n3A_1285, %select_n3A_1242 : vector<16xi1>, vector<16xf32>
        %select_n3A_1290 = arith.select %gt3A_1288, %select_n3A_1242, %select_n3A_1285 : vector<16xi1>, vector<16xf32>
        %select_n3A_1291 = arith.select %gt3A_1288, %select_n3A_1287, %select_n3A_1244 : vector<16xi1>, vector<16xi32>
        %select_n3A_1292 = arith.select %gt3A_1288, %select_n3A_1244, %select_n3A_1287 : vector<16xi1>, vector<16xi32>
        %gt3A_1293 = arith.cmpf ogt, %select_n3A_1290, %select_n3A_1247 : vector<16xf32>
        %select_n3A_1294 = arith.select %gt3A_1293, %select_n3A_1290, %select_n3A_1247 : vector<16xi1>, vector<16xf32>
        %select_n3A_1295 = arith.select %gt3A_1293, %select_n3A_1247, %select_n3A_1290 : vector<16xi1>, vector<16xf32>
        %select_n3A_1296 = arith.select %gt3A_1293, %select_n3A_1292, %select_n3A_1249 : vector<16xi1>, vector<16xi32>
        %select_n3A_1297 = arith.select %gt3A_1293, %select_n3A_1249, %select_n3A_1292 : vector<16xi1>, vector<16xi32>
        %gt3A_1298 = arith.cmpf ogt, %select_n3A_1295, %select_n3A_1252 : vector<16xf32>
        %select_n3A_1299 = arith.select %gt3A_1298, %select_n3A_1295, %select_n3A_1252 : vector<16xi1>, vector<16xf32>
        %select_n3A_1300 = arith.select %gt3A_1298, %select_n3A_1252, %select_n3A_1295 : vector<16xi1>, vector<16xf32>
        %select_n3A_1301 = arith.select %gt3A_1298, %select_n3A_1297, %select_n3A_1254 : vector<16xi1>, vector<16xi32>
        %select_n3A_1302 = arith.select %gt3A_1298, %select_n3A_1254, %select_n3A_1297 : vector<16xi1>, vector<16xi32>
        %gt3A_1303 = arith.cmpf ogt, %select_n3A_1300, %select_n3A_1257 : vector<16xf32>
        %select_n3A_1304 = arith.select %gt3A_1303, %select_n3A_1300, %select_n3A_1257 : vector<16xi1>, vector<16xf32>
        %select_n3A_1305 = arith.select %gt3A_1303, %select_n3A_1257, %select_n3A_1300 : vector<16xi1>, vector<16xf32>
        %select_n3A_1306 = arith.select %gt3A_1303, %select_n3A_1302, %select_n3A_1259 : vector<16xi1>, vector<16xi32>
        %select_n3A_1307 = arith.select %gt3A_1303, %select_n3A_1259, %select_n3A_1302 : vector<16xi1>, vector<16xi32>
        %gt3A_1308 = arith.cmpf ogt, %select_n3A_1305, %select_n3A_1262 : vector<16xf32>
        %select_n3A_1309 = arith.select %gt3A_1308, %select_n3A_1305, %select_n3A_1262 : vector<16xi1>, vector<16xf32>
        %select_n3A_1310 = arith.select %gt3A_1308, %select_n3A_1262, %select_n3A_1305 : vector<16xi1>, vector<16xf32>
        %select_n3A_1311 = arith.select %gt3A_1308, %select_n3A_1307, %select_n3A_1264 : vector<16xi1>, vector<16xi32>
        %select_n3A_1312 = arith.select %gt3A_1308, %select_n3A_1264, %select_n3A_1307 : vector<16xi1>, vector<16xi32>
        %gt3A_1313 = arith.cmpf ogt, %select_n3A_1310, %select_n3A_1267 : vector<16xf32>
        %select_n3A_1314 = arith.select %gt3A_1313, %select_n3A_1310, %select_n3A_1267 : vector<16xi1>, vector<16xf32>
        %select_n3A_1315 = arith.select %gt3A_1313, %select_n3A_1267, %select_n3A_1310 : vector<16xi1>, vector<16xf32>
        %select_n3A_1316 = arith.select %gt3A_1313, %select_n3A_1312, %select_n3A_1269 : vector<16xi1>, vector<16xi32>
        %select_n3A_1317 = arith.select %gt3A_1313, %select_n3A_1269, %select_n3A_1312 : vector<16xi1>, vector<16xi32>
        %get3A_1318 = arith.constant 27 : i32
        %get3A_1319 = arith.index_cast %get3A_1318 : i32 to index
        %get3A_1320 = arith.index_cast %mul3A_20 : i32 to index
        %get3A_1321 = tpu.vector_load %arg5[%get3A_1319, %get3A_1320] {strides = array<i32>} : memref<64x256xf32, #tpu.memory_space<vmem>>, vector<1x16xf32>,
        %get3A_1322 = vector.shape_cast %get3A_1321 : vector<1x16xf32> to vector<16xf32>
        %broadcast_in_dim3A_1323 = arith.constant 27 : i32
        %broadcast_in_dim3A_1324 = vector.broadcast %broadcast_in_dim3A_1323 : i32 to vector<16xi32>
        %gt3A_1325 = arith.cmpf ogt, %get3A_1322, %select_n3A_1279 : vector<16xf32>
        %select_n3A_1326 = arith.select %gt3A_1325, %get3A_1322, %select_n3A_1279 : vector<16xi1>, vector<16xf32>
        %select_n3A_1327 = arith.select %gt3A_1325, %select_n3A_1279, %get3A_1322 : vector<16xi1>, vector<16xf32>
        %select_n3A_1328 = arith.select %gt3A_1325, %broadcast_in_dim3A_1324, %select_n3A_1281 : vector<16xi1>, vector<16xi32>
        %select_n3A_1329 = arith.select %gt3A_1325, %select_n3A_1281, %broadcast_in_dim3A_1324 : vector<16xi1>, vector<16xi32>
        %gt3A_1330 = arith.cmpf ogt, %select_n3A_1327, %select_n3A_1284 : vector<16xf32>
        %select_n3A_1331 = arith.select %gt3A_1330, %select_n3A_1327, %select_n3A_1284 : vector<16xi1>, vector<16xf32>
        %select_n3A_1332 = arith.select %gt3A_1330, %select_n3A_1284, %select_n3A_1327 : vector<16xi1>, vector<16xf32>
        %select_n3A_1333 = arith.select %gt3A_1330, %select_n3A_1329, %select_n3A_1286 : vector<16xi1>, vector<16xi32>
        %select_n3A_1334 = arith.select %gt3A_1330, %select_n3A_1286, %select_n3A_1329 : vector<16xi1>, vector<16xi32>
        %gt3A_1335 = arith.cmpf ogt, %select_n3A_1332, %select_n3A_1289 : vector<16xf32>
        %select_n3A_1336 = arith.select %gt3A_1335, %select_n3A_1332, %select_n3A_1289 : vector<16xi1>, vector<16xf32>
        %select_n3A_1337 = arith.select %gt3A_1335, %select_n3A_1289, %select_n3A_1332 : vector<16xi1>, vector<16xf32>
        %select_n3A_1338 = arith.select %gt3A_1335, %select_n3A_1334, %select_n3A_1291 : vector<16xi1>, vector<16xi32>
        %select_n3A_1339 = arith.select %gt3A_1335, %select_n3A_1291, %select_n3A_1334 : vector<16xi1>, vector<16xi32>
        %gt3A_1340 = arith.cmpf ogt, %select_n3A_1337, %select_n3A_1294 : vector<16xf32>
        %select_n3A_1341 = arith.select %gt3A_1340, %select_n3A_1337, %select_n3A_1294 : vector<16xi1>, vector<16xf32>
        %select_n3A_1342 = arith.select %gt3A_1340, %select_n3A_1294, %select_n3A_1337 : vector<16xi1>, vector<16xf32>
        %select_n3A_1343 = arith.select %gt3A_1340, %select_n3A_1339, %select_n3A_1296 : vector<16xi1>, vector<16xi32>
        %select_n3A_1344 = arith.select %gt3A_1340, %select_n3A_1296, %select_n3A_1339 : vector<16xi1>, vector<16xi32>
        %gt3A_1345 = arith.cmpf ogt, %select_n3A_1342, %select_n3A_1299 : vector<16xf32>
        %select_n3A_1346 = arith.select %gt3A_1345, %select_n3A_1342, %select_n3A_1299 : vector<16xi1>, vector<16xf32>
        %select_n3A_1347 = arith.select %gt3A_1345, %select_n3A_1299, %select_n3A_1342 : vector<16xi1>, vector<16xf32>
        %select_n3A_1348 = arith.select %gt3A_1345, %select_n3A_1344, %select_n3A_1301 : vector<16xi1>, vector<16xi32>
        %select_n3A_1349 = arith.select %gt3A_1345, %select_n3A_1301, %select_n3A_1344 : vector<16xi1>, vector<16xi32>
        %gt3A_1350 = arith.cmpf ogt, %select_n3A_1347, %select_n3A_1304 : vector<16xf32>
        %select_n3A_1351 = arith.select %gt3A_1350, %select_n3A_1347, %select_n3A_1304 : vector<16xi1>, vector<16xf32>
        %select_n3A_1352 = arith.select %gt3A_1350, %select_n3A_1304, %select_n3A_1347 : vector<16xi1>, vector<16xf32>
        %select_n3A_1353 = arith.select %gt3A_1350, %select_n3A_1349, %select_n3A_1306 : vector<16xi1>, vector<16xi32>
        %select_n3A_1354 = arith.select %gt3A_1350, %select_n3A_1306, %select_n3A_1349 : vector<16xi1>, vector<16xi32>
        %gt3A_1355 = arith.cmpf ogt, %select_n3A_1352, %select_n3A_1309 : vector<16xf32>
        %select_n3A_1356 = arith.select %gt3A_1355, %select_n3A_1352, %select_n3A_1309 : vector<16xi1>, vector<16xf32>
        %select_n3A_1357 = arith.select %gt3A_1355, %select_n3A_1309, %select_n3A_1352 : vector<16xi1>, vector<16xf32>
        %select_n3A_1358 = arith.select %gt3A_1355, %select_n3A_1354, %select_n3A_1311 : vector<16xi1>, vector<16xi32>
        %select_n3A_1359 = arith.select %gt3A_1355, %select_n3A_1311, %select_n3A_1354 : vector<16xi1>, vector<16xi32>
        %gt3A_1360 = arith.cmpf ogt, %select_n3A_1357, %select_n3A_1314 : vector<16xf32>
        %select_n3A_1361 = arith.select %gt3A_1360, %select_n3A_1357, %select_n3A_1314 : vector<16xi1>, vector<16xf32>
        %select_n3A_1362 = arith.select %gt3A_1360, %select_n3A_1314, %select_n3A_1357 : vector<16xi1>, vector<16xf32>
        %select_n3A_1363 = arith.select %gt3A_1360, %select_n3A_1359, %select_n3A_1316 : vector<16xi1>, vector<16xi32>
        %select_n3A_1364 = arith.select %gt3A_1360, %select_n3A_1316, %select_n3A_1359 : vector<16xi1>, vector<16xi32>
        %get3A_1365 = arith.constant 28 : i32
        %get3A_1366 = arith.index_cast %get3A_1365 : i32 to index
        %get3A_1367 = arith.index_cast %mul3A_20 : i32 to index
        %get3A_1368 = tpu.vector_load %arg5[%get3A_1366, %get3A_1367] {strides = array<i32>} : memref<64x256xf32, #tpu.memory_space<vmem>>, vector<1x16xf32>,
        %get3A_1369 = vector.shape_cast %get3A_1368 : vector<1x16xf32> to vector<16xf32>
        %broadcast_in_dim3A_1370 = arith.constant 28 : i32
        %broadcast_in_dim3A_1371 = vector.broadcast %broadcast_in_dim3A_1370 : i32 to vector<16xi32>
        %gt3A_1372 = arith.cmpf ogt, %get3A_1369, %select_n3A_1326 : vector<16xf32>
        %select_n3A_1373 = arith.select %gt3A_1372, %get3A_1369, %select_n3A_1326 : vector<16xi1>, vector<16xf32>
        %select_n3A_1374 = arith.select %gt3A_1372, %select_n3A_1326, %get3A_1369 : vector<16xi1>, vector<16xf32>
        %select_n3A_1375 = arith.select %gt3A_1372, %broadcast_in_dim3A_1371, %select_n3A_1328 : vector<16xi1>, vector<16xi32>
        %select_n3A_1376 = arith.select %gt3A_1372, %select_n3A_1328, %broadcast_in_dim3A_1371 : vector<16xi1>, vector<16xi32>
        %gt3A_1377 = arith.cmpf ogt, %select_n3A_1374, %select_n3A_1331 : vector<16xf32>
        %select_n3A_1378 = arith.select %gt3A_1377, %select_n3A_1374, %select_n3A_1331 : vector<16xi1>, vector<16xf32>
        %select_n3A_1379 = arith.select %gt3A_1377, %select_n3A_1331, %select_n3A_1374 : vector<16xi1>, vector<16xf32>
        %select_n3A_1380 = arith.select %gt3A_1377, %select_n3A_1376, %select_n3A_1333 : vector<16xi1>, vector<16xi32>
        %select_n3A_1381 = arith.select %gt3A_1377, %select_n3A_1333, %select_n3A_1376 : vector<16xi1>, vector<16xi32>
        %gt3A_1382 = arith.cmpf ogt, %select_n3A_1379, %select_n3A_1336 : vector<16xf32>
        %select_n3A_1383 = arith.select %gt3A_1382, %select_n3A_1379, %select_n3A_1336 : vector<16xi1>, vector<16xf32>
        %select_n3A_1384 = arith.select %gt3A_1382, %select_n3A_1336, %select_n3A_1379 : vector<16xi1>, vector<16xf32>
        %select_n3A_1385 = arith.select %gt3A_1382, %select_n3A_1381, %select_n3A_1338 : vector<16xi1>, vector<16xi32>
        %select_n3A_1386 = arith.select %gt3A_1382, %select_n3A_1338, %select_n3A_1381 : vector<16xi1>, vector<16xi32>
        %gt3A_1387 = arith.cmpf ogt, %select_n3A_1384, %select_n3A_1341 : vector<16xf32>
        %select_n3A_1388 = arith.select %gt3A_1387, %select_n3A_1384, %select_n3A_1341 : vector<16xi1>, vector<16xf32>
        %select_n3A_1389 = arith.select %gt3A_1387, %select_n3A_1341, %select_n3A_1384 : vector<16xi1>, vector<16xf32>
        %select_n3A_1390 = arith.select %gt3A_1387, %select_n3A_1386, %select_n3A_1343 : vector<16xi1>, vector<16xi32>
        %select_n3A_1391 = arith.select %gt3A_1387, %select_n3A_1343, %select_n3A_1386 : vector<16xi1>, vector<16xi32>
        %gt3A_1392 = arith.cmpf ogt, %select_n3A_1389, %select_n3A_1346 : vector<16xf32>
        %select_n3A_1393 = arith.select %gt3A_1392, %select_n3A_1389, %select_n3A_1346 : vector<16xi1>, vector<16xf32>
        %select_n3A_1394 = arith.select %gt3A_1392, %select_n3A_1346, %select_n3A_1389 : vector<16xi1>, vector<16xf32>
        %select_n3A_1395 = arith.select %gt3A_1392, %select_n3A_1391, %select_n3A_1348 : vector<16xi1>, vector<16xi32>
        %select_n3A_1396 = arith.select %gt3A_1392, %select_n3A_1348, %select_n3A_1391 : vector<16xi1>, vector<16xi32>
        %gt3A_1397 = arith.cmpf ogt, %select_n3A_1394, %select_n3A_1351 : vector<16xf32>
        %select_n3A_1398 = arith.select %gt3A_1397, %select_n3A_1394, %select_n3A_1351 : vector<16xi1>, vector<16xf32>
        %select_n3A_1399 = arith.select %gt3A_1397, %select_n3A_1351, %select_n3A_1394 : vector<16xi1>, vector<16xf32>
        %select_n3A_1400 = arith.select %gt3A_1397, %select_n3A_1396, %select_n3A_1353 : vector<16xi1>, vector<16xi32>
        %select_n3A_1401 = arith.select %gt3A_1397, %select_n3A_1353, %select_n3A_1396 : vector<16xi1>, vector<16xi32>
        %gt3A_1402 = arith.cmpf ogt, %select_n3A_1399, %select_n3A_1356 : vector<16xf32>
        %select_n3A_1403 = arith.select %gt3A_1402, %select_n3A_1399, %select_n3A_1356 : vector<16xi1>, vector<16xf32>
        %select_n3A_1404 = arith.select %gt3A_1402, %select_n3A_1356, %select_n3A_1399 : vector<16xi1>, vector<16xf32>
        %select_n3A_1405 = arith.select %gt3A_1402, %select_n3A_1401, %select_n3A_1358 : vector<16xi1>, vector<16xi32>
        %select_n3A_1406 = arith.select %gt3A_1402, %select_n3A_1358, %select_n3A_1401 : vector<16xi1>, vector<16xi32>
        %gt3A_1407 = arith.cmpf ogt, %select_n3A_1404, %select_n3A_1361 : vector<16xf32>
        %select_n3A_1408 = arith.select %gt3A_1407, %select_n3A_1404, %select_n3A_1361 : vector<16xi1>, vector<16xf32>
        %select_n3A_1409 = arith.select %gt3A_1407, %select_n3A_1361, %select_n3A_1404 : vector<16xi1>, vector<16xf32>
        %select_n3A_1410 = arith.select %gt3A_1407, %select_n3A_1406, %select_n3A_1363 : vector<16xi1>, vector<16xi32>
        %select_n3A_1411 = arith.select %gt3A_1407, %select_n3A_1363, %select_n3A_1406 : vector<16xi1>, vector<16xi32>
        %get3A_1412 = arith.constant 29 : i32
        %get3A_1413 = arith.index_cast %get3A_1412 : i32 to index
        %get3A_1414 = arith.index_cast %mul3A_20 : i32 to index
        %get3A_1415 = tpu.vector_load %arg5[%get3A_1413, %get3A_1414] {strides = array<i32>} : memref<64x256xf32, #tpu.memory_space<vmem>>, vector<1x16xf32>,
        %get3A_1416 = vector.shape_cast %get3A_1415 : vector<1x16xf32> to vector<16xf32>
        %broadcast_in_dim3A_1417 = arith.constant 29 : i32
        %broadcast_in_dim3A_1418 = vector.broadcast %broadcast_in_dim3A_1417 : i32 to vector<16xi32>
        %gt3A_1419 = arith.cmpf ogt, %get3A_1416, %select_n3A_1373 : vector<16xf32>
        %select_n3A_1420 = arith.select %gt3A_1419, %get3A_1416, %select_n3A_1373 : vector<16xi1>, vector<16xf32>
        %select_n3A_1421 = arith.select %gt3A_1419, %select_n3A_1373, %get3A_1416 : vector<16xi1>, vector<16xf32>
        %select_n3A_1422 = arith.select %gt3A_1419, %broadcast_in_dim3A_1418, %select_n3A_1375 : vector<16xi1>, vector<16xi32>
        %select_n3A_1423 = arith.select %gt3A_1419, %select_n3A_1375, %broadcast_in_dim3A_1418 : vector<16xi1>, vector<16xi32>
        %gt3A_1424 = arith.cmpf ogt, %select_n3A_1421, %select_n3A_1378 : vector<16xf32>
        %select_n3A_1425 = arith.select %gt3A_1424, %select_n3A_1421, %select_n3A_1378 : vector<16xi1>, vector<16xf32>
        %select_n3A_1426 = arith.select %gt3A_1424, %select_n3A_1378, %select_n3A_1421 : vector<16xi1>, vector<16xf32>
        %select_n3A_1427 = arith.select %gt3A_1424, %select_n3A_1423, %select_n3A_1380 : vector<16xi1>, vector<16xi32>
        %select_n3A_1428 = arith.select %gt3A_1424, %select_n3A_1380, %select_n3A_1423 : vector<16xi1>, vector<16xi32>
        %gt3A_1429 = arith.cmpf ogt, %select_n3A_1426, %select_n3A_1383 : vector<16xf32>
        %select_n3A_1430 = arith.select %gt3A_1429, %select_n3A_1426, %select_n3A_1383 : vector<16xi1>, vector<16xf32>
        %select_n3A_1431 = arith.select %gt3A_1429, %select_n3A_1383, %select_n3A_1426 : vector<16xi1>, vector<16xf32>
        %select_n3A_1432 = arith.select %gt3A_1429, %select_n3A_1428, %select_n3A_1385 : vector<16xi1>, vector<16xi32>
        %select_n3A_1433 = arith.select %gt3A_1429, %select_n3A_1385, %select_n3A_1428 : vector<16xi1>, vector<16xi32>
        %gt3A_1434 = arith.cmpf ogt, %select_n3A_1431, %select_n3A_1388 : vector<16xf32>
        %select_n3A_1435 = arith.select %gt3A_1434, %select_n3A_1431, %select_n3A_1388 : vector<16xi1>, vector<16xf32>
        %select_n3A_1436 = arith.select %gt3A_1434, %select_n3A_1388, %select_n3A_1431 : vector<16xi1>, vector<16xf32>
        %select_n3A_1437 = arith.select %gt3A_1434, %select_n3A_1433, %select_n3A_1390 : vector<16xi1>, vector<16xi32>
        %select_n3A_1438 = arith.select %gt3A_1434, %select_n3A_1390, %select_n3A_1433 : vector<16xi1>, vector<16xi32>
        %gt3A_1439 = arith.cmpf ogt, %select_n3A_1436, %select_n3A_1393 : vector<16xf32>
        %select_n3A_1440 = arith.select %gt3A_1439, %select_n3A_1436, %select_n3A_1393 : vector<16xi1>, vector<16xf32>
        %select_n3A_1441 = arith.select %gt3A_1439, %select_n3A_1393, %select_n3A_1436 : vector<16xi1>, vector<16xf32>
        %select_n3A_1442 = arith.select %gt3A_1439, %select_n3A_1438, %select_n3A_1395 : vector<16xi1>, vector<16xi32>
        %select_n3A_1443 = arith.select %gt3A_1439, %select_n3A_1395, %select_n3A_1438 : vector<16xi1>, vector<16xi32>
        %gt3A_1444 = arith.cmpf ogt, %select_n3A_1441, %select_n3A_1398 : vector<16xf32>
        %select_n3A_1445 = arith.select %gt3A_1444, %select_n3A_1441, %select_n3A_1398 : vector<16xi1>, vector<16xf32>
        %select_n3A_1446 = arith.select %gt3A_1444, %select_n3A_1398, %select_n3A_1441 : vector<16xi1>, vector<16xf32>
        %select_n3A_1447 = arith.select %gt3A_1444, %select_n3A_1443, %select_n3A_1400 : vector<16xi1>, vector<16xi32>
        %select_n3A_1448 = arith.select %gt3A_1444, %select_n3A_1400, %select_n3A_1443 : vector<16xi1>, vector<16xi32>
        %gt3A_1449 = arith.cmpf ogt, %select_n3A_1446, %select_n3A_1403 : vector<16xf32>
        %select_n3A_1450 = arith.select %gt3A_1449, %select_n3A_1446, %select_n3A_1403 : vector<16xi1>, vector<16xf32>
        %select_n3A_1451 = arith.select %gt3A_1449, %select_n3A_1403, %select_n3A_1446 : vector<16xi1>, vector<16xf32>
        %select_n3A_1452 = arith.select %gt3A_1449, %select_n3A_1448, %select_n3A_1405 : vector<16xi1>, vector<16xi32>
        %select_n3A_1453 = arith.select %gt3A_1449, %select_n3A_1405, %select_n3A_1448 : vector<16xi1>, vector<16xi32>
        %gt3A_1454 = arith.cmpf ogt, %select_n3A_1451, %select_n3A_1408 : vector<16xf32>
        %select_n3A_1455 = arith.select %gt3A_1454, %select_n3A_1451, %select_n3A_1408 : vector<16xi1>, vector<16xf32>
        %select_n3A_1456 = arith.select %gt3A_1454, %select_n3A_1408, %select_n3A_1451 : vector<16xi1>, vector<16xf32>
        %select_n3A_1457 = arith.select %gt3A_1454, %select_n3A_1453, %select_n3A_1410 : vector<16xi1>, vector<16xi32>
        %select_n3A_1458 = arith.select %gt3A_1454, %select_n3A_1410, %select_n3A_1453 : vector<16xi1>, vector<16xi32>
        %get3A_1459 = arith.constant 30 : i32
        %get3A_1460 = arith.index_cast %get3A_1459 : i32 to index
        %get3A_1461 = arith.index_cast %mul3A_20 : i32 to index
        %get3A_1462 = tpu.vector_load %arg5[%get3A_1460, %get3A_1461] {strides = array<i32>} : memref<64x256xf32, #tpu.memory_space<vmem>>, vector<1x16xf32>,
        %get3A_1463 = vector.shape_cast %get3A_1462 : vector<1x16xf32> to vector<16xf32>
        %broadcast_in_dim3A_1464 = arith.constant 30 : i32
        %broadcast_in_dim3A_1465 = vector.broadcast %broadcast_in_dim3A_1464 : i32 to vector<16xi32>
        %gt3A_1466 = arith.cmpf ogt, %get3A_1463, %select_n3A_1420 : vector<16xf32>
        %select_n3A_1467 = arith.select %gt3A_1466, %get3A_1463, %select_n3A_1420 : vector<16xi1>, vector<16xf32>
        %select_n3A_1468 = arith.select %gt3A_1466, %select_n3A_1420, %get3A_1463 : vector<16xi1>, vector<16xf32>
        %select_n3A_1469 = arith.select %gt3A_1466, %broadcast_in_dim3A_1465, %select_n3A_1422 : vector<16xi1>, vector<16xi32>
        %select_n3A_1470 = arith.select %gt3A_1466, %select_n3A_1422, %broadcast_in_dim3A_1465 : vector<16xi1>, vector<16xi32>
        %gt3A_1471 = arith.cmpf ogt, %select_n3A_1468, %select_n3A_1425 : vector<16xf32>
        %select_n3A_1472 = arith.select %gt3A_1471, %select_n3A_1468, %select_n3A_1425 : vector<16xi1>, vector<16xf32>
        %select_n3A_1473 = arith.select %gt3A_1471, %select_n3A_1425, %select_n3A_1468 : vector<16xi1>, vector<16xf32>
        %select_n3A_1474 = arith.select %gt3A_1471, %select_n3A_1470, %select_n3A_1427 : vector<16xi1>, vector<16xi32>
        %select_n3A_1475 = arith.select %gt3A_1471, %select_n3A_1427, %select_n3A_1470 : vector<16xi1>, vector<16xi32>
        %gt3A_1476 = arith.cmpf ogt, %select_n3A_1473, %select_n3A_1430 : vector<16xf32>
        %select_n3A_1477 = arith.select %gt3A_1476, %select_n3A_1473, %select_n3A_1430 : vector<16xi1>, vector<16xf32>
        %select_n3A_1478 = arith.select %gt3A_1476, %select_n3A_1430, %select_n3A_1473 : vector<16xi1>, vector<16xf32>
        %select_n3A_1479 = arith.select %gt3A_1476, %select_n3A_1475, %select_n3A_1432 : vector<16xi1>, vector<16xi32>
        %select_n3A_1480 = arith.select %gt3A_1476, %select_n3A_1432, %select_n3A_1475 : vector<16xi1>, vector<16xi32>
        %gt3A_1481 = arith.cmpf ogt, %select_n3A_1478, %select_n3A_1435 : vector<16xf32>
        %select_n3A_1482 = arith.select %gt3A_1481, %select_n3A_1478, %select_n3A_1435 : vector<16xi1>, vector<16xf32>
        %select_n3A_1483 = arith.select %gt3A_1481, %select_n3A_1435, %select_n3A_1478 : vector<16xi1>, vector<16xf32>
        %select_n3A_1484 = arith.select %gt3A_1481, %select_n3A_1480, %select_n3A_1437 : vector<16xi1>, vector<16xi32>
        %select_n3A_1485 = arith.select %gt3A_1481, %select_n3A_1437, %select_n3A_1480 : vector<16xi1>, vector<16xi32>
        %gt3A_1486 = arith.cmpf ogt, %select_n3A_1483, %select_n3A_1440 : vector<16xf32>
        %select_n3A_1487 = arith.select %gt3A_1486, %select_n3A_1483, %select_n3A_1440 : vector<16xi1>, vector<16xf32>
        %select_n3A_1488 = arith.select %gt3A_1486, %select_n3A_1440, %select_n3A_1483 : vector<16xi1>, vector<16xf32>
        %select_n3A_1489 = arith.select %gt3A_1486, %select_n3A_1485, %select_n3A_1442 : vector<16xi1>, vector<16xi32>
        %select_n3A_1490 = arith.select %gt3A_1486, %select_n3A_1442, %select_n3A_1485 : vector<16xi1>, vector<16xi32>
        %gt3A_1491 = arith.cmpf ogt, %select_n3A_1488, %select_n3A_1445 : vector<16xf32>
        %select_n3A_1492 = arith.select %gt3A_1491, %select_n3A_1488, %select_n3A_1445 : vector<16xi1>, vector<16xf32>
        %select_n3A_1493 = arith.select %gt3A_1491, %select_n3A_1445, %select_n3A_1488 : vector<16xi1>, vector<16xf32>
        %select_n3A_1494 = arith.select %gt3A_1491, %select_n3A_1490, %select_n3A_1447 : vector<16xi1>, vector<16xi32>
        %select_n3A_1495 = arith.select %gt3A_1491, %select_n3A_1447, %select_n3A_1490 : vector<16xi1>, vector<16xi32>
        %gt3A_1496 = arith.cmpf ogt, %select_n3A_1493, %select_n3A_1450 : vector<16xf32>
        %select_n3A_1497 = arith.select %gt3A_1496, %select_n3A_1493, %select_n3A_1450 : vector<16xi1>, vector<16xf32>
        %select_n3A_1498 = arith.select %gt3A_1496, %select_n3A_1450, %select_n3A_1493 : vector<16xi1>, vector<16xf32>
        %select_n3A_1499 = arith.select %gt3A_1496, %select_n3A_1495, %select_n3A_1452 : vector<16xi1>, vector<16xi32>
        %select_n3A_1500 = arith.select %gt3A_1496, %select_n3A_1452, %select_n3A_1495 : vector<16xi1>, vector<16xi32>
        %gt3A_1501 = arith.cmpf ogt, %select_n3A_1498, %select_n3A_1455 : vector<16xf32>
        %select_n3A_1502 = arith.select %gt3A_1501, %select_n3A_1498, %select_n3A_1455 : vector<16xi1>, vector<16xf32>
        %select_n3A_1503 = arith.select %gt3A_1501, %select_n3A_1455, %select_n3A_1498 : vector<16xi1>, vector<16xf32>
        %select_n3A_1504 = arith.select %gt3A_1501, %select_n3A_1500, %select_n3A_1457 : vector<16xi1>, vector<16xi32>
        %select_n3A_1505 = arith.select %gt3A_1501, %select_n3A_1457, %select_n3A_1500 : vector<16xi1>, vector<16xi32>
        %get3A_1506 = arith.constant 31 : i32
        %get3A_1507 = arith.index_cast %get3A_1506 : i32 to index
        %get3A_1508 = arith.index_cast %mul3A_20 : i32 to index
        %get3A_1509 = tpu.vector_load %arg5[%get3A_1507, %get3A_1508] {strides = array<i32>} : memref<64x256xf32, #tpu.memory_space<vmem>>, vector<1x16xf32>,
        %get3A_1510 = vector.shape_cast %get3A_1509 : vector<1x16xf32> to vector<16xf32>
        %broadcast_in_dim3A_1511 = arith.constant 31 : i32
        %broadcast_in_dim3A_1512 = vector.broadcast %broadcast_in_dim3A_1511 : i32 to vector<16xi32>
        %gt3A_1513 = arith.cmpf ogt, %get3A_1510, %select_n3A_1467 : vector<16xf32>
        %select_n3A_1514 = arith.select %gt3A_1513, %get3A_1510, %select_n3A_1467 : vector<16xi1>, vector<16xf32>
        %select_n3A_1515 = arith.select %gt3A_1513, %select_n3A_1467, %get3A_1510 : vector<16xi1>, vector<16xf32>
        %select_n3A_1516 = arith.select %gt3A_1513, %broadcast_in_dim3A_1512, %select_n3A_1469 : vector<16xi1>, vector<16xi32>
        %select_n3A_1517 = arith.select %gt3A_1513, %select_n3A_1469, %broadcast_in_dim3A_1512 : vector<16xi1>, vector<16xi32>
        %gt3A_1518 = arith.cmpf ogt, %select_n3A_1515, %select_n3A_1472 : vector<16xf32>
        %select_n3A_1519 = arith.select %gt3A_1518, %select_n3A_1515, %select_n3A_1472 : vector<16xi1>, vector<16xf32>
        %select_n3A_1520 = arith.select %gt3A_1518, %select_n3A_1472, %select_n3A_1515 : vector<16xi1>, vector<16xf32>
        %select_n3A_1521 = arith.select %gt3A_1518, %select_n3A_1517, %select_n3A_1474 : vector<16xi1>, vector<16xi32>
        %select_n3A_1522 = arith.select %gt3A_1518, %select_n3A_1474, %select_n3A_1517 : vector<16xi1>, vector<16xi32>
        %gt3A_1523 = arith.cmpf ogt, %select_n3A_1520, %select_n3A_1477 : vector<16xf32>
        %select_n3A_1524 = arith.select %gt3A_1523, %select_n3A_1520, %select_n3A_1477 : vector<16xi1>, vector<16xf32>
        %select_n3A_1525 = arith.select %gt3A_1523, %select_n3A_1477, %select_n3A_1520 : vector<16xi1>, vector<16xf32>
        %select_n3A_1526 = arith.select %gt3A_1523, %select_n3A_1522, %select_n3A_1479 : vector<16xi1>, vector<16xi32>
        %select_n3A_1527 = arith.select %gt3A_1523, %select_n3A_1479, %select_n3A_1522 : vector<16xi1>, vector<16xi32>
        %gt3A_1528 = arith.cmpf ogt, %select_n3A_1525, %select_n3A_1482 : vector<16xf32>
        %select_n3A_1529 = arith.select %gt3A_1528, %select_n3A_1525, %select_n3A_1482 : vector<16xi1>, vector<16xf32>
        %select_n3A_1530 = arith.select %gt3A_1528, %select_n3A_1482, %select_n3A_1525 : vector<16xi1>, vector<16xf32>
        %select_n3A_1531 = arith.select %gt3A_1528, %select_n3A_1527, %select_n3A_1484 : vector<16xi1>, vector<16xi32>
        %select_n3A_1532 = arith.select %gt3A_1528, %select_n3A_1484, %select_n3A_1527 : vector<16xi1>, vector<16xi32>
        %gt3A_1533 = arith.cmpf ogt, %select_n3A_1530, %select_n3A_1487 : vector<16xf32>
        %select_n3A_1534 = arith.select %gt3A_1533, %select_n3A_1530, %select_n3A_1487 : vector<16xi1>, vector<16xf32>
        %select_n3A_1535 = arith.select %gt3A_1533, %select_n3A_1487, %select_n3A_1530 : vector<16xi1>, vector<16xf32>
        %select_n3A_1536 = arith.select %gt3A_1533, %select_n3A_1532, %select_n3A_1489 : vector<16xi1>, vector<16xi32>
        %select_n3A_1537 = arith.select %gt3A_1533, %select_n3A_1489, %select_n3A_1532 : vector<16xi1>, vector<16xi32>
        %gt3A_1538 = arith.cmpf ogt, %select_n3A_1535, %select_n3A_1492 : vector<16xf32>
        %select_n3A_1539 = arith.select %gt3A_1538, %select_n3A_1535, %select_n3A_1492 : vector<16xi1>, vector<16xf32>
        %select_n3A_1540 = arith.select %gt3A_1538, %select_n3A_1492, %select_n3A_1535 : vector<16xi1>, vector<16xf32>
        %select_n3A_1541 = arith.select %gt3A_1538, %select_n3A_1537, %select_n3A_1494 : vector<16xi1>, vector<16xi32>
        %select_n3A_1542 = arith.select %gt3A_1538, %select_n3A_1494, %select_n3A_1537 : vector<16xi1>, vector<16xi32>
        %gt3A_1543 = arith.cmpf ogt, %select_n3A_1540, %select_n3A_1497 : vector<16xf32>
        %select_n3A_1544 = arith.select %gt3A_1543, %select_n3A_1540, %select_n3A_1497 : vector<16xi1>, vector<16xf32>
        %select_n3A_1545 = arith.select %gt3A_1543, %select_n3A_1497, %select_n3A_1540 : vector<16xi1>, vector<16xf32>
        %select_n3A_1546 = arith.select %gt3A_1543, %select_n3A_1542, %select_n3A_1499 : vector<16xi1>, vector<16xi32>
        %select_n3A_1547 = arith.select %gt3A_1543, %select_n3A_1499, %select_n3A_1542 : vector<16xi1>, vector<16xi32>
        %gt3A_1548 = arith.cmpf ogt, %select_n3A_1545, %select_n3A_1502 : vector<16xf32>
        %select_n3A_1549 = arith.select %gt3A_1548, %select_n3A_1545, %select_n3A_1502 : vector<16xi1>, vector<16xf32>
        %select_n3A_1550 = arith.select %gt3A_1548, %select_n3A_1502, %select_n3A_1545 : vector<16xi1>, vector<16xf32>
        %select_n3A_1551 = arith.select %gt3A_1548, %select_n3A_1547, %select_n3A_1504 : vector<16xi1>, vector<16xi32>
        %select_n3A_1552 = arith.select %gt3A_1548, %select_n3A_1504, %select_n3A_1547 : vector<16xi1>, vector<16xi32>
        %get3A_1553 = arith.constant 32 : i32
        %get3A_1554 = arith.index_cast %get3A_1553 : i32 to index
        %get3A_1555 = arith.index_cast %mul3A_20 : i32 to index
        %get3A_1556 = tpu.vector_load %arg5[%get3A_1554, %get3A_1555] {strides = array<i32>} : memref<64x256xf32, #tpu.memory_space<vmem>>, vector<1x16xf32>,
        %get3A_1557 = vector.shape_cast %get3A_1556 : vector<1x16xf32> to vector<16xf32>
        %broadcast_in_dim3A_1558 = arith.constant 32 : i32
        %broadcast_in_dim3A_1559 = vector.broadcast %broadcast_in_dim3A_1558 : i32 to vector<16xi32>
        %gt3A_1560 = arith.cmpf ogt, %get3A_1557, %select_n3A_1514 : vector<16xf32>
        %select_n3A_1561 = arith.select %gt3A_1560, %get3A_1557, %select_n3A_1514 : vector<16xi1>, vector<16xf32>
        %select_n3A_1562 = arith.select %gt3A_1560, %select_n3A_1514, %get3A_1557 : vector<16xi1>, vector<16xf32>
        %select_n3A_1563 = arith.select %gt3A_1560, %broadcast_in_dim3A_1559, %select_n3A_1516 : vector<16xi1>, vector<16xi32>
        %select_n3A_1564 = arith.select %gt3A_1560, %select_n3A_1516, %broadcast_in_dim3A_1559 : vector<16xi1>, vector<16xi32>
        %gt3A_1565 = arith.cmpf ogt, %select_n3A_1562, %select_n3A_1519 : vector<16xf32>
        %select_n3A_1566 = arith.select %gt3A_1565, %select_n3A_1562, %select_n3A_1519 : vector<16xi1>, vector<16xf32>
        %select_n3A_1567 = arith.select %gt3A_1565, %select_n3A_1519, %select_n3A_1562 : vector<16xi1>, vector<16xf32>
        %select_n3A_1568 = arith.select %gt3A_1565, %select_n3A_1564, %select_n3A_1521 : vector<16xi1>, vector<16xi32>
        %select_n3A_1569 = arith.select %gt3A_1565, %select_n3A_1521, %select_n3A_1564 : vector<16xi1>, vector<16xi32>
        %gt3A_1570 = arith.cmpf ogt, %select_n3A_1567, %select_n3A_1524 : vector<16xf32>
        %select_n3A_1571 = arith.select %gt3A_1570, %select_n3A_1567, %select_n3A_1524 : vector<16xi1>, vector<16xf32>
        %select_n3A_1572 = arith.select %gt3A_1570, %select_n3A_1524, %select_n3A_1567 : vector<16xi1>, vector<16xf32>
        %select_n3A_1573 = arith.select %gt3A_1570, %select_n3A_1569, %select_n3A_1526 : vector<16xi1>, vector<16xi32>
        %select_n3A_1574 = arith.select %gt3A_1570, %select_n3A_1526, %select_n3A_1569 : vector<16xi1>, vector<16xi32>
        %gt3A_1575 = arith.cmpf ogt, %select_n3A_1572, %select_n3A_1529 : vector<16xf32>
        %select_n3A_1576 = arith.select %gt3A_1575, %select_n3A_1572, %select_n3A_1529 : vector<16xi1>, vector<16xf32>
        %select_n3A_1577 = arith.select %gt3A_1575, %select_n3A_1529, %select_n3A_1572 : vector<16xi1>, vector<16xf32>
        %select_n3A_1578 = arith.select %gt3A_1575, %select_n3A_1574, %select_n3A_1531 : vector<16xi1>, vector<16xi32>
        %select_n3A_1579 = arith.select %gt3A_1575, %select_n3A_1531, %select_n3A_1574 : vector<16xi1>, vector<16xi32>
        %gt3A_1580 = arith.cmpf ogt, %select_n3A_1577, %select_n3A_1534 : vector<16xf32>
        %select_n3A_1581 = arith.select %gt3A_1580, %select_n3A_1577, %select_n3A_1534 : vector<16xi1>, vector<16xf32>
        %select_n3A_1582 = arith.select %gt3A_1580, %select_n3A_1534, %select_n3A_1577 : vector<16xi1>, vector<16xf32>
        %select_n3A_1583 = arith.select %gt3A_1580, %select_n3A_1579, %select_n3A_1536 : vector<16xi1>, vector<16xi32>
        %select_n3A_1584 = arith.select %gt3A_1580, %select_n3A_1536, %select_n3A_1579 : vector<16xi1>, vector<16xi32>
        %gt3A_1585 = arith.cmpf ogt, %select_n3A_1582, %select_n3A_1539 : vector<16xf32>
        %select_n3A_1586 = arith.select %gt3A_1585, %select_n3A_1582, %select_n3A_1539 : vector<16xi1>, vector<16xf32>
        %select_n3A_1587 = arith.select %gt3A_1585, %select_n3A_1539, %select_n3A_1582 : vector<16xi1>, vector<16xf32>
        %select_n3A_1588 = arith.select %gt3A_1585, %select_n3A_1584, %select_n3A_1541 : vector<16xi1>, vector<16xi32>
        %select_n3A_1589 = arith.select %gt3A_1585, %select_n3A_1541, %select_n3A_1584 : vector<16xi1>, vector<16xi32>
        %gt3A_1590 = arith.cmpf ogt, %select_n3A_1587, %select_n3A_1544 : vector<16xf32>
        %select_n3A_1591 = arith.select %gt3A_1590, %select_n3A_1587, %select_n3A_1544 : vector<16xi1>, vector<16xf32>
        %select_n3A_1592 = arith.select %gt3A_1590, %select_n3A_1544, %select_n3A_1587 : vector<16xi1>, vector<16xf32>
        %select_n3A_1593 = arith.select %gt3A_1590, %select_n3A_1589, %select_n3A_1546 : vector<16xi1>, vector<16xi32>
        %select_n3A_1594 = arith.select %gt3A_1590, %select_n3A_1546, %select_n3A_1589 : vector<16xi1>, vector<16xi32>
        %gt3A_1595 = arith.cmpf ogt, %select_n3A_1592, %select_n3A_1549 : vector<16xf32>
        %select_n3A_1596 = arith.select %gt3A_1595, %select_n3A_1592, %select_n3A_1549 : vector<16xi1>, vector<16xf32>
        %select_n3A_1597 = arith.select %gt3A_1595, %select_n3A_1549, %select_n3A_1592 : vector<16xi1>, vector<16xf32>
        %select_n3A_1598 = arith.select %gt3A_1595, %select_n3A_1594, %select_n3A_1551 : vector<16xi1>, vector<16xi32>
        %select_n3A_1599 = arith.select %gt3A_1595, %select_n3A_1551, %select_n3A_1594 : vector<16xi1>, vector<16xi32>
        %get3A_1600 = arith.constant 33 : i32
        %get3A_1601 = arith.index_cast %get3A_1600 : i32 to index
        %get3A_1602 = arith.index_cast %mul3A_20 : i32 to index
        %get3A_1603 = tpu.vector_load %arg5[%get3A_1601, %get3A_1602] {strides = array<i32>} : memref<64x256xf32, #tpu.memory_space<vmem>>, vector<1x16xf32>,
        %get3A_1604 = vector.shape_cast %get3A_1603 : vector<1x16xf32> to vector<16xf32>
        %broadcast_in_dim3A_1605 = arith.constant 33 : i32
        %broadcast_in_dim3A_1606 = vector.broadcast %broadcast_in_dim3A_1605 : i32 to vector<16xi32>
        %gt3A_1607 = arith.cmpf ogt, %get3A_1604, %select_n3A_1561 : vector<16xf32>
        %select_n3A_1608 = arith.select %gt3A_1607, %get3A_1604, %select_n3A_1561 : vector<16xi1>, vector<16xf32>
        %select_n3A_1609 = arith.select %gt3A_1607, %select_n3A_1561, %get3A_1604 : vector<16xi1>, vector<16xf32>
        %select_n3A_1610 = arith.select %gt3A_1607, %broadcast_in_dim3A_1606, %select_n3A_1563 : vector<16xi1>, vector<16xi32>
        %select_n3A_1611 = arith.select %gt3A_1607, %select_n3A_1563, %broadcast_in_dim3A_1606 : vector<16xi1>, vector<16xi32>
        %gt3A_1612 = arith.cmpf ogt, %select_n3A_1609, %select_n3A_1566 : vector<16xf32>
        %select_n3A_1613 = arith.select %gt3A_1612, %select_n3A_1609, %select_n3A_1566 : vector<16xi1>, vector<16xf32>
        %select_n3A_1614 = arith.select %gt3A_1612, %select_n3A_1566, %select_n3A_1609 : vector<16xi1>, vector<16xf32>
        %select_n3A_1615 = arith.select %gt3A_1612, %select_n3A_1611, %select_n3A_1568 : vector<16xi1>, vector<16xi32>
        %select_n3A_1616 = arith.select %gt3A_1612, %select_n3A_1568, %select_n3A_1611 : vector<16xi1>, vector<16xi32>
        %gt3A_1617 = arith.cmpf ogt, %select_n3A_1614, %select_n3A_1571 : vector<16xf32>
        %select_n3A_1618 = arith.select %gt3A_1617, %select_n3A_1614, %select_n3A_1571 : vector<16xi1>, vector<16xf32>
        %select_n3A_1619 = arith.select %gt3A_1617, %select_n3A_1571, %select_n3A_1614 : vector<16xi1>, vector<16xf32>
        %select_n3A_1620 = arith.select %gt3A_1617, %select_n3A_1616, %select_n3A_1573 : vector<16xi1>, vector<16xi32>
        %select_n3A_1621 = arith.select %gt3A_1617, %select_n3A_1573, %select_n3A_1616 : vector<16xi1>, vector<16xi32>
        %gt3A_1622 = arith.cmpf ogt, %select_n3A_1619, %select_n3A_1576 : vector<16xf32>
        %select_n3A_1623 = arith.select %gt3A_1622, %select_n3A_1619, %select_n3A_1576 : vector<16xi1>, vector<16xf32>
        %select_n3A_1624 = arith.select %gt3A_1622, %select_n3A_1576, %select_n3A_1619 : vector<16xi1>, vector<16xf32>
        %select_n3A_1625 = arith.select %gt3A_1622, %select_n3A_1621, %select_n3A_1578 : vector<16xi1>, vector<16xi32>
        %select_n3A_1626 = arith.select %gt3A_1622, %select_n3A_1578, %select_n3A_1621 : vector<16xi1>, vector<16xi32>
        %gt3A_1627 = arith.cmpf ogt, %select_n3A_1624, %select_n3A_1581 : vector<16xf32>
        %select_n3A_1628 = arith.select %gt3A_1627, %select_n3A_1624, %select_n3A_1581 : vector<16xi1>, vector<16xf32>
        %select_n3A_1629 = arith.select %gt3A_1627, %select_n3A_1581, %select_n3A_1624 : vector<16xi1>, vector<16xf32>
        %select_n3A_1630 = arith.select %gt3A_1627, %select_n3A_1626, %select_n3A_1583 : vector<16xi1>, vector<16xi32>
        %select_n3A_1631 = arith.select %gt3A_1627, %select_n3A_1583, %select_n3A_1626 : vector<16xi1>, vector<16xi32>
        %gt3A_1632 = arith.cmpf ogt, %select_n3A_1629, %select_n3A_1586 : vector<16xf32>
        %select_n3A_1633 = arith.select %gt3A_1632, %select_n3A_1629, %select_n3A_1586 : vector<16xi1>, vector<16xf32>
        %select_n3A_1634 = arith.select %gt3A_1632, %select_n3A_1586, %select_n3A_1629 : vector<16xi1>, vector<16xf32>
        %select_n3A_1635 = arith.select %gt3A_1632, %select_n3A_1631, %select_n3A_1588 : vector<16xi1>, vector<16xi32>
        %select_n3A_1636 = arith.select %gt3A_1632, %select_n3A_1588, %select_n3A_1631 : vector<16xi1>, vector<16xi32>
        %gt3A_1637 = arith.cmpf ogt, %select_n3A_1634, %select_n3A_1591 : vector<16xf32>
        %select_n3A_1638 = arith.select %gt3A_1637, %select_n3A_1634, %select_n3A_1591 : vector<16xi1>, vector<16xf32>
        %select_n3A_1639 = arith.select %gt3A_1637, %select_n3A_1591, %select_n3A_1634 : vector<16xi1>, vector<16xf32>
        %select_n3A_1640 = arith.select %gt3A_1637, %select_n3A_1636, %select_n3A_1593 : vector<16xi1>, vector<16xi32>
        %select_n3A_1641 = arith.select %gt3A_1637, %select_n3A_1593, %select_n3A_1636 : vector<16xi1>, vector<16xi32>
        %gt3A_1642 = arith.cmpf ogt, %select_n3A_1639, %select_n3A_1596 : vector<16xf32>
        %select_n3A_1643 = arith.select %gt3A_1642, %select_n3A_1639, %select_n3A_1596 : vector<16xi1>, vector<16xf32>
        %select_n3A_1644 = arith.select %gt3A_1642, %select_n3A_1596, %select_n3A_1639 : vector<16xi1>, vector<16xf32>
        %select_n3A_1645 = arith.select %gt3A_1642, %select_n3A_1641, %select_n3A_1598 : vector<16xi1>, vector<16xi32>
        %select_n3A_1646 = arith.select %gt3A_1642, %select_n3A_1598, %select_n3A_1641 : vector<16xi1>, vector<16xi32>
        %get3A_1647 = arith.constant 34 : i32
        %get3A_1648 = arith.index_cast %get3A_1647 : i32 to index
        %get3A_1649 = arith.index_cast %mul3A_20 : i32 to index
        %get3A_1650 = tpu.vector_load %arg5[%get3A_1648, %get3A_1649] {strides = array<i32>} : memref<64x256xf32, #tpu.memory_space<vmem>>, vector<1x16xf32>,
        %get3A_1651 = vector.shape_cast %get3A_1650 : vector<1x16xf32> to vector<16xf32>
        %broadcast_in_dim3A_1652 = arith.constant 34 : i32
        %broadcast_in_dim3A_1653 = vector.broadcast %broadcast_in_dim3A_1652 : i32 to vector<16xi32>
        %gt3A_1654 = arith.cmpf ogt, %get3A_1651, %select_n3A_1608 : vector<16xf32>
        %select_n3A_1655 = arith.select %gt3A_1654, %get3A_1651, %select_n3A_1608 : vector<16xi1>, vector<16xf32>
        %select_n3A_1656 = arith.select %gt3A_1654, %select_n3A_1608, %get3A_1651 : vector<16xi1>, vector<16xf32>
        %select_n3A_1657 = arith.select %gt3A_1654, %broadcast_in_dim3A_1653, %select_n3A_1610 : vector<16xi1>, vector<16xi32>
        %select_n3A_1658 = arith.select %gt3A_1654, %select_n3A_1610, %broadcast_in_dim3A_1653 : vector<16xi1>, vector<16xi32>
        %gt3A_1659 = arith.cmpf ogt, %select_n3A_1656, %select_n3A_1613 : vector<16xf32>
        %select_n3A_1660 = arith.select %gt3A_1659, %select_n3A_1656, %select_n3A_1613 : vector<16xi1>, vector<16xf32>
        %select_n3A_1661 = arith.select %gt3A_1659, %select_n3A_1613, %select_n3A_1656 : vector<16xi1>, vector<16xf32>
        %select_n3A_1662 = arith.select %gt3A_1659, %select_n3A_1658, %select_n3A_1615 : vector<16xi1>, vector<16xi32>
        %select_n3A_1663 = arith.select %gt3A_1659, %select_n3A_1615, %select_n3A_1658 : vector<16xi1>, vector<16xi32>
        %gt3A_1664 = arith.cmpf ogt, %select_n3A_1661, %select_n3A_1618 : vector<16xf32>
        %select_n3A_1665 = arith.select %gt3A_1664, %select_n3A_1661, %select_n3A_1618 : vector<16xi1>, vector<16xf32>
        %select_n3A_1666 = arith.select %gt3A_1664, %select_n3A_1618, %select_n3A_1661 : vector<16xi1>, vector<16xf32>
        %select_n3A_1667 = arith.select %gt3A_1664, %select_n3A_1663, %select_n3A_1620 : vector<16xi1>, vector<16xi32>
        %select_n3A_1668 = arith.select %gt3A_1664, %select_n3A_1620, %select_n3A_1663 : vector<16xi1>, vector<16xi32>
        %gt3A_1669 = arith.cmpf ogt, %select_n3A_1666, %select_n3A_1623 : vector<16xf32>
        %select_n3A_1670 = arith.select %gt3A_1669, %select_n3A_1666, %select_n3A_1623 : vector<16xi1>, vector<16xf32>
        %select_n3A_1671 = arith.select %gt3A_1669, %select_n3A_1623, %select_n3A_1666 : vector<16xi1>, vector<16xf32>
        %select_n3A_1672 = arith.select %gt3A_1669, %select_n3A_1668, %select_n3A_1625 : vector<16xi1>, vector<16xi32>
        %select_n3A_1673 = arith.select %gt3A_1669, %select_n3A_1625, %select_n3A_1668 : vector<16xi1>, vector<16xi32>
        %gt3A_1674 = arith.cmpf ogt, %select_n3A_1671, %select_n3A_1628 : vector<16xf32>
        %select_n3A_1675 = arith.select %gt3A_1674, %select_n3A_1671, %select_n3A_1628 : vector<16xi1>, vector<16xf32>
        %select_n3A_1676 = arith.select %gt3A_1674, %select_n3A_1628, %select_n3A_1671 : vector<16xi1>, vector<16xf32>
        %select_n3A_1677 = arith.select %gt3A_1674, %select_n3A_1673, %select_n3A_1630 : vector<16xi1>, vector<16xi32>
        %select_n3A_1678 = arith.select %gt3A_1674, %select_n3A_1630, %select_n3A_1673 : vector<16xi1>, vector<16xi32>
        %gt3A_1679 = arith.cmpf ogt, %select_n3A_1676, %select_n3A_1633 : vector<16xf32>
        %select_n3A_1680 = arith.select %gt3A_1679, %select_n3A_1676, %select_n3A_1633 : vector<16xi1>, vector<16xf32>
        %select_n3A_1681 = arith.select %gt3A_1679, %select_n3A_1633, %select_n3A_1676 : vector<16xi1>, vector<16xf32>
        %select_n3A_1682 = arith.select %gt3A_1679, %select_n3A_1678, %select_n3A_1635 : vector<16xi1>, vector<16xi32>
        %select_n3A_1683 = arith.select %gt3A_1679, %select_n3A_1635, %select_n3A_1678 : vector<16xi1>, vector<16xi32>
        %gt3A_1684 = arith.cmpf ogt, %select_n3A_1681, %select_n3A_1638 : vector<16xf32>
        %select_n3A_1685 = arith.select %gt3A_1684, %select_n3A_1681, %select_n3A_1638 : vector<16xi1>, vector<16xf32>
        %select_n3A_1686 = arith.select %gt3A_1684, %select_n3A_1638, %select_n3A_1681 : vector<16xi1>, vector<16xf32>
        %select_n3A_1687 = arith.select %gt3A_1684, %select_n3A_1683, %select_n3A_1640 : vector<16xi1>, vector<16xi32>
        %select_n3A_1688 = arith.select %gt3A_1684, %select_n3A_1640, %select_n3A_1683 : vector<16xi1>, vector<16xi32>
        %gt3A_1689 = arith.cmpf ogt, %select_n3A_1686, %select_n3A_1643 : vector<16xf32>
        %select_n3A_1690 = arith.select %gt3A_1689, %select_n3A_1686, %select_n3A_1643 : vector<16xi1>, vector<16xf32>
        %select_n3A_1691 = arith.select %gt3A_1689, %select_n3A_1643, %select_n3A_1686 : vector<16xi1>, vector<16xf32>
        %select_n3A_1692 = arith.select %gt3A_1689, %select_n3A_1688, %select_n3A_1645 : vector<16xi1>, vector<16xi32>
        %select_n3A_1693 = arith.select %gt3A_1689, %select_n3A_1645, %select_n3A_1688 : vector<16xi1>, vector<16xi32>
        %get3A_1694 = arith.constant 35 : i32
        %get3A_1695 = arith.index_cast %get3A_1694 : i32 to index
        %get3A_1696 = arith.index_cast %mul3A_20 : i32 to index
        %get3A_1697 = tpu.vector_load %arg5[%get3A_1695, %get3A_1696] {strides = array<i32>} : memref<64x256xf32, #tpu.memory_space<vmem>>, vector<1x16xf32>,
        %get3A_1698 = vector.shape_cast %get3A_1697 : vector<1x16xf32> to vector<16xf32>
        %broadcast_in_dim3A_1699 = arith.constant 35 : i32
        %broadcast_in_dim3A_1700 = vector.broadcast %broadcast_in_dim3A_1699 : i32 to vector<16xi32>
        %gt3A_1701 = arith.cmpf ogt, %get3A_1698, %select_n3A_1655 : vector<16xf32>
        %select_n3A_1702 = arith.select %gt3A_1701, %get3A_1698, %select_n3A_1655 : vector<16xi1>, vector<16xf32>
        %select_n3A_1703 = arith.select %gt3A_1701, %select_n3A_1655, %get3A_1698 : vector<16xi1>, vector<16xf32>
        %select_n3A_1704 = arith.select %gt3A_1701, %broadcast_in_dim3A_1700, %select_n3A_1657 : vector<16xi1>, vector<16xi32>
        %select_n3A_1705 = arith.select %gt3A_1701, %select_n3A_1657, %broadcast_in_dim3A_1700 : vector<16xi1>, vector<16xi32>
        %gt3A_1706 = arith.cmpf ogt, %select_n3A_1703, %select_n3A_1660 : vector<16xf32>
        %select_n3A_1707 = arith.select %gt3A_1706, %select_n3A_1703, %select_n3A_1660 : vector<16xi1>, vector<16xf32>
        %select_n3A_1708 = arith.select %gt3A_1706, %select_n3A_1660, %select_n3A_1703 : vector<16xi1>, vector<16xf32>
        %select_n3A_1709 = arith.select %gt3A_1706, %select_n3A_1705, %select_n3A_1662 : vector<16xi1>, vector<16xi32>
        %select_n3A_1710 = arith.select %gt3A_1706, %select_n3A_1662, %select_n3A_1705 : vector<16xi1>, vector<16xi32>
        %gt3A_1711 = arith.cmpf ogt, %select_n3A_1708, %select_n3A_1665 : vector<16xf32>
        %select_n3A_1712 = arith.select %gt3A_1711, %select_n3A_1708, %select_n3A_1665 : vector<16xi1>, vector<16xf32>
        %select_n3A_1713 = arith.select %gt3A_1711, %select_n3A_1665, %select_n3A_1708 : vector<16xi1>, vector<16xf32>
        %select_n3A_1714 = arith.select %gt3A_1711, %select_n3A_1710, %select_n3A_1667 : vector<16xi1>, vector<16xi32>
        %select_n3A_1715 = arith.select %gt3A_1711, %select_n3A_1667, %select_n3A_1710 : vector<16xi1>, vector<16xi32>
        %gt3A_1716 = arith.cmpf ogt, %select_n3A_1713, %select_n3A_1670 : vector<16xf32>
        %select_n3A_1717 = arith.select %gt3A_1716, %select_n3A_1713, %select_n3A_1670 : vector<16xi1>, vector<16xf32>
        %select_n3A_1718 = arith.select %gt3A_1716, %select_n3A_1670, %select_n3A_1713 : vector<16xi1>, vector<16xf32>
        %select_n3A_1719 = arith.select %gt3A_1716, %select_n3A_1715, %select_n3A_1672 : vector<16xi1>, vector<16xi32>
        %select_n3A_1720 = arith.select %gt3A_1716, %select_n3A_1672, %select_n3A_1715 : vector<16xi1>, vector<16xi32>
        %gt3A_1721 = arith.cmpf ogt, %select_n3A_1718, %select_n3A_1675 : vector<16xf32>
        %select_n3A_1722 = arith.select %gt3A_1721, %select_n3A_1718, %select_n3A_1675 : vector<16xi1>, vector<16xf32>
        %select_n3A_1723 = arith.select %gt3A_1721, %select_n3A_1675, %select_n3A_1718 : vector<16xi1>, vector<16xf32>
        %select_n3A_1724 = arith.select %gt3A_1721, %select_n3A_1720, %select_n3A_1677 : vector<16xi1>, vector<16xi32>
        %select_n3A_1725 = arith.select %gt3A_1721, %select_n3A_1677, %select_n3A_1720 : vector<16xi1>, vector<16xi32>
        %gt3A_1726 = arith.cmpf ogt, %select_n3A_1723, %select_n3A_1680 : vector<16xf32>
        %select_n3A_1727 = arith.select %gt3A_1726, %select_n3A_1723, %select_n3A_1680 : vector<16xi1>, vector<16xf32>
        %select_n3A_1728 = arith.select %gt3A_1726, %select_n3A_1680, %select_n3A_1723 : vector<16xi1>, vector<16xf32>
        %select_n3A_1729 = arith.select %gt3A_1726, %select_n3A_1725, %select_n3A_1682 : vector<16xi1>, vector<16xi32>
        %select_n3A_1730 = arith.select %gt3A_1726, %select_n3A_1682, %select_n3A_1725 : vector<16xi1>, vector<16xi32>
        %gt3A_1731 = arith.cmpf ogt, %select_n3A_1728, %select_n3A_1685 : vector<16xf32>
        %select_n3A_1732 = arith.select %gt3A_1731, %select_n3A_1728, %select_n3A_1685 : vector<16xi1>, vector<16xf32>
        %select_n3A_1733 = arith.select %gt3A_1731, %select_n3A_1685, %select_n3A_1728 : vector<16xi1>, vector<16xf32>
        %select_n3A_1734 = arith.select %gt3A_1731, %select_n3A_1730, %select_n3A_1687 : vector<16xi1>, vector<16xi32>
        %select_n3A_1735 = arith.select %gt3A_1731, %select_n3A_1687, %select_n3A_1730 : vector<16xi1>, vector<16xi32>
        %gt3A_1736 = arith.cmpf ogt, %select_n3A_1733, %select_n3A_1690 : vector<16xf32>
        %select_n3A_1737 = arith.select %gt3A_1736, %select_n3A_1733, %select_n3A_1690 : vector<16xi1>, vector<16xf32>
        %select_n3A_1738 = arith.select %gt3A_1736, %select_n3A_1690, %select_n3A_1733 : vector<16xi1>, vector<16xf32>
        %select_n3A_1739 = arith.select %gt3A_1736, %select_n3A_1735, %select_n3A_1692 : vector<16xi1>, vector<16xi32>
        %select_n3A_1740 = arith.select %gt3A_1736, %select_n3A_1692, %select_n3A_1735 : vector<16xi1>, vector<16xi32>
        %get3A_1741 = arith.constant 36 : i32
        %get3A_1742 = arith.index_cast %get3A_1741 : i32 to index
        %get3A_1743 = arith.index_cast %mul3A_20 : i32 to index
        %get3A_1744 = tpu.vector_load %arg5[%get3A_1742, %get3A_1743] {strides = array<i32>} : memref<64x256xf32, #tpu.memory_space<vmem>>, vector<1x16xf32>,
        %get3A_1745 = vector.shape_cast %get3A_1744 : vector<1x16xf32> to vector<16xf32>
        %broadcast_in_dim3A_1746 = arith.constant 36 : i32
        %broadcast_in_dim3A_1747 = vector.broadcast %broadcast_in_dim3A_1746 : i32 to vector<16xi32>
        %gt3A_1748 = arith.cmpf ogt, %get3A_1745, %select_n3A_1702 : vector<16xf32>
        %select_n3A_1749 = arith.select %gt3A_1748, %get3A_1745, %select_n3A_1702 : vector<16xi1>, vector<16xf32>
        %select_n3A_1750 = arith.select %gt3A_1748, %select_n3A_1702, %get3A_1745 : vector<16xi1>, vector<16xf32>
        %select_n3A_1751 = arith.select %gt3A_1748, %broadcast_in_dim3A_1747, %select_n3A_1704 : vector<16xi1>, vector<16xi32>
        %select_n3A_1752 = arith.select %gt3A_1748, %select_n3A_1704, %broadcast_in_dim3A_1747 : vector<16xi1>, vector<16xi32>
        %gt3A_1753 = arith.cmpf ogt, %select_n3A_1750, %select_n3A_1707 : vector<16xf32>
        %select_n3A_1754 = arith.select %gt3A_1753, %select_n3A_1750, %select_n3A_1707 : vector<16xi1>, vector<16xf32>
        %select_n3A_1755 = arith.select %gt3A_1753, %select_n3A_1707, %select_n3A_1750 : vector<16xi1>, vector<16xf32>
        %select_n3A_1756 = arith.select %gt3A_1753, %select_n3A_1752, %select_n3A_1709 : vector<16xi1>, vector<16xi32>
        %select_n3A_1757 = arith.select %gt3A_1753, %select_n3A_1709, %select_n3A_1752 : vector<16xi1>, vector<16xi32>
        %gt3A_1758 = arith.cmpf ogt, %select_n3A_1755, %select_n3A_1712 : vector<16xf32>
        %select_n3A_1759 = arith.select %gt3A_1758, %select_n3A_1755, %select_n3A_1712 : vector<16xi1>, vector<16xf32>
        %select_n3A_1760 = arith.select %gt3A_1758, %select_n3A_1712, %select_n3A_1755 : vector<16xi1>, vector<16xf32>
        %select_n3A_1761 = arith.select %gt3A_1758, %select_n3A_1757, %select_n3A_1714 : vector<16xi1>, vector<16xi32>
        %select_n3A_1762 = arith.select %gt3A_1758, %select_n3A_1714, %select_n3A_1757 : vector<16xi1>, vector<16xi32>
        %gt3A_1763 = arith.cmpf ogt, %select_n3A_1760, %select_n3A_1717 : vector<16xf32>
        %select_n3A_1764 = arith.select %gt3A_1763, %select_n3A_1760, %select_n3A_1717 : vector<16xi1>, vector<16xf32>
        %select_n3A_1765 = arith.select %gt3A_1763, %select_n3A_1717, %select_n3A_1760 : vector<16xi1>, vector<16xf32>
        %select_n3A_1766 = arith.select %gt3A_1763, %select_n3A_1762, %select_n3A_1719 : vector<16xi1>, vector<16xi32>
        %select_n3A_1767 = arith.select %gt3A_1763, %select_n3A_1719, %select_n3A_1762 : vector<16xi1>, vector<16xi32>
        %gt3A_1768 = arith.cmpf ogt, %select_n3A_1765, %select_n3A_1722 : vector<16xf32>
        %select_n3A_1769 = arith.select %gt3A_1768, %select_n3A_1765, %select_n3A_1722 : vector<16xi1>, vector<16xf32>
        %select_n3A_1770 = arith.select %gt3A_1768, %select_n3A_1722, %select_n3A_1765 : vector<16xi1>, vector<16xf32>
        %select_n3A_1771 = arith.select %gt3A_1768, %select_n3A_1767, %select_n3A_1724 : vector<16xi1>, vector<16xi32>
        %select_n3A_1772 = arith.select %gt3A_1768, %select_n3A_1724, %select_n3A_1767 : vector<16xi1>, vector<16xi32>
        %gt3A_1773 = arith.cmpf ogt, %select_n3A_1770, %select_n3A_1727 : vector<16xf32>
        %select_n3A_1774 = arith.select %gt3A_1773, %select_n3A_1770, %select_n3A_1727 : vector<16xi1>, vector<16xf32>
        %select_n3A_1775 = arith.select %gt3A_1773, %select_n3A_1727, %select_n3A_1770 : vector<16xi1>, vector<16xf32>
        %select_n3A_1776 = arith.select %gt3A_1773, %select_n3A_1772, %select_n3A_1729 : vector<16xi1>, vector<16xi32>
        %select_n3A_1777 = arith.select %gt3A_1773, %select_n3A_1729, %select_n3A_1772 : vector<16xi1>, vector<16xi32>
        %gt3A_1778 = arith.cmpf ogt, %select_n3A_1775, %select_n3A_1732 : vector<16xf32>
        %select_n3A_1779 = arith.select %gt3A_1778, %select_n3A_1775, %select_n3A_1732 : vector<16xi1>, vector<16xf32>
        %select_n3A_1780 = arith.select %gt3A_1778, %select_n3A_1732, %select_n3A_1775 : vector<16xi1>, vector<16xf32>
        %select_n3A_1781 = arith.select %gt3A_1778, %select_n3A_1777, %select_n3A_1734 : vector<16xi1>, vector<16xi32>
        %select_n3A_1782 = arith.select %gt3A_1778, %select_n3A_1734, %select_n3A_1777 : vector<16xi1>, vector<16xi32>
        %gt3A_1783 = arith.cmpf ogt, %select_n3A_1780, %select_n3A_1737 : vector<16xf32>
        %select_n3A_1784 = arith.select %gt3A_1783, %select_n3A_1780, %select_n3A_1737 : vector<16xi1>, vector<16xf32>
        %select_n3A_1785 = arith.select %gt3A_1783, %select_n3A_1737, %select_n3A_1780 : vector<16xi1>, vector<16xf32>
        %select_n3A_1786 = arith.select %gt3A_1783, %select_n3A_1782, %select_n3A_1739 : vector<16xi1>, vector<16xi32>
        %select_n3A_1787 = arith.select %gt3A_1783, %select_n3A_1739, %select_n3A_1782 : vector<16xi1>, vector<16xi32>
        %get3A_1788 = arith.constant 37 : i32
        %get3A_1789 = arith.index_cast %get3A_1788 : i32 to index
        %get3A_1790 = arith.index_cast %mul3A_20 : i32 to index
        %get3A_1791 = tpu.vector_load %arg5[%get3A_1789, %get3A_1790] {strides = array<i32>} : memref<64x256xf32, #tpu.memory_space<vmem>>, vector<1x16xf32>,
        %get3A_1792 = vector.shape_cast %get3A_1791 : vector<1x16xf32> to vector<16xf32>
        %broadcast_in_dim3A_1793 = arith.constant 37 : i32
        %broadcast_in_dim3A_1794 = vector.broadcast %broadcast_in_dim3A_1793 : i32 to vector<16xi32>
        %gt3A_1795 = arith.cmpf ogt, %get3A_1792, %select_n3A_1749 : vector<16xf32>
        %select_n3A_1796 = arith.select %gt3A_1795, %get3A_1792, %select_n3A_1749 : vector<16xi1>, vector<16xf32>
        %select_n3A_1797 = arith.select %gt3A_1795, %select_n3A_1749, %get3A_1792 : vector<16xi1>, vector<16xf32>
        %select_n3A_1798 = arith.select %gt3A_1795, %broadcast_in_dim3A_1794, %select_n3A_1751 : vector<16xi1>, vector<16xi32>
        %select_n3A_1799 = arith.select %gt3A_1795, %select_n3A_1751, %broadcast_in_dim3A_1794 : vector<16xi1>, vector<16xi32>
        %gt3A_1800 = arith.cmpf ogt, %select_n3A_1797, %select_n3A_1754 : vector<16xf32>
        %select_n3A_1801 = arith.select %gt3A_1800, %select_n3A_1797, %select_n3A_1754 : vector<16xi1>, vector<16xf32>
        %select_n3A_1802 = arith.select %gt3A_1800, %select_n3A_1754, %select_n3A_1797 : vector<16xi1>, vector<16xf32>
        %select_n3A_1803 = arith.select %gt3A_1800, %select_n3A_1799, %select_n3A_1756 : vector<16xi1>, vector<16xi32>
        %select_n3A_1804 = arith.select %gt3A_1800, %select_n3A_1756, %select_n3A_1799 : vector<16xi1>, vector<16xi32>
        %gt3A_1805 = arith.cmpf ogt, %select_n3A_1802, %select_n3A_1759 : vector<16xf32>
        %select_n3A_1806 = arith.select %gt3A_1805, %select_n3A_1802, %select_n3A_1759 : vector<16xi1>, vector<16xf32>
        %select_n3A_1807 = arith.select %gt3A_1805, %select_n3A_1759, %select_n3A_1802 : vector<16xi1>, vector<16xf32>
        %select_n3A_1808 = arith.select %gt3A_1805, %select_n3A_1804, %select_n3A_1761 : vector<16xi1>, vector<16xi32>
        %select_n3A_1809 = arith.select %gt3A_1805, %select_n3A_1761, %select_n3A_1804 : vector<16xi1>, vector<16xi32>
        %gt3A_1810 = arith.cmpf ogt, %select_n3A_1807, %select_n3A_1764 : vector<16xf32>
        %select_n3A_1811 = arith.select %gt3A_1810, %select_n3A_1807, %select_n3A_1764 : vector<16xi1>, vector<16xf32>
        %select_n3A_1812 = arith.select %gt3A_1810, %select_n3A_1764, %select_n3A_1807 : vector<16xi1>, vector<16xf32>
        %select_n3A_1813 = arith.select %gt3A_1810, %select_n3A_1809, %select_n3A_1766 : vector<16xi1>, vector<16xi32>
        %select_n3A_1814 = arith.select %gt3A_1810, %select_n3A_1766, %select_n3A_1809 : vector<16xi1>, vector<16xi32>
        %gt3A_1815 = arith.cmpf ogt, %select_n3A_1812, %select_n3A_1769 : vector<16xf32>
        %select_n3A_1816 = arith.select %gt3A_1815, %select_n3A_1812, %select_n3A_1769 : vector<16xi1>, vector<16xf32>
        %select_n3A_1817 = arith.select %gt3A_1815, %select_n3A_1769, %select_n3A_1812 : vector<16xi1>, vector<16xf32>
        %select_n3A_1818 = arith.select %gt3A_1815, %select_n3A_1814, %select_n3A_1771 : vector<16xi1>, vector<16xi32>
        %select_n3A_1819 = arith.select %gt3A_1815, %select_n3A_1771, %select_n3A_1814 : vector<16xi1>, vector<16xi32>
        %gt3A_1820 = arith.cmpf ogt, %select_n3A_1817, %select_n3A_1774 : vector<16xf32>
        %select_n3A_1821 = arith.select %gt3A_1820, %select_n3A_1817, %select_n3A_1774 : vector<16xi1>, vector<16xf32>
        %select_n3A_1822 = arith.select %gt3A_1820, %select_n3A_1774, %select_n3A_1817 : vector<16xi1>, vector<16xf32>
        %select_n3A_1823 = arith.select %gt3A_1820, %select_n3A_1819, %select_n3A_1776 : vector<16xi1>, vector<16xi32>
        %select_n3A_1824 = arith.select %gt3A_1820, %select_n3A_1776, %select_n3A_1819 : vector<16xi1>, vector<16xi32>
        %gt3A_1825 = arith.cmpf ogt, %select_n3A_1822, %select_n3A_1779 : vector<16xf32>
        %select_n3A_1826 = arith.select %gt3A_1825, %select_n3A_1822, %select_n3A_1779 : vector<16xi1>, vector<16xf32>
        %select_n3A_1827 = arith.select %gt3A_1825, %select_n3A_1779, %select_n3A_1822 : vector<16xi1>, vector<16xf32>
        %select_n3A_1828 = arith.select %gt3A_1825, %select_n3A_1824, %select_n3A_1781 : vector<16xi1>, vector<16xi32>
        %select_n3A_1829 = arith.select %gt3A_1825, %select_n3A_1781, %select_n3A_1824 : vector<16xi1>, vector<16xi32>
        %gt3A_1830 = arith.cmpf ogt, %select_n3A_1827, %select_n3A_1784 : vector<16xf32>
        %select_n3A_1831 = arith.select %gt3A_1830, %select_n3A_1827, %select_n3A_1784 : vector<16xi1>, vector<16xf32>
        %select_n3A_1832 = arith.select %gt3A_1830, %select_n3A_1784, %select_n3A_1827 : vector<16xi1>, vector<16xf32>
        %select_n3A_1833 = arith.select %gt3A_1830, %select_n3A_1829, %select_n3A_1786 : vector<16xi1>, vector<16xi32>
        %select_n3A_1834 = arith.select %gt3A_1830, %select_n3A_1786, %select_n3A_1829 : vector<16xi1>, vector<16xi32>
        %get3A_1835 = arith.constant 38 : i32
        %get3A_1836 = arith.index_cast %get3A_1835 : i32 to index
        %get3A_1837 = arith.index_cast %mul3A_20 : i32 to index
        %get3A_1838 = tpu.vector_load %arg5[%get3A_1836, %get3A_1837] {strides = array<i32>} : memref<64x256xf32, #tpu.memory_space<vmem>>, vector<1x16xf32>,
        %get3A_1839 = vector.shape_cast %get3A_1838 : vector<1x16xf32> to vector<16xf32>
        %broadcast_in_dim3A_1840 = arith.constant 38 : i32
        %broadcast_in_dim3A_1841 = vector.broadcast %broadcast_in_dim3A_1840 : i32 to vector<16xi32>
        %gt3A_1842 = arith.cmpf ogt, %get3A_1839, %select_n3A_1796 : vector<16xf32>
        %select_n3A_1843 = arith.select %gt3A_1842, %get3A_1839, %select_n3A_1796 : vector<16xi1>, vector<16xf32>
        %select_n3A_1844 = arith.select %gt3A_1842, %select_n3A_1796, %get3A_1839 : vector<16xi1>, vector<16xf32>
        %select_n3A_1845 = arith.select %gt3A_1842, %broadcast_in_dim3A_1841, %select_n3A_1798 : vector<16xi1>, vector<16xi32>
        %select_n3A_1846 = arith.select %gt3A_1842, %select_n3A_1798, %broadcast_in_dim3A_1841 : vector<16xi1>, vector<16xi32>
        %gt3A_1847 = arith.cmpf ogt, %select_n3A_1844, %select_n3A_1801 : vector<16xf32>
        %select_n3A_1848 = arith.select %gt3A_1847, %select_n3A_1844, %select_n3A_1801 : vector<16xi1>, vector<16xf32>
        %select_n3A_1849 = arith.select %gt3A_1847, %select_n3A_1801, %select_n3A_1844 : vector<16xi1>, vector<16xf32>
        %select_n3A_1850 = arith.select %gt3A_1847, %select_n3A_1846, %select_n3A_1803 : vector<16xi1>, vector<16xi32>
        %select_n3A_1851 = arith.select %gt3A_1847, %select_n3A_1803, %select_n3A_1846 : vector<16xi1>, vector<16xi32>
        %gt3A_1852 = arith.cmpf ogt, %select_n3A_1849, %select_n3A_1806 : vector<16xf32>
        %select_n3A_1853 = arith.select %gt3A_1852, %select_n3A_1849, %select_n3A_1806 : vector<16xi1>, vector<16xf32>
        %select_n3A_1854 = arith.select %gt3A_1852, %select_n3A_1806, %select_n3A_1849 : vector<16xi1>, vector<16xf32>
        %select_n3A_1855 = arith.select %gt3A_1852, %select_n3A_1851, %select_n3A_1808 : vector<16xi1>, vector<16xi32>
        %select_n3A_1856 = arith.select %gt3A_1852, %select_n3A_1808, %select_n3A_1851 : vector<16xi1>, vector<16xi32>
        %gt3A_1857 = arith.cmpf ogt, %select_n3A_1854, %select_n3A_1811 : vector<16xf32>
        %select_n3A_1858 = arith.select %gt3A_1857, %select_n3A_1854, %select_n3A_1811 : vector<16xi1>, vector<16xf32>
        %select_n3A_1859 = arith.select %gt3A_1857, %select_n3A_1811, %select_n3A_1854 : vector<16xi1>, vector<16xf32>
        %select_n3A_1860 = arith.select %gt3A_1857, %select_n3A_1856, %select_n3A_1813 : vector<16xi1>, vector<16xi32>
        %select_n3A_1861 = arith.select %gt3A_1857, %select_n3A_1813, %select_n3A_1856 : vector<16xi1>, vector<16xi32>
        %gt3A_1862 = arith.cmpf ogt, %select_n3A_1859, %select_n3A_1816 : vector<16xf32>
        %select_n3A_1863 = arith.select %gt3A_1862, %select_n3A_1859, %select_n3A_1816 : vector<16xi1>, vector<16xf32>
        %select_n3A_1864 = arith.select %gt3A_1862, %select_n3A_1816, %select_n3A_1859 : vector<16xi1>, vector<16xf32>
        %select_n3A_1865 = arith.select %gt3A_1862, %select_n3A_1861, %select_n3A_1818 : vector<16xi1>, vector<16xi32>
        %select_n3A_1866 = arith.select %gt3A_1862, %select_n3A_1818, %select_n3A_1861 : vector<16xi1>, vector<16xi32>
        %gt3A_1867 = arith.cmpf ogt, %select_n3A_1864, %select_n3A_1821 : vector<16xf32>
        %select_n3A_1868 = arith.select %gt3A_1867, %select_n3A_1864, %select_n3A_1821 : vector<16xi1>, vector<16xf32>
        %select_n3A_1869 = arith.select %gt3A_1867, %select_n3A_1821, %select_n3A_1864 : vector<16xi1>, vector<16xf32>
        %select_n3A_1870 = arith.select %gt3A_1867, %select_n3A_1866, %select_n3A_1823 : vector<16xi1>, vector<16xi32>
        %select_n3A_1871 = arith.select %gt3A_1867, %select_n3A_1823, %select_n3A_1866 : vector<16xi1>, vector<16xi32>
        %gt3A_1872 = arith.cmpf ogt, %select_n3A_1869, %select_n3A_1826 : vector<16xf32>
        %select_n3A_1873 = arith.select %gt3A_1872, %select_n3A_1869, %select_n3A_1826 : vector<16xi1>, vector<16xf32>
        %select_n3A_1874 = arith.select %gt3A_1872, %select_n3A_1826, %select_n3A_1869 : vector<16xi1>, vector<16xf32>
        %select_n3A_1875 = arith.select %gt3A_1872, %select_n3A_1871, %select_n3A_1828 : vector<16xi1>, vector<16xi32>
        %select_n3A_1876 = arith.select %gt3A_1872, %select_n3A_1828, %select_n3A_1871 : vector<16xi1>, vector<16xi32>
        %gt3A_1877 = arith.cmpf ogt, %select_n3A_1874, %select_n3A_1831 : vector<16xf32>
        %select_n3A_1878 = arith.select %gt3A_1877, %select_n3A_1874, %select_n3A_1831 : vector<16xi1>, vector<16xf32>
        %select_n3A_1879 = arith.select %gt3A_1877, %select_n3A_1831, %select_n3A_1874 : vector<16xi1>, vector<16xf32>
        %select_n3A_1880 = arith.select %gt3A_1877, %select_n3A_1876, %select_n3A_1833 : vector<16xi1>, vector<16xi32>
        %select_n3A_1881 = arith.select %gt3A_1877, %select_n3A_1833, %select_n3A_1876 : vector<16xi1>, vector<16xi32>
        %get3A_1882 = arith.constant 39 : i32
        %get3A_1883 = arith.index_cast %get3A_1882 : i32 to index
        %get3A_1884 = arith.index_cast %mul3A_20 : i32 to index
        %get3A_1885 = tpu.vector_load %arg5[%get3A_1883, %get3A_1884] {strides = array<i32>} : memref<64x256xf32, #tpu.memory_space<vmem>>, vector<1x16xf32>,
        %get3A_1886 = vector.shape_cast %get3A_1885 : vector<1x16xf32> to vector<16xf32>
        %broadcast_in_dim3A_1887 = arith.constant 39 : i32
        %broadcast_in_dim3A_1888 = vector.broadcast %broadcast_in_dim3A_1887 : i32 to vector<16xi32>
        %gt3A_1889 = arith.cmpf ogt, %get3A_1886, %select_n3A_1843 : vector<16xf32>
        %select_n3A_1890 = arith.select %gt3A_1889, %get3A_1886, %select_n3A_1843 : vector<16xi1>, vector<16xf32>
        %select_n3A_1891 = arith.select %gt3A_1889, %select_n3A_1843, %get3A_1886 : vector<16xi1>, vector<16xf32>
        %select_n3A_1892 = arith.select %gt3A_1889, %broadcast_in_dim3A_1888, %select_n3A_1845 : vector<16xi1>, vector<16xi32>
        %select_n3A_1893 = arith.select %gt3A_1889, %select_n3A_1845, %broadcast_in_dim3A_1888 : vector<16xi1>, vector<16xi32>
        %gt3A_1894 = arith.cmpf ogt, %select_n3A_1891, %select_n3A_1848 : vector<16xf32>
        %select_n3A_1895 = arith.select %gt3A_1894, %select_n3A_1891, %select_n3A_1848 : vector<16xi1>, vector<16xf32>
        %select_n3A_1896 = arith.select %gt3A_1894, %select_n3A_1848, %select_n3A_1891 : vector<16xi1>, vector<16xf32>
        %select_n3A_1897 = arith.select %gt3A_1894, %select_n3A_1893, %select_n3A_1850 : vector<16xi1>, vector<16xi32>
        %select_n3A_1898 = arith.select %gt3A_1894, %select_n3A_1850, %select_n3A_1893 : vector<16xi1>, vector<16xi32>
        %gt3A_1899 = arith.cmpf ogt, %select_n3A_1896, %select_n3A_1853 : vector<16xf32>
        %select_n3A_1900 = arith.select %gt3A_1899, %select_n3A_1896, %select_n3A_1853 : vector<16xi1>, vector<16xf32>
        %select_n3A_1901 = arith.select %gt3A_1899, %select_n3A_1853, %select_n3A_1896 : vector<16xi1>, vector<16xf32>
        %select_n3A_1902 = arith.select %gt3A_1899, %select_n3A_1898, %select_n3A_1855 : vector<16xi1>, vector<16xi32>
        %select_n3A_1903 = arith.select %gt3A_1899, %select_n3A_1855, %select_n3A_1898 : vector<16xi1>, vector<16xi32>
        %gt3A_1904 = arith.cmpf ogt, %select_n3A_1901, %select_n3A_1858 : vector<16xf32>
        %select_n3A_1905 = arith.select %gt3A_1904, %select_n3A_1901, %select_n3A_1858 : vector<16xi1>, vector<16xf32>
        %select_n3A_1906 = arith.select %gt3A_1904, %select_n3A_1858, %select_n3A_1901 : vector<16xi1>, vector<16xf32>
        %select_n3A_1907 = arith.select %gt3A_1904, %select_n3A_1903, %select_n3A_1860 : vector<16xi1>, vector<16xi32>
        %select_n3A_1908 = arith.select %gt3A_1904, %select_n3A_1860, %select_n3A_1903 : vector<16xi1>, vector<16xi32>
        %gt3A_1909 = arith.cmpf ogt, %select_n3A_1906, %select_n3A_1863 : vector<16xf32>
        %select_n3A_1910 = arith.select %gt3A_1909, %select_n3A_1906, %select_n3A_1863 : vector<16xi1>, vector<16xf32>
        %select_n3A_1911 = arith.select %gt3A_1909, %select_n3A_1863, %select_n3A_1906 : vector<16xi1>, vector<16xf32>
        %select_n3A_1912 = arith.select %gt3A_1909, %select_n3A_1908, %select_n3A_1865 : vector<16xi1>, vector<16xi32>
        %select_n3A_1913 = arith.select %gt3A_1909, %select_n3A_1865, %select_n3A_1908 : vector<16xi1>, vector<16xi32>
        %gt3A_1914 = arith.cmpf ogt, %select_n3A_1911, %select_n3A_1868 : vector<16xf32>
        %select_n3A_1915 = arith.select %gt3A_1914, %select_n3A_1911, %select_n3A_1868 : vector<16xi1>, vector<16xf32>
        %select_n3A_1916 = arith.select %gt3A_1914, %select_n3A_1868, %select_n3A_1911 : vector<16xi1>, vector<16xf32>
        %select_n3A_1917 = arith.select %gt3A_1914, %select_n3A_1913, %select_n3A_1870 : vector<16xi1>, vector<16xi32>
        %select_n3A_1918 = arith.select %gt3A_1914, %select_n3A_1870, %select_n3A_1913 : vector<16xi1>, vector<16xi32>
        %gt3A_1919 = arith.cmpf ogt, %select_n3A_1916, %select_n3A_1873 : vector<16xf32>
        %select_n3A_1920 = arith.select %gt3A_1919, %select_n3A_1916, %select_n3A_1873 : vector<16xi1>, vector<16xf32>
        %select_n3A_1921 = arith.select %gt3A_1919, %select_n3A_1873, %select_n3A_1916 : vector<16xi1>, vector<16xf32>
        %select_n3A_1922 = arith.select %gt3A_1919, %select_n3A_1918, %select_n3A_1875 : vector<16xi1>, vector<16xi32>
        %select_n3A_1923 = arith.select %gt3A_1919, %select_n3A_1875, %select_n3A_1918 : vector<16xi1>, vector<16xi32>
        %gt3A_1924 = arith.cmpf ogt, %select_n3A_1921, %select_n3A_1878 : vector<16xf32>
        %select_n3A_1925 = arith.select %gt3A_1924, %select_n3A_1921, %select_n3A_1878 : vector<16xi1>, vector<16xf32>
        %select_n3A_1926 = arith.select %gt3A_1924, %select_n3A_1878, %select_n3A_1921 : vector<16xi1>, vector<16xf32>
        %select_n3A_1927 = arith.select %gt3A_1924, %select_n3A_1923, %select_n3A_1880 : vector<16xi1>, vector<16xi32>
        %select_n3A_1928 = arith.select %gt3A_1924, %select_n3A_1880, %select_n3A_1923 : vector<16xi1>, vector<16xi32>
        %get3A_1929 = arith.constant 40 : i32
        %get3A_1930 = arith.index_cast %get3A_1929 : i32 to index
        %get3A_1931 = arith.index_cast %mul3A_20 : i32 to index
        %get3A_1932 = tpu.vector_load %arg5[%get3A_1930, %get3A_1931] {strides = array<i32>} : memref<64x256xf32, #tpu.memory_space<vmem>>, vector<1x16xf32>,
        %get3A_1933 = vector.shape_cast %get3A_1932 : vector<1x16xf32> to vector<16xf32>
        %broadcast_in_dim3A_1934 = arith.constant 40 : i32
        %broadcast_in_dim3A_1935 = vector.broadcast %broadcast_in_dim3A_1934 : i32 to vector<16xi32>
        %gt3A_1936 = arith.cmpf ogt, %get3A_1933, %select_n3A_1890 : vector<16xf32>
        %select_n3A_1937 = arith.select %gt3A_1936, %get3A_1933, %select_n3A_1890 : vector<16xi1>, vector<16xf32>
        %select_n3A_1938 = arith.select %gt3A_1936, %select_n3A_1890, %get3A_1933 : vector<16xi1>, vector<16xf32>
        %select_n3A_1939 = arith.select %gt3A_1936, %broadcast_in_dim3A_1935, %select_n3A_1892 : vector<16xi1>, vector<16xi32>
        %select_n3A_1940 = arith.select %gt3A_1936, %select_n3A_1892, %broadcast_in_dim3A_1935 : vector<16xi1>, vector<16xi32>
        %gt3A_1941 = arith.cmpf ogt, %select_n3A_1938, %select_n3A_1895 : vector<16xf32>
        %select_n3A_1942 = arith.select %gt3A_1941, %select_n3A_1938, %select_n3A_1895 : vector<16xi1>, vector<16xf32>
        %select_n3A_1943 = arith.select %gt3A_1941, %select_n3A_1895, %select_n3A_1938 : vector<16xi1>, vector<16xf32>
        %select_n3A_1944 = arith.select %gt3A_1941, %select_n3A_1940, %select_n3A_1897 : vector<16xi1>, vector<16xi32>
        %select_n3A_1945 = arith.select %gt3A_1941, %select_n3A_1897, %select_n3A_1940 : vector<16xi1>, vector<16xi32>
        %gt3A_1946 = arith.cmpf ogt, %select_n3A_1943, %select_n3A_1900 : vector<16xf32>
        %select_n3A_1947 = arith.select %gt3A_1946, %select_n3A_1943, %select_n3A_1900 : vector<16xi1>, vector<16xf32>
        %select_n3A_1948 = arith.select %gt3A_1946, %select_n3A_1900, %select_n3A_1943 : vector<16xi1>, vector<16xf32>
        %select_n3A_1949 = arith.select %gt3A_1946, %select_n3A_1945, %select_n3A_1902 : vector<16xi1>, vector<16xi32>
        %select_n3A_1950 = arith.select %gt3A_1946, %select_n3A_1902, %select_n3A_1945 : vector<16xi1>, vector<16xi32>
        %gt3A_1951 = arith.cmpf ogt, %select_n3A_1948, %select_n3A_1905 : vector<16xf32>
        %select_n3A_1952 = arith.select %gt3A_1951, %select_n3A_1948, %select_n3A_1905 : vector<16xi1>, vector<16xf32>
        %select_n3A_1953 = arith.select %gt3A_1951, %select_n3A_1905, %select_n3A_1948 : vector<16xi1>, vector<16xf32>
        %select_n3A_1954 = arith.select %gt3A_1951, %select_n3A_1950, %select_n3A_1907 : vector<16xi1>, vector<16xi32>
        %select_n3A_1955 = arith.select %gt3A_1951, %select_n3A_1907, %select_n3A_1950 : vector<16xi1>, vector<16xi32>
        %gt3A_1956 = arith.cmpf ogt, %select_n3A_1953, %select_n3A_1910 : vector<16xf32>
        %select_n3A_1957 = arith.select %gt3A_1956, %select_n3A_1953, %select_n3A_1910 : vector<16xi1>, vector<16xf32>
        %select_n3A_1958 = arith.select %gt3A_1956, %select_n3A_1910, %select_n3A_1953 : vector<16xi1>, vector<16xf32>
        %select_n3A_1959 = arith.select %gt3A_1956, %select_n3A_1955, %select_n3A_1912 : vector<16xi1>, vector<16xi32>
        %select_n3A_1960 = arith.select %gt3A_1956, %select_n3A_1912, %select_n3A_1955 : vector<16xi1>, vector<16xi32>
        %gt3A_1961 = arith.cmpf ogt, %select_n3A_1958, %select_n3A_1915 : vector<16xf32>
        %select_n3A_1962 = arith.select %gt3A_1961, %select_n3A_1958, %select_n3A_1915 : vector<16xi1>, vector<16xf32>
        %select_n3A_1963 = arith.select %gt3A_1961, %select_n3A_1915, %select_n3A_1958 : vector<16xi1>, vector<16xf32>
        %select_n3A_1964 = arith.select %gt3A_1961, %select_n3A_1960, %select_n3A_1917 : vector<16xi1>, vector<16xi32>
        %select_n3A_1965 = arith.select %gt3A_1961, %select_n3A_1917, %select_n3A_1960 : vector<16xi1>, vector<16xi32>
        %gt3A_1966 = arith.cmpf ogt, %select_n3A_1963, %select_n3A_1920 : vector<16xf32>
        %select_n3A_1967 = arith.select %gt3A_1966, %select_n3A_1963, %select_n3A_1920 : vector<16xi1>, vector<16xf32>
        %select_n3A_1968 = arith.select %gt3A_1966, %select_n3A_1920, %select_n3A_1963 : vector<16xi1>, vector<16xf32>
        %select_n3A_1969 = arith.select %gt3A_1966, %select_n3A_1965, %select_n3A_1922 : vector<16xi1>, vector<16xi32>
        %select_n3A_1970 = arith.select %gt3A_1966, %select_n3A_1922, %select_n3A_1965 : vector<16xi1>, vector<16xi32>
        %gt3A_1971 = arith.cmpf ogt, %select_n3A_1968, %select_n3A_1925 : vector<16xf32>
        %select_n3A_1972 = arith.select %gt3A_1971, %select_n3A_1968, %select_n3A_1925 : vector<16xi1>, vector<16xf32>
        %select_n3A_1973 = arith.select %gt3A_1971, %select_n3A_1925, %select_n3A_1968 : vector<16xi1>, vector<16xf32>
        %select_n3A_1974 = arith.select %gt3A_1971, %select_n3A_1970, %select_n3A_1927 : vector<16xi1>, vector<16xi32>
        %select_n3A_1975 = arith.select %gt3A_1971, %select_n3A_1927, %select_n3A_1970 : vector<16xi1>, vector<16xi32>
        %get3A_1976 = arith.constant 41 : i32
        %get3A_1977 = arith.index_cast %get3A_1976 : i32 to index
        %get3A_1978 = arith.index_cast %mul3A_20 : i32 to index
        %get3A_1979 = tpu.vector_load %arg5[%get3A_1977, %get3A_1978] {strides = array<i32>} : memref<64x256xf32, #tpu.memory_space<vmem>>, vector<1x16xf32>,
        %get3A_1980 = vector.shape_cast %get3A_1979 : vector<1x16xf32> to vector<16xf32>
        %broadcast_in_dim3A_1981 = arith.constant 41 : i32
        %broadcast_in_dim3A_1982 = vector.broadcast %broadcast_in_dim3A_1981 : i32 to vector<16xi32>
        %gt3A_1983 = arith.cmpf ogt, %get3A_1980, %select_n3A_1937 : vector<16xf32>
        %select_n3A_1984 = arith.select %gt3A_1983, %get3A_1980, %select_n3A_1937 : vector<16xi1>, vector<16xf32>
        %select_n3A_1985 = arith.select %gt3A_1983, %select_n3A_1937, %get3A_1980 : vector<16xi1>, vector<16xf32>
        %select_n3A_1986 = arith.select %gt3A_1983, %broadcast_in_dim3A_1982, %select_n3A_1939 : vector<16xi1>, vector<16xi32>
        %select_n3A_1987 = arith.select %gt3A_1983, %select_n3A_1939, %broadcast_in_dim3A_1982 : vector<16xi1>, vector<16xi32>
        %gt3A_1988 = arith.cmpf ogt, %select_n3A_1985, %select_n3A_1942 : vector<16xf32>
        %select_n3A_1989 = arith.select %gt3A_1988, %select_n3A_1985, %select_n3A_1942 : vector<16xi1>, vector<16xf32>
        %select_n3A_1990 = arith.select %gt3A_1988, %select_n3A_1942, %select_n3A_1985 : vector<16xi1>, vector<16xf32>
        %select_n3A_1991 = arith.select %gt3A_1988, %select_n3A_1987, %select_n3A_1944 : vector<16xi1>, vector<16xi32>
        %select_n3A_1992 = arith.select %gt3A_1988, %select_n3A_1944, %select_n3A_1987 : vector<16xi1>, vector<16xi32>
        %gt3A_1993 = arith.cmpf ogt, %select_n3A_1990, %select_n3A_1947 : vector<16xf32>
        %select_n3A_1994 = arith.select %gt3A_1993, %select_n3A_1990, %select_n3A_1947 : vector<16xi1>, vector<16xf32>
        %select_n3A_1995 = arith.select %gt3A_1993, %select_n3A_1947, %select_n3A_1990 : vector<16xi1>, vector<16xf32>
        %select_n3A_1996 = arith.select %gt3A_1993, %select_n3A_1992, %select_n3A_1949 : vector<16xi1>, vector<16xi32>
        %select_n3A_1997 = arith.select %gt3A_1993, %select_n3A_1949, %select_n3A_1992 : vector<16xi1>, vector<16xi32>
        %gt3A_1998 = arith.cmpf ogt, %select_n3A_1995, %select_n3A_1952 : vector<16xf32>
        %select_n3A_1999 = arith.select %gt3A_1998, %select_n3A_1995, %select_n3A_1952 : vector<16xi1>, vector<16xf32>
        %select_n3A_2000 = arith.select %gt3A_1998, %select_n3A_1952, %select_n3A_1995 : vector<16xi1>, vector<16xf32>
        %select_n3A_2001 = arith.select %gt3A_1998, %select_n3A_1997, %select_n3A_1954 : vector<16xi1>, vector<16xi32>
        %select_n3A_2002 = arith.select %gt3A_1998, %select_n3A_1954, %select_n3A_1997 : vector<16xi1>, vector<16xi32>
        %gt3A_2003 = arith.cmpf ogt, %select_n3A_2000, %select_n3A_1957 : vector<16xf32>
        %select_n3A_2004 = arith.select %gt3A_2003, %select_n3A_2000, %select_n3A_1957 : vector<16xi1>, vector<16xf32>
        %select_n3A_2005 = arith.select %gt3A_2003, %select_n3A_1957, %select_n3A_2000 : vector<16xi1>, vector<16xf32>
        %select_n3A_2006 = arith.select %gt3A_2003, %select_n3A_2002, %select_n3A_1959 : vector<16xi1>, vector<16xi32>
        %select_n3A_2007 = arith.select %gt3A_2003, %select_n3A_1959, %select_n3A_2002 : vector<16xi1>, vector<16xi32>
        %gt3A_2008 = arith.cmpf ogt, %select_n3A_2005, %select_n3A_1962 : vector<16xf32>
        %select_n3A_2009 = arith.select %gt3A_2008, %select_n3A_2005, %select_n3A_1962 : vector<16xi1>, vector<16xf32>
        %select_n3A_2010 = arith.select %gt3A_2008, %select_n3A_1962, %select_n3A_2005 : vector<16xi1>, vector<16xf32>
        %select_n3A_2011 = arith.select %gt3A_2008, %select_n3A_2007, %select_n3A_1964 : vector<16xi1>, vector<16xi32>
        %select_n3A_2012 = arith.select %gt3A_2008, %select_n3A_1964, %select_n3A_2007 : vector<16xi1>, vector<16xi32>
        %gt3A_2013 = arith.cmpf ogt, %select_n3A_2010, %select_n3A_1967 : vector<16xf32>
        %select_n3A_2014 = arith.select %gt3A_2013, %select_n3A_2010, %select_n3A_1967 : vector<16xi1>, vector<16xf32>
        %select_n3A_2015 = arith.select %gt3A_2013, %select_n3A_1967, %select_n3A_2010 : vector<16xi1>, vector<16xf32>
        %select_n3A_2016 = arith.select %gt3A_2013, %select_n3A_2012, %select_n3A_1969 : vector<16xi1>, vector<16xi32>
        %select_n3A_2017 = arith.select %gt3A_2013, %select_n3A_1969, %select_n3A_2012 : vector<16xi1>, vector<16xi32>
        %gt3A_2018 = arith.cmpf ogt, %select_n3A_2015, %select_n3A_1972 : vector<16xf32>
        %select_n3A_2019 = arith.select %gt3A_2018, %select_n3A_2015, %select_n3A_1972 : vector<16xi1>, vector<16xf32>
        %select_n3A_2020 = arith.select %gt3A_2018, %select_n3A_1972, %select_n3A_2015 : vector<16xi1>, vector<16xf32>
        %select_n3A_2021 = arith.select %gt3A_2018, %select_n3A_2017, %select_n3A_1974 : vector<16xi1>, vector<16xi32>
        %select_n3A_2022 = arith.select %gt3A_2018, %select_n3A_1974, %select_n3A_2017 : vector<16xi1>, vector<16xi32>
        %get3A_2023 = arith.constant 42 : i32
        %get3A_2024 = arith.index_cast %get3A_2023 : i32 to index
        %get3A_2025 = arith.index_cast %mul3A_20 : i32 to index
        %get3A_2026 = tpu.vector_load %arg5[%get3A_2024, %get3A_2025] {strides = array<i32>} : memref<64x256xf32, #tpu.memory_space<vmem>>, vector<1x16xf32>,
        %get3A_2027 = vector.shape_cast %get3A_2026 : vector<1x16xf32> to vector<16xf32>
        %broadcast_in_dim3A_2028 = arith.constant 42 : i32
        %broadcast_in_dim3A_2029 = vector.broadcast %broadcast_in_dim3A_2028 : i32 to vector<16xi32>
        %gt3A_2030 = arith.cmpf ogt, %get3A_2027, %select_n3A_1984 : vector<16xf32>
        %select_n3A_2031 = arith.select %gt3A_2030, %get3A_2027, %select_n3A_1984 : vector<16xi1>, vector<16xf32>
        %select_n3A_2032 = arith.select %gt3A_2030, %select_n3A_1984, %get3A_2027 : vector<16xi1>, vector<16xf32>
        %select_n3A_2033 = arith.select %gt3A_2030, %broadcast_in_dim3A_2029, %select_n3A_1986 : vector<16xi1>, vector<16xi32>
        %select_n3A_2034 = arith.select %gt3A_2030, %select_n3A_1986, %broadcast_in_dim3A_2029 : vector<16xi1>, vector<16xi32>
        %gt3A_2035 = arith.cmpf ogt, %select_n3A_2032, %select_n3A_1989 : vector<16xf32>
        %select_n3A_2036 = arith.select %gt3A_2035, %select_n3A_2032, %select_n3A_1989 : vector<16xi1>, vector<16xf32>
        %select_n3A_2037 = arith.select %gt3A_2035, %select_n3A_1989, %select_n3A_2032 : vector<16xi1>, vector<16xf32>
        %select_n3A_2038 = arith.select %gt3A_2035, %select_n3A_2034, %select_n3A_1991 : vector<16xi1>, vector<16xi32>
        %select_n3A_2039 = arith.select %gt3A_2035, %select_n3A_1991, %select_n3A_2034 : vector<16xi1>, vector<16xi32>
        %gt3A_2040 = arith.cmpf ogt, %select_n3A_2037, %select_n3A_1994 : vector<16xf32>
        %select_n3A_2041 = arith.select %gt3A_2040, %select_n3A_2037, %select_n3A_1994 : vector<16xi1>, vector<16xf32>
        %select_n3A_2042 = arith.select %gt3A_2040, %select_n3A_1994, %select_n3A_2037 : vector<16xi1>, vector<16xf32>
        %select_n3A_2043 = arith.select %gt3A_2040, %select_n3A_2039, %select_n3A_1996 : vector<16xi1>, vector<16xi32>
        %select_n3A_2044 = arith.select %gt3A_2040, %select_n3A_1996, %select_n3A_2039 : vector<16xi1>, vector<16xi32>
        %gt3A_2045 = arith.cmpf ogt, %select_n3A_2042, %select_n3A_1999 : vector<16xf32>
        %select_n3A_2046 = arith.select %gt3A_2045, %select_n3A_2042, %select_n3A_1999 : vector<16xi1>, vector<16xf32>
        %select_n3A_2047 = arith.select %gt3A_2045, %select_n3A_1999, %select_n3A_2042 : vector<16xi1>, vector<16xf32>
        %select_n3A_2048 = arith.select %gt3A_2045, %select_n3A_2044, %select_n3A_2001 : vector<16xi1>, vector<16xi32>
        %select_n3A_2049 = arith.select %gt3A_2045, %select_n3A_2001, %select_n3A_2044 : vector<16xi1>, vector<16xi32>
        %gt3A_2050 = arith.cmpf ogt, %select_n3A_2047, %select_n3A_2004 : vector<16xf32>
        %select_n3A_2051 = arith.select %gt3A_2050, %select_n3A_2047, %select_n3A_2004 : vector<16xi1>, vector<16xf32>
        %select_n3A_2052 = arith.select %gt3A_2050, %select_n3A_2004, %select_n3A_2047 : vector<16xi1>, vector<16xf32>
        %select_n3A_2053 = arith.select %gt3A_2050, %select_n3A_2049, %select_n3A_2006 : vector<16xi1>, vector<16xi32>
        %select_n3A_2054 = arith.select %gt3A_2050, %select_n3A_2006, %select_n3A_2049 : vector<16xi1>, vector<16xi32>
        %gt3A_2055 = arith.cmpf ogt, %select_n3A_2052, %select_n3A_2009 : vector<16xf32>
        %select_n3A_2056 = arith.select %gt3A_2055, %select_n3A_2052, %select_n3A_2009 : vector<16xi1>, vector<16xf32>
        %select_n3A_2057 = arith.select %gt3A_2055, %select_n3A_2009, %select_n3A_2052 : vector<16xi1>, vector<16xf32>
        %select_n3A_2058 = arith.select %gt3A_2055, %select_n3A_2054, %select_n3A_2011 : vector<16xi1>, vector<16xi32>
        %select_n3A_2059 = arith.select %gt3A_2055, %select_n3A_2011, %select_n3A_2054 : vector<16xi1>, vector<16xi32>
        %gt3A_2060 = arith.cmpf ogt, %select_n3A_2057, %select_n3A_2014 : vector<16xf32>
        %select_n3A_2061 = arith.select %gt3A_2060, %select_n3A_2057, %select_n3A_2014 : vector<16xi1>, vector<16xf32>
        %select_n3A_2062 = arith.select %gt3A_2060, %select_n3A_2014, %select_n3A_2057 : vector<16xi1>, vector<16xf32>
        %select_n3A_2063 = arith.select %gt3A_2060, %select_n3A_2059, %select_n3A_2016 : vector<16xi1>, vector<16xi32>
        %select_n3A_2064 = arith.select %gt3A_2060, %select_n3A_2016, %select_n3A_2059 : vector<16xi1>, vector<16xi32>
        %gt3A_2065 = arith.cmpf ogt, %select_n3A_2062, %select_n3A_2019 : vector<16xf32>
        %select_n3A_2066 = arith.select %gt3A_2065, %select_n3A_2062, %select_n3A_2019 : vector<16xi1>, vector<16xf32>
        %select_n3A_2067 = arith.select %gt3A_2065, %select_n3A_2019, %select_n3A_2062 : vector<16xi1>, vector<16xf32>
        %select_n3A_2068 = arith.select %gt3A_2065, %select_n3A_2064, %select_n3A_2021 : vector<16xi1>, vector<16xi32>
        %select_n3A_2069 = arith.select %gt3A_2065, %select_n3A_2021, %select_n3A_2064 : vector<16xi1>, vector<16xi32>
        %get3A_2070 = arith.constant 43 : i32
        %get3A_2071 = arith.index_cast %get3A_2070 : i32 to index
        %get3A_2072 = arith.index_cast %mul3A_20 : i32 to index
        %get3A_2073 = tpu.vector_load %arg5[%get3A_2071, %get3A_2072] {strides = array<i32>} : memref<64x256xf32, #tpu.memory_space<vmem>>, vector<1x16xf32>,
        %get3A_2074 = vector.shape_cast %get3A_2073 : vector<1x16xf32> to vector<16xf32>
        %broadcast_in_dim3A_2075 = arith.constant 43 : i32
        %broadcast_in_dim3A_2076 = vector.broadcast %broadcast_in_dim3A_2075 : i32 to vector<16xi32>
        %gt3A_2077 = arith.cmpf ogt, %get3A_2074, %select_n3A_2031 : vector<16xf32>
        %select_n3A_2078 = arith.select %gt3A_2077, %get3A_2074, %select_n3A_2031 : vector<16xi1>, vector<16xf32>
        %select_n3A_2079 = arith.select %gt3A_2077, %select_n3A_2031, %get3A_2074 : vector<16xi1>, vector<16xf32>
        %select_n3A_2080 = arith.select %gt3A_2077, %broadcast_in_dim3A_2076, %select_n3A_2033 : vector<16xi1>, vector<16xi32>
        %select_n3A_2081 = arith.select %gt3A_2077, %select_n3A_2033, %broadcast_in_dim3A_2076 : vector<16xi1>, vector<16xi32>
        %gt3A_2082 = arith.cmpf ogt, %select_n3A_2079, %select_n3A_2036 : vector<16xf32>
        %select_n3A_2083 = arith.select %gt3A_2082, %select_n3A_2079, %select_n3A_2036 : vector<16xi1>, vector<16xf32>
        %select_n3A_2084 = arith.select %gt3A_2082, %select_n3A_2036, %select_n3A_2079 : vector<16xi1>, vector<16xf32>
        %select_n3A_2085 = arith.select %gt3A_2082, %select_n3A_2081, %select_n3A_2038 : vector<16xi1>, vector<16xi32>
        %select_n3A_2086 = arith.select %gt3A_2082, %select_n3A_2038, %select_n3A_2081 : vector<16xi1>, vector<16xi32>
        %gt3A_2087 = arith.cmpf ogt, %select_n3A_2084, %select_n3A_2041 : vector<16xf32>
        %select_n3A_2088 = arith.select %gt3A_2087, %select_n3A_2084, %select_n3A_2041 : vector<16xi1>, vector<16xf32>
        %select_n3A_2089 = arith.select %gt3A_2087, %select_n3A_2041, %select_n3A_2084 : vector<16xi1>, vector<16xf32>
        %select_n3A_2090 = arith.select %gt3A_2087, %select_n3A_2086, %select_n3A_2043 : vector<16xi1>, vector<16xi32>
        %select_n3A_2091 = arith.select %gt3A_2087, %select_n3A_2043, %select_n3A_2086 : vector<16xi1>, vector<16xi32>
        %gt3A_2092 = arith.cmpf ogt, %select_n3A_2089, %select_n3A_2046 : vector<16xf32>
        %select_n3A_2093 = arith.select %gt3A_2092, %select_n3A_2089, %select_n3A_2046 : vector<16xi1>, vector<16xf32>
        %select_n3A_2094 = arith.select %gt3A_2092, %select_n3A_2046, %select_n3A_2089 : vector<16xi1>, vector<16xf32>
        %select_n3A_2095 = arith.select %gt3A_2092, %select_n3A_2091, %select_n3A_2048 : vector<16xi1>, vector<16xi32>
        %select_n3A_2096 = arith.select %gt3A_2092, %select_n3A_2048, %select_n3A_2091 : vector<16xi1>, vector<16xi32>
        %gt3A_2097 = arith.cmpf ogt, %select_n3A_2094, %select_n3A_2051 : vector<16xf32>
        %select_n3A_2098 = arith.select %gt3A_2097, %select_n3A_2094, %select_n3A_2051 : vector<16xi1>, vector<16xf32>
        %select_n3A_2099 = arith.select %gt3A_2097, %select_n3A_2051, %select_n3A_2094 : vector<16xi1>, vector<16xf32>
        %select_n3A_2100 = arith.select %gt3A_2097, %select_n3A_2096, %select_n3A_2053 : vector<16xi1>, vector<16xi32>
        %select_n3A_2101 = arith.select %gt3A_2097, %select_n3A_2053, %select_n3A_2096 : vector<16xi1>, vector<16xi32>
        %gt3A_2102 = arith.cmpf ogt, %select_n3A_2099, %select_n3A_2056 : vector<16xf32>
        %select_n3A_2103 = arith.select %gt3A_2102, %select_n3A_2099, %select_n3A_2056 : vector<16xi1>, vector<16xf32>
        %select_n3A_2104 = arith.select %gt3A_2102, %select_n3A_2056, %select_n3A_2099 : vector<16xi1>, vector<16xf32>
        %select_n3A_2105 = arith.select %gt3A_2102, %select_n3A_2101, %select_n3A_2058 : vector<16xi1>, vector<16xi32>
        %select_n3A_2106 = arith.select %gt3A_2102, %select_n3A_2058, %select_n3A_2101 : vector<16xi1>, vector<16xi32>
        %gt3A_2107 = arith.cmpf ogt, %select_n3A_2104, %select_n3A_2061 : vector<16xf32>
        %select_n3A_2108 = arith.select %gt3A_2107, %select_n3A_2104, %select_n3A_2061 : vector<16xi1>, vector<16xf32>
        %select_n3A_2109 = arith.select %gt3A_2107, %select_n3A_2061, %select_n3A_2104 : vector<16xi1>, vector<16xf32>
        %select_n3A_2110 = arith.select %gt3A_2107, %select_n3A_2106, %select_n3A_2063 : vector<16xi1>, vector<16xi32>
        %select_n3A_2111 = arith.select %gt3A_2107, %select_n3A_2063, %select_n3A_2106 : vector<16xi1>, vector<16xi32>
        %gt3A_2112 = arith.cmpf ogt, %select_n3A_2109, %select_n3A_2066 : vector<16xf32>
        %select_n3A_2113 = arith.select %gt3A_2112, %select_n3A_2109, %select_n3A_2066 : vector<16xi1>, vector<16xf32>
        %select_n3A_2114 = arith.select %gt3A_2112, %select_n3A_2066, %select_n3A_2109 : vector<16xi1>, vector<16xf32>
        %select_n3A_2115 = arith.select %gt3A_2112, %select_n3A_2111, %select_n3A_2068 : vector<16xi1>, vector<16xi32>
        %select_n3A_2116 = arith.select %gt3A_2112, %select_n3A_2068, %select_n3A_2111 : vector<16xi1>, vector<16xi32>
        %get3A_2117 = arith.constant 44 : i32
        %get3A_2118 = arith.index_cast %get3A_2117 : i32 to index
        %get3A_2119 = arith.index_cast %mul3A_20 : i32 to index
        %get3A_2120 = tpu.vector_load %arg5[%get3A_2118, %get3A_2119] {strides = array<i32>} : memref<64x256xf32, #tpu.memory_space<vmem>>, vector<1x16xf32>,
        %get3A_2121 = vector.shape_cast %get3A_2120 : vector<1x16xf32> to vector<16xf32>
        %broadcast_in_dim3A_2122 = arith.constant 44 : i32
        %broadcast_in_dim3A_2123 = vector.broadcast %broadcast_in_dim3A_2122 : i32 to vector<16xi32>
        %gt3A_2124 = arith.cmpf ogt, %get3A_2121, %select_n3A_2078 : vector<16xf32>
        %select_n3A_2125 = arith.select %gt3A_2124, %get3A_2121, %select_n3A_2078 : vector<16xi1>, vector<16xf32>
        %select_n3A_2126 = arith.select %gt3A_2124, %select_n3A_2078, %get3A_2121 : vector<16xi1>, vector<16xf32>
        %select_n3A_2127 = arith.select %gt3A_2124, %broadcast_in_dim3A_2123, %select_n3A_2080 : vector<16xi1>, vector<16xi32>
        %select_n3A_2128 = arith.select %gt3A_2124, %select_n3A_2080, %broadcast_in_dim3A_2123 : vector<16xi1>, vector<16xi32>
        %gt3A_2129 = arith.cmpf ogt, %select_n3A_2126, %select_n3A_2083 : vector<16xf32>
        %select_n3A_2130 = arith.select %gt3A_2129, %select_n3A_2126, %select_n3A_2083 : vector<16xi1>, vector<16xf32>
        %select_n3A_2131 = arith.select %gt3A_2129, %select_n3A_2083, %select_n3A_2126 : vector<16xi1>, vector<16xf32>
        %select_n3A_2132 = arith.select %gt3A_2129, %select_n3A_2128, %select_n3A_2085 : vector<16xi1>, vector<16xi32>
        %select_n3A_2133 = arith.select %gt3A_2129, %select_n3A_2085, %select_n3A_2128 : vector<16xi1>, vector<16xi32>
        %gt3A_2134 = arith.cmpf ogt, %select_n3A_2131, %select_n3A_2088 : vector<16xf32>
        %select_n3A_2135 = arith.select %gt3A_2134, %select_n3A_2131, %select_n3A_2088 : vector<16xi1>, vector<16xf32>
        %select_n3A_2136 = arith.select %gt3A_2134, %select_n3A_2088, %select_n3A_2131 : vector<16xi1>, vector<16xf32>
        %select_n3A_2137 = arith.select %gt3A_2134, %select_n3A_2133, %select_n3A_2090 : vector<16xi1>, vector<16xi32>
        %select_n3A_2138 = arith.select %gt3A_2134, %select_n3A_2090, %select_n3A_2133 : vector<16xi1>, vector<16xi32>
        %gt3A_2139 = arith.cmpf ogt, %select_n3A_2136, %select_n3A_2093 : vector<16xf32>
        %select_n3A_2140 = arith.select %gt3A_2139, %select_n3A_2136, %select_n3A_2093 : vector<16xi1>, vector<16xf32>
        %select_n3A_2141 = arith.select %gt3A_2139, %select_n3A_2093, %select_n3A_2136 : vector<16xi1>, vector<16xf32>
        %select_n3A_2142 = arith.select %gt3A_2139, %select_n3A_2138, %select_n3A_2095 : vector<16xi1>, vector<16xi32>
        %select_n3A_2143 = arith.select %gt3A_2139, %select_n3A_2095, %select_n3A_2138 : vector<16xi1>, vector<16xi32>
        %gt3A_2144 = arith.cmpf ogt, %select_n3A_2141, %select_n3A_2098 : vector<16xf32>
        %select_n3A_2145 = arith.select %gt3A_2144, %select_n3A_2141, %select_n3A_2098 : vector<16xi1>, vector<16xf32>
        %select_n3A_2146 = arith.select %gt3A_2144, %select_n3A_2098, %select_n3A_2141 : vector<16xi1>, vector<16xf32>
        %select_n3A_2147 = arith.select %gt3A_2144, %select_n3A_2143, %select_n3A_2100 : vector<16xi1>, vector<16xi32>
        %select_n3A_2148 = arith.select %gt3A_2144, %select_n3A_2100, %select_n3A_2143 : vector<16xi1>, vector<16xi32>
        %gt3A_2149 = arith.cmpf ogt, %select_n3A_2146, %select_n3A_2103 : vector<16xf32>
        %select_n3A_2150 = arith.select %gt3A_2149, %select_n3A_2146, %select_n3A_2103 : vector<16xi1>, vector<16xf32>
        %select_n3A_2151 = arith.select %gt3A_2149, %select_n3A_2103, %select_n3A_2146 : vector<16xi1>, vector<16xf32>
        %select_n3A_2152 = arith.select %gt3A_2149, %select_n3A_2148, %select_n3A_2105 : vector<16xi1>, vector<16xi32>
        %select_n3A_2153 = arith.select %gt3A_2149, %select_n3A_2105, %select_n3A_2148 : vector<16xi1>, vector<16xi32>
        %gt3A_2154 = arith.cmpf ogt, %select_n3A_2151, %select_n3A_2108 : vector<16xf32>
        %select_n3A_2155 = arith.select %gt3A_2154, %select_n3A_2151, %select_n3A_2108 : vector<16xi1>, vector<16xf32>
        %select_n3A_2156 = arith.select %gt3A_2154, %select_n3A_2108, %select_n3A_2151 : vector<16xi1>, vector<16xf32>
        %select_n3A_2157 = arith.select %gt3A_2154, %select_n3A_2153, %select_n3A_2110 : vector<16xi1>, vector<16xi32>
        %select_n3A_2158 = arith.select %gt3A_2154, %select_n3A_2110, %select_n3A_2153 : vector<16xi1>, vector<16xi32>
        %gt3A_2159 = arith.cmpf ogt, %select_n3A_2156, %select_n3A_2113 : vector<16xf32>
        %select_n3A_2160 = arith.select %gt3A_2159, %select_n3A_2156, %select_n3A_2113 : vector<16xi1>, vector<16xf32>
        %select_n3A_2161 = arith.select %gt3A_2159, %select_n3A_2113, %select_n3A_2156 : vector<16xi1>, vector<16xf32>
        %select_n3A_2162 = arith.select %gt3A_2159, %select_n3A_2158, %select_n3A_2115 : vector<16xi1>, vector<16xi32>
        %select_n3A_2163 = arith.select %gt3A_2159, %select_n3A_2115, %select_n3A_2158 : vector<16xi1>, vector<16xi32>
        %get3A_2164 = arith.constant 45 : i32
        %get3A_2165 = arith.index_cast %get3A_2164 : i32 to index
        %get3A_2166 = arith.index_cast %mul3A_20 : i32 to index
        %get3A_2167 = tpu.vector_load %arg5[%get3A_2165, %get3A_2166] {strides = array<i32>} : memref<64x256xf32, #tpu.memory_space<vmem>>, vector<1x16xf32>,
        %get3A_2168 = vector.shape_cast %get3A_2167 : vector<1x16xf32> to vector<16xf32>
        %broadcast_in_dim3A_2169 = arith.constant 45 : i32
        %broadcast_in_dim3A_2170 = vector.broadcast %broadcast_in_dim3A_2169 : i32 to vector<16xi32>
        %gt3A_2171 = arith.cmpf ogt, %get3A_2168, %select_n3A_2125 : vector<16xf32>
        %select_n3A_2172 = arith.select %gt3A_2171, %get3A_2168, %select_n3A_2125 : vector<16xi1>, vector<16xf32>
        %select_n3A_2173 = arith.select %gt3A_2171, %select_n3A_2125, %get3A_2168 : vector<16xi1>, vector<16xf32>
        %select_n3A_2174 = arith.select %gt3A_2171, %broadcast_in_dim3A_2170, %select_n3A_2127 : vector<16xi1>, vector<16xi32>
        %select_n3A_2175 = arith.select %gt3A_2171, %select_n3A_2127, %broadcast_in_dim3A_2170 : vector<16xi1>, vector<16xi32>
        %gt3A_2176 = arith.cmpf ogt, %select_n3A_2173, %select_n3A_2130 : vector<16xf32>
        %select_n3A_2177 = arith.select %gt3A_2176, %select_n3A_2173, %select_n3A_2130 : vector<16xi1>, vector<16xf32>
        %select_n3A_2178 = arith.select %gt3A_2176, %select_n3A_2130, %select_n3A_2173 : vector<16xi1>, vector<16xf32>
        %select_n3A_2179 = arith.select %gt3A_2176, %select_n3A_2175, %select_n3A_2132 : vector<16xi1>, vector<16xi32>
        %select_n3A_2180 = arith.select %gt3A_2176, %select_n3A_2132, %select_n3A_2175 : vector<16xi1>, vector<16xi32>
        %gt3A_2181 = arith.cmpf ogt, %select_n3A_2178, %select_n3A_2135 : vector<16xf32>
        %select_n3A_2182 = arith.select %gt3A_2181, %select_n3A_2178, %select_n3A_2135 : vector<16xi1>, vector<16xf32>
        %select_n3A_2183 = arith.select %gt3A_2181, %select_n3A_2135, %select_n3A_2178 : vector<16xi1>, vector<16xf32>
        %select_n3A_2184 = arith.select %gt3A_2181, %select_n3A_2180, %select_n3A_2137 : vector<16xi1>, vector<16xi32>
        %select_n3A_2185 = arith.select %gt3A_2181, %select_n3A_2137, %select_n3A_2180 : vector<16xi1>, vector<16xi32>
        %gt3A_2186 = arith.cmpf ogt, %select_n3A_2183, %select_n3A_2140 : vector<16xf32>
        %select_n3A_2187 = arith.select %gt3A_2186, %select_n3A_2183, %select_n3A_2140 : vector<16xi1>, vector<16xf32>
        %select_n3A_2188 = arith.select %gt3A_2186, %select_n3A_2140, %select_n3A_2183 : vector<16xi1>, vector<16xf32>
        %select_n3A_2189 = arith.select %gt3A_2186, %select_n3A_2185, %select_n3A_2142 : vector<16xi1>, vector<16xi32>
        %select_n3A_2190 = arith.select %gt3A_2186, %select_n3A_2142, %select_n3A_2185 : vector<16xi1>, vector<16xi32>
        %gt3A_2191 = arith.cmpf ogt, %select_n3A_2188, %select_n3A_2145 : vector<16xf32>
        %select_n3A_2192 = arith.select %gt3A_2191, %select_n3A_2188, %select_n3A_2145 : vector<16xi1>, vector<16xf32>
        %select_n3A_2193 = arith.select %gt3A_2191, %select_n3A_2145, %select_n3A_2188 : vector<16xi1>, vector<16xf32>
        %select_n3A_2194 = arith.select %gt3A_2191, %select_n3A_2190, %select_n3A_2147 : vector<16xi1>, vector<16xi32>
        %select_n3A_2195 = arith.select %gt3A_2191, %select_n3A_2147, %select_n3A_2190 : vector<16xi1>, vector<16xi32>
        %gt3A_2196 = arith.cmpf ogt, %select_n3A_2193, %select_n3A_2150 : vector<16xf32>
        %select_n3A_2197 = arith.select %gt3A_2196, %select_n3A_2193, %select_n3A_2150 : vector<16xi1>, vector<16xf32>
        %select_n3A_2198 = arith.select %gt3A_2196, %select_n3A_2150, %select_n3A_2193 : vector<16xi1>, vector<16xf32>
        %select_n3A_2199 = arith.select %gt3A_2196, %select_n3A_2195, %select_n3A_2152 : vector<16xi1>, vector<16xi32>
        %select_n3A_2200 = arith.select %gt3A_2196, %select_n3A_2152, %select_n3A_2195 : vector<16xi1>, vector<16xi32>
        %gt3A_2201 = arith.cmpf ogt, %select_n3A_2198, %select_n3A_2155 : vector<16xf32>
        %select_n3A_2202 = arith.select %gt3A_2201, %select_n3A_2198, %select_n3A_2155 : vector<16xi1>, vector<16xf32>
        %select_n3A_2203 = arith.select %gt3A_2201, %select_n3A_2155, %select_n3A_2198 : vector<16xi1>, vector<16xf32>
        %select_n3A_2204 = arith.select %gt3A_2201, %select_n3A_2200, %select_n3A_2157 : vector<16xi1>, vector<16xi32>
        %select_n3A_2205 = arith.select %gt3A_2201, %select_n3A_2157, %select_n3A_2200 : vector<16xi1>, vector<16xi32>
        %gt3A_2206 = arith.cmpf ogt, %select_n3A_2203, %select_n3A_2160 : vector<16xf32>
        %select_n3A_2207 = arith.select %gt3A_2206, %select_n3A_2203, %select_n3A_2160 : vector<16xi1>, vector<16xf32>
        %select_n3A_2208 = arith.select %gt3A_2206, %select_n3A_2160, %select_n3A_2203 : vector<16xi1>, vector<16xf32>
        %select_n3A_2209 = arith.select %gt3A_2206, %select_n3A_2205, %select_n3A_2162 : vector<16xi1>, vector<16xi32>
        %select_n3A_2210 = arith.select %gt3A_2206, %select_n3A_2162, %select_n3A_2205 : vector<16xi1>, vector<16xi32>
        %get3A_2211 = arith.constant 46 : i32
        %get3A_2212 = arith.index_cast %get3A_2211 : i32 to index
        %get3A_2213 = arith.index_cast %mul3A_20 : i32 to index
        %get3A_2214 = tpu.vector_load %arg5[%get3A_2212, %get3A_2213] {strides = array<i32>} : memref<64x256xf32, #tpu.memory_space<vmem>>, vector<1x16xf32>,
        %get3A_2215 = vector.shape_cast %get3A_2214 : vector<1x16xf32> to vector<16xf32>
        %broadcast_in_dim3A_2216 = arith.constant 46 : i32
        %broadcast_in_dim3A_2217 = vector.broadcast %broadcast_in_dim3A_2216 : i32 to vector<16xi32>
        %gt3A_2218 = arith.cmpf ogt, %get3A_2215, %select_n3A_2172 : vector<16xf32>
        %select_n3A_2219 = arith.select %gt3A_2218, %get3A_2215, %select_n3A_2172 : vector<16xi1>, vector<16xf32>
        %select_n3A_2220 = arith.select %gt3A_2218, %select_n3A_2172, %get3A_2215 : vector<16xi1>, vector<16xf32>
        %select_n3A_2221 = arith.select %gt3A_2218, %broadcast_in_dim3A_2217, %select_n3A_2174 : vector<16xi1>, vector<16xi32>
        %select_n3A_2222 = arith.select %gt3A_2218, %select_n3A_2174, %broadcast_in_dim3A_2217 : vector<16xi1>, vector<16xi32>
        %gt3A_2223 = arith.cmpf ogt, %select_n3A_2220, %select_n3A_2177 : vector<16xf32>
        %select_n3A_2224 = arith.select %gt3A_2223, %select_n3A_2220, %select_n3A_2177 : vector<16xi1>, vector<16xf32>
        %select_n3A_2225 = arith.select %gt3A_2223, %select_n3A_2177, %select_n3A_2220 : vector<16xi1>, vector<16xf32>
        %select_n3A_2226 = arith.select %gt3A_2223, %select_n3A_2222, %select_n3A_2179 : vector<16xi1>, vector<16xi32>
        %select_n3A_2227 = arith.select %gt3A_2223, %select_n3A_2179, %select_n3A_2222 : vector<16xi1>, vector<16xi32>
        %gt3A_2228 = arith.cmpf ogt, %select_n3A_2225, %select_n3A_2182 : vector<16xf32>
        %select_n3A_2229 = arith.select %gt3A_2228, %select_n3A_2225, %select_n3A_2182 : vector<16xi1>, vector<16xf32>
        %select_n3A_2230 = arith.select %gt3A_2228, %select_n3A_2182, %select_n3A_2225 : vector<16xi1>, vector<16xf32>
        %select_n3A_2231 = arith.select %gt3A_2228, %select_n3A_2227, %select_n3A_2184 : vector<16xi1>, vector<16xi32>
        %select_n3A_2232 = arith.select %gt3A_2228, %select_n3A_2184, %select_n3A_2227 : vector<16xi1>, vector<16xi32>
        %gt3A_2233 = arith.cmpf ogt, %select_n3A_2230, %select_n3A_2187 : vector<16xf32>
        %select_n3A_2234 = arith.select %gt3A_2233, %select_n3A_2230, %select_n3A_2187 : vector<16xi1>, vector<16xf32>
        %select_n3A_2235 = arith.select %gt3A_2233, %select_n3A_2187, %select_n3A_2230 : vector<16xi1>, vector<16xf32>
        %select_n3A_2236 = arith.select %gt3A_2233, %select_n3A_2232, %select_n3A_2189 : vector<16xi1>, vector<16xi32>
        %select_n3A_2237 = arith.select %gt3A_2233, %select_n3A_2189, %select_n3A_2232 : vector<16xi1>, vector<16xi32>
        %gt3A_2238 = arith.cmpf ogt, %select_n3A_2235, %select_n3A_2192 : vector<16xf32>
        %select_n3A_2239 = arith.select %gt3A_2238, %select_n3A_2235, %select_n3A_2192 : vector<16xi1>, vector<16xf32>
        %select_n3A_2240 = arith.select %gt3A_2238, %select_n3A_2192, %select_n3A_2235 : vector<16xi1>, vector<16xf32>
        %select_n3A_2241 = arith.select %gt3A_2238, %select_n3A_2237, %select_n3A_2194 : vector<16xi1>, vector<16xi32>
        %select_n3A_2242 = arith.select %gt3A_2238, %select_n3A_2194, %select_n3A_2237 : vector<16xi1>, vector<16xi32>
        %gt3A_2243 = arith.cmpf ogt, %select_n3A_2240, %select_n3A_2197 : vector<16xf32>
        %select_n3A_2244 = arith.select %gt3A_2243, %select_n3A_2240, %select_n3A_2197 : vector<16xi1>, vector<16xf32>
        %select_n3A_2245 = arith.select %gt3A_2243, %select_n3A_2197, %select_n3A_2240 : vector<16xi1>, vector<16xf32>
        %select_n3A_2246 = arith.select %gt3A_2243, %select_n3A_2242, %select_n3A_2199 : vector<16xi1>, vector<16xi32>
        %select_n3A_2247 = arith.select %gt3A_2243, %select_n3A_2199, %select_n3A_2242 : vector<16xi1>, vector<16xi32>
        %gt3A_2248 = arith.cmpf ogt, %select_n3A_2245, %select_n3A_2202 : vector<16xf32>
        %select_n3A_2249 = arith.select %gt3A_2248, %select_n3A_2245, %select_n3A_2202 : vector<16xi1>, vector<16xf32>
        %select_n3A_2250 = arith.select %gt3A_2248, %select_n3A_2202, %select_n3A_2245 : vector<16xi1>, vector<16xf32>
        %select_n3A_2251 = arith.select %gt3A_2248, %select_n3A_2247, %select_n3A_2204 : vector<16xi1>, vector<16xi32>
        %select_n3A_2252 = arith.select %gt3A_2248, %select_n3A_2204, %select_n3A_2247 : vector<16xi1>, vector<16xi32>
        %gt3A_2253 = arith.cmpf ogt, %select_n3A_2250, %select_n3A_2207 : vector<16xf32>
        %select_n3A_2254 = arith.select %gt3A_2253, %select_n3A_2250, %select_n3A_2207 : vector<16xi1>, vector<16xf32>
        %select_n3A_2255 = arith.select %gt3A_2253, %select_n3A_2207, %select_n3A_2250 : vector<16xi1>, vector<16xf32>
        %select_n3A_2256 = arith.select %gt3A_2253, %select_n3A_2252, %select_n3A_2209 : vector<16xi1>, vector<16xi32>
        %select_n3A_2257 = arith.select %gt3A_2253, %select_n3A_2209, %select_n3A_2252 : vector<16xi1>, vector<16xi32>
        %get3A_2258 = arith.constant 47 : i32
        %get3A_2259 = arith.index_cast %get3A_2258 : i32 to index
        %get3A_2260 = arith.index_cast %mul3A_20 : i32 to index
        %get3A_2261 = tpu.vector_load %arg5[%get3A_2259, %get3A_2260] {strides = array<i32>} : memref<64x256xf32, #tpu.memory_space<vmem>>, vector<1x16xf32>,
        %get3A_2262 = vector.shape_cast %get3A_2261 : vector<1x16xf32> to vector<16xf32>
        %broadcast_in_dim3A_2263 = arith.constant 47 : i32
        %broadcast_in_dim3A_2264 = vector.broadcast %broadcast_in_dim3A_2263 : i32 to vector<16xi32>
        %gt3A_2265 = arith.cmpf ogt, %get3A_2262, %select_n3A_2219 : vector<16xf32>
        %select_n3A_2266 = arith.select %gt3A_2265, %get3A_2262, %select_n3A_2219 : vector<16xi1>, vector<16xf32>
        %select_n3A_2267 = arith.select %gt3A_2265, %select_n3A_2219, %get3A_2262 : vector<16xi1>, vector<16xf32>
        %select_n3A_2268 = arith.select %gt3A_2265, %broadcast_in_dim3A_2264, %select_n3A_2221 : vector<16xi1>, vector<16xi32>
        %select_n3A_2269 = arith.select %gt3A_2265, %select_n3A_2221, %broadcast_in_dim3A_2264 : vector<16xi1>, vector<16xi32>
        %gt3A_2270 = arith.cmpf ogt, %select_n3A_2267, %select_n3A_2224 : vector<16xf32>
        %select_n3A_2271 = arith.select %gt3A_2270, %select_n3A_2267, %select_n3A_2224 : vector<16xi1>, vector<16xf32>
        %select_n3A_2272 = arith.select %gt3A_2270, %select_n3A_2224, %select_n3A_2267 : vector<16xi1>, vector<16xf32>
        %select_n3A_2273 = arith.select %gt3A_2270, %select_n3A_2269, %select_n3A_2226 : vector<16xi1>, vector<16xi32>
        %select_n3A_2274 = arith.select %gt3A_2270, %select_n3A_2226, %select_n3A_2269 : vector<16xi1>, vector<16xi32>
        %gt3A_2275 = arith.cmpf ogt, %select_n3A_2272, %select_n3A_2229 : vector<16xf32>
        %select_n3A_2276 = arith.select %gt3A_2275, %select_n3A_2272, %select_n3A_2229 : vector<16xi1>, vector<16xf32>
        %select_n3A_2277 = arith.select %gt3A_2275, %select_n3A_2229, %select_n3A_2272 : vector<16xi1>, vector<16xf32>
        %select_n3A_2278 = arith.select %gt3A_2275, %select_n3A_2274, %select_n3A_2231 : vector<16xi1>, vector<16xi32>
        %select_n3A_2279 = arith.select %gt3A_2275, %select_n3A_2231, %select_n3A_2274 : vector<16xi1>, vector<16xi32>
        %gt3A_2280 = arith.cmpf ogt, %select_n3A_2277, %select_n3A_2234 : vector<16xf32>
        %select_n3A_2281 = arith.select %gt3A_2280, %select_n3A_2277, %select_n3A_2234 : vector<16xi1>, vector<16xf32>
        %select_n3A_2282 = arith.select %gt3A_2280, %select_n3A_2234, %select_n3A_2277 : vector<16xi1>, vector<16xf32>
        %select_n3A_2283 = arith.select %gt3A_2280, %select_n3A_2279, %select_n3A_2236 : vector<16xi1>, vector<16xi32>
        %select_n3A_2284 = arith.select %gt3A_2280, %select_n3A_2236, %select_n3A_2279 : vector<16xi1>, vector<16xi32>
        %gt3A_2285 = arith.cmpf ogt, %select_n3A_2282, %select_n3A_2239 : vector<16xf32>
        %select_n3A_2286 = arith.select %gt3A_2285, %select_n3A_2282, %select_n3A_2239 : vector<16xi1>, vector<16xf32>
        %select_n3A_2287 = arith.select %gt3A_2285, %select_n3A_2239, %select_n3A_2282 : vector<16xi1>, vector<16xf32>
        %select_n3A_2288 = arith.select %gt3A_2285, %select_n3A_2284, %select_n3A_2241 : vector<16xi1>, vector<16xi32>
        %select_n3A_2289 = arith.select %gt3A_2285, %select_n3A_2241, %select_n3A_2284 : vector<16xi1>, vector<16xi32>
        %gt3A_2290 = arith.cmpf ogt, %select_n3A_2287, %select_n3A_2244 : vector<16xf32>
        %select_n3A_2291 = arith.select %gt3A_2290, %select_n3A_2287, %select_n3A_2244 : vector<16xi1>, vector<16xf32>
        %select_n3A_2292 = arith.select %gt3A_2290, %select_n3A_2244, %select_n3A_2287 : vector<16xi1>, vector<16xf32>
        %select_n3A_2293 = arith.select %gt3A_2290, %select_n3A_2289, %select_n3A_2246 : vector<16xi1>, vector<16xi32>
        %select_n3A_2294 = arith.select %gt3A_2290, %select_n3A_2246, %select_n3A_2289 : vector<16xi1>, vector<16xi32>
        %gt3A_2295 = arith.cmpf ogt, %select_n3A_2292, %select_n3A_2249 : vector<16xf32>
        %select_n3A_2296 = arith.select %gt3A_2295, %select_n3A_2292, %select_n3A_2249 : vector<16xi1>, vector<16xf32>
        %select_n3A_2297 = arith.select %gt3A_2295, %select_n3A_2249, %select_n3A_2292 : vector<16xi1>, vector<16xf32>
        %select_n3A_2298 = arith.select %gt3A_2295, %select_n3A_2294, %select_n3A_2251 : vector<16xi1>, vector<16xi32>
        %select_n3A_2299 = arith.select %gt3A_2295, %select_n3A_2251, %select_n3A_2294 : vector<16xi1>, vector<16xi32>
        %gt3A_2300 = arith.cmpf ogt, %select_n3A_2297, %select_n3A_2254 : vector<16xf32>
        %select_n3A_2301 = arith.select %gt3A_2300, %select_n3A_2297, %select_n3A_2254 : vector<16xi1>, vector<16xf32>
        %select_n3A_2302 = arith.select %gt3A_2300, %select_n3A_2254, %select_n3A_2297 : vector<16xi1>, vector<16xf32>
        %select_n3A_2303 = arith.select %gt3A_2300, %select_n3A_2299, %select_n3A_2256 : vector<16xi1>, vector<16xi32>
        %select_n3A_2304 = arith.select %gt3A_2300, %select_n3A_2256, %select_n3A_2299 : vector<16xi1>, vector<16xi32>
        %get3A_2305 = arith.constant 48 : i32
        %get3A_2306 = arith.index_cast %get3A_2305 : i32 to index
        %get3A_2307 = arith.index_cast %mul3A_20 : i32 to index
        %get3A_2308 = tpu.vector_load %arg5[%get3A_2306, %get3A_2307] {strides = array<i32>} : memref<64x256xf32, #tpu.memory_space<vmem>>, vector<1x16xf32>,
        %get3A_2309 = vector.shape_cast %get3A_2308 : vector<1x16xf32> to vector<16xf32>
        %broadcast_in_dim3A_2310 = arith.constant 48 : i32
        %broadcast_in_dim3A_2311 = vector.broadcast %broadcast_in_dim3A_2310 : i32 to vector<16xi32>
        %gt3A_2312 = arith.cmpf ogt, %get3A_2309, %select_n3A_2266 : vector<16xf32>
        %select_n3A_2313 = arith.select %gt3A_2312, %get3A_2309, %select_n3A_2266 : vector<16xi1>, vector<16xf32>
        %select_n3A_2314 = arith.select %gt3A_2312, %select_n3A_2266, %get3A_2309 : vector<16xi1>, vector<16xf32>
        %select_n3A_2315 = arith.select %gt3A_2312, %broadcast_in_dim3A_2311, %select_n3A_2268 : vector<16xi1>, vector<16xi32>
        %select_n3A_2316 = arith.select %gt3A_2312, %select_n3A_2268, %broadcast_in_dim3A_2311 : vector<16xi1>, vector<16xi32>
        %gt3A_2317 = arith.cmpf ogt, %select_n3A_2314, %select_n3A_2271 : vector<16xf32>
        %select_n3A_2318 = arith.select %gt3A_2317, %select_n3A_2314, %select_n3A_2271 : vector<16xi1>, vector<16xf32>
        %select_n3A_2319 = arith.select %gt3A_2317, %select_n3A_2271, %select_n3A_2314 : vector<16xi1>, vector<16xf32>
        %select_n3A_2320 = arith.select %gt3A_2317, %select_n3A_2316, %select_n3A_2273 : vector<16xi1>, vector<16xi32>
        %select_n3A_2321 = arith.select %gt3A_2317, %select_n3A_2273, %select_n3A_2316 : vector<16xi1>, vector<16xi32>
        %gt3A_2322 = arith.cmpf ogt, %select_n3A_2319, %select_n3A_2276 : vector<16xf32>
        %select_n3A_2323 = arith.select %gt3A_2322, %select_n3A_2319, %select_n3A_2276 : vector<16xi1>, vector<16xf32>
        %select_n3A_2324 = arith.select %gt3A_2322, %select_n3A_2276, %select_n3A_2319 : vector<16xi1>, vector<16xf32>
        %select_n3A_2325 = arith.select %gt3A_2322, %select_n3A_2321, %select_n3A_2278 : vector<16xi1>, vector<16xi32>
        %select_n3A_2326 = arith.select %gt3A_2322, %select_n3A_2278, %select_n3A_2321 : vector<16xi1>, vector<16xi32>
        %gt3A_2327 = arith.cmpf ogt, %select_n3A_2324, %select_n3A_2281 : vector<16xf32>
        %select_n3A_2328 = arith.select %gt3A_2327, %select_n3A_2324, %select_n3A_2281 : vector<16xi1>, vector<16xf32>
        %select_n3A_2329 = arith.select %gt3A_2327, %select_n3A_2281, %select_n3A_2324 : vector<16xi1>, vector<16xf32>
        %select_n3A_2330 = arith.select %gt3A_2327, %select_n3A_2326, %select_n3A_2283 : vector<16xi1>, vector<16xi32>
        %select_n3A_2331 = arith.select %gt3A_2327, %select_n3A_2283, %select_n3A_2326 : vector<16xi1>, vector<16xi32>
        %gt3A_2332 = arith.cmpf ogt, %select_n3A_2329, %select_n3A_2286 : vector<16xf32>
        %select_n3A_2333 = arith.select %gt3A_2332, %select_n3A_2329, %select_n3A_2286 : vector<16xi1>, vector<16xf32>
        %select_n3A_2334 = arith.select %gt3A_2332, %select_n3A_2286, %select_n3A_2329 : vector<16xi1>, vector<16xf32>
        %select_n3A_2335 = arith.select %gt3A_2332, %select_n3A_2331, %select_n3A_2288 : vector<16xi1>, vector<16xi32>
        %select_n3A_2336 = arith.select %gt3A_2332, %select_n3A_2288, %select_n3A_2331 : vector<16xi1>, vector<16xi32>
        %gt3A_2337 = arith.cmpf ogt, %select_n3A_2334, %select_n3A_2291 : vector<16xf32>
        %select_n3A_2338 = arith.select %gt3A_2337, %select_n3A_2334, %select_n3A_2291 : vector<16xi1>, vector<16xf32>
        %select_n3A_2339 = arith.select %gt3A_2337, %select_n3A_2291, %select_n3A_2334 : vector<16xi1>, vector<16xf32>
        %select_n3A_2340 = arith.select %gt3A_2337, %select_n3A_2336, %select_n3A_2293 : vector<16xi1>, vector<16xi32>
        %select_n3A_2341 = arith.select %gt3A_2337, %select_n3A_2293, %select_n3A_2336 : vector<16xi1>, vector<16xi32>
        %gt3A_2342 = arith.cmpf ogt, %select_n3A_2339, %select_n3A_2296 : vector<16xf32>
        %select_n3A_2343 = arith.select %gt3A_2342, %select_n3A_2339, %select_n3A_2296 : vector<16xi1>, vector<16xf32>
        %select_n3A_2344 = arith.select %gt3A_2342, %select_n3A_2296, %select_n3A_2339 : vector<16xi1>, vector<16xf32>
        %select_n3A_2345 = arith.select %gt3A_2342, %select_n3A_2341, %select_n3A_2298 : vector<16xi1>, vector<16xi32>
        %select_n3A_2346 = arith.select %gt3A_2342, %select_n3A_2298, %select_n3A_2341 : vector<16xi1>, vector<16xi32>
        %gt3A_2347 = arith.cmpf ogt, %select_n3A_2344, %select_n3A_2301 : vector<16xf32>
        %select_n3A_2348 = arith.select %gt3A_2347, %select_n3A_2344, %select_n3A_2301 : vector<16xi1>, vector<16xf32>
        %select_n3A_2349 = arith.select %gt3A_2347, %select_n3A_2301, %select_n3A_2344 : vector<16xi1>, vector<16xf32>
        %select_n3A_2350 = arith.select %gt3A_2347, %select_n3A_2346, %select_n3A_2303 : vector<16xi1>, vector<16xi32>
        %select_n3A_2351 = arith.select %gt3A_2347, %select_n3A_2303, %select_n3A_2346 : vector<16xi1>, vector<16xi32>
        %get3A_2352 = arith.constant 49 : i32
        %get3A_2353 = arith.index_cast %get3A_2352 : i32 to index
        %get3A_2354 = arith.index_cast %mul3A_20 : i32 to index
        %get3A_2355 = tpu.vector_load %arg5[%get3A_2353, %get3A_2354] {strides = array<i32>} : memref<64x256xf32, #tpu.memory_space<vmem>>, vector<1x16xf32>,
        %get3A_2356 = vector.shape_cast %get3A_2355 : vector<1x16xf32> to vector<16xf32>
        %broadcast_in_dim3A_2357 = arith.constant 49 : i32
        %broadcast_in_dim3A_2358 = vector.broadcast %broadcast_in_dim3A_2357 : i32 to vector<16xi32>
        %gt3A_2359 = arith.cmpf ogt, %get3A_2356, %select_n3A_2313 : vector<16xf32>
        %select_n3A_2360 = arith.select %gt3A_2359, %get3A_2356, %select_n3A_2313 : vector<16xi1>, vector<16xf32>
        %select_n3A_2361 = arith.select %gt3A_2359, %select_n3A_2313, %get3A_2356 : vector<16xi1>, vector<16xf32>
        %select_n3A_2362 = arith.select %gt3A_2359, %broadcast_in_dim3A_2358, %select_n3A_2315 : vector<16xi1>, vector<16xi32>
        %select_n3A_2363 = arith.select %gt3A_2359, %select_n3A_2315, %broadcast_in_dim3A_2358 : vector<16xi1>, vector<16xi32>
        %gt3A_2364 = arith.cmpf ogt, %select_n3A_2361, %select_n3A_2318 : vector<16xf32>
        %select_n3A_2365 = arith.select %gt3A_2364, %select_n3A_2361, %select_n3A_2318 : vector<16xi1>, vector<16xf32>
        %select_n3A_2366 = arith.select %gt3A_2364, %select_n3A_2318, %select_n3A_2361 : vector<16xi1>, vector<16xf32>
        %select_n3A_2367 = arith.select %gt3A_2364, %select_n3A_2363, %select_n3A_2320 : vector<16xi1>, vector<16xi32>
        %select_n3A_2368 = arith.select %gt3A_2364, %select_n3A_2320, %select_n3A_2363 : vector<16xi1>, vector<16xi32>
        %gt3A_2369 = arith.cmpf ogt, %select_n3A_2366, %select_n3A_2323 : vector<16xf32>
        %select_n3A_2370 = arith.select %gt3A_2369, %select_n3A_2366, %select_n3A_2323 : vector<16xi1>, vector<16xf32>
        %select_n3A_2371 = arith.select %gt3A_2369, %select_n3A_2323, %select_n3A_2366 : vector<16xi1>, vector<16xf32>
        %select_n3A_2372 = arith.select %gt3A_2369, %select_n3A_2368, %select_n3A_2325 : vector<16xi1>, vector<16xi32>
        %select_n3A_2373 = arith.select %gt3A_2369, %select_n3A_2325, %select_n3A_2368 : vector<16xi1>, vector<16xi32>
        %gt3A_2374 = arith.cmpf ogt, %select_n3A_2371, %select_n3A_2328 : vector<16xf32>
        %select_n3A_2375 = arith.select %gt3A_2374, %select_n3A_2371, %select_n3A_2328 : vector<16xi1>, vector<16xf32>
        %select_n3A_2376 = arith.select %gt3A_2374, %select_n3A_2328, %select_n3A_2371 : vector<16xi1>, vector<16xf32>
        %select_n3A_2377 = arith.select %gt3A_2374, %select_n3A_2373, %select_n3A_2330 : vector<16xi1>, vector<16xi32>
        %select_n3A_2378 = arith.select %gt3A_2374, %select_n3A_2330, %select_n3A_2373 : vector<16xi1>, vector<16xi32>
        %gt3A_2379 = arith.cmpf ogt, %select_n3A_2376, %select_n3A_2333 : vector<16xf32>
        %select_n3A_2380 = arith.select %gt3A_2379, %select_n3A_2376, %select_n3A_2333 : vector<16xi1>, vector<16xf32>
        %select_n3A_2381 = arith.select %gt3A_2379, %select_n3A_2333, %select_n3A_2376 : vector<16xi1>, vector<16xf32>
        %select_n3A_2382 = arith.select %gt3A_2379, %select_n3A_2378, %select_n3A_2335 : vector<16xi1>, vector<16xi32>
        %select_n3A_2383 = arith.select %gt3A_2379, %select_n3A_2335, %select_n3A_2378 : vector<16xi1>, vector<16xi32>
        %gt3A_2384 = arith.cmpf ogt, %select_n3A_2381, %select_n3A_2338 : vector<16xf32>
        %select_n3A_2385 = arith.select %gt3A_2384, %select_n3A_2381, %select_n3A_2338 : vector<16xi1>, vector<16xf32>
        %select_n3A_2386 = arith.select %gt3A_2384, %select_n3A_2338, %select_n3A_2381 : vector<16xi1>, vector<16xf32>
        %select_n3A_2387 = arith.select %gt3A_2384, %select_n3A_2383, %select_n3A_2340 : vector<16xi1>, vector<16xi32>
        %select_n3A_2388 = arith.select %gt3A_2384, %select_n3A_2340, %select_n3A_2383 : vector<16xi1>, vector<16xi32>
        %gt3A_2389 = arith.cmpf ogt, %select_n3A_2386, %select_n3A_2343 : vector<16xf32>
        %select_n3A_2390 = arith.select %gt3A_2389, %select_n3A_2386, %select_n3A_2343 : vector<16xi1>, vector<16xf32>
        %select_n3A_2391 = arith.select %gt3A_2389, %select_n3A_2343, %select_n3A_2386 : vector<16xi1>, vector<16xf32>
        %select_n3A_2392 = arith.select %gt3A_2389, %select_n3A_2388, %select_n3A_2345 : vector<16xi1>, vector<16xi32>
        %select_n3A_2393 = arith.select %gt3A_2389, %select_n3A_2345, %select_n3A_2388 : vector<16xi1>, vector<16xi32>
        %gt3A_2394 = arith.cmpf ogt, %select_n3A_2391, %select_n3A_2348 : vector<16xf32>
        %select_n3A_2395 = arith.select %gt3A_2394, %select_n3A_2391, %select_n3A_2348 : vector<16xi1>, vector<16xf32>
        %select_n3A_2396 = arith.select %gt3A_2394, %select_n3A_2348, %select_n3A_2391 : vector<16xi1>, vector<16xf32>
        %select_n3A_2397 = arith.select %gt3A_2394, %select_n3A_2393, %select_n3A_2350 : vector<16xi1>, vector<16xi32>
        %select_n3A_2398 = arith.select %gt3A_2394, %select_n3A_2350, %select_n3A_2393 : vector<16xi1>, vector<16xi32>
        %get3A_2399 = arith.constant 50 : i32
        %get3A_2400 = arith.index_cast %get3A_2399 : i32 to index
        %get3A_2401 = arith.index_cast %mul3A_20 : i32 to index
        %get3A_2402 = tpu.vector_load %arg5[%get3A_2400, %get3A_2401] {strides = array<i32>} : memref<64x256xf32, #tpu.memory_space<vmem>>, vector<1x16xf32>,
        %get3A_2403 = vector.shape_cast %get3A_2402 : vector<1x16xf32> to vector<16xf32>
        %broadcast_in_dim3A_2404 = arith.constant 50 : i32
        %broadcast_in_dim3A_2405 = vector.broadcast %broadcast_in_dim3A_2404 : i32 to vector<16xi32>
        %gt3A_2406 = arith.cmpf ogt, %get3A_2403, %select_n3A_2360 : vector<16xf32>
        %select_n3A_2407 = arith.select %gt3A_2406, %get3A_2403, %select_n3A_2360 : vector<16xi1>, vector<16xf32>
        %select_n3A_2408 = arith.select %gt3A_2406, %select_n3A_2360, %get3A_2403 : vector<16xi1>, vector<16xf32>
        %select_n3A_2409 = arith.select %gt3A_2406, %broadcast_in_dim3A_2405, %select_n3A_2362 : vector<16xi1>, vector<16xi32>
        %select_n3A_2410 = arith.select %gt3A_2406, %select_n3A_2362, %broadcast_in_dim3A_2405 : vector<16xi1>, vector<16xi32>
        %gt3A_2411 = arith.cmpf ogt, %select_n3A_2408, %select_n3A_2365 : vector<16xf32>
        %select_n3A_2412 = arith.select %gt3A_2411, %select_n3A_2408, %select_n3A_2365 : vector<16xi1>, vector<16xf32>
        %select_n3A_2413 = arith.select %gt3A_2411, %select_n3A_2365, %select_n3A_2408 : vector<16xi1>, vector<16xf32>
        %select_n3A_2414 = arith.select %gt3A_2411, %select_n3A_2410, %select_n3A_2367 : vector<16xi1>, vector<16xi32>
        %select_n3A_2415 = arith.select %gt3A_2411, %select_n3A_2367, %select_n3A_2410 : vector<16xi1>, vector<16xi32>
        %gt3A_2416 = arith.cmpf ogt, %select_n3A_2413, %select_n3A_2370 : vector<16xf32>
        %select_n3A_2417 = arith.select %gt3A_2416, %select_n3A_2413, %select_n3A_2370 : vector<16xi1>, vector<16xf32>
        %select_n3A_2418 = arith.select %gt3A_2416, %select_n3A_2370, %select_n3A_2413 : vector<16xi1>, vector<16xf32>
        %select_n3A_2419 = arith.select %gt3A_2416, %select_n3A_2415, %select_n3A_2372 : vector<16xi1>, vector<16xi32>
        %select_n3A_2420 = arith.select %gt3A_2416, %select_n3A_2372, %select_n3A_2415 : vector<16xi1>, vector<16xi32>
        %gt3A_2421 = arith.cmpf ogt, %select_n3A_2418, %select_n3A_2375 : vector<16xf32>
        %select_n3A_2422 = arith.select %gt3A_2421, %select_n3A_2418, %select_n3A_2375 : vector<16xi1>, vector<16xf32>
        %select_n3A_2423 = arith.select %gt3A_2421, %select_n3A_2375, %select_n3A_2418 : vector<16xi1>, vector<16xf32>
        %select_n3A_2424 = arith.select %gt3A_2421, %select_n3A_2420, %select_n3A_2377 : vector<16xi1>, vector<16xi32>
        %select_n3A_2425 = arith.select %gt3A_2421, %select_n3A_2377, %select_n3A_2420 : vector<16xi1>, vector<16xi32>
        %gt3A_2426 = arith.cmpf ogt, %select_n3A_2423, %select_n3A_2380 : vector<16xf32>
        %select_n3A_2427 = arith.select %gt3A_2426, %select_n3A_2423, %select_n3A_2380 : vector<16xi1>, vector<16xf32>
        %select_n3A_2428 = arith.select %gt3A_2426, %select_n3A_2380, %select_n3A_2423 : vector<16xi1>, vector<16xf32>
        %select_n3A_2429 = arith.select %gt3A_2426, %select_n3A_2425, %select_n3A_2382 : vector<16xi1>, vector<16xi32>
        %select_n3A_2430 = arith.select %gt3A_2426, %select_n3A_2382, %select_n3A_2425 : vector<16xi1>, vector<16xi32>
        %gt3A_2431 = arith.cmpf ogt, %select_n3A_2428, %select_n3A_2385 : vector<16xf32>
        %select_n3A_2432 = arith.select %gt3A_2431, %select_n3A_2428, %select_n3A_2385 : vector<16xi1>, vector<16xf32>
        %select_n3A_2433 = arith.select %gt3A_2431, %select_n3A_2385, %select_n3A_2428 : vector<16xi1>, vector<16xf32>
        %select_n3A_2434 = arith.select %gt3A_2431, %select_n3A_2430, %select_n3A_2387 : vector<16xi1>, vector<16xi32>
        %select_n3A_2435 = arith.select %gt3A_2431, %select_n3A_2387, %select_n3A_2430 : vector<16xi1>, vector<16xi32>
        %gt3A_2436 = arith.cmpf ogt, %select_n3A_2433, %select_n3A_2390 : vector<16xf32>
        %select_n3A_2437 = arith.select %gt3A_2436, %select_n3A_2433, %select_n3A_2390 : vector<16xi1>, vector<16xf32>
        %select_n3A_2438 = arith.select %gt3A_2436, %select_n3A_2390, %select_n3A_2433 : vector<16xi1>, vector<16xf32>
        %select_n3A_2439 = arith.select %gt3A_2436, %select_n3A_2435, %select_n3A_2392 : vector<16xi1>, vector<16xi32>
        %select_n3A_2440 = arith.select %gt3A_2436, %select_n3A_2392, %select_n3A_2435 : vector<16xi1>, vector<16xi32>
        %gt3A_2441 = arith.cmpf ogt, %select_n3A_2438, %select_n3A_2395 : vector<16xf32>
        %select_n3A_2442 = arith.select %gt3A_2441, %select_n3A_2438, %select_n3A_2395 : vector<16xi1>, vector<16xf32>
        %select_n3A_2443 = arith.select %gt3A_2441, %select_n3A_2395, %select_n3A_2438 : vector<16xi1>, vector<16xf32>
        %select_n3A_2444 = arith.select %gt3A_2441, %select_n3A_2440, %select_n3A_2397 : vector<16xi1>, vector<16xi32>
        %select_n3A_2445 = arith.select %gt3A_2441, %select_n3A_2397, %select_n3A_2440 : vector<16xi1>, vector<16xi32>
        %get3A_2446 = arith.constant 51 : i32
        %get3A_2447 = arith.index_cast %get3A_2446 : i32 to index
        %get3A_2448 = arith.index_cast %mul3A_20 : i32 to index
        %get3A_2449 = tpu.vector_load %arg5[%get3A_2447, %get3A_2448] {strides = array<i32>} : memref<64x256xf32, #tpu.memory_space<vmem>>, vector<1x16xf32>,
        %get3A_2450 = vector.shape_cast %get3A_2449 : vector<1x16xf32> to vector<16xf32>
        %broadcast_in_dim3A_2451 = arith.constant 51 : i32
        %broadcast_in_dim3A_2452 = vector.broadcast %broadcast_in_dim3A_2451 : i32 to vector<16xi32>
        %gt3A_2453 = arith.cmpf ogt, %get3A_2450, %select_n3A_2407 : vector<16xf32>
        %select_n3A_2454 = arith.select %gt3A_2453, %get3A_2450, %select_n3A_2407 : vector<16xi1>, vector<16xf32>
        %select_n3A_2455 = arith.select %gt3A_2453, %select_n3A_2407, %get3A_2450 : vector<16xi1>, vector<16xf32>
        %select_n3A_2456 = arith.select %gt3A_2453, %broadcast_in_dim3A_2452, %select_n3A_2409 : vector<16xi1>, vector<16xi32>
        %select_n3A_2457 = arith.select %gt3A_2453, %select_n3A_2409, %broadcast_in_dim3A_2452 : vector<16xi1>, vector<16xi32>
        %gt3A_2458 = arith.cmpf ogt, %select_n3A_2455, %select_n3A_2412 : vector<16xf32>
        %select_n3A_2459 = arith.select %gt3A_2458, %select_n3A_2455, %select_n3A_2412 : vector<16xi1>, vector<16xf32>
        %select_n3A_2460 = arith.select %gt3A_2458, %select_n3A_2412, %select_n3A_2455 : vector<16xi1>, vector<16xf32>
        %select_n3A_2461 = arith.select %gt3A_2458, %select_n3A_2457, %select_n3A_2414 : vector<16xi1>, vector<16xi32>
        %select_n3A_2462 = arith.select %gt3A_2458, %select_n3A_2414, %select_n3A_2457 : vector<16xi1>, vector<16xi32>
        %gt3A_2463 = arith.cmpf ogt, %select_n3A_2460, %select_n3A_2417 : vector<16xf32>
        %select_n3A_2464 = arith.select %gt3A_2463, %select_n3A_2460, %select_n3A_2417 : vector<16xi1>, vector<16xf32>
        %select_n3A_2465 = arith.select %gt3A_2463, %select_n3A_2417, %select_n3A_2460 : vector<16xi1>, vector<16xf32>
        %select_n3A_2466 = arith.select %gt3A_2463, %select_n3A_2462, %select_n3A_2419 : vector<16xi1>, vector<16xi32>
        %select_n3A_2467 = arith.select %gt3A_2463, %select_n3A_2419, %select_n3A_2462 : vector<16xi1>, vector<16xi32>
        %gt3A_2468 = arith.cmpf ogt, %select_n3A_2465, %select_n3A_2422 : vector<16xf32>
        %select_n3A_2469 = arith.select %gt3A_2468, %select_n3A_2465, %select_n3A_2422 : vector<16xi1>, vector<16xf32>
        %select_n3A_2470 = arith.select %gt3A_2468, %select_n3A_2422, %select_n3A_2465 : vector<16xi1>, vector<16xf32>
        %select_n3A_2471 = arith.select %gt3A_2468, %select_n3A_2467, %select_n3A_2424 : vector<16xi1>, vector<16xi32>
        %select_n3A_2472 = arith.select %gt3A_2468, %select_n3A_2424, %select_n3A_2467 : vector<16xi1>, vector<16xi32>
        %gt3A_2473 = arith.cmpf ogt, %select_n3A_2470, %select_n3A_2427 : vector<16xf32>
        %select_n3A_2474 = arith.select %gt3A_2473, %select_n3A_2470, %select_n3A_2427 : vector<16xi1>, vector<16xf32>
        %select_n3A_2475 = arith.select %gt3A_2473, %select_n3A_2427, %select_n3A_2470 : vector<16xi1>, vector<16xf32>
        %select_n3A_2476 = arith.select %gt3A_2473, %select_n3A_2472, %select_n3A_2429 : vector<16xi1>, vector<16xi32>
        %select_n3A_2477 = arith.select %gt3A_2473, %select_n3A_2429, %select_n3A_2472 : vector<16xi1>, vector<16xi32>
        %gt3A_2478 = arith.cmpf ogt, %select_n3A_2475, %select_n3A_2432 : vector<16xf32>
        %select_n3A_2479 = arith.select %gt3A_2478, %select_n3A_2475, %select_n3A_2432 : vector<16xi1>, vector<16xf32>
        %select_n3A_2480 = arith.select %gt3A_2478, %select_n3A_2432, %select_n3A_2475 : vector<16xi1>, vector<16xf32>
        %select_n3A_2481 = arith.select %gt3A_2478, %select_n3A_2477, %select_n3A_2434 : vector<16xi1>, vector<16xi32>
        %select_n3A_2482 = arith.select %gt3A_2478, %select_n3A_2434, %select_n3A_2477 : vector<16xi1>, vector<16xi32>
        %gt3A_2483 = arith.cmpf ogt, %select_n3A_2480, %select_n3A_2437 : vector<16xf32>
        %select_n3A_2484 = arith.select %gt3A_2483, %select_n3A_2480, %select_n3A_2437 : vector<16xi1>, vector<16xf32>
        %select_n3A_2485 = arith.select %gt3A_2483, %select_n3A_2437, %select_n3A_2480 : vector<16xi1>, vector<16xf32>
        %select_n3A_2486 = arith.select %gt3A_2483, %select_n3A_2482, %select_n3A_2439 : vector<16xi1>, vector<16xi32>
        %select_n3A_2487 = arith.select %gt3A_2483, %select_n3A_2439, %select_n3A_2482 : vector<16xi1>, vector<16xi32>
        %gt3A_2488 = arith.cmpf ogt, %select_n3A_2485, %select_n3A_2442 : vector<16xf32>
        %select_n3A_2489 = arith.select %gt3A_2488, %select_n3A_2485, %select_n3A_2442 : vector<16xi1>, vector<16xf32>
        %select_n3A_2490 = arith.select %gt3A_2488, %select_n3A_2442, %select_n3A_2485 : vector<16xi1>, vector<16xf32>
        %select_n3A_2491 = arith.select %gt3A_2488, %select_n3A_2487, %select_n3A_2444 : vector<16xi1>, vector<16xi32>
        %select_n3A_2492 = arith.select %gt3A_2488, %select_n3A_2444, %select_n3A_2487 : vector<16xi1>, vector<16xi32>
        %get3A_2493 = arith.constant 52 : i32
        %get3A_2494 = arith.index_cast %get3A_2493 : i32 to index
        %get3A_2495 = arith.index_cast %mul3A_20 : i32 to index
        %get3A_2496 = tpu.vector_load %arg5[%get3A_2494, %get3A_2495] {strides = array<i32>} : memref<64x256xf32, #tpu.memory_space<vmem>>, vector<1x16xf32>,
        %get3A_2497 = vector.shape_cast %get3A_2496 : vector<1x16xf32> to vector<16xf32>
        %broadcast_in_dim3A_2498 = arith.constant 52 : i32
        %broadcast_in_dim3A_2499 = vector.broadcast %broadcast_in_dim3A_2498 : i32 to vector<16xi32>
        %gt3A_2500 = arith.cmpf ogt, %get3A_2497, %select_n3A_2454 : vector<16xf32>
        %select_n3A_2501 = arith.select %gt3A_2500, %get3A_2497, %select_n3A_2454 : vector<16xi1>, vector<16xf32>
        %select_n3A_2502 = arith.select %gt3A_2500, %select_n3A_2454, %get3A_2497 : vector<16xi1>, vector<16xf32>
        %select_n3A_2503 = arith.select %gt3A_2500, %broadcast_in_dim3A_2499, %select_n3A_2456 : vector<16xi1>, vector<16xi32>
        %select_n3A_2504 = arith.select %gt3A_2500, %select_n3A_2456, %broadcast_in_dim3A_2499 : vector<16xi1>, vector<16xi32>
        %gt3A_2505 = arith.cmpf ogt, %select_n3A_2502, %select_n3A_2459 : vector<16xf32>
        %select_n3A_2506 = arith.select %gt3A_2505, %select_n3A_2502, %select_n3A_2459 : vector<16xi1>, vector<16xf32>
        %select_n3A_2507 = arith.select %gt3A_2505, %select_n3A_2459, %select_n3A_2502 : vector<16xi1>, vector<16xf32>
        %select_n3A_2508 = arith.select %gt3A_2505, %select_n3A_2504, %select_n3A_2461 : vector<16xi1>, vector<16xi32>
        %select_n3A_2509 = arith.select %gt3A_2505, %select_n3A_2461, %select_n3A_2504 : vector<16xi1>, vector<16xi32>
        %gt3A_2510 = arith.cmpf ogt, %select_n3A_2507, %select_n3A_2464 : vector<16xf32>
        %select_n3A_2511 = arith.select %gt3A_2510, %select_n3A_2507, %select_n3A_2464 : vector<16xi1>, vector<16xf32>
        %select_n3A_2512 = arith.select %gt3A_2510, %select_n3A_2464, %select_n3A_2507 : vector<16xi1>, vector<16xf32>
        %select_n3A_2513 = arith.select %gt3A_2510, %select_n3A_2509, %select_n3A_2466 : vector<16xi1>, vector<16xi32>
        %select_n3A_2514 = arith.select %gt3A_2510, %select_n3A_2466, %select_n3A_2509 : vector<16xi1>, vector<16xi32>
        %gt3A_2515 = arith.cmpf ogt, %select_n3A_2512, %select_n3A_2469 : vector<16xf32>
        %select_n3A_2516 = arith.select %gt3A_2515, %select_n3A_2512, %select_n3A_2469 : vector<16xi1>, vector<16xf32>
        %select_n3A_2517 = arith.select %gt3A_2515, %select_n3A_2469, %select_n3A_2512 : vector<16xi1>, vector<16xf32>
        %select_n3A_2518 = arith.select %gt3A_2515, %select_n3A_2514, %select_n3A_2471 : vector<16xi1>, vector<16xi32>
        %select_n3A_2519 = arith.select %gt3A_2515, %select_n3A_2471, %select_n3A_2514 : vector<16xi1>, vector<16xi32>
        %gt3A_2520 = arith.cmpf ogt, %select_n3A_2517, %select_n3A_2474 : vector<16xf32>
        %select_n3A_2521 = arith.select %gt3A_2520, %select_n3A_2517, %select_n3A_2474 : vector<16xi1>, vector<16xf32>
        %select_n3A_2522 = arith.select %gt3A_2520, %select_n3A_2474, %select_n3A_2517 : vector<16xi1>, vector<16xf32>
        %select_n3A_2523 = arith.select %gt3A_2520, %select_n3A_2519, %select_n3A_2476 : vector<16xi1>, vector<16xi32>
        %select_n3A_2524 = arith.select %gt3A_2520, %select_n3A_2476, %select_n3A_2519 : vector<16xi1>, vector<16xi32>
        %gt3A_2525 = arith.cmpf ogt, %select_n3A_2522, %select_n3A_2479 : vector<16xf32>
        %select_n3A_2526 = arith.select %gt3A_2525, %select_n3A_2522, %select_n3A_2479 : vector<16xi1>, vector<16xf32>
        %select_n3A_2527 = arith.select %gt3A_2525, %select_n3A_2479, %select_n3A_2522 : vector<16xi1>, vector<16xf32>
        %select_n3A_2528 = arith.select %gt3A_2525, %select_n3A_2524, %select_n3A_2481 : vector<16xi1>, vector<16xi32>
        %select_n3A_2529 = arith.select %gt3A_2525, %select_n3A_2481, %select_n3A_2524 : vector<16xi1>, vector<16xi32>
        %gt3A_2530 = arith.cmpf ogt, %select_n3A_2527, %select_n3A_2484 : vector<16xf32>
        %select_n3A_2531 = arith.select %gt3A_2530, %select_n3A_2527, %select_n3A_2484 : vector<16xi1>, vector<16xf32>
        %select_n3A_2532 = arith.select %gt3A_2530, %select_n3A_2484, %select_n3A_2527 : vector<16xi1>, vector<16xf32>
        %select_n3A_2533 = arith.select %gt3A_2530, %select_n3A_2529, %select_n3A_2486 : vector<16xi1>, vector<16xi32>
        %select_n3A_2534 = arith.select %gt3A_2530, %select_n3A_2486, %select_n3A_2529 : vector<16xi1>, vector<16xi32>
        %gt3A_2535 = arith.cmpf ogt, %select_n3A_2532, %select_n3A_2489 : vector<16xf32>
        %select_n3A_2536 = arith.select %gt3A_2535, %select_n3A_2532, %select_n3A_2489 : vector<16xi1>, vector<16xf32>
        %select_n3A_2537 = arith.select %gt3A_2535, %select_n3A_2489, %select_n3A_2532 : vector<16xi1>, vector<16xf32>
        %select_n3A_2538 = arith.select %gt3A_2535, %select_n3A_2534, %select_n3A_2491 : vector<16xi1>, vector<16xi32>
        %select_n3A_2539 = arith.select %gt3A_2535, %select_n3A_2491, %select_n3A_2534 : vector<16xi1>, vector<16xi32>
        %get3A_2540 = arith.constant 53 : i32
        %get3A_2541 = arith.index_cast %get3A_2540 : i32 to index
        %get3A_2542 = arith.index_cast %mul3A_20 : i32 to index
        %get3A_2543 = tpu.vector_load %arg5[%get3A_2541, %get3A_2542] {strides = array<i32>} : memref<64x256xf32, #tpu.memory_space<vmem>>, vector<1x16xf32>,
        %get3A_2544 = vector.shape_cast %get3A_2543 : vector<1x16xf32> to vector<16xf32>
        %broadcast_in_dim3A_2545 = arith.constant 53 : i32
        %broadcast_in_dim3A_2546 = vector.broadcast %broadcast_in_dim3A_2545 : i32 to vector<16xi32>
        %gt3A_2547 = arith.cmpf ogt, %get3A_2544, %select_n3A_2501 : vector<16xf32>
        %select_n3A_2548 = arith.select %gt3A_2547, %get3A_2544, %select_n3A_2501 : vector<16xi1>, vector<16xf32>
        %select_n3A_2549 = arith.select %gt3A_2547, %select_n3A_2501, %get3A_2544 : vector<16xi1>, vector<16xf32>
        %select_n3A_2550 = arith.select %gt3A_2547, %broadcast_in_dim3A_2546, %select_n3A_2503 : vector<16xi1>, vector<16xi32>
        %select_n3A_2551 = arith.select %gt3A_2547, %select_n3A_2503, %broadcast_in_dim3A_2546 : vector<16xi1>, vector<16xi32>
        %gt3A_2552 = arith.cmpf ogt, %select_n3A_2549, %select_n3A_2506 : vector<16xf32>
        %select_n3A_2553 = arith.select %gt3A_2552, %select_n3A_2549, %select_n3A_2506 : vector<16xi1>, vector<16xf32>
        %select_n3A_2554 = arith.select %gt3A_2552, %select_n3A_2506, %select_n3A_2549 : vector<16xi1>, vector<16xf32>
        %select_n3A_2555 = arith.select %gt3A_2552, %select_n3A_2551, %select_n3A_2508 : vector<16xi1>, vector<16xi32>
        %select_n3A_2556 = arith.select %gt3A_2552, %select_n3A_2508, %select_n3A_2551 : vector<16xi1>, vector<16xi32>
        %gt3A_2557 = arith.cmpf ogt, %select_n3A_2554, %select_n3A_2511 : vector<16xf32>
        %select_n3A_2558 = arith.select %gt3A_2557, %select_n3A_2554, %select_n3A_2511 : vector<16xi1>, vector<16xf32>
        %select_n3A_2559 = arith.select %gt3A_2557, %select_n3A_2511, %select_n3A_2554 : vector<16xi1>, vector<16xf32>
        %select_n3A_2560 = arith.select %gt3A_2557, %select_n3A_2556, %select_n3A_2513 : vector<16xi1>, vector<16xi32>
        %select_n3A_2561 = arith.select %gt3A_2557, %select_n3A_2513, %select_n3A_2556 : vector<16xi1>, vector<16xi32>
        %gt3A_2562 = arith.cmpf ogt, %select_n3A_2559, %select_n3A_2516 : vector<16xf32>
        %select_n3A_2563 = arith.select %gt3A_2562, %select_n3A_2559, %select_n3A_2516 : vector<16xi1>, vector<16xf32>
        %select_n3A_2564 = arith.select %gt3A_2562, %select_n3A_2516, %select_n3A_2559 : vector<16xi1>, vector<16xf32>
        %select_n3A_2565 = arith.select %gt3A_2562, %select_n3A_2561, %select_n3A_2518 : vector<16xi1>, vector<16xi32>
        %select_n3A_2566 = arith.select %gt3A_2562, %select_n3A_2518, %select_n3A_2561 : vector<16xi1>, vector<16xi32>
        %gt3A_2567 = arith.cmpf ogt, %select_n3A_2564, %select_n3A_2521 : vector<16xf32>
        %select_n3A_2568 = arith.select %gt3A_2567, %select_n3A_2564, %select_n3A_2521 : vector<16xi1>, vector<16xf32>
        %select_n3A_2569 = arith.select %gt3A_2567, %select_n3A_2521, %select_n3A_2564 : vector<16xi1>, vector<16xf32>
        %select_n3A_2570 = arith.select %gt3A_2567, %select_n3A_2566, %select_n3A_2523 : vector<16xi1>, vector<16xi32>
        %select_n3A_2571 = arith.select %gt3A_2567, %select_n3A_2523, %select_n3A_2566 : vector<16xi1>, vector<16xi32>
        %gt3A_2572 = arith.cmpf ogt, %select_n3A_2569, %select_n3A_2526 : vector<16xf32>
        %select_n3A_2573 = arith.select %gt3A_2572, %select_n3A_2569, %select_n3A_2526 : vector<16xi1>, vector<16xf32>
        %select_n3A_2574 = arith.select %gt3A_2572, %select_n3A_2526, %select_n3A_2569 : vector<16xi1>, vector<16xf32>
        %select_n3A_2575 = arith.select %gt3A_2572, %select_n3A_2571, %select_n3A_2528 : vector<16xi1>, vector<16xi32>
        %select_n3A_2576 = arith.select %gt3A_2572, %select_n3A_2528, %select_n3A_2571 : vector<16xi1>, vector<16xi32>
        %gt3A_2577 = arith.cmpf ogt, %select_n3A_2574, %select_n3A_2531 : vector<16xf32>
        %select_n3A_2578 = arith.select %gt3A_2577, %select_n3A_2574, %select_n3A_2531 : vector<16xi1>, vector<16xf32>
        %select_n3A_2579 = arith.select %gt3A_2577, %select_n3A_2531, %select_n3A_2574 : vector<16xi1>, vector<16xf32>
        %select_n3A_2580 = arith.select %gt3A_2577, %select_n3A_2576, %select_n3A_2533 : vector<16xi1>, vector<16xi32>
        %select_n3A_2581 = arith.select %gt3A_2577, %select_n3A_2533, %select_n3A_2576 : vector<16xi1>, vector<16xi32>
        %gt3A_2582 = arith.cmpf ogt, %select_n3A_2579, %select_n3A_2536 : vector<16xf32>
        %select_n3A_2583 = arith.select %gt3A_2582, %select_n3A_2579, %select_n3A_2536 : vector<16xi1>, vector<16xf32>
        %select_n3A_2584 = arith.select %gt3A_2582, %select_n3A_2536, %select_n3A_2579 : vector<16xi1>, vector<16xf32>
        %select_n3A_2585 = arith.select %gt3A_2582, %select_n3A_2581, %select_n3A_2538 : vector<16xi1>, vector<16xi32>
        %select_n3A_2586 = arith.select %gt3A_2582, %select_n3A_2538, %select_n3A_2581 : vector<16xi1>, vector<16xi32>
        %get3A_2587 = arith.constant 54 : i32
        %get3A_2588 = arith.index_cast %get3A_2587 : i32 to index
        %get3A_2589 = arith.index_cast %mul3A_20 : i32 to index
        %get3A_2590 = tpu.vector_load %arg5[%get3A_2588, %get3A_2589] {strides = array<i32>} : memref<64x256xf32, #tpu.memory_space<vmem>>, vector<1x16xf32>,
        %get3A_2591 = vector.shape_cast %get3A_2590 : vector<1x16xf32> to vector<16xf32>
        %broadcast_in_dim3A_2592 = arith.constant 54 : i32
        %broadcast_in_dim3A_2593 = vector.broadcast %broadcast_in_dim3A_2592 : i32 to vector<16xi32>
        %gt3A_2594 = arith.cmpf ogt, %get3A_2591, %select_n3A_2548 : vector<16xf32>
        %select_n3A_2595 = arith.select %gt3A_2594, %get3A_2591, %select_n3A_2548 : vector<16xi1>, vector<16xf32>
        %select_n3A_2596 = arith.select %gt3A_2594, %select_n3A_2548, %get3A_2591 : vector<16xi1>, vector<16xf32>
        %select_n3A_2597 = arith.select %gt3A_2594, %broadcast_in_dim3A_2593, %select_n3A_2550 : vector<16xi1>, vector<16xi32>
        %select_n3A_2598 = arith.select %gt3A_2594, %select_n3A_2550, %broadcast_in_dim3A_2593 : vector<16xi1>, vector<16xi32>
        %gt3A_2599 = arith.cmpf ogt, %select_n3A_2596, %select_n3A_2553 : vector<16xf32>
        %select_n3A_2600 = arith.select %gt3A_2599, %select_n3A_2596, %select_n3A_2553 : vector<16xi1>, vector<16xf32>
        %select_n3A_2601 = arith.select %gt3A_2599, %select_n3A_2553, %select_n3A_2596 : vector<16xi1>, vector<16xf32>
        %select_n3A_2602 = arith.select %gt3A_2599, %select_n3A_2598, %select_n3A_2555 : vector<16xi1>, vector<16xi32>
        %select_n3A_2603 = arith.select %gt3A_2599, %select_n3A_2555, %select_n3A_2598 : vector<16xi1>, vector<16xi32>
        %gt3A_2604 = arith.cmpf ogt, %select_n3A_2601, %select_n3A_2558 : vector<16xf32>
        %select_n3A_2605 = arith.select %gt3A_2604, %select_n3A_2601, %select_n3A_2558 : vector<16xi1>, vector<16xf32>
        %select_n3A_2606 = arith.select %gt3A_2604, %select_n3A_2558, %select_n3A_2601 : vector<16xi1>, vector<16xf32>
        %select_n3A_2607 = arith.select %gt3A_2604, %select_n3A_2603, %select_n3A_2560 : vector<16xi1>, vector<16xi32>
        %select_n3A_2608 = arith.select %gt3A_2604, %select_n3A_2560, %select_n3A_2603 : vector<16xi1>, vector<16xi32>
        %gt3A_2609 = arith.cmpf ogt, %select_n3A_2606, %select_n3A_2563 : vector<16xf32>
        %select_n3A_2610 = arith.select %gt3A_2609, %select_n3A_2606, %select_n3A_2563 : vector<16xi1>, vector<16xf32>
        %select_n3A_2611 = arith.select %gt3A_2609, %select_n3A_2563, %select_n3A_2606 : vector<16xi1>, vector<16xf32>
        %select_n3A_2612 = arith.select %gt3A_2609, %select_n3A_2608, %select_n3A_2565 : vector<16xi1>, vector<16xi32>
        %select_n3A_2613 = arith.select %gt3A_2609, %select_n3A_2565, %select_n3A_2608 : vector<16xi1>, vector<16xi32>
        %gt3A_2614 = arith.cmpf ogt, %select_n3A_2611, %select_n3A_2568 : vector<16xf32>
        %select_n3A_2615 = arith.select %gt3A_2614, %select_n3A_2611, %select_n3A_2568 : vector<16xi1>, vector<16xf32>
        %select_n3A_2616 = arith.select %gt3A_2614, %select_n3A_2568, %select_n3A_2611 : vector<16xi1>, vector<16xf32>
        %select_n3A_2617 = arith.select %gt3A_2614, %select_n3A_2613, %select_n3A_2570 : vector<16xi1>, vector<16xi32>
        %select_n3A_2618 = arith.select %gt3A_2614, %select_n3A_2570, %select_n3A_2613 : vector<16xi1>, vector<16xi32>
        %gt3A_2619 = arith.cmpf ogt, %select_n3A_2616, %select_n3A_2573 : vector<16xf32>
        %select_n3A_2620 = arith.select %gt3A_2619, %select_n3A_2616, %select_n3A_2573 : vector<16xi1>, vector<16xf32>
        %select_n3A_2621 = arith.select %gt3A_2619, %select_n3A_2573, %select_n3A_2616 : vector<16xi1>, vector<16xf32>
        %select_n3A_2622 = arith.select %gt3A_2619, %select_n3A_2618, %select_n3A_2575 : vector<16xi1>, vector<16xi32>
        %select_n3A_2623 = arith.select %gt3A_2619, %select_n3A_2575, %select_n3A_2618 : vector<16xi1>, vector<16xi32>
        %gt3A_2624 = arith.cmpf ogt, %select_n3A_2621, %select_n3A_2578 : vector<16xf32>
        %select_n3A_2625 = arith.select %gt3A_2624, %select_n3A_2621, %select_n3A_2578 : vector<16xi1>, vector<16xf32>
        %select_n3A_2626 = arith.select %gt3A_2624, %select_n3A_2578, %select_n3A_2621 : vector<16xi1>, vector<16xf32>
        %select_n3A_2627 = arith.select %gt3A_2624, %select_n3A_2623, %select_n3A_2580 : vector<16xi1>, vector<16xi32>
        %select_n3A_2628 = arith.select %gt3A_2624, %select_n3A_2580, %select_n3A_2623 : vector<16xi1>, vector<16xi32>
        %gt3A_2629 = arith.cmpf ogt, %select_n3A_2626, %select_n3A_2583 : vector<16xf32>
        %select_n3A_2630 = arith.select %gt3A_2629, %select_n3A_2626, %select_n3A_2583 : vector<16xi1>, vector<16xf32>
        %select_n3A_2631 = arith.select %gt3A_2629, %select_n3A_2583, %select_n3A_2626 : vector<16xi1>, vector<16xf32>
        %select_n3A_2632 = arith.select %gt3A_2629, %select_n3A_2628, %select_n3A_2585 : vector<16xi1>, vector<16xi32>
        %select_n3A_2633 = arith.select %gt3A_2629, %select_n3A_2585, %select_n3A_2628 : vector<16xi1>, vector<16xi32>
        %get3A_2634 = arith.constant 55 : i32
        %get3A_2635 = arith.index_cast %get3A_2634 : i32 to index
        %get3A_2636 = arith.index_cast %mul3A_20 : i32 to index
        %get3A_2637 = tpu.vector_load %arg5[%get3A_2635, %get3A_2636] {strides = array<i32>} : memref<64x256xf32, #tpu.memory_space<vmem>>, vector<1x16xf32>,
        %get3A_2638 = vector.shape_cast %get3A_2637 : vector<1x16xf32> to vector<16xf32>
        %broadcast_in_dim3A_2639 = arith.constant 55 : i32
        %broadcast_in_dim3A_2640 = vector.broadcast %broadcast_in_dim3A_2639 : i32 to vector<16xi32>
        %gt3A_2641 = arith.cmpf ogt, %get3A_2638, %select_n3A_2595 : vector<16xf32>
        %select_n3A_2642 = arith.select %gt3A_2641, %get3A_2638, %select_n3A_2595 : vector<16xi1>, vector<16xf32>
        %select_n3A_2643 = arith.select %gt3A_2641, %select_n3A_2595, %get3A_2638 : vector<16xi1>, vector<16xf32>
        %select_n3A_2644 = arith.select %gt3A_2641, %broadcast_in_dim3A_2640, %select_n3A_2597 : vector<16xi1>, vector<16xi32>
        %select_n3A_2645 = arith.select %gt3A_2641, %select_n3A_2597, %broadcast_in_dim3A_2640 : vector<16xi1>, vector<16xi32>
        %gt3A_2646 = arith.cmpf ogt, %select_n3A_2643, %select_n3A_2600 : vector<16xf32>
        %select_n3A_2647 = arith.select %gt3A_2646, %select_n3A_2643, %select_n3A_2600 : vector<16xi1>, vector<16xf32>
        %select_n3A_2648 = arith.select %gt3A_2646, %select_n3A_2600, %select_n3A_2643 : vector<16xi1>, vector<16xf32>
        %select_n3A_2649 = arith.select %gt3A_2646, %select_n3A_2645, %select_n3A_2602 : vector<16xi1>, vector<16xi32>
        %select_n3A_2650 = arith.select %gt3A_2646, %select_n3A_2602, %select_n3A_2645 : vector<16xi1>, vector<16xi32>
        %gt3A_2651 = arith.cmpf ogt, %select_n3A_2648, %select_n3A_2605 : vector<16xf32>
        %select_n3A_2652 = arith.select %gt3A_2651, %select_n3A_2648, %select_n3A_2605 : vector<16xi1>, vector<16xf32>
        %select_n3A_2653 = arith.select %gt3A_2651, %select_n3A_2605, %select_n3A_2648 : vector<16xi1>, vector<16xf32>
        %select_n3A_2654 = arith.select %gt3A_2651, %select_n3A_2650, %select_n3A_2607 : vector<16xi1>, vector<16xi32>
        %select_n3A_2655 = arith.select %gt3A_2651, %select_n3A_2607, %select_n3A_2650 : vector<16xi1>, vector<16xi32>
        %gt3A_2656 = arith.cmpf ogt, %select_n3A_2653, %select_n3A_2610 : vector<16xf32>
        %select_n3A_2657 = arith.select %gt3A_2656, %select_n3A_2653, %select_n3A_2610 : vector<16xi1>, vector<16xf32>
        %select_n3A_2658 = arith.select %gt3A_2656, %select_n3A_2610, %select_n3A_2653 : vector<16xi1>, vector<16xf32>
        %select_n3A_2659 = arith.select %gt3A_2656, %select_n3A_2655, %select_n3A_2612 : vector<16xi1>, vector<16xi32>
        %select_n3A_2660 = arith.select %gt3A_2656, %select_n3A_2612, %select_n3A_2655 : vector<16xi1>, vector<16xi32>
        %gt3A_2661 = arith.cmpf ogt, %select_n3A_2658, %select_n3A_2615 : vector<16xf32>
        %select_n3A_2662 = arith.select %gt3A_2661, %select_n3A_2658, %select_n3A_2615 : vector<16xi1>, vector<16xf32>
        %select_n3A_2663 = arith.select %gt3A_2661, %select_n3A_2615, %select_n3A_2658 : vector<16xi1>, vector<16xf32>
        %select_n3A_2664 = arith.select %gt3A_2661, %select_n3A_2660, %select_n3A_2617 : vector<16xi1>, vector<16xi32>
        %select_n3A_2665 = arith.select %gt3A_2661, %select_n3A_2617, %select_n3A_2660 : vector<16xi1>, vector<16xi32>
        %gt3A_2666 = arith.cmpf ogt, %select_n3A_2663, %select_n3A_2620 : vector<16xf32>
        %select_n3A_2667 = arith.select %gt3A_2666, %select_n3A_2663, %select_n3A_2620 : vector<16xi1>, vector<16xf32>
        %select_n3A_2668 = arith.select %gt3A_2666, %select_n3A_2620, %select_n3A_2663 : vector<16xi1>, vector<16xf32>
        %select_n3A_2669 = arith.select %gt3A_2666, %select_n3A_2665, %select_n3A_2622 : vector<16xi1>, vector<16xi32>
        %select_n3A_2670 = arith.select %gt3A_2666, %select_n3A_2622, %select_n3A_2665 : vector<16xi1>, vector<16xi32>
        %gt3A_2671 = arith.cmpf ogt, %select_n3A_2668, %select_n3A_2625 : vector<16xf32>
        %select_n3A_2672 = arith.select %gt3A_2671, %select_n3A_2668, %select_n3A_2625 : vector<16xi1>, vector<16xf32>
        %select_n3A_2673 = arith.select %gt3A_2671, %select_n3A_2625, %select_n3A_2668 : vector<16xi1>, vector<16xf32>
        %select_n3A_2674 = arith.select %gt3A_2671, %select_n3A_2670, %select_n3A_2627 : vector<16xi1>, vector<16xi32>
        %select_n3A_2675 = arith.select %gt3A_2671, %select_n3A_2627, %select_n3A_2670 : vector<16xi1>, vector<16xi32>
        %gt3A_2676 = arith.cmpf ogt, %select_n3A_2673, %select_n3A_2630 : vector<16xf32>
        %select_n3A_2677 = arith.select %gt3A_2676, %select_n3A_2673, %select_n3A_2630 : vector<16xi1>, vector<16xf32>
        %select_n3A_2678 = arith.select %gt3A_2676, %select_n3A_2630, %select_n3A_2673 : vector<16xi1>, vector<16xf32>
        %select_n3A_2679 = arith.select %gt3A_2676, %select_n3A_2675, %select_n3A_2632 : vector<16xi1>, vector<16xi32>
        %select_n3A_2680 = arith.select %gt3A_2676, %select_n3A_2632, %select_n3A_2675 : vector<16xi1>, vector<16xi32>
        %get3A_2681 = arith.constant 56 : i32
        %get3A_2682 = arith.index_cast %get3A_2681 : i32 to index
        %get3A_2683 = arith.index_cast %mul3A_20 : i32 to index
        %get3A_2684 = tpu.vector_load %arg5[%get3A_2682, %get3A_2683] {strides = array<i32>} : memref<64x256xf32, #tpu.memory_space<vmem>>, vector<1x16xf32>,
        %get3A_2685 = vector.shape_cast %get3A_2684 : vector<1x16xf32> to vector<16xf32>
        %broadcast_in_dim3A_2686 = arith.constant 56 : i32
        %broadcast_in_dim3A_2687 = vector.broadcast %broadcast_in_dim3A_2686 : i32 to vector<16xi32>
        %gt3A_2688 = arith.cmpf ogt, %get3A_2685, %select_n3A_2642 : vector<16xf32>
        %select_n3A_2689 = arith.select %gt3A_2688, %get3A_2685, %select_n3A_2642 : vector<16xi1>, vector<16xf32>
        %select_n3A_2690 = arith.select %gt3A_2688, %select_n3A_2642, %get3A_2685 : vector<16xi1>, vector<16xf32>
        %select_n3A_2691 = arith.select %gt3A_2688, %broadcast_in_dim3A_2687, %select_n3A_2644 : vector<16xi1>, vector<16xi32>
        %select_n3A_2692 = arith.select %gt3A_2688, %select_n3A_2644, %broadcast_in_dim3A_2687 : vector<16xi1>, vector<16xi32>
        %gt3A_2693 = arith.cmpf ogt, %select_n3A_2690, %select_n3A_2647 : vector<16xf32>
        %select_n3A_2694 = arith.select %gt3A_2693, %select_n3A_2690, %select_n3A_2647 : vector<16xi1>, vector<16xf32>
        %select_n3A_2695 = arith.select %gt3A_2693, %select_n3A_2647, %select_n3A_2690 : vector<16xi1>, vector<16xf32>
        %select_n3A_2696 = arith.select %gt3A_2693, %select_n3A_2692, %select_n3A_2649 : vector<16xi1>, vector<16xi32>
        %select_n3A_2697 = arith.select %gt3A_2693, %select_n3A_2649, %select_n3A_2692 : vector<16xi1>, vector<16xi32>
        %gt3A_2698 = arith.cmpf ogt, %select_n3A_2695, %select_n3A_2652 : vector<16xf32>
        %select_n3A_2699 = arith.select %gt3A_2698, %select_n3A_2695, %select_n3A_2652 : vector<16xi1>, vector<16xf32>
        %select_n3A_2700 = arith.select %gt3A_2698, %select_n3A_2652, %select_n3A_2695 : vector<16xi1>, vector<16xf32>
        %select_n3A_2701 = arith.select %gt3A_2698, %select_n3A_2697, %select_n3A_2654 : vector<16xi1>, vector<16xi32>
        %select_n3A_2702 = arith.select %gt3A_2698, %select_n3A_2654, %select_n3A_2697 : vector<16xi1>, vector<16xi32>
        %gt3A_2703 = arith.cmpf ogt, %select_n3A_2700, %select_n3A_2657 : vector<16xf32>
        %select_n3A_2704 = arith.select %gt3A_2703, %select_n3A_2700, %select_n3A_2657 : vector<16xi1>, vector<16xf32>
        %select_n3A_2705 = arith.select %gt3A_2703, %select_n3A_2657, %select_n3A_2700 : vector<16xi1>, vector<16xf32>
        %select_n3A_2706 = arith.select %gt3A_2703, %select_n3A_2702, %select_n3A_2659 : vector<16xi1>, vector<16xi32>
        %select_n3A_2707 = arith.select %gt3A_2703, %select_n3A_2659, %select_n3A_2702 : vector<16xi1>, vector<16xi32>
        %gt3A_2708 = arith.cmpf ogt, %select_n3A_2705, %select_n3A_2662 : vector<16xf32>
        %select_n3A_2709 = arith.select %gt3A_2708, %select_n3A_2705, %select_n3A_2662 : vector<16xi1>, vector<16xf32>
        %select_n3A_2710 = arith.select %gt3A_2708, %select_n3A_2662, %select_n3A_2705 : vector<16xi1>, vector<16xf32>
        %select_n3A_2711 = arith.select %gt3A_2708, %select_n3A_2707, %select_n3A_2664 : vector<16xi1>, vector<16xi32>
        %select_n3A_2712 = arith.select %gt3A_2708, %select_n3A_2664, %select_n3A_2707 : vector<16xi1>, vector<16xi32>
        %gt3A_2713 = arith.cmpf ogt, %select_n3A_2710, %select_n3A_2667 : vector<16xf32>
        %select_n3A_2714 = arith.select %gt3A_2713, %select_n3A_2710, %select_n3A_2667 : vector<16xi1>, vector<16xf32>
        %select_n3A_2715 = arith.select %gt3A_2713, %select_n3A_2667, %select_n3A_2710 : vector<16xi1>, vector<16xf32>
        %select_n3A_2716 = arith.select %gt3A_2713, %select_n3A_2712, %select_n3A_2669 : vector<16xi1>, vector<16xi32>
        %select_n3A_2717 = arith.select %gt3A_2713, %select_n3A_2669, %select_n3A_2712 : vector<16xi1>, vector<16xi32>
        %gt3A_2718 = arith.cmpf ogt, %select_n3A_2715, %select_n3A_2672 : vector<16xf32>
        %select_n3A_2719 = arith.select %gt3A_2718, %select_n3A_2715, %select_n3A_2672 : vector<16xi1>, vector<16xf32>
        %select_n3A_2720 = arith.select %gt3A_2718, %select_n3A_2672, %select_n3A_2715 : vector<16xi1>, vector<16xf32>
        %select_n3A_2721 = arith.select %gt3A_2718, %select_n3A_2717, %select_n3A_2674 : vector<16xi1>, vector<16xi32>
        %select_n3A_2722 = arith.select %gt3A_2718, %select_n3A_2674, %select_n3A_2717 : vector<16xi1>, vector<16xi32>
        %gt3A_2723 = arith.cmpf ogt, %select_n3A_2720, %select_n3A_2677 : vector<16xf32>
        %select_n3A_2724 = arith.select %gt3A_2723, %select_n3A_2720, %select_n3A_2677 : vector<16xi1>, vector<16xf32>
        %select_n3A_2725 = arith.select %gt3A_2723, %select_n3A_2677, %select_n3A_2720 : vector<16xi1>, vector<16xf32>
        %select_n3A_2726 = arith.select %gt3A_2723, %select_n3A_2722, %select_n3A_2679 : vector<16xi1>, vector<16xi32>
        %select_n3A_2727 = arith.select %gt3A_2723, %select_n3A_2679, %select_n3A_2722 : vector<16xi1>, vector<16xi32>
        %get3A_2728 = arith.constant 57 : i32
        %get3A_2729 = arith.index_cast %get3A_2728 : i32 to index
        %get3A_2730 = arith.index_cast %mul3A_20 : i32 to index
        %get3A_2731 = tpu.vector_load %arg5[%get3A_2729, %get3A_2730] {strides = array<i32>} : memref<64x256xf32, #tpu.memory_space<vmem>>, vector<1x16xf32>,
        %get3A_2732 = vector.shape_cast %get3A_2731 : vector<1x16xf32> to vector<16xf32>
        %broadcast_in_dim3A_2733 = arith.constant 57 : i32
        %broadcast_in_dim3A_2734 = vector.broadcast %broadcast_in_dim3A_2733 : i32 to vector<16xi32>
        %gt3A_2735 = arith.cmpf ogt, %get3A_2732, %select_n3A_2689 : vector<16xf32>
        %select_n3A_2736 = arith.select %gt3A_2735, %get3A_2732, %select_n3A_2689 : vector<16xi1>, vector<16xf32>
        %select_n3A_2737 = arith.select %gt3A_2735, %select_n3A_2689, %get3A_2732 : vector<16xi1>, vector<16xf32>
        %select_n3A_2738 = arith.select %gt3A_2735, %broadcast_in_dim3A_2734, %select_n3A_2691 : vector<16xi1>, vector<16xi32>
        %select_n3A_2739 = arith.select %gt3A_2735, %select_n3A_2691, %broadcast_in_dim3A_2734 : vector<16xi1>, vector<16xi32>
        %gt3A_2740 = arith.cmpf ogt, %select_n3A_2737, %select_n3A_2694 : vector<16xf32>
        %select_n3A_2741 = arith.select %gt3A_2740, %select_n3A_2737, %select_n3A_2694 : vector<16xi1>, vector<16xf32>
        %select_n3A_2742 = arith.select %gt3A_2740, %select_n3A_2694, %select_n3A_2737 : vector<16xi1>, vector<16xf32>
        %select_n3A_2743 = arith.select %gt3A_2740, %select_n3A_2739, %select_n3A_2696 : vector<16xi1>, vector<16xi32>
        %select_n3A_2744 = arith.select %gt3A_2740, %select_n3A_2696, %select_n3A_2739 : vector<16xi1>, vector<16xi32>
        %gt3A_2745 = arith.cmpf ogt, %select_n3A_2742, %select_n3A_2699 : vector<16xf32>
        %select_n3A_2746 = arith.select %gt3A_2745, %select_n3A_2742, %select_n3A_2699 : vector<16xi1>, vector<16xf32>
        %select_n3A_2747 = arith.select %gt3A_2745, %select_n3A_2699, %select_n3A_2742 : vector<16xi1>, vector<16xf32>
        %select_n3A_2748 = arith.select %gt3A_2745, %select_n3A_2744, %select_n3A_2701 : vector<16xi1>, vector<16xi32>
        %select_n3A_2749 = arith.select %gt3A_2745, %select_n3A_2701, %select_n3A_2744 : vector<16xi1>, vector<16xi32>
        %gt3A_2750 = arith.cmpf ogt, %select_n3A_2747, %select_n3A_2704 : vector<16xf32>
        %select_n3A_2751 = arith.select %gt3A_2750, %select_n3A_2747, %select_n3A_2704 : vector<16xi1>, vector<16xf32>
        %select_n3A_2752 = arith.select %gt3A_2750, %select_n3A_2704, %select_n3A_2747 : vector<16xi1>, vector<16xf32>
        %select_n3A_2753 = arith.select %gt3A_2750, %select_n3A_2749, %select_n3A_2706 : vector<16xi1>, vector<16xi32>
        %select_n3A_2754 = arith.select %gt3A_2750, %select_n3A_2706, %select_n3A_2749 : vector<16xi1>, vector<16xi32>
        %gt3A_2755 = arith.cmpf ogt, %select_n3A_2752, %select_n3A_2709 : vector<16xf32>
        %select_n3A_2756 = arith.select %gt3A_2755, %select_n3A_2752, %select_n3A_2709 : vector<16xi1>, vector<16xf32>
        %select_n3A_2757 = arith.select %gt3A_2755, %select_n3A_2709, %select_n3A_2752 : vector<16xi1>, vector<16xf32>
        %select_n3A_2758 = arith.select %gt3A_2755, %select_n3A_2754, %select_n3A_2711 : vector<16xi1>, vector<16xi32>
        %select_n3A_2759 = arith.select %gt3A_2755, %select_n3A_2711, %select_n3A_2754 : vector<16xi1>, vector<16xi32>
        %gt3A_2760 = arith.cmpf ogt, %select_n3A_2757, %select_n3A_2714 : vector<16xf32>
        %select_n3A_2761 = arith.select %gt3A_2760, %select_n3A_2757, %select_n3A_2714 : vector<16xi1>, vector<16xf32>
        %select_n3A_2762 = arith.select %gt3A_2760, %select_n3A_2714, %select_n3A_2757 : vector<16xi1>, vector<16xf32>
        %select_n3A_2763 = arith.select %gt3A_2760, %select_n3A_2759, %select_n3A_2716 : vector<16xi1>, vector<16xi32>
        %select_n3A_2764 = arith.select %gt3A_2760, %select_n3A_2716, %select_n3A_2759 : vector<16xi1>, vector<16xi32>
        %gt3A_2765 = arith.cmpf ogt, %select_n3A_2762, %select_n3A_2719 : vector<16xf32>
        %select_n3A_2766 = arith.select %gt3A_2765, %select_n3A_2762, %select_n3A_2719 : vector<16xi1>, vector<16xf32>
        %select_n3A_2767 = arith.select %gt3A_2765, %select_n3A_2719, %select_n3A_2762 : vector<16xi1>, vector<16xf32>
        %select_n3A_2768 = arith.select %gt3A_2765, %select_n3A_2764, %select_n3A_2721 : vector<16xi1>, vector<16xi32>
        %select_n3A_2769 = arith.select %gt3A_2765, %select_n3A_2721, %select_n3A_2764 : vector<16xi1>, vector<16xi32>
        %gt3A_2770 = arith.cmpf ogt, %select_n3A_2767, %select_n3A_2724 : vector<16xf32>
        %select_n3A_2771 = arith.select %gt3A_2770, %select_n3A_2767, %select_n3A_2724 : vector<16xi1>, vector<16xf32>
        %select_n3A_2772 = arith.select %gt3A_2770, %select_n3A_2724, %select_n3A_2767 : vector<16xi1>, vector<16xf32>
        %select_n3A_2773 = arith.select %gt3A_2770, %select_n3A_2769, %select_n3A_2726 : vector<16xi1>, vector<16xi32>
        %select_n3A_2774 = arith.select %gt3A_2770, %select_n3A_2726, %select_n3A_2769 : vector<16xi1>, vector<16xi32>
        %get3A_2775 = arith.constant 58 : i32
        %get3A_2776 = arith.index_cast %get3A_2775 : i32 to index
        %get3A_2777 = arith.index_cast %mul3A_20 : i32 to index
        %get3A_2778 = tpu.vector_load %arg5[%get3A_2776, %get3A_2777] {strides = array<i32>} : memref<64x256xf32, #tpu.memory_space<vmem>>, vector<1x16xf32>,
        %get3A_2779 = vector.shape_cast %get3A_2778 : vector<1x16xf32> to vector<16xf32>
        %broadcast_in_dim3A_2780 = arith.constant 58 : i32
        %broadcast_in_dim3A_2781 = vector.broadcast %broadcast_in_dim3A_2780 : i32 to vector<16xi32>
        %gt3A_2782 = arith.cmpf ogt, %get3A_2779, %select_n3A_2736 : vector<16xf32>
        %select_n3A_2783 = arith.select %gt3A_2782, %get3A_2779, %select_n3A_2736 : vector<16xi1>, vector<16xf32>
        %select_n3A_2784 = arith.select %gt3A_2782, %select_n3A_2736, %get3A_2779 : vector<16xi1>, vector<16xf32>
        %select_n3A_2785 = arith.select %gt3A_2782, %broadcast_in_dim3A_2781, %select_n3A_2738 : vector<16xi1>, vector<16xi32>
        %select_n3A_2786 = arith.select %gt3A_2782, %select_n3A_2738, %broadcast_in_dim3A_2781 : vector<16xi1>, vector<16xi32>
        %gt3A_2787 = arith.cmpf ogt, %select_n3A_2784, %select_n3A_2741 : vector<16xf32>
        %select_n3A_2788 = arith.select %gt3A_2787, %select_n3A_2784, %select_n3A_2741 : vector<16xi1>, vector<16xf32>
        %select_n3A_2789 = arith.select %gt3A_2787, %select_n3A_2741, %select_n3A_2784 : vector<16xi1>, vector<16xf32>
        %select_n3A_2790 = arith.select %gt3A_2787, %select_n3A_2786, %select_n3A_2743 : vector<16xi1>, vector<16xi32>
        %select_n3A_2791 = arith.select %gt3A_2787, %select_n3A_2743, %select_n3A_2786 : vector<16xi1>, vector<16xi32>
        %gt3A_2792 = arith.cmpf ogt, %select_n3A_2789, %select_n3A_2746 : vector<16xf32>
        %select_n3A_2793 = arith.select %gt3A_2792, %select_n3A_2789, %select_n3A_2746 : vector<16xi1>, vector<16xf32>
        %select_n3A_2794 = arith.select %gt3A_2792, %select_n3A_2746, %select_n3A_2789 : vector<16xi1>, vector<16xf32>
        %select_n3A_2795 = arith.select %gt3A_2792, %select_n3A_2791, %select_n3A_2748 : vector<16xi1>, vector<16xi32>
        %select_n3A_2796 = arith.select %gt3A_2792, %select_n3A_2748, %select_n3A_2791 : vector<16xi1>, vector<16xi32>
        %gt3A_2797 = arith.cmpf ogt, %select_n3A_2794, %select_n3A_2751 : vector<16xf32>
        %select_n3A_2798 = arith.select %gt3A_2797, %select_n3A_2794, %select_n3A_2751 : vector<16xi1>, vector<16xf32>
        %select_n3A_2799 = arith.select %gt3A_2797, %select_n3A_2751, %select_n3A_2794 : vector<16xi1>, vector<16xf32>
        %select_n3A_2800 = arith.select %gt3A_2797, %select_n3A_2796, %select_n3A_2753 : vector<16xi1>, vector<16xi32>
        %select_n3A_2801 = arith.select %gt3A_2797, %select_n3A_2753, %select_n3A_2796 : vector<16xi1>, vector<16xi32>
        %gt3A_2802 = arith.cmpf ogt, %select_n3A_2799, %select_n3A_2756 : vector<16xf32>
        %select_n3A_2803 = arith.select %gt3A_2802, %select_n3A_2799, %select_n3A_2756 : vector<16xi1>, vector<16xf32>
        %select_n3A_2804 = arith.select %gt3A_2802, %select_n3A_2756, %select_n3A_2799 : vector<16xi1>, vector<16xf32>
        %select_n3A_2805 = arith.select %gt3A_2802, %select_n3A_2801, %select_n3A_2758 : vector<16xi1>, vector<16xi32>
        %select_n3A_2806 = arith.select %gt3A_2802, %select_n3A_2758, %select_n3A_2801 : vector<16xi1>, vector<16xi32>
        %gt3A_2807 = arith.cmpf ogt, %select_n3A_2804, %select_n3A_2761 : vector<16xf32>
        %select_n3A_2808 = arith.select %gt3A_2807, %select_n3A_2804, %select_n3A_2761 : vector<16xi1>, vector<16xf32>
        %select_n3A_2809 = arith.select %gt3A_2807, %select_n3A_2761, %select_n3A_2804 : vector<16xi1>, vector<16xf32>
        %select_n3A_2810 = arith.select %gt3A_2807, %select_n3A_2806, %select_n3A_2763 : vector<16xi1>, vector<16xi32>
        %select_n3A_2811 = arith.select %gt3A_2807, %select_n3A_2763, %select_n3A_2806 : vector<16xi1>, vector<16xi32>
        %gt3A_2812 = arith.cmpf ogt, %select_n3A_2809, %select_n3A_2766 : vector<16xf32>
        %select_n3A_2813 = arith.select %gt3A_2812, %select_n3A_2809, %select_n3A_2766 : vector<16xi1>, vector<16xf32>
        %select_n3A_2814 = arith.select %gt3A_2812, %select_n3A_2766, %select_n3A_2809 : vector<16xi1>, vector<16xf32>
        %select_n3A_2815 = arith.select %gt3A_2812, %select_n3A_2811, %select_n3A_2768 : vector<16xi1>, vector<16xi32>
        %select_n3A_2816 = arith.select %gt3A_2812, %select_n3A_2768, %select_n3A_2811 : vector<16xi1>, vector<16xi32>
        %gt3A_2817 = arith.cmpf ogt, %select_n3A_2814, %select_n3A_2771 : vector<16xf32>
        %select_n3A_2818 = arith.select %gt3A_2817, %select_n3A_2814, %select_n3A_2771 : vector<16xi1>, vector<16xf32>
        %select_n3A_2819 = arith.select %gt3A_2817, %select_n3A_2771, %select_n3A_2814 : vector<16xi1>, vector<16xf32>
        %select_n3A_2820 = arith.select %gt3A_2817, %select_n3A_2816, %select_n3A_2773 : vector<16xi1>, vector<16xi32>
        %select_n3A_2821 = arith.select %gt3A_2817, %select_n3A_2773, %select_n3A_2816 : vector<16xi1>, vector<16xi32>
        %get3A_2822 = arith.constant 59 : i32
        %get3A_2823 = arith.index_cast %get3A_2822 : i32 to index
        %get3A_2824 = arith.index_cast %mul3A_20 : i32 to index
        %get3A_2825 = tpu.vector_load %arg5[%get3A_2823, %get3A_2824] {strides = array<i32>} : memref<64x256xf32, #tpu.memory_space<vmem>>, vector<1x16xf32>,
        %get3A_2826 = vector.shape_cast %get3A_2825 : vector<1x16xf32> to vector<16xf32>
        %broadcast_in_dim3A_2827 = arith.constant 59 : i32
        %broadcast_in_dim3A_2828 = vector.broadcast %broadcast_in_dim3A_2827 : i32 to vector<16xi32>
        %gt3A_2829 = arith.cmpf ogt, %get3A_2826, %select_n3A_2783 : vector<16xf32>
        %select_n3A_2830 = arith.select %gt3A_2829, %get3A_2826, %select_n3A_2783 : vector<16xi1>, vector<16xf32>
        %select_n3A_2831 = arith.select %gt3A_2829, %select_n3A_2783, %get3A_2826 : vector<16xi1>, vector<16xf32>
        %select_n3A_2832 = arith.select %gt3A_2829, %broadcast_in_dim3A_2828, %select_n3A_2785 : vector<16xi1>, vector<16xi32>
        %select_n3A_2833 = arith.select %gt3A_2829, %select_n3A_2785, %broadcast_in_dim3A_2828 : vector<16xi1>, vector<16xi32>
        %gt3A_2834 = arith.cmpf ogt, %select_n3A_2831, %select_n3A_2788 : vector<16xf32>
        %select_n3A_2835 = arith.select %gt3A_2834, %select_n3A_2831, %select_n3A_2788 : vector<16xi1>, vector<16xf32>
        %select_n3A_2836 = arith.select %gt3A_2834, %select_n3A_2788, %select_n3A_2831 : vector<16xi1>, vector<16xf32>
        %select_n3A_2837 = arith.select %gt3A_2834, %select_n3A_2833, %select_n3A_2790 : vector<16xi1>, vector<16xi32>
        %select_n3A_2838 = arith.select %gt3A_2834, %select_n3A_2790, %select_n3A_2833 : vector<16xi1>, vector<16xi32>
        %gt3A_2839 = arith.cmpf ogt, %select_n3A_2836, %select_n3A_2793 : vector<16xf32>
        %select_n3A_2840 = arith.select %gt3A_2839, %select_n3A_2836, %select_n3A_2793 : vector<16xi1>, vector<16xf32>
        %select_n3A_2841 = arith.select %gt3A_2839, %select_n3A_2793, %select_n3A_2836 : vector<16xi1>, vector<16xf32>
        %select_n3A_2842 = arith.select %gt3A_2839, %select_n3A_2838, %select_n3A_2795 : vector<16xi1>, vector<16xi32>
        %select_n3A_2843 = arith.select %gt3A_2839, %select_n3A_2795, %select_n3A_2838 : vector<16xi1>, vector<16xi32>
        %gt3A_2844 = arith.cmpf ogt, %select_n3A_2841, %select_n3A_2798 : vector<16xf32>
        %select_n3A_2845 = arith.select %gt3A_2844, %select_n3A_2841, %select_n3A_2798 : vector<16xi1>, vector<16xf32>
        %select_n3A_2846 = arith.select %gt3A_2844, %select_n3A_2798, %select_n3A_2841 : vector<16xi1>, vector<16xf32>
        %select_n3A_2847 = arith.select %gt3A_2844, %select_n3A_2843, %select_n3A_2800 : vector<16xi1>, vector<16xi32>
        %select_n3A_2848 = arith.select %gt3A_2844, %select_n3A_2800, %select_n3A_2843 : vector<16xi1>, vector<16xi32>
        %gt3A_2849 = arith.cmpf ogt, %select_n3A_2846, %select_n3A_2803 : vector<16xf32>
        %select_n3A_2850 = arith.select %gt3A_2849, %select_n3A_2846, %select_n3A_2803 : vector<16xi1>, vector<16xf32>
        %select_n3A_2851 = arith.select %gt3A_2849, %select_n3A_2803, %select_n3A_2846 : vector<16xi1>, vector<16xf32>
        %select_n3A_2852 = arith.select %gt3A_2849, %select_n3A_2848, %select_n3A_2805 : vector<16xi1>, vector<16xi32>
        %select_n3A_2853 = arith.select %gt3A_2849, %select_n3A_2805, %select_n3A_2848 : vector<16xi1>, vector<16xi32>
        %gt3A_2854 = arith.cmpf ogt, %select_n3A_2851, %select_n3A_2808 : vector<16xf32>
        %select_n3A_2855 = arith.select %gt3A_2854, %select_n3A_2851, %select_n3A_2808 : vector<16xi1>, vector<16xf32>
        %select_n3A_2856 = arith.select %gt3A_2854, %select_n3A_2808, %select_n3A_2851 : vector<16xi1>, vector<16xf32>
        %select_n3A_2857 = arith.select %gt3A_2854, %select_n3A_2853, %select_n3A_2810 : vector<16xi1>, vector<16xi32>
        %select_n3A_2858 = arith.select %gt3A_2854, %select_n3A_2810, %select_n3A_2853 : vector<16xi1>, vector<16xi32>
        %gt3A_2859 = arith.cmpf ogt, %select_n3A_2856, %select_n3A_2813 : vector<16xf32>
        %select_n3A_2860 = arith.select %gt3A_2859, %select_n3A_2856, %select_n3A_2813 : vector<16xi1>, vector<16xf32>
        %select_n3A_2861 = arith.select %gt3A_2859, %select_n3A_2813, %select_n3A_2856 : vector<16xi1>, vector<16xf32>
        %select_n3A_2862 = arith.select %gt3A_2859, %select_n3A_2858, %select_n3A_2815 : vector<16xi1>, vector<16xi32>
        %select_n3A_2863 = arith.select %gt3A_2859, %select_n3A_2815, %select_n3A_2858 : vector<16xi1>, vector<16xi32>
        %gt3A_2864 = arith.cmpf ogt, %select_n3A_2861, %select_n3A_2818 : vector<16xf32>
        %select_n3A_2865 = arith.select %gt3A_2864, %select_n3A_2861, %select_n3A_2818 : vector<16xi1>, vector<16xf32>
        %select_n3A_2866 = arith.select %gt3A_2864, %select_n3A_2818, %select_n3A_2861 : vector<16xi1>, vector<16xf32>
        %select_n3A_2867 = arith.select %gt3A_2864, %select_n3A_2863, %select_n3A_2820 : vector<16xi1>, vector<16xi32>
        %select_n3A_2868 = arith.select %gt3A_2864, %select_n3A_2820, %select_n3A_2863 : vector<16xi1>, vector<16xi32>
        %get3A_2869 = arith.constant 60 : i32
        %get3A_2870 = arith.index_cast %get3A_2869 : i32 to index
        %get3A_2871 = arith.index_cast %mul3A_20 : i32 to index
        %get3A_2872 = tpu.vector_load %arg5[%get3A_2870, %get3A_2871] {strides = array<i32>} : memref<64x256xf32, #tpu.memory_space<vmem>>, vector<1x16xf32>,
        %get3A_2873 = vector.shape_cast %get3A_2872 : vector<1x16xf32> to vector<16xf32>
        %broadcast_in_dim3A_2874 = arith.constant 60 : i32
        %broadcast_in_dim3A_2875 = vector.broadcast %broadcast_in_dim3A_2874 : i32 to vector<16xi32>
        %gt3A_2876 = arith.cmpf ogt, %get3A_2873, %select_n3A_2830 : vector<16xf32>
        %select_n3A_2877 = arith.select %gt3A_2876, %get3A_2873, %select_n3A_2830 : vector<16xi1>, vector<16xf32>
        %select_n3A_2878 = arith.select %gt3A_2876, %select_n3A_2830, %get3A_2873 : vector<16xi1>, vector<16xf32>
        %select_n3A_2879 = arith.select %gt3A_2876, %broadcast_in_dim3A_2875, %select_n3A_2832 : vector<16xi1>, vector<16xi32>
        %select_n3A_2880 = arith.select %gt3A_2876, %select_n3A_2832, %broadcast_in_dim3A_2875 : vector<16xi1>, vector<16xi32>
        %gt3A_2881 = arith.cmpf ogt, %select_n3A_2878, %select_n3A_2835 : vector<16xf32>
        %select_n3A_2882 = arith.select %gt3A_2881, %select_n3A_2878, %select_n3A_2835 : vector<16xi1>, vector<16xf32>
        %select_n3A_2883 = arith.select %gt3A_2881, %select_n3A_2835, %select_n3A_2878 : vector<16xi1>, vector<16xf32>
        %select_n3A_2884 = arith.select %gt3A_2881, %select_n3A_2880, %select_n3A_2837 : vector<16xi1>, vector<16xi32>
        %select_n3A_2885 = arith.select %gt3A_2881, %select_n3A_2837, %select_n3A_2880 : vector<16xi1>, vector<16xi32>
        %gt3A_2886 = arith.cmpf ogt, %select_n3A_2883, %select_n3A_2840 : vector<16xf32>
        %select_n3A_2887 = arith.select %gt3A_2886, %select_n3A_2883, %select_n3A_2840 : vector<16xi1>, vector<16xf32>
        %select_n3A_2888 = arith.select %gt3A_2886, %select_n3A_2840, %select_n3A_2883 : vector<16xi1>, vector<16xf32>
        %select_n3A_2889 = arith.select %gt3A_2886, %select_n3A_2885, %select_n3A_2842 : vector<16xi1>, vector<16xi32>
        %select_n3A_2890 = arith.select %gt3A_2886, %select_n3A_2842, %select_n3A_2885 : vector<16xi1>, vector<16xi32>
        %gt3A_2891 = arith.cmpf ogt, %select_n3A_2888, %select_n3A_2845 : vector<16xf32>
        %select_n3A_2892 = arith.select %gt3A_2891, %select_n3A_2888, %select_n3A_2845 : vector<16xi1>, vector<16xf32>
        %select_n3A_2893 = arith.select %gt3A_2891, %select_n3A_2845, %select_n3A_2888 : vector<16xi1>, vector<16xf32>
        %select_n3A_2894 = arith.select %gt3A_2891, %select_n3A_2890, %select_n3A_2847 : vector<16xi1>, vector<16xi32>
        %select_n3A_2895 = arith.select %gt3A_2891, %select_n3A_2847, %select_n3A_2890 : vector<16xi1>, vector<16xi32>
        %gt3A_2896 = arith.cmpf ogt, %select_n3A_2893, %select_n3A_2850 : vector<16xf32>
        %select_n3A_2897 = arith.select %gt3A_2896, %select_n3A_2893, %select_n3A_2850 : vector<16xi1>, vector<16xf32>
        %select_n3A_2898 = arith.select %gt3A_2896, %select_n3A_2850, %select_n3A_2893 : vector<16xi1>, vector<16xf32>
        %select_n3A_2899 = arith.select %gt3A_2896, %select_n3A_2895, %select_n3A_2852 : vector<16xi1>, vector<16xi32>
        %select_n3A_2900 = arith.select %gt3A_2896, %select_n3A_2852, %select_n3A_2895 : vector<16xi1>, vector<16xi32>
        %gt3A_2901 = arith.cmpf ogt, %select_n3A_2898, %select_n3A_2855 : vector<16xf32>
        %select_n3A_2902 = arith.select %gt3A_2901, %select_n3A_2898, %select_n3A_2855 : vector<16xi1>, vector<16xf32>
        %select_n3A_2903 = arith.select %gt3A_2901, %select_n3A_2855, %select_n3A_2898 : vector<16xi1>, vector<16xf32>
        %select_n3A_2904 = arith.select %gt3A_2901, %select_n3A_2900, %select_n3A_2857 : vector<16xi1>, vector<16xi32>
        %select_n3A_2905 = arith.select %gt3A_2901, %select_n3A_2857, %select_n3A_2900 : vector<16xi1>, vector<16xi32>
        %gt3A_2906 = arith.cmpf ogt, %select_n3A_2903, %select_n3A_2860 : vector<16xf32>
        %select_n3A_2907 = arith.select %gt3A_2906, %select_n3A_2903, %select_n3A_2860 : vector<16xi1>, vector<16xf32>
        %select_n3A_2908 = arith.select %gt3A_2906, %select_n3A_2860, %select_n3A_2903 : vector<16xi1>, vector<16xf32>
        %select_n3A_2909 = arith.select %gt3A_2906, %select_n3A_2905, %select_n3A_2862 : vector<16xi1>, vector<16xi32>
        %select_n3A_2910 = arith.select %gt3A_2906, %select_n3A_2862, %select_n3A_2905 : vector<16xi1>, vector<16xi32>
        %gt3A_2911 = arith.cmpf ogt, %select_n3A_2908, %select_n3A_2865 : vector<16xf32>
        %select_n3A_2912 = arith.select %gt3A_2911, %select_n3A_2908, %select_n3A_2865 : vector<16xi1>, vector<16xf32>
        %select_n3A_2913 = arith.select %gt3A_2911, %select_n3A_2865, %select_n3A_2908 : vector<16xi1>, vector<16xf32>
        %select_n3A_2914 = arith.select %gt3A_2911, %select_n3A_2910, %select_n3A_2867 : vector<16xi1>, vector<16xi32>
        %select_n3A_2915 = arith.select %gt3A_2911, %select_n3A_2867, %select_n3A_2910 : vector<16xi1>, vector<16xi32>
        %get3A_2916 = arith.constant 61 : i32
        %get3A_2917 = arith.index_cast %get3A_2916 : i32 to index
        %get3A_2918 = arith.index_cast %mul3A_20 : i32 to index
        %get3A_2919 = tpu.vector_load %arg5[%get3A_2917, %get3A_2918] {strides = array<i32>} : memref<64x256xf32, #tpu.memory_space<vmem>>, vector<1x16xf32>,
        %get3A_2920 = vector.shape_cast %get3A_2919 : vector<1x16xf32> to vector<16xf32>
        %broadcast_in_dim3A_2921 = arith.constant 61 : i32
        %broadcast_in_dim3A_2922 = vector.broadcast %broadcast_in_dim3A_2921 : i32 to vector<16xi32>
        %gt3A_2923 = arith.cmpf ogt, %get3A_2920, %select_n3A_2877 : vector<16xf32>
        %select_n3A_2924 = arith.select %gt3A_2923, %get3A_2920, %select_n3A_2877 : vector<16xi1>, vector<16xf32>
        %select_n3A_2925 = arith.select %gt3A_2923, %select_n3A_2877, %get3A_2920 : vector<16xi1>, vector<16xf32>
        %select_n3A_2926 = arith.select %gt3A_2923, %broadcast_in_dim3A_2922, %select_n3A_2879 : vector<16xi1>, vector<16xi32>
        %select_n3A_2927 = arith.select %gt3A_2923, %select_n3A_2879, %broadcast_in_dim3A_2922 : vector<16xi1>, vector<16xi32>
        %gt3A_2928 = arith.cmpf ogt, %select_n3A_2925, %select_n3A_2882 : vector<16xf32>
        %select_n3A_2929 = arith.select %gt3A_2928, %select_n3A_2925, %select_n3A_2882 : vector<16xi1>, vector<16xf32>
        %select_n3A_2930 = arith.select %gt3A_2928, %select_n3A_2882, %select_n3A_2925 : vector<16xi1>, vector<16xf32>
        %select_n3A_2931 = arith.select %gt3A_2928, %select_n3A_2927, %select_n3A_2884 : vector<16xi1>, vector<16xi32>
        %select_n3A_2932 = arith.select %gt3A_2928, %select_n3A_2884, %select_n3A_2927 : vector<16xi1>, vector<16xi32>
        %gt3A_2933 = arith.cmpf ogt, %select_n3A_2930, %select_n3A_2887 : vector<16xf32>
        %select_n3A_2934 = arith.select %gt3A_2933, %select_n3A_2930, %select_n3A_2887 : vector<16xi1>, vector<16xf32>
        %select_n3A_2935 = arith.select %gt3A_2933, %select_n3A_2887, %select_n3A_2930 : vector<16xi1>, vector<16xf32>
        %select_n3A_2936 = arith.select %gt3A_2933, %select_n3A_2932, %select_n3A_2889 : vector<16xi1>, vector<16xi32>
        %select_n3A_2937 = arith.select %gt3A_2933, %select_n3A_2889, %select_n3A_2932 : vector<16xi1>, vector<16xi32>
        %gt3A_2938 = arith.cmpf ogt, %select_n3A_2935, %select_n3A_2892 : vector<16xf32>
        %select_n3A_2939 = arith.select %gt3A_2938, %select_n3A_2935, %select_n3A_2892 : vector<16xi1>, vector<16xf32>
        %select_n3A_2940 = arith.select %gt3A_2938, %select_n3A_2892, %select_n3A_2935 : vector<16xi1>, vector<16xf32>
        %select_n3A_2941 = arith.select %gt3A_2938, %select_n3A_2937, %select_n3A_2894 : vector<16xi1>, vector<16xi32>
        %select_n3A_2942 = arith.select %gt3A_2938, %select_n3A_2894, %select_n3A_2937 : vector<16xi1>, vector<16xi32>
        %gt3A_2943 = arith.cmpf ogt, %select_n3A_2940, %select_n3A_2897 : vector<16xf32>
        %select_n3A_2944 = arith.select %gt3A_2943, %select_n3A_2940, %select_n3A_2897 : vector<16xi1>, vector<16xf32>
        %select_n3A_2945 = arith.select %gt3A_2943, %select_n3A_2897, %select_n3A_2940 : vector<16xi1>, vector<16xf32>
        %select_n3A_2946 = arith.select %gt3A_2943, %select_n3A_2942, %select_n3A_2899 : vector<16xi1>, vector<16xi32>
        %select_n3A_2947 = arith.select %gt3A_2943, %select_n3A_2899, %select_n3A_2942 : vector<16xi1>, vector<16xi32>
        %gt3A_2948 = arith.cmpf ogt, %select_n3A_2945, %select_n3A_2902 : vector<16xf32>
        %select_n3A_2949 = arith.select %gt3A_2948, %select_n3A_2945, %select_n3A_2902 : vector<16xi1>, vector<16xf32>
        %select_n3A_2950 = arith.select %gt3A_2948, %select_n3A_2902, %select_n3A_2945 : vector<16xi1>, vector<16xf32>
        %select_n3A_2951 = arith.select %gt3A_2948, %select_n3A_2947, %select_n3A_2904 : vector<16xi1>, vector<16xi32>
        %select_n3A_2952 = arith.select %gt3A_2948, %select_n3A_2904, %select_n3A_2947 : vector<16xi1>, vector<16xi32>
        %gt3A_2953 = arith.cmpf ogt, %select_n3A_2950, %select_n3A_2907 : vector<16xf32>
        %select_n3A_2954 = arith.select %gt3A_2953, %select_n3A_2950, %select_n3A_2907 : vector<16xi1>, vector<16xf32>
        %select_n3A_2955 = arith.select %gt3A_2953, %select_n3A_2907, %select_n3A_2950 : vector<16xi1>, vector<16xf32>
        %select_n3A_2956 = arith.select %gt3A_2953, %select_n3A_2952, %select_n3A_2909 : vector<16xi1>, vector<16xi32>
        %select_n3A_2957 = arith.select %gt3A_2953, %select_n3A_2909, %select_n3A_2952 : vector<16xi1>, vector<16xi32>
        %gt3A_2958 = arith.cmpf ogt, %select_n3A_2955, %select_n3A_2912 : vector<16xf32>
        %select_n3A_2959 = arith.select %gt3A_2958, %select_n3A_2955, %select_n3A_2912 : vector<16xi1>, vector<16xf32>
        %select_n3A_2960 = arith.select %gt3A_2958, %select_n3A_2912, %select_n3A_2955 : vector<16xi1>, vector<16xf32>
        %select_n3A_2961 = arith.select %gt3A_2958, %select_n3A_2957, %select_n3A_2914 : vector<16xi1>, vector<16xi32>
        %select_n3A_2962 = arith.select %gt3A_2958, %select_n3A_2914, %select_n3A_2957 : vector<16xi1>, vector<16xi32>
        %get3A_2963 = arith.constant 62 : i32
        %get3A_2964 = arith.index_cast %get3A_2963 : i32 to index
        %get3A_2965 = arith.index_cast %mul3A_20 : i32 to index
        %get3A_2966 = tpu.vector_load %arg5[%get3A_2964, %get3A_2965] {strides = array<i32>} : memref<64x256xf32, #tpu.memory_space<vmem>>, vector<1x16xf32>,
        %get3A_2967 = vector.shape_cast %get3A_2966 : vector<1x16xf32> to vector<16xf32>
        %broadcast_in_dim3A_2968 = arith.constant 62 : i32
        %broadcast_in_dim3A_2969 = vector.broadcast %broadcast_in_dim3A_2968 : i32 to vector<16xi32>
        %gt3A_2970 = arith.cmpf ogt, %get3A_2967, %select_n3A_2924 : vector<16xf32>
        %select_n3A_2971 = arith.select %gt3A_2970, %get3A_2967, %select_n3A_2924 : vector<16xi1>, vector<16xf32>
        %select_n3A_2972 = arith.select %gt3A_2970, %select_n3A_2924, %get3A_2967 : vector<16xi1>, vector<16xf32>
        %select_n3A_2973 = arith.select %gt3A_2970, %broadcast_in_dim3A_2969, %select_n3A_2926 : vector<16xi1>, vector<16xi32>
        %select_n3A_2974 = arith.select %gt3A_2970, %select_n3A_2926, %broadcast_in_dim3A_2969 : vector<16xi1>, vector<16xi32>
        %gt3A_2975 = arith.cmpf ogt, %select_n3A_2972, %select_n3A_2929 : vector<16xf32>
        %select_n3A_2976 = arith.select %gt3A_2975, %select_n3A_2972, %select_n3A_2929 : vector<16xi1>, vector<16xf32>
        %select_n3A_2977 = arith.select %gt3A_2975, %select_n3A_2929, %select_n3A_2972 : vector<16xi1>, vector<16xf32>
        %select_n3A_2978 = arith.select %gt3A_2975, %select_n3A_2974, %select_n3A_2931 : vector<16xi1>, vector<16xi32>
        %select_n3A_2979 = arith.select %gt3A_2975, %select_n3A_2931, %select_n3A_2974 : vector<16xi1>, vector<16xi32>
        %gt3A_2980 = arith.cmpf ogt, %select_n3A_2977, %select_n3A_2934 : vector<16xf32>
        %select_n3A_2981 = arith.select %gt3A_2980, %select_n3A_2977, %select_n3A_2934 : vector<16xi1>, vector<16xf32>
        %select_n3A_2982 = arith.select %gt3A_2980, %select_n3A_2934, %select_n3A_2977 : vector<16xi1>, vector<16xf32>
        %select_n3A_2983 = arith.select %gt3A_2980, %select_n3A_2979, %select_n3A_2936 : vector<16xi1>, vector<16xi32>
        %select_n3A_2984 = arith.select %gt3A_2980, %select_n3A_2936, %select_n3A_2979 : vector<16xi1>, vector<16xi32>
        %gt3A_2985 = arith.cmpf ogt, %select_n3A_2982, %select_n3A_2939 : vector<16xf32>
        %select_n3A_2986 = arith.select %gt3A_2985, %select_n3A_2982, %select_n3A_2939 : vector<16xi1>, vector<16xf32>
        %select_n3A_2987 = arith.select %gt3A_2985, %select_n3A_2939, %select_n3A_2982 : vector<16xi1>, vector<16xf32>
        %select_n3A_2988 = arith.select %gt3A_2985, %select_n3A_2984, %select_n3A_2941 : vector<16xi1>, vector<16xi32>
        %select_n3A_2989 = arith.select %gt3A_2985, %select_n3A_2941, %select_n3A_2984 : vector<16xi1>, vector<16xi32>
        %gt3A_2990 = arith.cmpf ogt, %select_n3A_2987, %select_n3A_2944 : vector<16xf32>
        %select_n3A_2991 = arith.select %gt3A_2990, %select_n3A_2987, %select_n3A_2944 : vector<16xi1>, vector<16xf32>
        %select_n3A_2992 = arith.select %gt3A_2990, %select_n3A_2944, %select_n3A_2987 : vector<16xi1>, vector<16xf32>
        %select_n3A_2993 = arith.select %gt3A_2990, %select_n3A_2989, %select_n3A_2946 : vector<16xi1>, vector<16xi32>
        %select_n3A_2994 = arith.select %gt3A_2990, %select_n3A_2946, %select_n3A_2989 : vector<16xi1>, vector<16xi32>
        %gt3A_2995 = arith.cmpf ogt, %select_n3A_2992, %select_n3A_2949 : vector<16xf32>
        %select_n3A_2996 = arith.select %gt3A_2995, %select_n3A_2992, %select_n3A_2949 : vector<16xi1>, vector<16xf32>
        %select_n3A_2997 = arith.select %gt3A_2995, %select_n3A_2949, %select_n3A_2992 : vector<16xi1>, vector<16xf32>
        %select_n3A_2998 = arith.select %gt3A_2995, %select_n3A_2994, %select_n3A_2951 : vector<16xi1>, vector<16xi32>
        %select_n3A_2999 = arith.select %gt3A_2995, %select_n3A_2951, %select_n3A_2994 : vector<16xi1>, vector<16xi32>
        %gt3A_3000 = arith.cmpf ogt, %select_n3A_2997, %select_n3A_2954 : vector<16xf32>
        %select_n3A_3001 = arith.select %gt3A_3000, %select_n3A_2997, %select_n3A_2954 : vector<16xi1>, vector<16xf32>
        %select_n3A_3002 = arith.select %gt3A_3000, %select_n3A_2954, %select_n3A_2997 : vector<16xi1>, vector<16xf32>
        %select_n3A_3003 = arith.select %gt3A_3000, %select_n3A_2999, %select_n3A_2956 : vector<16xi1>, vector<16xi32>
        %select_n3A_3004 = arith.select %gt3A_3000, %select_n3A_2956, %select_n3A_2999 : vector<16xi1>, vector<16xi32>
        %gt3A_3005 = arith.cmpf ogt, %select_n3A_3002, %select_n3A_2959 : vector<16xf32>
        %select_n3A_3006 = arith.select %gt3A_3005, %select_n3A_3002, %select_n3A_2959 : vector<16xi1>, vector<16xf32>
        %select_n3A_3007 = arith.select %gt3A_3005, %select_n3A_2959, %select_n3A_3002 : vector<16xi1>, vector<16xf32>
        %select_n3A_3008 = arith.select %gt3A_3005, %select_n3A_3004, %select_n3A_2961 : vector<16xi1>, vector<16xi32>
        %select_n3A_3009 = arith.select %gt3A_3005, %select_n3A_2961, %select_n3A_3004 : vector<16xi1>, vector<16xi32>
        %get3A_3010 = arith.constant 63 : i32
        %get3A_3011 = arith.index_cast %get3A_3010 : i32 to index
        %get3A_3012 = arith.index_cast %mul3A_20 : i32 to index
        %get3A_3013 = tpu.vector_load %arg5[%get3A_3011, %get3A_3012] {strides = array<i32>} : memref<64x256xf32, #tpu.memory_space<vmem>>, vector<1x16xf32>,
        %get3A_3014 = vector.shape_cast %get3A_3013 : vector<1x16xf32> to vector<16xf32>
        %broadcast_in_dim3A_3015 = arith.constant 63 : i32
        %broadcast_in_dim3A_3016 = vector.broadcast %broadcast_in_dim3A_3015 : i32 to vector<16xi32>
        %gt3A_3017 = arith.cmpf ogt, %get3A_3014, %select_n3A_2971 : vector<16xf32>
        %select_n3A_3018 = arith.select %gt3A_3017, %get3A_3014, %select_n3A_2971 : vector<16xi1>, vector<16xf32>
        %select_n3A_3019 = arith.select %gt3A_3017, %select_n3A_2971, %get3A_3014 : vector<16xi1>, vector<16xf32>
        %select_n3A_3020 = arith.select %gt3A_3017, %broadcast_in_dim3A_3016, %select_n3A_2973 : vector<16xi1>, vector<16xi32>
        %select_n3A_3021 = arith.select %gt3A_3017, %select_n3A_2973, %broadcast_in_dim3A_3016 : vector<16xi1>, vector<16xi32>
        %gt3A_3022 = arith.cmpf ogt, %select_n3A_3019, %select_n3A_2976 : vector<16xf32>
        %select_n3A_3023 = arith.select %gt3A_3022, %select_n3A_3019, %select_n3A_2976 : vector<16xi1>, vector<16xf32>
        %select_n3A_3024 = arith.select %gt3A_3022, %select_n3A_2976, %select_n3A_3019 : vector<16xi1>, vector<16xf32>
        %select_n3A_3025 = arith.select %gt3A_3022, %select_n3A_3021, %select_n3A_2978 : vector<16xi1>, vector<16xi32>
        %select_n3A_3026 = arith.select %gt3A_3022, %select_n3A_2978, %select_n3A_3021 : vector<16xi1>, vector<16xi32>
        %gt3A_3027 = arith.cmpf ogt, %select_n3A_3024, %select_n3A_2981 : vector<16xf32>
        %select_n3A_3028 = arith.select %gt3A_3027, %select_n3A_3024, %select_n3A_2981 : vector<16xi1>, vector<16xf32>
        %select_n3A_3029 = arith.select %gt3A_3027, %select_n3A_2981, %select_n3A_3024 : vector<16xi1>, vector<16xf32>
        %select_n3A_3030 = arith.select %gt3A_3027, %select_n3A_3026, %select_n3A_2983 : vector<16xi1>, vector<16xi32>
        %select_n3A_3031 = arith.select %gt3A_3027, %select_n3A_2983, %select_n3A_3026 : vector<16xi1>, vector<16xi32>
        %gt3A_3032 = arith.cmpf ogt, %select_n3A_3029, %select_n3A_2986 : vector<16xf32>
        %select_n3A_3033 = arith.select %gt3A_3032, %select_n3A_3029, %select_n3A_2986 : vector<16xi1>, vector<16xf32>
        %select_n3A_3034 = arith.select %gt3A_3032, %select_n3A_2986, %select_n3A_3029 : vector<16xi1>, vector<16xf32>
        %select_n3A_3035 = arith.select %gt3A_3032, %select_n3A_3031, %select_n3A_2988 : vector<16xi1>, vector<16xi32>
        %select_n3A_3036 = arith.select %gt3A_3032, %select_n3A_2988, %select_n3A_3031 : vector<16xi1>, vector<16xi32>
        %gt3A_3037 = arith.cmpf ogt, %select_n3A_3034, %select_n3A_2991 : vector<16xf32>
        %select_n3A_3038 = arith.select %gt3A_3037, %select_n3A_3034, %select_n3A_2991 : vector<16xi1>, vector<16xf32>
        %select_n3A_3039 = arith.select %gt3A_3037, %select_n3A_2991, %select_n3A_3034 : vector<16xi1>, vector<16xf32>
        %select_n3A_3040 = arith.select %gt3A_3037, %select_n3A_3036, %select_n3A_2993 : vector<16xi1>, vector<16xi32>
        %select_n3A_3041 = arith.select %gt3A_3037, %select_n3A_2993, %select_n3A_3036 : vector<16xi1>, vector<16xi32>
        %gt3A_3042 = arith.cmpf ogt, %select_n3A_3039, %select_n3A_2996 : vector<16xf32>
        %select_n3A_3043 = arith.select %gt3A_3042, %select_n3A_3039, %select_n3A_2996 : vector<16xi1>, vector<16xf32>
        %select_n3A_3044 = arith.select %gt3A_3042, %select_n3A_2996, %select_n3A_3039 : vector<16xi1>, vector<16xf32>
        %select_n3A_3045 = arith.select %gt3A_3042, %select_n3A_3041, %select_n3A_2998 : vector<16xi1>, vector<16xi32>
        %select_n3A_3046 = arith.select %gt3A_3042, %select_n3A_2998, %select_n3A_3041 : vector<16xi1>, vector<16xi32>
        %gt3A_3047 = arith.cmpf ogt, %select_n3A_3044, %select_n3A_3001 : vector<16xf32>
        %select_n3A_3048 = arith.select %gt3A_3047, %select_n3A_3044, %select_n3A_3001 : vector<16xi1>, vector<16xf32>
        %select_n3A_3049 = arith.select %gt3A_3047, %select_n3A_3001, %select_n3A_3044 : vector<16xi1>, vector<16xf32>
        %select_n3A_3050 = arith.select %gt3A_3047, %select_n3A_3046, %select_n3A_3003 : vector<16xi1>, vector<16xi32>
        %select_n3A_3051 = arith.select %gt3A_3047, %select_n3A_3003, %select_n3A_3046 : vector<16xi1>, vector<16xi32>
        %gt3A_3052 = arith.cmpf ogt, %select_n3A_3049, %select_n3A_3006 : vector<16xf32>
        %select_n3A_3053 = arith.select %gt3A_3052, %select_n3A_3049, %select_n3A_3006 : vector<16xi1>, vector<16xf32>
        %select_n3A_3054 = arith.select %gt3A_3052, %select_n3A_3006, %select_n3A_3049 : vector<16xi1>, vector<16xf32>
        %select_n3A_3055 = arith.select %gt3A_3052, %select_n3A_3051, %select_n3A_3008 : vector<16xi1>, vector<16xi32>
        %select_n3A_3056 = arith.select %gt3A_3052, %select_n3A_3008, %select_n3A_3051 : vector<16xi1>, vector<16xi32>
        %add3A_3057 = arith.addf %select_n3A_3018, %select_n3A_3023 : vector<16xf32>
        %add3A_3058 = arith.addf %add3A_3057, %select_n3A_3028 : vector<16xf32>
        %add3A_3059 = arith.addf %add3A_3058, %select_n3A_3033 : vector<16xf32>
        %add3A_3060 = arith.addf %add3A_3059, %select_n3A_3038 : vector<16xf32>
        %add3A_3061 = arith.addf %add3A_3060, %select_n3A_3043 : vector<16xf32>
        %add3A_3062 = arith.addf %add3A_3061, %select_n3A_3048 : vector<16xf32>
        %add3A_3063 = arith.addf %add3A_3062, %select_n3A_3053 : vector<16xf32>
        %div3A = arith.constant 1.000000e+00 : f32
        %div3A_3064 = vector.broadcast %div3A : f32 to vector<16xf32>
        %div3A_3065 = arith.divf %div3A_3064, %add3A_3063 : vector<16xf32>
        %mul3A_3066 = arith.mulf %select_n3A_3018, %div3A_3065 : vector<16xf32>
        %swap3A = arith.constant 0 : i32
        %swap3A_3067 = arith.index_cast %swap3A : i32 to index
        %swap3A_3068 = arith.index_cast %mul3A_20 : i32 to index
        %swap3A_3069 = tpu.vector_load %arg6[%swap3A_3067, %swap3A_3068] {strides = array<i32>} : memref<8x256xf32, #tpu.memory_space<vmem>>, vector<1x16xf32>,
        %swap3A_3070 = vector.shape_cast %swap3A_3069 : vector<1x16xf32> to vector<16xf32>
        %swap3A_3071 = vector.shape_cast %mul3A_3066 : vector<16xf32> to vector<1x16xf32>
        tpu.vector_store %arg6[%swap3A_3067, %swap3A_3068], %swap3A_3071 {strides = array<i32>} : memref<8x256xf32, #tpu.memory_space<vmem>>, vector<1x16xf32>,
        %swap3A_3072 = arith.constant 0 : i32
        %swap3A_3073 = arith.index_cast %swap3A_3072 : i32 to index
        %swap3A_3074 = arith.index_cast %mul3A_20 : i32 to index
        %swap3A_3075 = tpu.vector_load %arg7[%swap3A_3073, %swap3A_3074] {strides = array<i32>} : memref<8x256xi32, #tpu.memory_space<vmem>>, vector<1x16xi32>,
        %swap3A_3076 = vector.shape_cast %swap3A_3075 : vector<1x16xi32> to vector<16xi32>
        %swap3A_3077 = vector.shape_cast %select_n3A_3020 : vector<16xi32> to vector<1x16xi32>
        tpu.vector_store %arg7[%swap3A_3073, %swap3A_3074], %swap3A_3077 {strides = array<i32>} : memref<8x256xi32, #tpu.memory_space<vmem>>, vector<1x16xi32>,
        %mul3A_3078 = arith.mulf %select_n3A_3023, %div3A_3065 : vector<16xf32>
        %swap3A_3079 = arith.constant 1 : i32
        %swap3A_3080 = arith.index_cast %swap3A_3079 : i32 to index
        %swap3A_3081 = arith.index_cast %mul3A_20 : i32 to index
        %swap3A_3082 = tpu.vector_load %arg6[%swap3A_3080, %swap3A_3081] {strides = array<i32>} : memref<8x256xf32, #tpu.memory_space<vmem>>, vector<1x16xf32>,
        %swap3A_3083 = vector.shape_cast %swap3A_3082 : vector<1x16xf32> to vector<16xf32>
        %swap3A_3084 = vector.shape_cast %mul3A_3078 : vector<16xf32> to vector<1x16xf32>
        tpu.vector_store %arg6[%swap3A_3080, %swap3A_3081], %swap3A_3084 {strides = array<i32>} : memref<8x256xf32, #tpu.memory_space<vmem>>, vector<1x16xf32>,
        %swap3A_3085 = arith.constant 1 : i32
        %swap3A_3086 = arith.index_cast %swap3A_3085 : i32 to index
        %swap3A_3087 = arith.index_cast %mul3A_20 : i32 to index
        %swap3A_3088 = tpu.vector_load %arg7[%swap3A_3086, %swap3A_3087] {strides = array<i32>} : memref<8x256xi32, #tpu.memory_space<vmem>>, vector<1x16xi32>,
        %swap3A_3089 = vector.shape_cast %swap3A_3088 : vector<1x16xi32> to vector<16xi32>
        %swap3A_3090 = vector.shape_cast %select_n3A_3025 : vector<16xi32> to vector<1x16xi32>
        tpu.vector_store %arg7[%swap3A_3086, %swap3A_3087], %swap3A_3090 {strides = array<i32>} : memref<8x256xi32, #tpu.memory_space<vmem>>, vector<1x16xi32>,
        %mul3A_3091 = arith.mulf %select_n3A_3028, %div3A_3065 : vector<16xf32>
        %swap3A_3092 = arith.constant 2 : i32
        %swap3A_3093 = arith.index_cast %swap3A_3092 : i32 to index
        %swap3A_3094 = arith.index_cast %mul3A_20 : i32 to index
        %swap3A_3095 = tpu.vector_load %arg6[%swap3A_3093, %swap3A_3094] {strides = array<i32>} : memref<8x256xf32, #tpu.memory_space<vmem>>, vector<1x16xf32>,
        %swap3A_3096 = vector.shape_cast %swap3A_3095 : vector<1x16xf32> to vector<16xf32>
        %swap3A_3097 = vector.shape_cast %mul3A_3091 : vector<16xf32> to vector<1x16xf32>
        tpu.vector_store %arg6[%swap3A_3093, %swap3A_3094], %swap3A_3097 {strides = array<i32>} : memref<8x256xf32, #tpu.memory_space<vmem>>, vector<1x16xf32>,
        %swap3A_3098 = arith.constant 2 : i32
        %swap3A_3099 = arith.index_cast %swap3A_3098 : i32 to index
        %swap3A_3100 = arith.index_cast %mul3A_20 : i32 to index
        %swap3A_3101 = tpu.vector_load %arg7[%swap3A_3099, %swap3A_3100] {strides = array<i32>} : memref<8x256xi32, #tpu.memory_space<vmem>>, vector<1x16xi32>,
        %swap3A_3102 = vector.shape_cast %swap3A_3101 : vector<1x16xi32> to vector<16xi32>
        %swap3A_3103 = vector.shape_cast %select_n3A_3030 : vector<16xi32> to vector<1x16xi32>
        tpu.vector_store %arg7[%swap3A_3099, %swap3A_3100], %swap3A_3103 {strides = array<i32>} : memref<8x256xi32, #tpu.memory_space<vmem>>, vector<1x16xi32>,
        %mul3A_3104 = arith.mulf %select_n3A_3033, %div3A_3065 : vector<16xf32>
        %swap3A_3105 = arith.constant 3 : i32
        %swap3A_3106 = arith.index_cast %swap3A_3105 : i32 to index
        %swap3A_3107 = arith.index_cast %mul3A_20 : i32 to index
        %swap3A_3108 = tpu.vector_load %arg6[%swap3A_3106, %swap3A_3107] {strides = array<i32>} : memref<8x256xf32, #tpu.memory_space<vmem>>, vector<1x16xf32>,
        %swap3A_3109 = vector.shape_cast %swap3A_3108 : vector<1x16xf32> to vector<16xf32>
        %swap3A_3110 = vector.shape_cast %mul3A_3104 : vector<16xf32> to vector<1x16xf32>
        tpu.vector_store %arg6[%swap3A_3106, %swap3A_3107], %swap3A_3110 {strides = array<i32>} : memref<8x256xf32, #tpu.memory_space<vmem>>, vector<1x16xf32>,
        %swap3A_3111 = arith.constant 3 : i32
        %swap3A_3112 = arith.index_cast %swap3A_3111 : i32 to index
        %swap3A_3113 = arith.index_cast %mul3A_20 : i32 to index
        %swap3A_3114 = tpu.vector_load %arg7[%swap3A_3112, %swap3A_3113] {strides = array<i32>} : memref<8x256xi32, #tpu.memory_space<vmem>>, vector<1x16xi32>,
        %swap3A_3115 = vector.shape_cast %swap3A_3114 : vector<1x16xi32> to vector<16xi32>
        %swap3A_3116 = vector.shape_cast %select_n3A_3035 : vector<16xi32> to vector<1x16xi32>
        tpu.vector_store %arg7[%swap3A_3112, %swap3A_3113], %swap3A_3116 {strides = array<i32>} : memref<8x256xi32, #tpu.memory_space<vmem>>, vector<1x16xi32>,
        %mul3A_3117 = arith.mulf %select_n3A_3038, %div3A_3065 : vector<16xf32>
        %swap3A_3118 = arith.constant 4 : i32
        %swap3A_3119 = arith.index_cast %swap3A_3118 : i32 to index
        %swap3A_3120 = arith.index_cast %mul3A_20 : i32 to index
        %swap3A_3121 = tpu.vector_load %arg6[%swap3A_3119, %swap3A_3120] {strides = array<i32>} : memref<8x256xf32, #tpu.memory_space<vmem>>, vector<1x16xf32>,
        %swap3A_3122 = vector.shape_cast %swap3A_3121 : vector<1x16xf32> to vector<16xf32>
        %swap3A_3123 = vector.shape_cast %mul3A_3117 : vector<16xf32> to vector<1x16xf32>
        tpu.vector_store %arg6[%swap3A_3119, %swap3A_3120], %swap3A_3123 {strides = array<i32>} : memref<8x256xf32, #tpu.memory_space<vmem>>, vector<1x16xf32>,
        %swap3A_3124 = arith.constant 4 : i32
        %swap3A_3125 = arith.index_cast %swap3A_3124 : i32 to index
        %swap3A_3126 = arith.index_cast %mul3A_20 : i32 to index
        %swap3A_3127 = tpu.vector_load %arg7[%swap3A_3125, %swap3A_3126] {strides = array<i32>} : memref<8x256xi32, #tpu.memory_space<vmem>>, vector<1x16xi32>,
        %swap3A_3128 = vector.shape_cast %swap3A_3127 : vector<1x16xi32> to vector<16xi32>
        %swap3A_3129 = vector.shape_cast %select_n3A_3040 : vector<16xi32> to vector<1x16xi32>
        tpu.vector_store %arg7[%swap3A_3125, %swap3A_3126], %swap3A_3129 {strides = array<i32>} : memref<8x256xi32, #tpu.memory_space<vmem>>, vector<1x16xi32>,
        %mul3A_3130 = arith.mulf %select_n3A_3043, %div3A_3065 : vector<16xf32>
        %swap3A_3131 = arith.constant 5 : i32
        %swap3A_3132 = arith.index_cast %swap3A_3131 : i32 to index
        %swap3A_3133 = arith.index_cast %mul3A_20 : i32 to index
        %swap3A_3134 = tpu.vector_load %arg6[%swap3A_3132, %swap3A_3133] {strides = array<i32>} : memref<8x256xf32, #tpu.memory_space<vmem>>, vector<1x16xf32>,
        %swap3A_3135 = vector.shape_cast %swap3A_3134 : vector<1x16xf32> to vector<16xf32>
        %swap3A_3136 = vector.shape_cast %mul3A_3130 : vector<16xf32> to vector<1x16xf32>
        tpu.vector_store %arg6[%swap3A_3132, %swap3A_3133], %swap3A_3136 {strides = array<i32>} : memref<8x256xf32, #tpu.memory_space<vmem>>, vector<1x16xf32>,
        %swap3A_3137 = arith.constant 5 : i32
        %swap3A_3138 = arith.index_cast %swap3A_3137 : i32 to index
        %swap3A_3139 = arith.index_cast %mul3A_20 : i32 to index
        %swap3A_3140 = tpu.vector_load %arg7[%swap3A_3138, %swap3A_3139] {strides = array<i32>} : memref<8x256xi32, #tpu.memory_space<vmem>>, vector<1x16xi32>,
        %swap3A_3141 = vector.shape_cast %swap3A_3140 : vector<1x16xi32> to vector<16xi32>
        %swap3A_3142 = vector.shape_cast %select_n3A_3045 : vector<16xi32> to vector<1x16xi32>
        tpu.vector_store %arg7[%swap3A_3138, %swap3A_3139], %swap3A_3142 {strides = array<i32>} : memref<8x256xi32, #tpu.memory_space<vmem>>, vector<1x16xi32>,
        %mul3A_3143 = arith.mulf %select_n3A_3048, %div3A_3065 : vector<16xf32>
        %swap3A_3144 = arith.constant 6 : i32
        %swap3A_3145 = arith.index_cast %swap3A_3144 : i32 to index
        %swap3A_3146 = arith.index_cast %mul3A_20 : i32 to index
        %swap3A_3147 = tpu.vector_load %arg6[%swap3A_3145, %swap3A_3146] {strides = array<i32>} : memref<8x256xf32, #tpu.memory_space<vmem>>, vector<1x16xf32>,
        %swap3A_3148 = vector.shape_cast %swap3A_3147 : vector<1x16xf32> to vector<16xf32>
        %swap3A_3149 = vector.shape_cast %mul3A_3143 : vector<16xf32> to vector<1x16xf32>
        tpu.vector_store %arg6[%swap3A_3145, %swap3A_3146], %swap3A_3149 {strides = array<i32>} : memref<8x256xf32, #tpu.memory_space<vmem>>, vector<1x16xf32>,
        %swap3A_3150 = arith.constant 6 : i32
        %swap3A_3151 = arith.index_cast %swap3A_3150 : i32 to index
        %swap3A_3152 = arith.index_cast %mul3A_20 : i32 to index
        %swap3A_3153 = tpu.vector_load %arg7[%swap3A_3151, %swap3A_3152] {strides = array<i32>} : memref<8x256xi32, #tpu.memory_space<vmem>>, vector<1x16xi32>,
        %swap3A_3154 = vector.shape_cast %swap3A_3153 : vector<1x16xi32> to vector<16xi32>
        %swap3A_3155 = vector.shape_cast %select_n3A_3050 : vector<16xi32> to vector<1x16xi32>
        tpu.vector_store %arg7[%swap3A_3151, %swap3A_3152], %swap3A_3155 {strides = array<i32>} : memref<8x256xi32, #tpu.memory_space<vmem>>, vector<1x16xi32>,
        %mul3A_3156 = arith.mulf %select_n3A_3053, %div3A_3065 : vector<16xf32>
        %swap3A_3157 = arith.constant 7 : i32
        %swap3A_3158 = arith.index_cast %swap3A_3157 : i32 to index
        %swap3A_3159 = arith.index_cast %mul3A_20 : i32 to index
        %swap3A_3160 = tpu.vector_load %arg6[%swap3A_3158, %swap3A_3159] {strides = array<i32>} : memref<8x256xf32, #tpu.memory_space<vmem>>, vector<1x16xf32>,
        %swap3A_3161 = vector.shape_cast %swap3A_3160 : vector<1x16xf32> to vector<16xf32>
        %swap3A_3162 = vector.shape_cast %mul3A_3156 : vector<16xf32> to vector<1x16xf32>
        tpu.vector_store %arg6[%swap3A_3158, %swap3A_3159], %swap3A_3162 {strides = array<i32>} : memref<8x256xf32, #tpu.memory_space<vmem>>, vector<1x16xf32>,
        %swap3A_3163 = arith.constant 7 : i32
        %swap3A_3164 = arith.index_cast %swap3A_3163 : i32 to index
        %swap3A_3165 = arith.index_cast %mul3A_20 : i32 to index
        %swap3A_3166 = tpu.vector_load %arg7[%swap3A_3164, %swap3A_3165] {strides = array<i32>} : memref<8x256xi32, #tpu.memory_space<vmem>>, vector<1x16xi32>,
        %swap3A_3167 = vector.shape_cast %swap3A_3166 : vector<1x16xi32> to vector<16xi32>
        %swap3A_3168 = vector.shape_cast %select_n3A_3055 : vector<16xi32> to vector<1x16xi32>
        tpu.vector_store %arg7[%swap3A_3164, %swap3A_3165], %swap3A_3168 {strides = array<i32>} : memref<8x256xi32, #tpu.memory_space<vmem>>, vector<1x16xi32>,
      }
      %scan3A_17 = arith.constant 16 : i32
      "tpu.region"() ({
        %run_scoped3A = tpu.sem_alloc : memref<!tpu.dma_semaphore, #tpu.memory_space<semaphore_mem>>
        %dma_start3A = arith.constant 0 : i32
        %dma_start3A_18 = tpu.memref_slice %arg3[%dma_start3A, %add3A_11] : memref<8x32768xf32, #tpu.memory_space<hbm>> -> memref<8x256xf32, #tpu.memory_space<hbm>>
        %dma_start3A_19 = arith.constant 0 : i32
        %dma_start3A_20 = tpu.memref_slice %arg3[%dma_start3A_19, %add3A_11] : memref<8x32768xf32, #tpu.memory_space<hbm>> -> memref<8x256xf32, #tpu.memory_space<hbm>>
        tpu.enqueue_dma source(%arg6 : memref<8x256xf32, #tpu.memory_space<vmem>>) target(%dma_start3A_20 : memref<8x256xf32, #tpu.memory_space<hbm>>) target_semaphore(%run_scoped3A : memref<!tpu.dma_semaphore, #tpu.memory_space<semaphore_mem>>)
        %dma_wait3A = arith.constant 0 : i32
        %dma_wait3A_21 = tpu.memref_slice %arg3[%dma_wait3A, %add3A_11] : memref<8x32768xf32, #tpu.memory_space<hbm>> -> memref<8x256xf32, #tpu.memory_space<hbm>>
        %dma_wait3A_22 = arith.constant 0 : i32
        %dma_wait3A_23 = tpu.memref_slice %arg3[%dma_wait3A_22, %add3A_11] : memref<8x32768xf32, #tpu.memory_space<hbm>> -> memref<8x256xf32, #tpu.memory_space<hbm>>
        tpu.wait_dma2 semaphore(%run_scoped3A : memref<!tpu.dma_semaphore, #tpu.memory_space<semaphore_mem>>) src(%arg6 : memref<8x256xf32, #tpu.memory_space<vmem>>) dst(%dma_wait3A_23 : memref<8x256xf32, #tpu.memory_space<hbm>>)
        tpu.yield
      }) : () -> ()
      "tpu.region"() ({
        %run_scoped3A = tpu.sem_alloc : memref<!tpu.dma_semaphore, #tpu.memory_space<semaphore_mem>>
        %dma_start3A = arith.constant 0 : i32
        %dma_start3A_18 = tpu.memref_slice %arg4[%dma_start3A, %add3A_11] : memref<8x32768xi32, #tpu.memory_space<hbm>> -> memref<8x256xi32, #tpu.memory_space<hbm>>
        %dma_start3A_19 = arith.constant 0 : i32
        %dma_start3A_20 = tpu.memref_slice %arg4[%dma_start3A_19, %add3A_11] : memref<8x32768xi32, #tpu.memory_space<hbm>> -> memref<8x256xi32, #tpu.memory_space<hbm>>
        tpu.enqueue_dma source(%arg7 : memref<8x256xi32, #tpu.memory_space<vmem>>) target(%dma_start3A_20 : memref<8x256xi32, #tpu.memory_space<hbm>>) target_semaphore(%run_scoped3A : memref<!tpu.dma_semaphore, #tpu.memory_space<semaphore_mem>>)
        %dma_wait3A = arith.constant 0 : i32
        %dma_wait3A_21 = tpu.memref_slice %arg4[%dma_wait3A, %add3A_11] : memref<8x32768xi32, #tpu.memory_space<hbm>> -> memref<8x256xi32, #tpu.memory_space<hbm>>
        %dma_wait3A_22 = arith.constant 0 : i32
        %dma_wait3A_23 = tpu.memref_slice %arg4[%dma_wait3A_22, %add3A_11] : memref<8x32768xi32, #tpu.memory_space<hbm>> -> memref<8x256xi32, #tpu.memory_space<hbm>>
        tpu.wait_dma2 semaphore(%run_scoped3A : memref<!tpu.dma_semaphore, #tpu.memory_space<semaphore_mem>>) src(%arg7 : memref<8x256xi32, #tpu.memory_space<vmem>>) dst(%dma_wait3A_23 : memref<8x256xi32, #tpu.memory_space<hbm>>)
        tpu.yield
      }) : () -> ()
    }
    %scan3A_7 = arith.constant 4 : i32
    return
  }
}

module attributes {stable_mosaic.version = 14 : i64} {
  func.func @_tc_body(%arg0: i32, %arg1: memref<4096x768xf32, #tpu.memory_space<vmem>>, %arg2: memref<768x64xf32, #tpu.memory_space<vmem>>, %arg3: memref<1x64xf32, #tpu.memory_space<vmem>>, %arg4: memref<4096x64xf32, #tpu.memory_space<vmem>>, %arg5: memref<64x4096xf32, #tpu.memory_space<vmem>>) attributes {dimension_semantics = [#tpu.dimension_semantics<arbitrary>], iteration_bounds = array<i64: 8>, scalar_prefetch = 0 : i64, scratch_operands = 0 : i64, tpu.core_type = #tpu.core_type<tc>, window_params = [{transform_indices = @transform_0, window_bounds = array<i64: 4096, 768>}, {pipeline_mode = #tpu.pipeline_mode<synchronous>, transform_indices = @transform_1, window_bounds = array<i64: 768, 64>}, {pipeline_mode = #tpu.pipeline_mode<synchronous>, transform_indices = @transform_2, window_bounds = array<i64: 1, 64>}, {transform_indices = @transform_3, window_bounds = array<i64: 4096, 64>}, {transform_indices = @transform_4, window_bounds = array<i64: 64, 4096>}]} {
    %get3A = arith.constant 0 : index
    %get3A_0 = arith.constant 0 : index
    %get3A_1 = vector.load %arg1[%get3A, %get3A_0] : memref<4096x768xf32, #tpu.memory_space<vmem>>, vector<4096x768xf32>
    %get3A_2 = arith.constant 0 : index
    %get3A_3 = arith.constant 0 : index
    %get3A_4 = vector.load %arg2[%get3A_2, %get3A_3] : memref<768x64xf32, #tpu.memory_space<vmem>>, vector<768x64xf32>
    %dot_general3A = arith.constant dense<0.000000e+00> : vector<4096x64xf32>
    %dot_general3A_5 = tpu.matmul %get3A_1, %get3A_4, %dot_general3A {dimension_numbers = #tpu.dot_dimension_numbers<[1], [0], [0], [1], [0, 0, 1, 1], [], []>, transpose_lhs_hint = false} : vector<4096x768xf32>, vector<768x64xf32>, vector<4096x64xf32> -> vector<4096x64xf32>
    %get3A_6 = arith.constant 0 : index
    %get3A_7 = arith.constant 0 : index
    %get3A_8 = vector.load %arg3[%get3A_6, %get3A_7] : memref<1x64xf32, #tpu.memory_space<vmem>>, vector<1x64xf32>
    %add3A = vector.broadcast %get3A_8 : vector<1x64xf32> to vector<4096x64xf32>
    %add3A_9 = arith.addf %dot_general3A_5, %add3A : vector<4096x64xf32>
    %logistic3A = arith.negf %add3A_9 : vector<4096x64xf32>
    %logistic3A_10 = math.exp %logistic3A : vector<4096x64xf32>
    %logistic3A_11 = arith.constant 1.000000e+00 : f32
    %logistic3A_12 = vector.broadcast %logistic3A_11 : f32 to vector<4096x64xf32>
    %logistic3A_13 = arith.addf %logistic3A_12, %logistic3A_10 : vector<4096x64xf32>
    %logistic3A_14 = arith.divf %logistic3A_12, %logistic3A_13 : vector<4096x64xf32>
    %swap3A = arith.constant 0 : index
    %swap3A_15 = arith.constant 0 : index
    %swap3A_16 = vector.load %arg4[%swap3A, %swap3A_15] : memref<4096x64xf32, #tpu.memory_space<vmem>>, vector<4096x64xf32>
    tpu.vector_store %arg4[%swap3A, %swap3A_15], %logistic3A_14 {strides = array<i32>} : memref<4096x64xf32, #tpu.memory_space<vmem>>, vector<4096x64xf32>,
    %transpose3A = tpu.transpose %logistic3A_14, [1, 0] : vector<4096x64xf32> -> vector<64x4096xf32>
    %swap3A_17 = arith.constant 0 : index
    %swap3A_18 = arith.constant 0 : index
    %swap3A_19 = vector.load %arg5[%swap3A_17, %swap3A_18] : memref<64x4096xf32, #tpu.memory_space<vmem>>, vector<64x4096xf32>
    tpu.vector_store %arg5[%swap3A_17, %swap3A_18], %transpose3A {strides = array<i32>} : memref<64x4096xf32, #tpu.memory_space<vmem>>, vector<64x4096xf32>,
    return
  }
  func.func @transform_0(%arg0: i32) -> (i32, i32) {
    %c0_i32 = arith.constant 0 : i32
    %c0_i32_0 = arith.constant 0 : i32
    return %arg0, %c0_i32 : i32, i32
  }
  func.func @transform_1(%arg0: i32) -> (i32, i32) {
    %c0_i32 = arith.constant 0 : i32
    %c0_i32_0 = arith.constant 0 : i32
    %c0_i32_1 = arith.constant 0 : i32
    return %c0_i32, %c0_i32_0 : i32, i32
  }
  func.func @transform_2(%arg0: i32) -> (i32, i32) {
    %c0_i32 = arith.constant 0 : i32
    %c0_i32_0 = arith.constant 0 : i32
    %c0_i32_1 = arith.constant 0 : i32
    return %c0_i32, %c0_i32_0 : i32, i32
  }
  func.func @transform_3(%arg0: i32) -> (i32, i32) {
    %c0_i32 = arith.constant 0 : i32
    %c0_i32_0 = arith.constant 0 : i32
    return %arg0, %c0_i32 : i32, i32
  }
  func.func @transform_4(%arg0: i32) -> (i32, i32) {
    %c0_i32 = arith.constant 0 : i32
    %c0_i32_0 = arith.constant 0 : i32
    return %c0_i32, %arg0 : i32, i32
  }
}

</mosaic_0001>

<sc_bundles>
// kernel: kernel.4.cloned.1.call-start
scs
__scs_entry_jumppad:
0x0: {  	(pc) =	sbr.rel $0x88, $3  }
0x1: {  	(tag) =	ssettag $0x0;
	lr =	simm.s32 $0x1  }
0x2: {  	[smem:$0x3F9E] =	sst lr;
	_ =	strace $0xD0000000  }
0x3: {  	_ = 	snop  }
0x4: {  	_ = 	snop  }
0x5: {  	_ = 	snop  }
0x6: {  	_ = 	snop  }
0x7: {  	_ = 	snop  }
__scs_overlays_trampoline_lowered:
0x8: {  	[smem:$0x3FAD] =	sst s0  }
0x9: {  	[smem:$0x3FAE] =	sst s1  }
0xa: {  	[smem:$0x3FAF] =	sst s2  }
0xb: {  	[smem:$0x3FB0] =	sst s3  }
0xc: {  	[smem:$0x3FB1] =	sst s4  }
0xd: {  	[smem:$0x3FB2] =	sst s5  }
0xe: {  	[smem:$0x3FB3] =	sst s6  }
0xf: {  	[smem:$0x3FB4] =	sst s7  }
0x10: {  	[smem:$0x3FB5] =	sst s8  }
0x11: {  	[smem:$0x3FB6] =	sst s9;
	s0 =	simm.s32 @!p0 $0x0  }
0x12: {  	s1 =	sld [smem:$0x3F9C];
	s0 =	simm.s32 @p0 $0x1  }
0x13: {  	[smem:$0x3FB7] =	sst s0;
	s0 =	simm.s32 @!p1 $0x0  }
0x14: {  	s2 =	sld [smem:$0x3F9B];
	s0 =	simm.s32 @p1 $0x1  }
0x15: {  	[smem:$0x3FB8] =	sst s0;
	s0 =	simm.s32 @!p2 $0x0  }
0x16: {  	s3 =	sld [smem:$0x3FDB];
	s0 =	simm.s32 @p2 $0x1  }
0x17: {  	s4 =	simm.s32 $0x1BF5;
	[smem:$0x3FBA] =	sst s0  }
0x18: {  	s0 =	sld [smem:$0x3F9D];
	_ =	swait.ge [sflag:s4], $0x0  }
0x19: {  	s7 =	sld [smem:$0x3F9E]  }
0x1a: {  	s8 =	sadd.s32 $0xFFFFE003, lr  }
0x1b: {  	s9 =	sadd.s32 $0xFFFFFEF7, lr;
	s5 =	simm.s32 $0xFFFFFFFF;
	p2 =	slt.u32 s8, $0xFFFFF086  }
0x1c: {  	p1 =	slt.u32 s9, $0xF7A;
	s5 =	simm.s32 @!p2 $0x0  }
0x1d: {  	s5 =	simm.s32 @p1 $0x1;
	p0 =	seq.s32 s7, s2  }
0x1e: {  	s7 =	smul.u32 @!p0 $0xF7A, s2;
	p2 =	seq.s32 @!p0 s5, $0x0  }
0x1f: {  	s9 =	smul.u32 $0xF7A, s1;
	s8 =	simm.s32 @!p0 $0x1BF5;
	p2 =	por !p2, p0  }
0x20: {  	[sflag:s8] =	ssyncset.s32 @!p0 $0xFFFFF086;
	s6 =	sadd.s32 @!p0 s3, s7;
	s7 =	simm.s32 @!p0 $0x108  }
0x21: {  	s3 =	sadd.s32 s3, s9;
	s6 =	sadd.s32 @!p0 $0x88, s6;
	s7 =	simm.s32 @p2 $0x1082  }
0x22: {  	[simem:s7], [sflag:s8] =	dma.local @!p0 [hbm:s6], $0xF7A  }
0x23: {  	s9 =	sor.u32 $0xD0000000, s2;
	s6 =	simm.s32 $0x108;
	_ =	swait.ge @!p0 [sflag:s8], $0x0  }
0x24: {  	s3 =	sadd.s32 $0x88, s3;
	s6 =	simm.s32 @!p1 $0x1082;
	[sflag:s4] =	ssyncset.s32 $0xFFFFF086  }
0x25: {  	[simem:s6], [sflag:s4] =	dma.local [hbm:s3], $0xF7A  }
0x26: {  	[smem:$0x3F9E] =	sst s1;
	(tag) =	ssettag s2;
	_ =	strace s9  }
0x27: {  	s1 =	sld [smem:$0x3FAE]  }
0x28: {  	s2 =	sld [smem:$0x3FAF]  }
0x29: {  	s4 =	sld [smem:$0x3FB1]  }
0x2a: {  	p0 =	seq.s32 s5, $0x0;
	s5 =	sld [smem:$0x3FB2]  }
0x2b: {  	s6 =	sld [smem:$0x3FB3]  }
0x2c: {  	s7 =	sld [smem:$0x3FB4]  }
0x2d: {  	s3 =	simm.s32 $0x108;
	s8 =	sld [smem:$0x3FB5]  }
0x2e: {  	s3 =	simm.s32 @!p0 $0x1082;
	s9 =	sld [smem:$0x3FB6]  }
0x2f: {  	lr =	sadd.s32 s0, s3;
	s0 =	sld [smem:$0x3FAD]  }
0x30: {  	s3 =	sld [smem:$0x3FB0]  }
0x31: {  	[smem:$0x3FB9] =	sst s10  }
0x32: {  	s10 =	sld [smem:$0x3FB7];
	_ =	sdelay $0x3  }
0x33: {  	p0 =	seq.s32 s10, $0x1;
	s10 =	sld [smem:$0x3FB9];
	_ =	sdelay $0x3  }
0x34: {  	[smem:$0x3FB9] =	sst s10  }
0x35: {  	s10 =	sld [smem:$0x3FB8];
	_ =	sdelay $0x3  }
0x36: {  	p1 =	seq.s32 s10, $0x1;
	s10 =	sld [smem:$0x3FB9];
	_ =	sdelay $0x3  }
0x37: {  	[smem:$0x3FB9] =	sst s10  }
0x38: {  	s10 =	sld [smem:$0x3FBA]  }
0x39: {  	_ = 	snop;
	(pc) =	sbr.ind lr, $3  }
0x3a: {  	_ = 	snop  }
0x3b: {  	_ = 	snop  }
0x3c: {  	p2 =	seq.s32 s10, $0x1;
	s10 =	sld [smem:$0x3FB9]  }
0x3d: {  	_ =	shalt  }
0x3e: {  	_ =	shalt  }
0x3f: {  	_ =	shalt  }
0x40: {  	_ =	shalt  }
0x41: {  	_ =	shalt  }
0x42: {  	_ =	shalt  }
0x43: {  	_ =	shalt  }
0x44: {  	_ =	shalt  }
0x45: {  	_ =	shalt  }
0x46: {  	_ =	shalt  }
0x47: {  	_ =	shalt  }
0x48: {  	_ =	shalt  }
0x49: {  	_ =	shalt  }
0x4a: {  	_ =	shalt  }
0x4b: {  	_ =	shalt  }
0x4c: {  	_ =	shalt  }
0x4d: {  	_ =	shalt  }
0x4e: {  	_ =	shalt  }
0x4f: {  	_ =	shalt  }
0x50: {  	_ =	shalt  }
0x51: {  	_ =	shalt  }
0x52: {  	_ =	shalt  }
0x53: {  	_ =	shalt  }
0x54: {  	_ =	shalt  }
0x55: {  	_ =	shalt  }
0x56: {  	_ =	shalt  }
0x57: {  	_ =	shalt  }
0x58: {  	_ =	shalt  }
0x59: {  	_ =	shalt  }
0x5a: {  	_ =	shalt  }
0x5b: {  	_ =	shalt  }
0x5c: {  	_ =	shalt  }
0x5d: {  	_ =	shalt  }
0x5e: {  	_ =	shalt  }
0x5f: {  	_ =	shalt  }
0x60: {  	_ =	shalt  }
0x61: {  	_ =	shalt  }
0x62: {  	_ =	shalt  }
0x63: {  	_ =	shalt  }
0x64: {  	_ =	shalt  }
0x65: {  	_ =	shalt  }
0x66: {  	_ =	shalt  }
0x67: {  	_ =	shalt  }
0x68: {  	_ =	shalt  }
0x69: {  	_ =	shalt  }
0x6a: {  	_ =	shalt  }
0x6b: {  	_ =	shalt  }
0x6c: {  	_ =	shalt  }
0x6d: {  	_ =	shalt  }
0x6e: {  	_ =	shalt  }
0x6f: {  	_ =	shalt  }
0x70: {  	_ =	shalt  }
0x71: {  	_ =	shalt  }
0x72: {  	_ =	shalt  }
0x73: {  	_ =	shalt  }
0x74: {  	_ =	shalt  }
0x75: {  	_ =	shalt  }
0x76: {  	_ =	shalt  }
0x77: {  	_ =	shalt  }
0x78: {  	_ =	shalt  }
0x79: {  	_ =	shalt  }
0x7a: {  	_ =	shalt  }
0x7b: {  	_ =	shalt  }
0x7c: {  	_ =	shalt  }
0x7d: {  	_ =	shalt  }
0x7e: {  	_ =	shalt  }
0x7f: {  	_ =	shalt  }
0x80: {  	_ =	shalt  }
0x81: {  	_ =	shalt  }
0x82: {  	_ =	shalt  }
0x83: {  	_ =	shalt  }
0x84: {  	_ =	shalt  }
0x85: {  	_ =	shalt  }
0x86: {  	_ =	shalt  }
0x87: {  	_ =	shalt  }
.Lfunc_end0:
.L_simem_size_0:
called_computation_lowered:
.L_overlay_start_0:
0x88: {  	s2 =	sld [smem:$0x3FD9]  }
0x89: {  	s3 =	sld [smem:$0x3FFE];
	_ =	sdelay $0x1  }
0x8a: {  	s1 =	srdreg.scid  }
0x8b: {  	s0 =	sand.u32 $0x1, s1  }
0x8c: {  	s14 =	sshll.u32 s0, $0xA;
	s2 =	sadd.s32 s3, s2  }
0x8d: {  	s2 =	sadd.s32 s2, s14  }
0x8e: {  	[smem:$0x3FC5] =	sst s2  }
0x8f: {  	_ = 	snop  }
0x90: {  	s2 =	sld [smem:$0x3FD0];
	_ =	sdelay $0x2  }
0x91: {  	s15 =	simm.s32 $0xA;
	s4 =	simm.s32 $0x10  }
0x92: {  	[smem:s4], [sflag:s15] =	dma.local [hbm:s2], $0x1  }
0x93: {  	_ =	swait.eq [sflag:s15], $0x1  }
0x94: {  	[sflag:s15] =	ssyncset.done $0x0  }
0x95: {  	s16 =	sld [smem:$0x10];
	[sflag:s15] =	ssyncadd.s32 $0xFFFFFFFF  }
0x96: {  	s17 =	sld [smem:$0x11];
	(tm) =	ssettm $0x1  }
0x97: {  	s18 =	sld [smem:$0x3FFB];
	_ =	sdelay $0x3  }
0x98: {  	_ =	strace s18  }
0x99: {  	s4 =	sld [smem:$0x3FFC];
	_ =	sdelay $0x3  }
0x9a: {  	_ =	strace s4  }
0x9b: {  	s4 =	sld [smem:$0x3FFD];
	_ =	sdelay $0x3  }
0x9c: {  	_ =	strace s4  }
0x9d: {  	_ =	strace $0x8FFFFFFF  }
0x9e: {  	s19 =	sld [smem:$0x3FDB];
	_ =	sdelay $0x1  }
0x9f: {  	s5 =	simm.s32 $_scs_section_size  }
0xa0: {  	s6 =	simm.s32 $_size__tile_overlayer_lowered;
	s7 =	simm.s32 $_tile_overlayer_lowered  }
0xa1: {  	s22 =	simm.s32 $0x1BFF;
	s21 =	sshll.u32 s7, $0x1;
	s4 =	sadd.s32 s5, s19  }
0xa2: {  	s8 =	simm.s32 $0x0;
	s20 =	sshll.u32 s6, $0x1;
	s6 =	sadd.s32 s21, s4  }
0xa3: {  	[timem:s8], [sflag:s22] =	dma.local [hbm:s6], s20  }
0xa4: {  	_ =	swait.ge [sflag:s22], s20  }
0xa5: {  	s5 =	ssub.s32 $0x0, s20;
	[sflag:s22] =	ssyncset.done $0x0  }
0xa6: {  	[sflag:s22] =	ssyncadd.s32 s5;
	_ =	sdelay $0x1  }
0xa7: {  	s23 =	simm.s32 $0x1B8B  }
0xa8: {  	_ =	swait.ge [sflag:s23], $0x1  }
0xa9: {  	[sflag:s23] =	ssyncset.done $0x0  }
0xaa: {  	s25 =	simm.s32 $0x1B8E;
	s24 =	sld [smem:$0x3FFE];
	[sflag:s23] =	ssyncadd.s32 $0xFFFFFFFF  }
0xab: {  	s26 =	simm.s32 $execute0_lowered;
	[smem:$0x3FD2] =	sst s25  }
0xac: {  	s6 =	sshll.u32 s26, $0x1;
	_ =	strace $0x80000046;
	[dreg:$0x1] =	wrdreg $0xFFFFFFFF  }
0xad: {  	s28 =	simm.s32 $_size_execute0_lowered;
	s4 =	sadd.s32 s4, s6;
	[dreg:$0x0] =	wrdreg $0x0  }
0xae: {  	s6 =	sshll.u32 s28, $0x1;
	[dreg:$0x2] =	wrdreg s4  }
0xaf: {  	[dreg:$0x3] =	wrdreg s6  }
0xb0: {  	[dreg:$0x4] =	wrdreg $0xC0  }
0xb1: {  	_ =	task [dreg:s8], $0x5FFFF  }
0xb2: {  	[dreg:$0x1] =	wrdreg $0xFFFFFFFF  }
0xb3: {  	[dreg:$0x0] =	wrdreg $0x60  }
0xb4: {  	[dreg:$0x2] =	wrdreg s24  }
0xb5: {  	[dreg:$0x3] =	wrdreg s16  }
0xb6: {  	[dreg:$0x4] =	wrdreg s17  }
0xb7: {  	[dreg:$0x5] =	wrdreg $0x9  }
0xb8: {  	_ =	task.clear_ibuf [dreg:s8], $0x6FFFF;
	_ =	strace $0x90000046  }
0xb9: {  	s29 =	simm.s32 $0x9;
	_ =	strace $0x80000048  }
0xba: {  	_ =	swait.ge [sflag:s29], $0x1  }
0xbb: {  	[sflag:s29] =	ssyncadd.s32 $0xFFFFFFFF  }
0xbc: {  	_ =	strace $0x90000048  }
0xbd: {  	_ =	sfence  }
0xbe: {  	s30 =	sld [smem:$0x0];
	_ =	sdelay $0x2  }
0xbf: {  	s31 =	sshll.u32 s1, $0xD;
	s1 =	sshrl.u32 s1, $0x2  }
0xc0: {  	s3 =	sand.u32 $0x4000, s31;
	s1 =	sadd.s32 s1, s30  }
0xc1: {  	s0 =	sor.u32 s3, s0;
	s1 =	sshll.u32 s1, $0x11  }
0xc2: {  	s0 =	sor.u32 s1, s0  }
0xc3: {  	s0 =	sadd.s32 $0x8F2B, s0  }
0xc4: {  	[sflag:s0] =	ssyncadd.remote.s32 $0x1  }
0xc5: {  	_ =	sfence.sel $0xFFFF  }
0xc6: {  	[dreg:$0x0] =	wrdreg $0xFFFFFFFF;
	(pc) =	sbr.abs _section_cstart, $3  }
0xc7: {  	[dreg:$0x1] =	wrdreg $0xFFFFFFFF  }
0xc8: {  	_ =	task.clear_ibuf [dreg:s8], $0x2FFFF;
	_ =	strace $0x9FFFFFFF  }
0xc9: {  	(tm) =	ssettm $0x7FFFFFFF  }
tec
execute0_lowered:
.L_overlay_start_1:
0x0: {  	(tag) =	ssettag $0x1  }
0x1: {  	s5 =	rddreg [dreg:$0x0]  }
0x2: {  	s1 =	rddreg [dreg:$0x1]  }
0x3: {  	s2 =	rddreg [dreg:$0x2]  }
0x4: {  	s4 =	srdreg.scid;
	s0 =	rddreg [dreg:$0x3];
	s3 =	simm.s32 $0x0  }
0x5: {  	s9 =	simm.s32 $0x40000;
	s10 =	simm.s32 $0x1;
	s11 =	simm.s32 $0x4000  }
0x6: {  	s12 =	simm.s32 $0x4800;
	s13 =	simm.s32 $0x0;
	s6 =	sand.u32 $0x1, s4  }
0x7: {  	[smem:$0x7FF] =	sst s3;
	s4 =	stileid.u32;
	s7 =	ssub.s32 $0x2, s6  }
0x8: {  	s5 =	sadd.s32 $0x81000, s5;
	_ =	strace $0x80000047;
	s8 =	sshrl.u32 s7, $0x1  }
0x9: {  	s31 =	sshll.u32 s4, $0xB;
	s6 =	sshll.u32 s6, $0xA;
	s7 =	ssub.s32 s7, s8  }
0xa: {  	v0 =	vimm.s32 $0x0;
	s6 =	sor.u32 s6, s31;
	s8 =	simm.s32 $0x800;
	s7 =	smax.u32 s7, $0x1  }
.LBB2_1:
0xb: {  	s14 =	simm.s32 $0x0  }
.LBB2_2:
0xc: {  	s15 =	sshll.u32 s14, $0x8  }
0xd: {  	s15 =	sadd.s32 s6, s15  }
0xe: {  	s16 =	simm.s32 $0x0;
	s17 =	sadd.s32 s5, s15  }
0xf: {  	[tilespmem:s16], [sflag:$0x1] =	stream.strided.gather [hbm4b:s17+s8], $0x4000, s9, s8, $0x38;
	[tilespmem:$0x5000] =	vst v63  }
0x10: {  	_ =	swait.ge [sflag:s10], $0x4000  }
0x11: {  	[sflag:s10] =	ssyncset.done $0x0  }
0x12: {  	s17 =	simm.s32 $0x0;
	[sflag:s10] =	ssyncadd.s32 $0xFFFFC000  }
.LBB2_3:
0x13: {  	s18 =	sand.u32 $0x70, s17;
	s19 =	sand.u32 $0x400, s16  }
0x14: {  	s20 =	sand.u32 $0xFFFFFC00, s16;
	s18 =	sor.u32 s18, s19  }
0x15: {  	s21 =	sadd.s32 s20, s17;
	v1 =	vld [tilespmem:s18+$0x0]  }
0x16: {  	s20 =	sor.u32 $0x80, s21  }
0x17: {  	v2 =	vld [tilespmem:s20+$0x0];
	_ =	sdelay $0x2  }
0x18: {  	v3 =	vld [tilespmem:s18+$0x100];
	vm0 =	vgt.f32 v1, $-2.000000000e+00  }
0x19: {  	v1 =	vnsel vm0, $0xC0000000, v1  }
0x1a: {  	vm0 =	vgt.f32 v2, v1  }
0x1b: {  	s31 =	sor.u32 $0x180, s21;
	v4 =	vsel vm0, v1, v2;
	vm1 =	vmneg vm0  }
0x1c: {  	v1 =	vsel vm0, v2, v1;
	v2 =	vld [tilespmem:s31+$0x0];
	v5 =	vsel vm0, $0x1, v0;
	vm2 =	vgt.f32 v4, $-2.000000000e+00  }
0x1d: {  	vm8 =	vgt.f32 v3, v1;
	vm7 =	vmand vm2, vm1;
	v4 =	vnsel vm2, $0xC0000000, v4  }
0x1e: {  	v7 =	vsel vm8, v1, v3;
	v1 =	vsel vm8, v3, v1;
	v3 =	vsel vm8, $0x2, v5  }
0x1f: {  	v9 =	vld [tilespmem:s18+$0x200];
	v5 =	vnsel vm8, $0x2, v5;
	v6 =	vsel vm7, $0x1, v0;
	vm9 =	vgt.f32 v7, v4  }
0x20: {  	v8 =	vsel vm9, v7, v4;
	v4 =	vsel vm9, v4, v7;
	v48 =	vsel vm9, v5, v6  }
0x21: {  	v5 =	vsel vm9, v6, v5;
	vm10 =	vgt.f32 v4, $-2.000000000e+00;
	vm11 =	vgt.f32 v2, v1  }
0x22: {  	s21 =	sor.u32 $0x280, s21;
	v4 =	vnsel vm10, $0xC0000000, v4;
	v49 =	vsel vm11, v1, v2;
	v5 =	vnsel vm10, $0x0, v5  }
0x23: {  	v54 =	vld [tilespmem:s21+$0x0];
	v1 =	vsel vm11, v2, v1;
	v2 =	vsel vm11, $0x3, v3;
	vm12 =	vgt.f32 v49, v8  }
0x24: {  	v3 =	vnsel vm11, $0x3, v3;
	vm15 =	vgt.f32 v9, v1;
	v10 =	vsel vm12, v8, v49  }
0x25: {  	v6 =	vsel vm12, v49, v8;
	v50 =	vsel vm12, v3, v48;
	v3 =	vsel vm12, v48, v3  }
0x26: {  	v53 =	vsel vm15, v1, v9;
	v1 =	vsel vm15, v9, v1;
	v11 =	vsel vm15, $0x4, v2  }
0x27: {  	v2 =	vnsel vm15, $0x4, v2;
	vm13 =	vgt.f32 v10, v4;
	vm4 =	vgt.f32 v53, v6  }
0x28: {  	v14 =	vld [tilespmem:s18+$0x300];
	vm7 =	vgt.f32 v54, v1;
	v51 =	vsel vm13, v10, v4;
	v4 =	vsel vm13, v4, v10  }
0x29: {  	v52 =	vsel vm13, v3, v5;
	v3 =	vsel vm13, v5, v3;
	v12 =	vsel vm4, v6, v53  }
0x2a: {  	v5 =	vsel vm4, v53, v6;
	v55 =	vsel vm4, v2, v50;
	v2 =	vsel vm4, v50, v2  }
0x2b: {  	v13 =	vsel vm7, v1, v54;
	v1 =	vsel vm7, v54, v1;
	v61 =	vsel vm7, $0x5, v11  }
0x2c: {  	v11 =	vnsel vm7, $0x5, v11;
	vm14 =	vgt.f32 v4, $-2.000000000e+00;
	vm5 =	vgt.f32 v12, v51  }
0x2d: {  	vm9 =	vgt.f32 v13, v5;
	vm13 =	vgt.f32 v14, v1;
	v4 =	vnsel vm14, $0xC0000000, v4  }
0x2e: {  	v3 =	vnsel vm14, $0x0, v3;
	v56 =	vsel vm5, v12, v51;
	v7 =	vsel vm5, v51, v12  }
0x2f: {  	v57 =	vsel vm5, v2, v52;
	v2 =	vsel vm5, v52, v2;
	v60 =	vsel vm9, v5, v13  }
0x30: {  	v5 =	vsel vm9, v13, v5;
	v62 =	vsel vm9, v11, v55;
	v6 =	vsel vm9, v55, v11  }
0x31: {  	v23 =	vsel vm13, v1, v14;
	v1 =	vsel vm13, v14, v1;
	v25 =	vsel vm13, $0x6, v61  }
0x32: {  	v9 =	vnsel vm13, $0x6, v61;
	vm6 =	vgt.f32 v7, v4;
	vm10 =	vgt.f32 v60, v56  }
0x33: {  	s22 =	sor.u32 s16, s17;
	vm15 =	vgt.f32 v23, v5;
	v58 =	vsel vm6, v7, v4;
	v4 =	vsel vm6, v4, v7  }
0x34: {  	s22 =	sor.u32 $0x380, s22;
	v59 =	vsel vm6, v2, v3;
	v2 =	vsel vm6, v3, v2;
	v15 =	vsel vm10, v56, v60  }
0x35: {  	v27 =	vld [tilespmem:s22+$0x0];
	v63 =	vsel vm10, v6, v57;
	v6 =	vsel vm10, v57, v6;
	v24 =	vsel vm15, v5, v23  }
0x36: {  	v5 =	vsel vm15, v23, v5;
	v16 =	vsel vm15, v9, v62;
	vm8 =	vgt.f32 v4, $-2.000000000e+00  }
0x37: {  	v9 =	vsel vm15, v62, v9;
	vm11 =	vgt.f32 v15, v58;
	v3 =	vnsel vm8, $0xC0000000, v4  }
0x38: {  	v2 =	vnsel vm8, $0x0, v2;
	v4 =	vsel vm10, v60, v56;
	v20 =	vsel vm11, v58, v15  }
0x39: {  	v10 =	vsel vm11, v15, v58;
	v12 =	vsel vm11, v6, v59;
	v6 =	vsel vm11, v59, v6  }
0x3a: {  	v41 =	vld [tilespmem:s18+$0x800];
	vm8 =	vgt.f32 v27, v1;
	vm12 =	vgt.f32 v20, v3;
	vm4 =	vgt.f32 v24, v4  }
0x3b: {  	v35 =	vsel vm8, v1, v27;
	v1 =	vsel vm8, v27, v1;
	v37 =	vsel vm8, $0x7, v25  }
0x3c: {  	v14 =	vnsel vm8, $0x7, v25;
	v21 =	vsel vm12, v20, v3;
	v3 =	vsel vm12, v3, v20  }
0x3d: {  	v22 =	vsel vm12, v6, v2;
	v2 =	vsel vm12, v2, v6;
	v26 =	vsel vm4, v4, v24  }
0x3e: {  	v4 =	vsel vm4, v24, v4;
	v28 =	vsel vm4, v9, v63;
	v8 =	vsel vm4, v63, v9  }
0x3f: {  	vm10 =	vgt.f32 v35, v5;
	vm4 =	vgt.f32 v41, v1;
	vm14 =	vgt.f32 v3, $-2.000000000e+00  }
0x40: {  	vm5 =	vgt.f32 v26, v10;
	v36 =	vsel vm10, v5, v35;
	v5 =	vsel vm10, v35, v5  }
0x41: {  	v18 =	vsel vm10, v14, v16;
	v14 =	vsel vm10, v16, v14;
	v19 =	vsel vm4, v1, v41  }
0x42: {  	v1 =	vsel vm4, v41, v1;
	v50 =	vsel vm4, $0x8, v37;
	v13 =	vnsel vm4, $0x8, v37  }
0x43: {  	v3 =	vnsel vm14, $0xC0000000, v3;
	v2 =	vnsel vm14, $0x0, v2;
	v17 =	vsel vm5, v10, v26  }
0x44: {  	v29 =	vsel vm5, v26, v10;
	v30 =	vsel vm5, v8, v12;
	vm11 =	vgt.f32 v36, v4  }
0x45: {  	v8 =	vsel vm5, v12, v8;
	vm6 =	vgt.f32 v17, v21;
	v38 =	vsel vm11, v4, v36  }
0x46: {  	v4 =	vsel vm11, v36, v4;
	v39 =	vsel vm11, v14, v28;
	v6 =	vsel vm11, v28, v14  }
0x47: {  	v54 =	vld [tilespmem:s18+$0x880];
	v31 =	vsel vm6, v21, v17;
	v7 =	vsel vm6, v17, v21;
	v32 =	vsel vm6, v8, v22  }
0x48: {  	v8 =	vsel vm6, v22, v8;
	vm12 =	vgt.f32 v38, v29;
	vm6 =	vgt.f32 v19, v5  }
0x49: {  	v22 =	vimm.s32 $0x0;
	vm7 =	vgt.f32 v31, v3;
	v40 =	vsel vm12, v29, v38  }
0x4a: {  	v9 =	vsel vm12, v38, v29;
	v42 =	vsel vm12, v6, v30;
	v6 =	vsel vm12, v30, v6  }
0x4b: {  	v49 =	vsel vm6, v5, v19;
	v5 =	vsel vm6, v19, v5;
	v51 =	vsel vm6, v13, v18  }
0x4c: {  	v13 =	vsel vm6, v18, v13;
	vm12 =	vgt.f32 v54, v1;
	v33 =	vsel vm7, v31, v3  }
0x4d: {  	v3 =	vsel vm7, v3, v31;
	v34 =	vsel vm7, v8, v2;
	v2 =	vsel vm7, v2, v8  }
0x4e: {  	vm13 =	vgt.f32 v40, v7;
	vm7 =	vgt.f32 v49, v4;
	v61 =	vsel vm12, v1, v54  }
0x4f: {  	v1 =	vsel vm12, v54, v1;
	v63 =	vsel vm12, $0x9, v50;
	v23 =	vnsel vm12, $0x9, v50  }
0x50: {  	v28 =	vld [tilespmem:s18+$0x900];
	vm9 =	vgt.f32 v3, $-2.000000000e+00;
	v43 =	vsel vm13, v7, v40;
	v7 =	vsel vm13, v40, v7  }
0x51: {  	v44 =	vsel vm13, v6, v32;
	v6 =	vsel vm13, v32, v6;
	v20 =	vsel vm7, v4, v49  }
0x52: {  	v4 =	vsel vm7, v49, v4;
	v52 =	vsel vm7, v13, v39;
	v8 =	vsel vm7, v39, v13  }
0x53: {  	vm3 =	vgt.f32 v61, v5;
	v3 =	vnsel vm9, $0xC0000000, v3;
	v2 =	vnsel vm9, $0x0, v2  }
0x54: {  	vm14 =	vgt.f32 v43, v33;
	vm8 =	vgt.f32 v20, v9;
	v62 =	vsel vm3, v5, v61  }
0x55: {  	v5 =	vsel vm3, v61, v5;
	v25 =	vsel vm3, v23, v51;
	vm7 =	vgt.f32 v28, v1  }
0x56: {  	v45 =	vsel vm14, v43, v33;
	v10 =	vsel vm14, v33, v43;
	v46 =	vsel vm14, v6, v34  }
0x57: {  	v6 =	vsel vm14, v34, v6;
	v53 =	vsel vm8, v9, v20;
	v9 =	vsel vm8, v20, v9  }
0x58: {  	v55 =	vsel vm8, v8, v42;
	v8 =	vsel vm8, v42, v8;
	vm14 =	vgt.f32 v62, v4  }
0x59: {  	v36 =	vsel vm7, v1, v28;
	v1 =	vsel vm7, v28, v1;
	v38 =	vsel vm7, $0xA, v63  }
0x5a: {  	vm15 =	vgt.f32 v10, v3;
	vm9 =	vgt.f32 v53, v7;
	v24 =	vsel vm14, v4, v62  }
0x5b: {  	v4 =	vsel vm14, v62, v4;
	v47 =	vsel vm15, v10, v3;
	v3 =	vsel vm15, v3, v10  }
0x5c: {  	v48 =	vsel vm15, v6, v2;
	v2 =	vsel vm15, v2, v6;
	v56 =	vsel vm9, v53, v7  }
0x5d: {  	v7 =	vsel vm9, v7, v53;
	v57 =	vsel vm9, v8, v44;
	v8 =	vsel vm9, v44, v8  }
0x5e: {  	vm15 =	vgt.f32 v24, v9;
	v10 =	vsel vm3, v51, v23;
	vm9 =	vgt.f32 v36, v5  }
0x5f: {  	vm5 =	vgt.f32 v3, $-2.000000000e+00;
	vm10 =	vgt.f32 v7, v45;
	v26 =	vsel vm15, v9, v24  }
0x60: {  	v27 =	vsel vm14, v10, v52;
	v6 =	vsel vm14, v52, v10;
	v9 =	vsel vm15, v24, v9  }
0x61: {  	v37 =	vsel vm9, v5, v36;
	v5 =	vsel vm9, v36, v5;
	v3 =	vnsel vm5, $0xC0000000, v3  }
0x62: {  	v43 =	vld [tilespmem:s18+$0x980];
	v2 =	vnsel vm5, $0x0, v2;
	v58 =	vsel vm10, v7, v45;
	v7 =	vsel vm10, v45, v7  }
0x63: {  	v59 =	vsel vm10, v8, v46;
	v8 =	vsel vm10, v46, v8;
	vm4 =	vgt.f32 v26, v56  }
0x64: {  	v29 =	vsel vm15, v6, v55;
	v6 =	vsel vm15, v55, v6;
	vm10 =	vgt.f32 v37, v4  }
0x65: {  	vm11 =	vgt.f32 v7, v47;
	v30 =	vsel vm4, v56, v26;
	v31 =	vsel vm4, v6, v57  }
0x66: {  	v6 =	vsel vm4, v57, v6;
	v39 =	vsel vm10, v4, v37;
	v4 =	vsel vm10, v37, v4  }
0x67: {  	vm15 =	vgt.f32 v43, v1;
	v60 =	vsel vm11, v7, v47;
	v7 =	vsel vm11, v47, v7  }
0x68: {  	v21 =	vsel vm11, v8, v48;
	v8 =	vsel vm11, v48, v8;
	vm5 =	vgt.f32 v30, v58  }
0x69: {  	vm11 =	vgt.f32 v39, v9;
	v50 =	vsel vm15, v1, v43;
	v1 =	vsel vm15, v43, v1  }
0x6a: {  	v52 =	vsel vm15, $0xB, v38;
	v10 =	vnsel vm15, $0xB, v38;
	vm13 =	vgt.f32 v7, v3  }
0x6b: {  	v32 =	vsel vm5, v58, v30;
	v16 =	vsel vm5, v30, v58;
	v33 =	vsel vm5, v6, v59  }
0x6c: {  	v6 =	vsel vm5, v59, v6;
	v42 =	vsel vm11, v9, v39;
	v9 =	vsel vm11, v39, v9  }
0x6d: {  	vm5 =	vgt.f32 v50, v5;
	v3 =	vsel vm13, v7, v3;
	v2 =	vsel vm13, v8, v2  }
0x6e: {  	v7 =	vsel vm4, v26, v56;
	vm6 =	vgt.f32 v32, v60;
	v8 =	vnsel vm7, $0xA, v63  }
0x6f: {  	v51 =	vsel vm5, v5, v50;
	v5 =	vsel vm5, v50, v5;
	v34 =	vsel vm6, v32, v60  }
0x70: {  	v11 =	vsel vm6, v60, v32;
	v35 =	vsel vm6, v6, v21;
	v6 =	vsel vm6, v21, v6  }
0x71: {  	v40 =	vsel vm9, v8, v25;
	v8 =	vsel vm9, v25, v8;
	vm12 =	vgt.f32 v42, v7  }
0x72: {  	vm6 =	vgt.f32 v51, v4;
	vm8 =	vgt.f32 v11, v3;
	v41 =	vsel vm10, v8, v27  }
0x73: {  	v57 =	vld [tilespmem:s18+$0xA00];
	v8 =	vsel vm10, v27, v8;
	v44 =	vsel vm12, v7, v42;
	v7 =	vsel vm12, v42, v7  }
0x74: {  	v53 =	vsel vm5, v10, v40;
	v54 =	vsel vm6, v4, v51;
	v10 =	vsel vm5, v40, v10  }
0x75: {  	v4 =	vsel vm6, v51, v4;
	v3 =	vsel vm8, v11, v3;
	v2 =	vsel vm8, v6, v2  }
0x76: {  	v18 =	vsel vm11, v8, v29;
	v8 =	vsel vm11, v29, v8;
	vm13 =	vgt.f32 v44, v16  }
0x77: {  	vm7 =	vgt.f32 v54, v9;
	v55 =	vsel vm6, v10, v41;
	v6 =	vsel vm6, v41, v10  }
0x78: {  	vm11 =	vgt.f32 v57, v1;
	v45 =	vsel vm12, v8, v31;
	v8 =	vsel vm12, v31, v8  }
0x79: {  	v46 =	vsel vm13, v44, v16;
	v14 =	vsel vm13, v16, v44;
	v56 =	vsel vm7, v9, v54  }
0x7a: {  	v9 =	vsel vm7, v54, v9;
	v58 =	vsel vm7, v6, v18;
	v6 =	vsel vm7, v18, v6  }
0x7b: {  	v24 =	vsel vm11, v1, v57;
	v1 =	vsel vm11, v57, v1;
	v27 =	vsel vm11, $0xC, v52  }
0x7c: {  	v11 =	vnsel vm11, $0xC, v52;
	v47 =	vsel vm13, v8, v33;
	v8 =	vsel vm13, v33, v8  }
0x7d: {  	vm14 =	vgt.f32 v14, v34;
	vm8 =	vgt.f32 v56, v7;
	vm13 =	vgt.f32 v24, v5  }
0x7e: {  	v48 =	vsel vm14, v14, v34;
	v14 =	vsel vm14, v34, v14;
	v49 =	vsel vm14, v8, v35  }
0x7f: {  	v8 =	vsel vm14, v35, v8;
	v59 =	vsel vm8, v56, v7;
	v7 =	vsel vm8, v7, v56  }
0x80: {  	v60 =	vsel vm8, v6, v45;
	v6 =	vsel vm8, v45, v6;
	v26 =	vsel vm13, v5, v24  }
0x81: {  	v5 =	vsel vm13, v24, v5;
	v29 =	vsel vm13, v11, v53;
	v11 =	vsel vm13, v53, v11  }
0x82: {  	v31 =	vld [tilespmem:s18+$0xA80];
	vm4 =	vgt.f32 v14, v3;
	vm9 =	vgt.f32 v7, v46;
	vm14 =	vgt.f32 v26, v4  }
0x83: {  	v3 =	vsel vm4, v14, v3;
	v2 =	vsel vm4, v8, v2;
	v61 =	vsel vm9, v7, v46  }
0x84: {  	v7 =	vsel vm9, v46, v7;
	v62 =	vsel vm9, v6, v47;
	v6 =	vsel vm9, v47, v6  }
0x85: {  	v28 =	vsel vm14, v4, v26;
	v4 =	vsel vm14, v26, v4;
	v13 =	vsel vm14, v11, v55  }
0x86: {  	v8 =	vsel vm14, v55, v11;
	vm10 =	vgt.f32 v7, v48;
	vm15 =	vgt.f32 v28, v9  }
0x87: {  	v45 =	vld [tilespmem:s18+$0xB00];
	vm7 =	vgt.f32 v31, v1;
	v63 =	vsel vm10, v7, v48;
	v7 =	vsel vm10, v48, v7  }
0x88: {  	v25 =	vsel vm10, v6, v49;
	v6 =	vsel vm10, v49, v6;
	v30 =	vsel vm15, v9, v28  }
0x89: {  	v9 =	vsel vm15, v28, v9;
	v32 =	vsel vm15, v8, v58;
	v8 =	vsel vm15, v58, v8  }
0x8a: {  	v38 =	vsel vm7, v1, v31;
	v1 =	vsel vm7, v31, v1;
	v40 =	vsel vm7, $0xD, v27  }
0x8b: {  	vm12 =	vgt.f32 v7, v3;
	vm4 =	vgt.f32 v30, v59;
	vm9 =	vgt.f32 v38, v5  }
0x8c: {  	vm15 =	vgt.f32 v45, v1;
	v3 =	vsel vm12, v7, v3;
	v2 =	vsel vm12, v6, v2  }
0x8d: {  	v33 =	vsel vm4, v59, v30;
	v7 =	vsel vm4, v30, v59;
	v14 =	vsel vm4, v8, v60  }
0x8e: {  	v8 =	vsel vm4, v60, v8;
	v39 =	vsel vm9, v5, v38;
	v6 =	vnsel vm7, $0xD, v27  }
0x8f: {  	v5 =	vsel vm9, v38, v5;
	v52 =	vsel vm15, v1, v45;
	v1 =	vsel vm15, v45, v1  }
0x90: {  	v54 =	vsel vm15, $0xE, v40;
	vm5 =	vgt.f32 v33, v61;
	vm10 =	vgt.f32 v39, v4  }
0x91: {  	v42 =	vsel vm9, v6, v29;
	v6 =	vsel vm9, v29, v6;
	v34 =	vsel vm5, v61, v33  }
0x92: {  	v12 =	vsel vm5, v33, v61;
	v35 =	vsel vm5, v8, v62;
	v8 =	vsel vm5, v62, v8  }
0x93: {  	v41 =	vsel vm10, v4, v39;
	v4 =	vsel vm10, v39, v4;
	v43 =	vsel vm10, v6, v13  }
0x94: {  	v6 =	vsel vm10, v13, v6;
	vm5 =	vgt.f32 v52, v5;
	vm6 =	vgt.f32 v34, v63  }
0x95: {  	v59 =	vld [tilespmem:s18+$0xB80];
	vm11 =	vgt.f32 v41, v9;
	v53 =	vsel vm5, v5, v52;
	v5 =	vsel vm5, v52, v5  }
0x96: {  	v36 =	vsel vm6, v34, v63;
	v10 =	vsel vm6, v63, v34;
	v37 =	vsel vm6, v8, v25  }
0x97: {  	v8 =	vsel vm6, v25, v8;
	v44 =	vsel vm11, v9, v41;
	v9 =	vsel vm11, v41, v9  }
0x98: {  	v13 =	vsel vm11, v6, v32;
	v6 =	vsel vm11, v32, v6;
	vm6 =	vgt.f32 v53, v4  }
0x99: {  	vm8 =	vgt.f32 v10, v3;
	vm12 =	vgt.f32 v44, v7;
	v56 =	vsel vm6, v4, v53  }
0x9a: {  	v4 =	vsel vm6, v53, v4;
	vm11 =	vgt.f32 v59, v1;
	v3 =	vsel vm8, v10, v3  }
0x9b: {  	v2 =	vsel vm8, v8, v2;
	v46 =	vsel vm12, v7, v44;
	v7 =	vsel vm12, v44, v7  }
0x9c: {  	v47 =	vsel vm12, v6, v14;
	v6 =	vsel vm12, v14, v6;
	v10 =	vnsel vm15, $0xE, v40  }
0x9d: {  	vm7 =	vgt.f32 v56, v9;
	v26 =	vsel vm11, v1, v59;
	v1 =	vsel vm11, v59, v1  }
0x9e: {  	v29 =	vsel vm11, $0xF, v54;
	v11 =	vnsel vm11, $0xF, v54;
	vm13 =	vgt.f32 v46, v12  }
0x9f: {  	v55 =	vsel vm5, v10, v42;
	v10 =	vsel vm5, v42, v10;
	v58 =	vsel vm7, v9, v56  }
0xa0: {  	v9 =	vsel vm7, v56, v9;
	v48 =	vsel vm13, v46, v12;
	v12 =	vsel vm13, v12, v46  }
0xa1: {  	v33 =	vld [tilespmem:s18+$0x1000];
	v49 =	vsel vm13, v6, v35;
	v6 =	vsel vm13, v35, v6;
	v57 =	vsel vm6, v10, v43  }
0xa2: {  	v8 =	vsel vm6, v43, v10;
	vm8 =	vgt.f32 v58, v7;
	vm13 =	vgt.f32 v26, v5  }
0xa3: {  	vm14 =	vgt.f32 v12, v36;
	v60 =	vsel vm7, v8, v13;
	v8 =	vsel vm7, v13, v8  }
0xa4: {  	v61 =	vsel vm8, v58, v7;
	v7 =	vsel vm8, v7, v58;
	v28 =	vsel vm13, v5, v26  }
0xa5: {  	v5 =	vsel vm13, v26, v5;
	v31 =	vsel vm13, v11, v55;
	v11 =	vsel vm13, v55, v11  }
0xa6: {  	vm7 =	vgt.f32 v33, v1;
	v50 =	vsel vm14, v12, v36;
	v12 =	vsel vm14, v36, v12  }
0xa7: {  	v51 =	vsel vm14, v6, v37;
	v6 =	vsel vm14, v37, v6;
	v62 =	vsel vm8, v8, v47  }
0xa8: {  	v8 =	vsel vm8, v47, v8;
	vm9 =	vgt.f32 v7, v48;
	vm14 =	vgt.f32 v28, v4  }
0xa9: {  	v42 =	vsel vm7, v1, v33;
	v1 =	vsel vm7, v33, v1;
	v44 =	vsel vm7, $0x10, v29  }
0xaa: {  	vm4 =	vgt.f32 v12, v3;
	v63 =	vsel vm9, v7, v48;
	v7 =	vsel vm9, v48, v7  }
0xab: {  	v24 =	vsel vm9, v8, v49;
	v8 =	vsel vm9, v49, v8;
	v30 =	vsel vm14, v4, v28  }
0xac: {  	v4 =	vsel vm14, v28, v4;
	vm9 =	vgt.f32 v42, v5;
	v3 =	vsel vm4, v12, v3  }
0xad: {  	v2 =	vsel vm4, v6, v2;
	vm10 =	vgt.f32 v7, v50;
	vm15 =	vgt.f32 v30, v9  }
0xae: {  	v12 =	vsel vm14, v11, v57;
	v6 =	vsel vm14, v57, v11;
	v43 =	vsel vm9, v5, v42  }
0xaf: {  	v5 =	vsel vm9, v42, v5;
	v25 =	vsel vm10, v7, v50;
	v7 =	vsel vm10, v50, v7  }
0xb0: {  	v27 =	vsel vm10, v8, v51;
	v8 =	vsel vm10, v51, v8;
	v32 =	vsel vm15, v9, v30  }
0xb1: {  	v9 =	vsel vm15, v30, v9;
	v34 =	vsel vm15, v6, v60;
	v6 =	vsel vm15, v60, v6  }
0xb2: {  	vm10 =	vgt.f32 v43, v4;
	vm12 =	vgt.f32 v7, v3;
	vm4 =	vgt.f32 v32, v61  }
0xb3: {  	v49 =	vld [tilespmem:s18+$0x1080];
	v45 =	vsel vm10, v4, v43;
	v4 =	vsel vm10, v43, v4;
	v3 =	vsel vm12, v7, v3  }
0xb4: {  	v2 =	vsel vm12, v8, v2;
	v35 =	vsel vm4, v61, v32;
	v7 =	vsel vm4, v32, v61  }
0xb5: {  	v36 =	vsel vm4, v6, v62;
	v6 =	vsel vm4, v62, v6;
	v8 =	vnsel vm7, $0x10, v29  }
0xb6: {  	vm11 =	vgt.f32 v45, v9;
	vm5 =	vgt.f32 v35, v63;
	v46 =	vsel vm9, v8, v31  }
0xb7: {  	v8 =	vsel vm9, v31, v8;
	v48 =	vsel vm11, v9, v45;
	v9 =	vsel vm11, v45, v9  }
0xb8: {  	vm15 =	vgt.f32 v49, v1;
	v37 =	vsel vm5, v63, v35;
	v38 =	vsel vm5, v35, v63  }
0xb9: {  	v39 =	vsel vm5, v6, v24;
	v6 =	vsel vm5, v24, v6;
	v47 =	vsel vm10, v8, v12  }
0xba: {  	v8 =	vsel vm10, v12, v8;
	vm12 =	vgt.f32 v48, v7;
	v56 =	vsel vm15, v1, v49  }
0xbb: {  	v1 =	vsel vm15, v49, v1;
	v58 =	vsel vm15, $0x11, v44;
	vm6 =	vgt.f32 v37, v25  }
0xbc: {  	v12 =	vsel vm11, v8, v34;
	v8 =	vsel vm11, v34, v8;
	v50 =	vsel vm12, v7, v48  }
0xbd: {  	v7 =	vsel vm12, v48, v7;
	vm5 =	vgt.f32 v56, v5;
	v40 =	vsel vm6, v37, v25  }
0xbe: {  	v10 =	vsel vm6, v25, v37;
	v41 =	vsel vm6, v6, v27;
	v6 =	vsel vm6, v27, v6  }
0xbf: {  	v51 =	vsel vm12, v8, v36;
	vm13 =	vgt.f32 v50, v38;
	v8 =	vsel vm12, v36, v8  }
0xc0: {  	v57 =	vsel vm5, v5, v56;
	v5 =	vsel vm5, v56, v5;
	vm8 =	vgt.f32 v10, v3  }
0xc1: {  	v52 =	vsel vm13, v50, v38;
	v16 =	vsel vm13, v38, v50;
	v53 =	vsel vm13, v8, v39  }
0xc2: {  	v63 =	vld [tilespmem:s18+$0x1100];
	v8 =	vsel vm13, v39, v8;
	vm6 =	vgt.f32 v57, v4;
	v3 =	vsel vm8, v10, v3  }
0xc3: {  	v2 =	vsel vm8, v6, v2;
	vm14 =	vgt.f32 v16, v40;
	v10 =	vnsel vm15, $0x11, v44  }
0xc4: {  	v60 =	vsel vm6, v4, v57;
	v4 =	vsel vm6, v57, v4;
	v54 =	vsel vm14, v16, v40  }
0xc5: {  	v14 =	vsel vm14, v40, v16;
	v55 =	vsel vm14, v8, v41;
	v8 =	vsel vm14, v41, v8  }
0xc6: {  	v59 =	vsel vm5, v10, v46;
	v10 =	vsel vm5, v46, v10;
	vm7 =	vgt.f32 v60, v9  }
0xc7: {  	v37 =	vld [tilespmem:s18+$0x1180];
	vm11 =	vgt.f32 v63, v1;
	vm4 =	vgt.f32 v14, v3;
	v61 =	vsel vm6, v10, v47  }
0xc8: {  	v6 =	vsel vm6, v47, v10;
	v62 =	vsel vm7, v9, v60;
	v9 =	vsel vm7, v60, v9  }
0xc9: {  	v30 =	vsel vm11, v1, v63;
	v1 =	vsel vm11, v63, v1;
	v33 =	vsel vm11, $0x12, v58  }
0xca: {  	v11 =	vnsel vm11, $0x12, v58;
	v3 =	vsel vm4, v14, v3;
	v2 =	vsel vm4, v8, v2  }
0xcb: {  	v24 =	vsel vm7, v6, v12;
	vm8 =	vgt.f32 v62, v7;
	v6 =	vsel vm7, v12, v6  }
0xcc: {  	vm13 =	vgt.f32 v30, v5;
	vm7 =	vgt.f32 v37, v1;
	v25 =	vsel vm8, v62, v7  }
0xcd: {  	v7 =	vsel vm8, v7, v62;
	v26 =	vsel vm8, v6, v51;
	v6 =	vsel vm8, v51, v6  }
0xce: {  	v32 =	vsel vm13, v5, v30;
	v5 =	vsel vm13, v30, v5;
	v35 =	vsel vm13, v11, v59  }
0xcf: {  	v11 =	vsel vm13, v59, v11;
	v46 =	vsel vm7, v1, v37;
	v1 =	vsel vm7, v37, v1  }
0xd0: {  	v48 =	vsel vm7, $0x13, v33;
	vm9 =	vgt.f32 v7, v52;
	vm14 =	vgt.f32 v32, v4  }
0xd1: {  	v27 =	vsel vm9, v7, v52;
	v7 =	vsel vm9, v52, v7;
	v28 =	vsel vm9, v6, v53  }
0xd2: {  	v6 =	vsel vm9, v53, v6;
	v34 =	vsel vm14, v4, v32;
	v4 =	vsel vm14, v32, v4  }
0xd3: {  	v14 =	vsel vm14, v11, v61;
	v8 =	vsel vm14, v61, v11;
	vm9 =	vgt.f32 v46, v5  }
0xd4: {  	vm10 =	vgt.f32 v7, v54;
	vm15 =	vgt.f32 v34, v9;
	v47 =	vsel vm9, v5, v46  }
0xd5: {  	v5 =	vsel vm9, v46, v5;
	v29 =	vsel vm10, v7, v54;
	v7 =	vsel vm10, v54, v7  }
0xd6: {  	v31 =	vsel vm10, v6, v55;
	v6 =	vsel vm10, v55, v6;
	v36 =	vsel vm15, v9, v34  }
0xd7: {  	v9 =	vsel vm15, v34, v9;
	v38 =	vsel vm15, v8, v24;
	v8 =	vsel vm15, v24, v8  }
0xd8: {  	vm10 =	vgt.f32 v47, v4;
	vm12 =	vgt.f32 v7, v3;
	vm4 =	vgt.f32 v36, v25  }
0xd9: {  	v53 =	vld [tilespmem:s18+$0x1200];
	v49 =	vsel vm10, v4, v47;
	v4 =	vsel vm10, v47, v4;
	v3 =	vsel vm12, v7, v3  }
0xda: {  	v2 =	vsel vm12, v6, v2;
	v39 =	vsel vm4, v25, v36;
	v7 =	vsel vm4, v36, v25  }
0xdb: {  	v40 =	vsel vm4, v8, v26;
	v8 =	vsel vm4, v26, v8;
	v6 =	vnsel vm7, $0x13, v33  }
0xdc: {  	vm11 =	vgt.f32 v49, v9;
	vm5 =	vgt.f32 v39, v27;
	v50 =	vsel vm9, v6, v35  }
0xdd: {  	v6 =	vsel vm9, v35, v6;
	v52 =	vsel vm11, v9, v49;
	v9 =	vsel vm11, v49, v9  }
0xde: {  	vm15 =	vgt.f32 v53, v1;
	v41 =	vsel vm5, v27, v39;
	v42 =	vsel vm5, v39, v27  }
0xdf: {  	v43 =	vsel vm5, v8, v28;
	v8 =	vsel vm5, v28, v8;
	v51 =	vsel vm10, v6, v14  }
0xe0: {  	v6 =	vsel vm10, v14, v6;
	vm12 =	vgt.f32 v52, v7;
	v60 =	vsel vm15, v1, v53  }
0xe1: {  	v1 =	vsel vm15, v53, v1;
	v62 =	vsel vm15, $0x14, v48;
	vm6 =	vgt.f32 v41, v29  }
0xe2: {  	v14 =	vsel vm11, v6, v38;
	v6 =	vsel vm11, v38, v6;
	v54 =	vsel vm12, v7, v52  }
0xe3: {  	v7 =	vsel vm12, v52, v7;
	vm5 =	vgt.f32 v60, v5;
	v44 =	vsel vm6, v41, v29  }
0xe4: {  	v10 =	vsel vm6, v29, v41;
	v45 =	vsel vm6, v8, v31;
	v8 =	vsel vm6, v31, v8  }
0xe5: {  	v55 =	vsel vm12, v6, v40;
	vm13 =	vgt.f32 v54, v42;
	v6 =	vsel vm12, v40, v6  }
0xe6: {  	v61 =	vsel vm5, v5, v60;
	v5 =	vsel vm5, v60, v5;
	vm8 =	vgt.f32 v10, v3  }
0xe7: {  	v56 =	vsel vm13, v54, v42;
	v15 =	vsel vm13, v42, v54;
	v57 =	vsel vm13, v6, v43  }
0xe8: {  	v27 =	vld [tilespmem:s18+$0x1280];
	v6 =	vsel vm13, v43, v6;
	vm6 =	vgt.f32 v61, v4;
	v3 =	vsel vm8, v10, v3  }
0xe9: {  	v2 =	vsel vm8, v8, v2;
	vm14 =	vgt.f32 v15, v44;
	v10 =	vnsel vm15, $0x14, v48  }
0xea: {  	v24 =	vsel vm6, v4, v61;
	v4 =	vsel vm6, v61, v4;
	v58 =	vsel vm14, v15, v44  }
0xeb: {  	v13 =	vsel vm14, v44, v15;
	v59 =	vsel vm14, v6, v45;
	v6 =	vsel vm14, v45, v6  }
0xec: {  	v63 =	vsel vm5, v10, v50;
	v10 =	vsel vm5, v50, v10;
	vm7 =	vgt.f32 v24, v9  }
0xed: {  	v41 =	vld [tilespmem:s18+$0x1300];
	vm11 =	vgt.f32 v27, v1;
	vm4 =	vgt.f32 v13, v3;
	v25 =	vsel vm6, v10, v51  }
0xee: {  	v8 =	vsel vm6, v51, v10;
	v26 =	vsel vm7, v9, v24;
	v9 =	vsel vm7, v24, v9  }
0xef: {  	v34 =	vsel vm11, v1, v27;
	v1 =	vsel vm11, v27, v1;
	v37 =	vsel vm11, $0x15, v62  }
0xf0: {  	v11 =	vnsel vm11, $0x15, v62;
	v3 =	vsel vm4, v13, v3;
	v2 =	vsel vm4, v6, v2  }
0xf1: {  	v28 =	vsel vm7, v8, v14;
	vm8 =	vgt.f32 v26, v7;
	v8 =	vsel vm7, v14, v8  }
0xf2: {  	vm13 =	vgt.f32 v34, v5;
	vm7 =	vgt.f32 v41, v1;
	v29 =	vsel vm8, v26, v7  }
0xf3: {  	v7 =	vsel vm8, v7, v26;
	v30 =	vsel vm8, v8, v55;
	v8 =	vsel vm8, v55, v8  }
0xf4: {  	v36 =	vsel vm13, v5, v34;
	v5 =	vsel vm13, v34, v5;
	v39 =	vsel vm13, v11, v63  }
0xf5: {  	v11 =	vsel vm13, v63, v11;
	v50 =	vsel vm7, v1, v41;
	v1 =	vsel vm7, v41, v1  }
0xf6: {  	v52 =	vsel vm7, $0x16, v37;
	vm9 =	vgt.f32 v7, v56;
	vm14 =	vgt.f32 v36, v4  }
0xf7: {  	v31 =	vsel vm9, v7, v56;
	v7 =	vsel vm9, v56, v7;
	v32 =	vsel vm9, v8, v57  }
0xf8: {  	v8 =	vsel vm9, v57, v8;
	v38 =	vsel vm14, v4, v36;
	v4 =	vsel vm14, v36, v4  }
0xf9: {  	v13 =	vsel vm14, v11, v25;
	v6 =	vsel vm14, v25, v11;
	vm9 =	vgt.f32 v50, v5  }
0xfa: {  	vm10 =	vgt.f32 v7, v58;
	vm15 =	vgt.f32 v38, v9;
	v51 =	vsel vm9, v5, v50  }
0xfb: {  	v5 =	vsel vm9, v50, v5;
	v33 =	vsel vm10, v7, v58;
	v7 =	vsel vm10, v58, v7  }
0xfc: {  	v35 =	vsel vm10, v8, v59;
	v8 =	vsel vm10, v59, v8;
	v40 =	vsel vm15, v9, v38  }
0xfd: {  	v9 =	vsel vm15, v38, v9;
	v42 =	vsel vm15, v6, v28;
	v6 =	vsel vm15, v28, v6  }
0xfe: {  	vm10 =	vgt.f32 v51, v4;
	vm12 =	vgt.f32 v7, v3;
	vm4 =	vgt.f32 v40, v29  }
0xff: {  	v57 =	vld [tilespmem:s18+$0x1380];
	v53 =	vsel vm10, v4, v51;
	v4 =	vsel vm10, v51, v4;
	v3 =	vsel vm12, v7, v3  }
0x100: {  	v2 =	vsel vm12, v8, v2;
	v43 =	vsel vm4, v29, v40;
	v7 =	vsel vm4, v40, v29  }
0x101: {  	v44 =	vsel vm4, v6, v30;
	v6 =	vsel vm4, v30, v6;
	v8 =	vnsel vm7, $0x16, v37  }
0x102: {  	vm11 =	vgt.f32 v53, v9;
	vm5 =	vgt.f32 v43, v31;
	v54 =	vsel vm9, v8, v39  }
0x103: {  	v8 =	vsel vm9, v39, v8;
	v56 =	vsel vm11, v9, v53;
	v9 =	vsel vm11, v53, v9  }
0x104: {  	vm15 =	vgt.f32 v57, v1;
	v45 =	vsel vm5, v31, v43;
	v46 =	vsel vm5, v43, v31  }
0x105: {  	v47 =	vsel vm5, v6, v32;
	v6 =	vsel vm5, v32, v6;
	v55 =	vsel vm10, v8, v13  }
0x106: {  	v8 =	vsel vm10, v13, v8;
	vm12 =	vgt.f32 v56, v7;
	v24 =	vsel vm15, v1, v57  }
0x107: {  	v1 =	vsel vm15, v57, v1;
	v26 =	vsel vm15, $0x17, v52;
	vm6 =	vgt.f32 v45, v33  }
0x108: {  	v13 =	vsel vm11, v8, v42;
	v8 =	vsel vm11, v42, v8;
	v58 =	vsel vm12, v7, v56  }
0x109: {  	v7 =	vsel vm12, v56, v7;
	vm5 =	vgt.f32 v24, v5;
	v48 =	vsel vm6, v45, v33  }
0x10a: {  	v10 =	vsel vm6, v33, v45;
	v49 =	vsel vm6, v6, v35;
	v6 =	vsel vm6, v35, v6  }
0x10b: {  	v59 =	vsel vm12, v8, v44;
	vm13 =	vgt.f32 v58, v46;
	v8 =	vsel vm12, v44, v8  }
0x10c: {  	v25 =	vsel vm5, v5, v24;
	v5 =	vsel vm5, v24, v5;
	vm8 =	vgt.f32 v10, v3  }
0x10d: {  	v60 =	vsel vm13, v58, v46;
	v15 =	vsel vm13, v46, v58;
	v61 =	vsel vm13, v8, v47  }
0x10e: {  	v31 =	vld [tilespmem:s18+$0x1800];
	v8 =	vsel vm13, v47, v8;
	vm6 =	vgt.f32 v25, v4;
	v3 =	vsel vm8, v10, v3  }
0x10f: {  	v2 =	vsel vm8, v6, v2;
	vm14 =	vgt.f32 v15, v48;
	v10 =	vnsel vm15, $0x17, v52  }
0x110: {  	v28 =	vsel vm6, v4, v25;
	v4 =	vsel vm6, v25, v4;
	v62 =	vsel vm14, v15, v48  }
0x111: {  	v12 =	vsel vm14, v48, v15;
	v63 =	vsel vm14, v8, v49;
	v8 =	vsel vm14, v49, v8  }
0x112: {  	v27 =	vsel vm5, v10, v54;
	v10 =	vsel vm5, v54, v10;
	vm7 =	vgt.f32 v28, v9  }
0x113: {  	v45 =	vld [tilespmem:s18+$0x1880];
	vm11 =	vgt.f32 v31, v1;
	vm4 =	vgt.f32 v12, v3;
	v29 =	vsel vm6, v10, v55  }
0x114: {  	v6 =	vsel vm6, v55, v10;
	v30 =	vsel vm7, v9, v28;
	v9 =	vsel vm7, v28, v9  }
0x115: {  	v38 =	vsel vm11, v1, v31;
	v1 =	vsel vm11, v31, v1;
	v41 =	vsel vm11, $0x18, v26  }
0x116: {  	v11 =	vnsel vm11, $0x18, v26;
	v3 =	vsel vm4, v12, v3;
	v2 =	vsel vm4, v8, v2  }
0x117: {  	v32 =	vsel vm7, v6, v13;
	vm8 =	vgt.f32 v30, v7;
	v6 =	vsel vm7, v13, v6  }
0x118: {  	vm13 =	vgt.f32 v38, v5;
	vm7 =	vgt.f32 v45, v1;
	v33 =	vsel vm8, v30, v7  }
0x119: {  	v7 =	vsel vm8, v7, v30;
	v34 =	vsel vm8, v6, v59;
	v6 =	vsel vm8, v59, v6  }
0x11a: {  	v40 =	vsel vm13, v5, v38;
	v5 =	vsel vm13, v38, v5;
	v43 =	vsel vm13, v11, v27  }
0x11b: {  	v11 =	vsel vm13, v27, v11;
	v54 =	vsel vm7, v1, v45;
	v1 =	vsel vm7, v45, v1  }
0x11c: {  	v56 =	vsel vm7, $0x19, v41;
	vm9 =	vgt.f32 v7, v60;
	vm14 =	vgt.f32 v40, v4  }
0x11d: {  	v35 =	vsel vm9, v7, v60;
	v7 =	vsel vm9, v60, v7;
	v36 =	vsel vm9, v6, v61  }
0x11e: {  	v6 =	vsel vm9, v61, v6;
	v42 =	vsel vm14, v4, v40;
	v4 =	vsel vm14, v40, v4  }
0x11f: {  	v12 =	vsel vm14, v11, v29;
	v8 =	vsel vm14, v29, v11;
	vm9 =	vgt.f32 v54, v5  }
0x120: {  	vm10 =	vgt.f32 v7, v62;
	vm15 =	vgt.f32 v42, v9;
	v55 =	vsel vm9, v5, v54  }
0x121: {  	v5 =	vsel vm9, v54, v5;
	v37 =	vsel vm10, v7, v62;
	v7 =	vsel vm10, v62, v7  }
0x122: {  	v39 =	vsel vm10, v6, v63;
	v6 =	vsel vm10, v63, v6;
	v44 =	vsel vm15, v9, v42  }
0x123: {  	v9 =	vsel vm15, v42, v9;
	v46 =	vsel vm15, v8, v32;
	v8 =	vsel vm15, v32, v8  }
0x124: {  	vm10 =	vgt.f32 v55, v4;
	vm12 =	vgt.f32 v7, v3;
	vm4 =	vgt.f32 v44, v33  }
0x125: {  	v61 =	vld [tilespmem:s18+$0x1900];
	v57 =	vsel vm10, v4, v55;
	v4 =	vsel vm10, v55, v4;
	v3 =	vsel vm12, v7, v3  }
0x126: {  	v2 =	vsel vm12, v6, v2;
	v47 =	vsel vm4, v33, v44;
	v7 =	vsel vm4, v44, v33  }
0x127: {  	v48 =	vsel vm4, v8, v34;
	v8 =	vsel vm4, v34, v8;
	v6 =	vnsel vm7, $0x19, v41  }
0x128: {  	vm11 =	vgt.f32 v57, v9;
	vm5 =	vgt.f32 v47, v35;
	v58 =	vsel vm9, v6, v43  }
0x129: {  	v6 =	vsel vm9, v43, v6;
	v60 =	vsel vm11, v9, v57;
	v9 =	vsel vm11, v57, v9  }
0x12a: {  	vm15 =	vgt.f32 v61, v1;
	v49 =	vsel vm5, v35, v47;
	v50 =	vsel vm5, v47, v35  }
0x12b: {  	v51 =	vsel vm5, v8, v36;
	v8 =	vsel vm5, v36, v8;
	v59 =	vsel vm10, v6, v12  }
0x12c: {  	v6 =	vsel vm10, v12, v6;
	vm12 =	vgt.f32 v60, v7;
	v28 =	vsel vm15, v1, v61  }
0x12d: {  	v1 =	vsel vm15, v61, v1;
	v30 =	vsel vm15, $0x1A, v56;
	vm6 =	vgt.f32 v49, v37  }
0x12e: {  	v12 =	vsel vm11, v6, v46;
	v6 =	vsel vm11, v46, v6;
	v62 =	vsel vm12, v7, v60  }
0x12f: {  	v7 =	vsel vm12, v60, v7;
	vm5 =	vgt.f32 v28, v5;
	v52 =	vsel vm6, v49, v37  }
0x130: {  	v10 =	vsel vm6, v37, v49;
	v53 =	vsel vm6, v8, v39;
	v8 =	vsel vm6, v39, v8  }
0x131: {  	v63 =	vsel vm12, v6, v48;
	vm13 =	vgt.f32 v62, v50;
	v6 =	vsel vm12, v48, v6  }
0x132: {  	v29 =	vsel vm5, v5, v28;
	v5 =	vsel vm5, v28, v5;
	vm8 =	vgt.f32 v10, v3  }
0x133: {  	v24 =	vsel vm13, v62, v50;
	v15 =	vsel vm13, v50, v62;
	v25 =	vsel vm13, v6, v51  }
0x134: {  	v35 =	vld [tilespmem:s18+$0x1980];
	v6 =	vsel vm13, v51, v6;
	vm6 =	vgt.f32 v29, v4;
	v3 =	vsel vm8, v10, v3  }
0x135: {  	v2 =	vsel vm8, v8, v2;
	vm14 =	vgt.f32 v15, v52;
	v10 =	vnsel vm15, $0x1A, v56  }
0x136: {  	v32 =	vsel vm6, v4, v29;
	v4 =	vsel vm6, v29, v4;
	v26 =	vsel vm14, v15, v52  }
0x137: {  	v14 =	vsel vm14, v52, v15;
	v27 =	vsel vm14, v6, v53;
	v6 =	vsel vm14, v53, v6  }
0x138: {  	v31 =	vsel vm5, v10, v58;
	v10 =	vsel vm5, v58, v10;
	vm7 =	vgt.f32 v32, v9  }
0x139: {  	v49 =	vld [tilespmem:s18+$0x1A00];
	vm11 =	vgt.f32 v35, v1;
	vm4 =	vgt.f32 v14, v3;
	v33 =	vsel vm6, v10, v59  }
0x13a: {  	v8 =	vsel vm6, v59, v10;
	v34 =	vsel vm7, v9, v32;
	v9 =	vsel vm7, v32, v9  }
0x13b: {  	v42 =	vsel vm11, v1, v35;
	v1 =	vsel vm11, v35, v1;
	v45 =	vsel vm11, $0x1B, v30  }
0x13c: {  	v11 =	vnsel vm11, $0x1B, v30;
	v3 =	vsel vm4, v14, v3;
	v2 =	vsel vm4, v6, v2  }
0x13d: {  	v36 =	vsel vm7, v8, v12;
	vm8 =	vgt.f32 v34, v7;
	v8 =	vsel vm7, v12, v8  }
0x13e: {  	vm13 =	vgt.f32 v42, v5;
	vm7 =	vgt.f32 v49, v1;
	v37 =	vsel vm8, v34, v7  }
0x13f: {  	v7 =	vsel vm8, v7, v34;
	v38 =	vsel vm8, v8, v63;
	v8 =	vsel vm8, v63, v8  }
0x140: {  	v44 =	vsel vm13, v5, v42;
	v5 =	vsel vm13, v42, v5;
	v47 =	vsel vm13, v11, v31  }
0x141: {  	v11 =	vsel vm13, v31, v11;
	v58 =	vsel vm7, v1, v49;
	v1 =	vsel vm7, v49, v1  }
0x142: {  	v60 =	vsel vm7, $0x1C, v45;
	vm9 =	vgt.f32 v7, v24;
	vm14 =	vgt.f32 v44, v4  }
0x143: {  	v39 =	vsel vm9, v7, v24;
	v7 =	vsel vm9, v24, v7;
	v40 =	vsel vm9, v8, v25  }
0x144: {  	v8 =	vsel vm9, v25, v8;
	v46 =	vsel vm14, v4, v44;
	v4 =	vsel vm14, v44, v4  }
0x145: {  	v14 =	vsel vm14, v11, v33;
	v6 =	vsel vm14, v33, v11;
	vm9 =	vgt.f32 v58, v5  }
0x146: {  	vm10 =	vgt.f32 v7, v26;
	vm15 =	vgt.f32 v46, v9;
	v59 =	vsel vm9, v5, v58  }
0x147: {  	v5 =	vsel vm9, v58, v5;
	v41 =	vsel vm10, v7, v26;
	v7 =	vsel vm10, v26, v7  }
0x148: {  	v43 =	vsel vm10, v8, v27;
	v8 =	vsel vm10, v27, v8;
	v48 =	vsel vm15, v9, v46  }
0x149: {  	v9 =	vsel vm15, v46, v9;
	v50 =	vsel vm15, v6, v36;
	v6 =	vsel vm15, v36, v6  }
0x14a: {  	vm10 =	vgt.f32 v59, v4;
	vm12 =	vgt.f32 v7, v3;
	vm4 =	vgt.f32 v48, v37  }
0x14b: {  	v24 =	vld [tilespmem:s18+$0x1A80];
	v61 =	vsel vm10, v4, v59;
	v4 =	vsel vm10, v59, v4;
	v3 =	vsel vm12, v7, v3  }
0x14c: {  	v2 =	vsel vm12, v8, v2;
	v51 =	vsel vm4, v37, v48;
	v7 =	vsel vm4, v48, v37  }
0x14d: {  	v52 =	vsel vm4, v6, v38;
	v6 =	vsel vm4, v38, v6;
	v8 =	vnsel vm7, $0x1C, v45  }
0x14e: {  	vm11 =	vgt.f32 v61, v9;
	vm5 =	vgt.f32 v51, v39;
	v62 =	vsel vm9, v8, v47  }
0x14f: {  	v8 =	vsel vm9, v47, v8;
	v23 =	vsel vm11, v9, v61;
	v9 =	vsel vm11, v61, v9  }
0x150: {  	vm15 =	vgt.f32 v24, v1;
	v53 =	vsel vm5, v39, v51;
	v54 =	vsel vm5, v51, v39  }
0x151: {  	v55 =	vsel vm5, v6, v40;
	v6 =	vsel vm5, v40, v6;
	v63 =	vsel vm10, v8, v14  }
0x152: {  	v8 =	vsel vm10, v14, v8;
	vm12 =	vgt.f32 v23, v7;
	v31 =	vsel vm15, v1, v24  }
0x153: {  	v1 =	vsel vm15, v24, v1;
	v33 =	vsel vm15, $0x1D, v60;
	vm6 =	vgt.f32 v53, v41  }
0x154: {  	v14 =	vsel vm11, v8, v50;
	v8 =	vsel vm11, v50, v8;
	v25 =	vsel vm12, v7, v23  }
0x155: {  	v38 =	vld [tilespmem:s18+$0x1B00];
	v7 =	vsel vm12, v23, v7;
	vm5 =	vgt.f32 v31, v5;
	v56 =	vsel vm6, v53, v41  }
0x156: {  	v10 =	vsel vm6, v41, v53;
	v57 =	vsel vm6, v6, v43;
	v6 =	vsel vm6, v43, v6  }
0x157: {  	v26 =	vsel vm12, v8, v52;
	vm13 =	vgt.f32 v25, v54;
	v8 =	vsel vm12, v52, v8  }
0x158: {  	v32 =	vsel vm5, v5, v31;
	v5 =	vsel vm5, v31, v5;
	vm8 =	vgt.f32 v10, v3  }
0x159: {  	v27 =	vsel vm13, v25, v54;
	v15 =	vsel vm13, v54, v25;
	v28 =	vsel vm13, v8, v55  }
0x15a: {  	v8 =	vsel vm13, v55, v8;
	vm6 =	vgt.f32 v32, v4;
	vm11 =	vgt.f32 v38, v1  }
0x15b: {  	v3 =	vsel vm8, v10, v3;
	v2 =	vsel vm8, v6, v2;
	vm14 =	vgt.f32 v15, v56  }
0x15c: {  	v10 =	vnsel vm15, $0x1D, v60;
	v35 =	vsel vm6, v4, v32;
	v4 =	vsel vm6, v32, v4  }
0x15d: {  	v45 =	vsel vm11, v1, v38;
	v1 =	vsel vm11, v38, v1;
	v48 =	vsel vm11, $0x1E, v33  }
0x15e: {  	v11 =	vnsel vm11, $0x1E, v33;
	v29 =	vsel vm14, v15, v56;
	v13 =	vsel vm14, v56, v15  }
0x15f: {  	v30 =	vsel vm14, v8, v57;
	v8 =	vsel vm14, v57, v8;
	v34 =	vsel vm5, v10, v62  }
0x160: {  	v10 =	vsel vm5, v62, v10;
	vm7 =	vgt.f32 v35, v9;
	vm13 =	vgt.f32 v45, v5  }
0x161: {  	v52 =	vld [tilespmem:s18+$0x1B80];
	vm4 =	vgt.f32 v13, v3;
	v36 =	vsel vm6, v10, v63;
	v6 =	vsel vm6, v63, v10  }
0x162: {  	v37 =	vsel vm7, v9, v35;
	v9 =	vsel vm7, v35, v9;
	v47 =	vsel vm13, v5, v45  }
0x163: {  	v5 =	vsel vm13, v45, v5;
	v50 =	vsel vm13, v11, v34;
	v11 =	vsel vm13, v34, v11  }
0x164: {  	v3 =	vsel vm4, v13, v3;
	v2 =	vsel vm4, v8, v2;
	v39 =	vsel vm7, v6, v14  }
0x165: {  	vm8 =	vgt.f32 v37, v7;
	v6 =	vsel vm7, v14, v6;
	vm14 =	vgt.f32 v47, v4  }
0x166: {  	vm7 =	vgt.f32 v52, v1;
	v40 =	vsel vm8, v37, v7;
	v7 =	vsel vm8, v7, v37  }
0x167: {  	v41 =	vsel vm8, v6, v26;
	v6 =	vsel vm8, v26, v6;
	v49 =	vsel vm14, v4, v47  }
0x168: {  	v4 =	vsel vm14, v47, v4;
	v13 =	vsel vm14, v11, v36;
	v8 =	vsel vm14, v36, v11  }
0x169: {  	v61 =	vsel vm7, v1, v52;
	v1 =	vsel vm7, v52, v1;
	vm9 =	vgt.f32 v7, v27  }
0x16a: {  	v63 =	vsel vm7, $0x1F, v48;
	vm15 =	vgt.f32 v49, v9;
	v42 =	vsel vm9, v7, v27  }
0x16b: {  	v7 =	vsel vm9, v27, v7;
	v43 =	vsel vm9, v6, v28;
	v6 =	vsel vm9, v28, v6  }
0x16c: {  	v51 =	vsel vm15, v9, v49;
	v9 =	vsel vm15, v49, v9;
	v53 =	vsel vm15, v8, v39  }
0x16d: {  	v8 =	vsel vm15, v39, v8;
	vm9 =	vgt.f32 v61, v5;
	vm10 =	vgt.f32 v7, v29  }
0x16e: {  	vm4 =	vgt.f32 v51, v40;
	v62 =	vsel vm9, v5, v61;
	v5 =	vsel vm9, v61, v5  }
0x16f: {  	v44 =	vsel vm10, v7, v29;
	v7 =	vsel vm10, v29, v7;
	v46 =	vsel vm10, v6, v30  }
0x170: {  	v6 =	vsel vm10, v30, v6;
	v54 =	vsel vm4, v40, v51;
	v55 =	vsel vm4, v8, v41  }
0x171: {  	v8 =	vsel vm4, v41, v8;
	vm10 =	vgt.f32 v62, v4;
	vm12 =	vgt.f32 v7, v3  }
0x172: {  	v28 =	vld [tilespmem:s18+$0x2000];
	vm5 =	vgt.f32 v54, v42;
	v24 =	vsel vm10, v4, v62;
	v4 =	vsel vm10, v62, v4  }
0x173: {  	v3 =	vsel vm12, v7, v3;
	v2 =	vsel vm12, v6, v2;
	v7 =	vsel vm4, v51, v40  }
0x174: {  	v56 =	vsel vm5, v42, v54;
	v57 =	vsel vm5, v54, v42;
	v58 =	vsel vm5, v8, v43  }
0x175: {  	v8 =	vsel vm5, v43, v8;
	v6 =	vnsel vm7, $0x1F, v48;
	vm11 =	vgt.f32 v24, v9  }
0x176: {  	vm6 =	vgt.f32 v56, v44;
	v25 =	vsel vm9, v6, v50;
	v6 =	vsel vm9, v50, v6  }
0x177: {  	v27 =	vsel vm11, v9, v24;
	v9 =	vsel vm11, v24, v9;
	vm15 =	vgt.f32 v28, v1  }
0x178: {  	v59 =	vsel vm6, v56, v44;
	v10 =	vsel vm6, v44, v56;
	v60 =	vsel vm6, v8, v46  }
0x179: {  	v8 =	vsel vm6, v46, v8;
	v26 =	vsel vm10, v6, v13;
	v6 =	vsel vm10, v13, v6  }
0x17a: {  	vm12 =	vgt.f32 v27, v7;
	v35 =	vsel vm15, v1, v28;
	v1 =	vsel vm15, v28, v1  }
0x17b: {  	v37 =	vsel vm15, $0x20, v63;
	vm8 =	vgt.f32 v10, v3;
	v13 =	vsel vm11, v6, v53  }
0x17c: {  	v6 =	vsel vm11, v53, v6;
	v29 =	vsel vm12, v7, v27;
	v7 =	vsel vm12, v27, v7  }
0x17d: {  	v42 =	vld [tilespmem:s18+$0x2080];
	vm5 =	vgt.f32 v35, v5;
	v3 =	vsel vm8, v10, v3;
	v2 =	vsel vm8, v8, v2  }
0x17e: {  	v30 =	vsel vm12, v6, v55;
	vm13 =	vgt.f32 v29, v57;
	v6 =	vsel vm12, v55, v6  }
0x17f: {  	v36 =	vsel vm5, v5, v35;
	v10 =	vnsel vm15, $0x20, v63;
	v5 =	vsel vm5, v35, v5  }
0x180: {  	v31 =	vsel vm13, v29, v57;
	v15 =	vsel vm13, v57, v29;
	v32 =	vsel vm13, v6, v58  }
0x181: {  	v6 =	vsel vm13, v58, v6;
	vm6 =	vgt.f32 v36, v4;
	v38 =	vsel vm5, v10, v25  }
0x182: {  	v10 =	vsel vm5, v25, v10;
	vm11 =	vgt.f32 v42, v1;
	vm14 =	vgt.f32 v15, v59  }
0x183: {  	v39 =	vsel vm6, v4, v36;
	v4 =	vsel vm6, v36, v4;
	v40 =	vsel vm6, v10, v26  }
0x184: {  	v8 =	vsel vm6, v26, v10;
	v49 =	vsel vm11, v1, v42;
	v1 =	vsel vm11, v42, v1  }
0x185: {  	v56 =	vld [tilespmem:s18+$0x2100];
	v52 =	vsel vm11, $0x21, v37;
	v11 =	vnsel vm11, $0x21, v37;
	v33 =	vsel vm14, v15, v59  }
0x186: {  	v12 =	vsel vm14, v59, v15;
	v34 =	vsel vm14, v6, v60;
	v6 =	vsel vm14, v60, v6  }
0x187: {  	vm7 =	vgt.f32 v39, v9;
	vm13 =	vgt.f32 v49, v5;
	vm4 =	vgt.f32 v12, v3  }
0x188: {  	v41 =	vsel vm7, v9, v39;
	v9 =	vsel vm7, v39, v9;
	v43 =	vsel vm7, v8, v13  }
0x189: {  	v8 =	vsel vm7, v13, v8;
	v51 =	vsel vm13, v5, v49;
	v5 =	vsel vm13, v49, v5  }
0x18a: {  	v54 =	vsel vm13, v11, v38;
	v11 =	vsel vm13, v38, v11;
	vm7 =	vgt.f32 v56, v1  }
0x18b: {  	v3 =	vsel vm4, v12, v3;
	v2 =	vsel vm4, v6, v2;
	vm8 =	vgt.f32 v41, v7  }
0x18c: {  	vm14 =	vgt.f32 v51, v4;
	v25 =	vsel vm7, v1, v56;
	v1 =	vsel vm7, v56, v1  }
0x18d: {  	v27 =	vsel vm7, $0x22, v52;
	v44 =	vsel vm8, v41, v7;
	v7 =	vsel vm8, v7, v41  }
0x18e: {  	v45 =	vsel vm8, v8, v30;
	v8 =	vsel vm8, v30, v8;
	v53 =	vsel vm14, v4, v51  }
0x18f: {  	v4 =	vsel vm14, v51, v4;
	v12 =	vsel vm14, v11, v40;
	vm9 =	vgt.f32 v7, v31  }
0x190: {  	v6 =	vsel vm14, v40, v11;
	vm15 =	vgt.f32 v53, v9;
	v46 =	vsel vm9, v7, v31  }
0x191: {  	v7 =	vsel vm9, v31, v7;
	v47 =	vsel vm9, v8, v32;
	v8 =	vsel vm9, v32, v8  }
0x192: {  	v55 =	vsel vm15, v9, v53;
	v9 =	vsel vm15, v53, v9;
	v57 =	vsel vm15, v6, v43  }
0x193: {  	v6 =	vsel vm15, v43, v6;
	vm9 =	vgt.f32 v25, v5;
	vm10 =	vgt.f32 v7, v33  }
0x194: {  	vm4 =	vgt.f32 v55, v44;
	v26 =	vsel vm9, v5, v25;
	v5 =	vsel vm9, v25, v5  }
0x195: {  	v48 =	vsel vm10, v7, v33;
	v7 =	vsel vm10, v33, v7;
	v50 =	vsel vm10, v8, v34  }
0x196: {  	v8 =	vsel vm10, v34, v8;
	v58 =	vsel vm4, v44, v55;
	v59 =	vsel vm4, v6, v45  }
0x197: {  	v6 =	vsel vm4, v45, v6;
	vm10 =	vgt.f32 v26, v4;
	vm12 =	vgt.f32 v7, v3  }
0x198: {  	v32 =	vld [tilespmem:s18+$0x2180];
	vm5 =	vgt.f32 v58, v46;
	v28 =	vsel vm10, v4, v26;
	v4 =	vsel vm10, v26, v4  }
0x199: {  	v3 =	vsel vm12, v7, v3;
	v2 =	vsel vm12, v8, v2;
	v7 =	vsel vm4, v55, v44  }
0x19a: {  	v60 =	vsel vm5, v46, v58;
	v61 =	vsel vm5, v58, v46;
	v62 =	vsel vm5, v6, v47  }
0x19b: {  	v6 =	vsel vm5, v47, v6;
	v8 =	vnsel vm7, $0x22, v52;
	vm11 =	vgt.f32 v28, v9  }
0x19c: {  	vm6 =	vgt.f32 v60, v48;
	v29 =	vsel vm9, v8, v54;
	v8 =	vsel vm9, v54, v8  }
0x19d: {  	v31 =	vsel vm11, v9, v28;
	v9 =	vsel vm11, v28, v9;
	vm15 =	vgt.f32 v32, v1  }
0x19e: {  	v63 =	vsel vm6, v60, v48;
	v10 =	vsel vm6, v48, v60;
	v24 =	vsel vm6, v6, v50  }
0x19f: {  	v6 =	vsel vm6, v50, v6;
	v30 =	vsel vm10, v8, v12;
	v8 =	vsel vm10, v12, v8  }
0x1a0: {  	vm12 =	vgt.f32 v31, v7;
	v39 =	vsel vm15, v1, v32;
	v1 =	vsel vm15, v32, v1  }
0x1a1: {  	v41 =	vsel vm15, $0x23, v27;
	vm8 =	vgt.f32 v10, v3;
	v12 =	vsel vm11, v8, v57  }
0x1a2: {  	v8 =	vsel vm11, v57, v8;
	v33 =	vsel vm12, v7, v31;
	v7 =	vsel vm12, v31, v7  }
0x1a3: {  	v46 =	vld [tilespmem:s18+$0x2200];
	vm5 =	vgt.f32 v39, v5;
	v3 =	vsel vm8, v10, v3;
	v2 =	vsel vm8, v6, v2  }
0x1a4: {  	v34 =	vsel vm12, v8, v59;
	vm13 =	vgt.f32 v33, v61;
	v8 =	vsel vm12, v59, v8  }
0x1a5: {  	v40 =	vsel vm5, v5, v39;
	v10 =	vnsel vm15, $0x23, v27;
	v5 =	vsel vm5, v39, v5  }
0x1a6: {  	v35 =	vsel vm13, v33, v61;
	v15 =	vsel vm13, v61, v33;
	v36 =	vsel vm13, v8, v62  }
0x1a7: {  	v8 =	vsel vm13, v62, v8;
	vm6 =	vgt.f32 v40, v4;
	v42 =	vsel vm5, v10, v29  }
0x1a8: {  	v10 =	vsel vm5, v29, v10;
	vm11 =	vgt.f32 v46, v1;
	vm14 =	vgt.f32 v15, v63  }
0x1a9: {  	v43 =	vsel vm6, v4, v40;
	v4 =	vsel vm6, v40, v4;
	v44 =	vsel vm6, v10, v30  }
0x1aa: {  	v6 =	vsel vm6, v30, v10;
	v53 =	vsel vm11, v1, v46;
	v1 =	vsel vm11, v46, v1  }
0x1ab: {  	v60 =	vld [tilespmem:s18+$0x2280];
	v56 =	vsel vm11, $0x24, v41;
	v11 =	vnsel vm11, $0x24, v41;
	v37 =	vsel vm14, v15, v63  }
0x1ac: {  	v14 =	vsel vm14, v63, v15;
	v38 =	vsel vm14, v8, v24;
	v8 =	vsel vm14, v24, v8  }
0x1ad: {  	vm7 =	vgt.f32 v43, v9;
	vm13 =	vgt.f32 v53, v5;
	vm4 =	vgt.f32 v14, v3  }
0x1ae: {  	v45 =	vsel vm7, v9, v43;
	v9 =	vsel vm7, v43, v9;
	v47 =	vsel vm7, v6, v12  }
0x1af: {  	v6 =	vsel vm7, v12, v6;
	v55 =	vsel vm13, v5, v53;
	v5 =	vsel vm13, v53, v5  }
0x1b0: {  	v58 =	vsel vm13, v11, v42;
	v11 =	vsel vm13, v42, v11;
	vm7 =	vgt.f32 v60, v1  }
0x1b1: {  	v3 =	vsel vm4, v14, v3;
	v2 =	vsel vm4, v8, v2;
	vm8 =	vgt.f32 v45, v7  }
0x1b2: {  	vm14 =	vgt.f32 v55, v4;
	v28 =	vsel vm7, v1, v60;
	v1 =	vsel vm7, v60, v1  }
0x1b3: {  	v30 =	vsel vm7, $0x25, v56;
	v48 =	vsel vm8, v45, v7;
	v7 =	vsel vm8, v7, v45  }
0x1b4: {  	v49 =	vsel vm8, v6, v34;
	v6 =	vsel vm8, v34, v6;
	v57 =	vsel vm14, v4, v55  }
0x1b5: {  	v4 =	vsel vm14, v55, v4;
	v14 =	vsel vm14, v11, v44;
	vm9 =	vgt.f32 v7, v35  }
0x1b6: {  	v8 =	vsel vm14, v44, v11;
	vm15 =	vgt.f32 v57, v9;
	v50 =	vsel vm9, v7, v35  }
0x1b7: {  	v7 =	vsel vm9, v35, v7;
	v51 =	vsel vm9, v6, v36;
	v6 =	vsel vm9, v36, v6  }
0x1b8: {  	v59 =	vsel vm15, v9, v57;
	v9 =	vsel vm15, v57, v9;
	v61 =	vsel vm15, v8, v47  }
0x1b9: {  	v8 =	vsel vm15, v47, v8;
	vm9 =	vgt.f32 v28, v5;
	vm10 =	vgt.f32 v7, v37  }
0x1ba: {  	vm4 =	vgt.f32 v59, v48;
	v29 =	vsel vm9, v5, v28;
	v5 =	vsel vm9, v28, v5  }
0x1bb: {  	v52 =	vsel vm10, v7, v37;
	v7 =	vsel vm10, v37, v7;
	v54 =	vsel vm10, v6, v38  }
0x1bc: {  	v6 =	vsel vm10, v38, v6;
	v62 =	vsel vm4, v48, v59;
	v63 =	vsel vm4, v8, v49  }
0x1bd: {  	v8 =	vsel vm4, v49, v8;
	vm10 =	vgt.f32 v29, v4;
	vm12 =	vgt.f32 v7, v3  }
0x1be: {  	v35 =	vld [tilespmem:s18+$0x2300];
	vm5 =	vgt.f32 v62, v50;
	v31 =	vsel vm10, v4, v29;
	v4 =	vsel vm10, v29, v4  }
0x1bf: {  	v3 =	vsel vm12, v7, v3;
	v2 =	vsel vm12, v6, v2;
	v7 =	vsel vm4, v59, v48  }
0x1c0: {  	v23 =	vsel vm5, v50, v62;
	v24 =	vsel vm5, v62, v50;
	v25 =	vsel vm5, v8, v51  }
0x1c1: {  	v8 =	vsel vm5, v51, v8;
	v6 =	vnsel vm7, $0x25, v56;
	vm11 =	vgt.f32 v31, v9  }
0x1c2: {  	vm6 =	vgt.f32 v23, v52;
	v32 =	vsel vm9, v6, v58;
	v6 =	vsel vm9, v58, v6  }
0x1c3: {  	v34 =	vsel vm11, v9, v31;
	v9 =	vsel vm11, v31, v9;
	vm15 =	vgt.f32 v35, v1  }
0x1c4: {  	v49 =	vld [tilespmem:s18+$0x2380];
	v26 =	vsel vm6, v23, v52;
	v10 =	vsel vm6, v52, v23;
	v27 =	vsel vm6, v8, v54  }
0x1c5: {  	v8 =	vsel vm6, v54, v8;
	v33 =	vsel vm10, v6, v14;
	v6 =	vsel vm10, v14, v6  }
0x1c6: {  	vm12 =	vgt.f32 v34, v7;
	v42 =	vsel vm15, v1, v35;
	v1 =	vsel vm15, v35, v1  }
0x1c7: {  	v44 =	vsel vm15, $0x26, v30;
	vm8 =	vgt.f32 v10, v3;
	v14 =	vsel vm11, v6, v61  }
0x1c8: {  	v6 =	vsel vm11, v61, v6;
	v36 =	vsel vm12, v7, v34;
	v7 =	vsel vm12, v34, v7  }
0x1c9: {  	vm5 =	vgt.f32 v42, v5;
	vm11 =	vgt.f32 v49, v1;
	v3 =	vsel vm8, v10, v3  }
0x1ca: {  	v2 =	vsel vm8, v8, v2;
	v37 =	vsel vm12, v6, v63;
	vm13 =	vgt.f32 v36, v24  }
0x1cb: {  	v6 =	vsel vm12, v63, v6;
	v43 =	vsel vm5, v5, v42;
	v10 =	vnsel vm15, $0x26, v30  }
0x1cc: {  	v5 =	vsel vm5, v42, v5;
	v56 =	vsel vm11, v1, v49;
	v1 =	vsel vm11, v49, v1  }
0x1cd: {  	v59 =	vsel vm11, $0x27, v44;
	v11 =	vnsel vm11, $0x27, v44;
	v38 =	vsel vm13, v36, v24  }
0x1ce: {  	v15 =	vsel vm13, v24, v36;
	v39 =	vsel vm13, v6, v25;
	v6 =	vsel vm13, v25, v6  }
0x1cf: {  	vm6 =	vgt.f32 v43, v4;
	v45 =	vsel vm5, v10, v32;
	v10 =	vsel vm5, v32, v10  }
0x1d0: {  	vm13 =	vgt.f32 v56, v5;
	vm14 =	vgt.f32 v15, v26;
	v46 =	vsel vm6, v4, v43  }
0x1d1: {  	v4 =	vsel vm6, v43, v4;
	v47 =	vsel vm6, v10, v33;
	v8 =	vsel vm6, v33, v10  }
0x1d2: {  	v58 =	vsel vm13, v5, v56;
	v5 =	vsel vm13, v56, v5;
	v61 =	vsel vm13, v11, v45  }
0x1d3: {  	v11 =	vsel vm13, v45, v11;
	v40 =	vsel vm14, v15, v26;
	v13 =	vsel vm14, v26, v15  }
0x1d4: {  	v63 =	vld [tilespmem:s18+$0x2800];
	v41 =	vsel vm14, v6, v27;
	v6 =	vsel vm14, v27, v6;
	vm7 =	vgt.f32 v46, v9  }
0x1d5: {  	vm14 =	vgt.f32 v58, v4;
	vm4 =	vgt.f32 v13, v3;
	v48 =	vsel vm7, v9, v46  }
0x1d6: {  	v9 =	vsel vm7, v46, v9;
	v50 =	vsel vm7, v8, v14;
	v8 =	vsel vm7, v14, v8  }
0x1d7: {  	v60 =	vsel vm14, v4, v58;
	v4 =	vsel vm14, v58, v4;
	v3 =	vsel vm4, v13, v3  }
0x1d8: {  	v2 =	vsel vm4, v6, v2;
	vm8 =	vgt.f32 v48, v7;
	vm15 =	vgt.f32 v60, v9  }
0x1d9: {  	v13 =	vsel vm14, v11, v47;
	v6 =	vsel vm14, v47, v11;
	vm7 =	vgt.f32 v63, v1  }
0x1da: {  	v51 =	vsel vm8, v48, v7;
	v7 =	vsel vm8, v7, v48;
	v52 =	vsel vm8, v8, v37  }
0x1db: {  	v8 =	vsel vm8, v37, v8;
	v62 =	vsel vm15, v9, v60;
	v9 =	vsel vm15, v60, v9  }
0x1dc: {  	v24 =	vsel vm15, v6, v50;
	v6 =	vsel vm15, v50, v6;
	v32 =	vsel vm7, v1, v63  }
0x1dd: {  	v1 =	vsel vm7, v63, v1;
	v34 =	vsel vm7, $0x28, v59;
	vm9 =	vgt.f32 v7, v38  }
0x1de: {  	vm4 =	vgt.f32 v62, v51;
	v53 =	vsel vm9, v7, v38;
	v7 =	vsel vm9, v38, v7  }
0x1df: {  	v54 =	vsel vm9, v8, v39;
	v8 =	vsel vm9, v39, v8;
	v25 =	vsel vm4, v51, v62  }
0x1e0: {  	v26 =	vsel vm4, v6, v52;
	v6 =	vsel vm4, v52, v6;
	vm9 =	vgt.f32 v32, v5  }
0x1e1: {  	vm10 =	vgt.f32 v7, v40;
	vm5 =	vgt.f32 v25, v53;
	v33 =	vsel vm9, v5, v32  }
0x1e2: {  	v5 =	vsel vm9, v32, v5;
	v55 =	vsel vm10, v7, v40;
	v7 =	vsel vm10, v40, v7  }
0x1e3: {  	v57 =	vsel vm10, v8, v41;
	v8 =	vsel vm10, v41, v8;
	v27 =	vsel vm5, v53, v25  }
0x1e4: {  	v28 =	vsel vm5, v25, v53;
	v29 =	vsel vm5, v6, v54;
	v6 =	vsel vm5, v54, v6  }
0x1e5: {  	vm10 =	vgt.f32 v33, v4;
	vm12 =	vgt.f32 v7, v3;
	vm6 =	vgt.f32 v27, v55  }
0x1e6: {  	v39 =	vld [tilespmem:s18+$0x2880];
	v35 =	vsel vm10, v4, v33;
	v4 =	vsel vm10, v33, v4;
	v3 =	vsel vm12, v7, v3  }
0x1e7: {  	v2 =	vsel vm12, v8, v2;
	v7 =	vsel vm4, v62, v51;
	v30 =	vsel vm6, v27, v55  }
0x1e8: {  	v10 =	vsel vm6, v55, v27;
	v31 =	vsel vm6, v6, v57;
	v6 =	vsel vm6, v57, v6  }
0x1e9: {  	v8 =	vnsel vm7, $0x28, v59;
	vm11 =	vgt.f32 v35, v9;
	vm8 =	vgt.f32 v10, v3  }
0x1ea: {  	v36 =	vsel vm9, v8, v61;
	v8 =	vsel vm9, v61, v8;
	v38 =	vsel vm11, v9, v35  }
0x1eb: {  	v53 =	vld [tilespmem:s18+$0x2900];
	v9 =	vsel vm11, v35, v9;
	vm15 =	vgt.f32 v39, v1;
	v3 =	vsel vm8, v10, v3  }
0x1ec: {  	v2 =	vsel vm8, v6, v2;
	v37 =	vsel vm10, v8, v13;
	v8 =	vsel vm10, v13, v8  }
0x1ed: {  	vm12 =	vgt.f32 v38, v7;
	v46 =	vsel vm15, v1, v39;
	v1 =	vsel vm15, v39, v1  }
0x1ee: {  	v48 =	vsel vm15, $0x29, v34;
	v10 =	vnsel vm15, $0x29, v34;
	v13 =	vsel vm11, v8, v24  }
0x1ef: {  	v8 =	vsel vm11, v24, v8;
	v40 =	vsel vm12, v7, v38;
	v7 =	vsel vm12, v38, v7  }
0x1f0: {  	vm5 =	vgt.f32 v46, v5;
	vm11 =	vgt.f32 v53, v1;
	v41 =	vsel vm12, v8, v26  }
0x1f1: {  	vm13 =	vgt.f32 v40, v28;
	v8 =	vsel vm12, v26, v8;
	v47 =	vsel vm5, v5, v46  }
0x1f2: {  	v5 =	vsel vm5, v46, v5;
	v49 =	vsel vm5, v10, v36;
	v10 =	vsel vm5, v36, v10  }
0x1f3: {  	v60 =	vsel vm11, v1, v53;
	v1 =	vsel vm11, v53, v1;
	v63 =	vsel vm11, $0x2A, v48  }
0x1f4: {  	v11 =	vnsel vm11, $0x2A, v48;
	v42 =	vsel vm13, v40, v28;
	v15 =	vsel vm13, v28, v40  }
0x1f5: {  	v43 =	vsel vm13, v8, v29;
	v8 =	vsel vm13, v29, v8;
	vm6 =	vgt.f32 v47, v4  }
0x1f6: {  	vm13 =	vgt.f32 v60, v5;
	vm14 =	vgt.f32 v15, v30;
	v50 =	vsel vm6, v4, v47  }
0x1f7: {  	v4 =	vsel vm6, v47, v4;
	v51 =	vsel vm6, v10, v37;
	v6 =	vsel vm6, v37, v10  }
0x1f8: {  	v62 =	vsel vm13, v5, v60;
	v5 =	vsel vm13, v60, v5;
	v24 =	vsel vm13, v11, v49  }
0x1f9: {  	v11 =	vsel vm13, v49, v11;
	v44 =	vsel vm14, v15, v30;
	v12 =	vsel vm14, v30, v15  }
0x1fa: {  	v26 =	vld [tilespmem:s18+$0x2980];
	v45 =	vsel vm14, v8, v31;
	v8 =	vsel vm14, v31, v8;
	vm7 =	vgt.f32 v50, v9  }
0x1fb: {  	vm14 =	vgt.f32 v62, v4;
	vm4 =	vgt.f32 v12, v3;
	v52 =	vsel vm7, v9, v50  }
0x1fc: {  	v9 =	vsel vm7, v50, v9;
	v54 =	vsel vm7, v6, v13;
	v6 =	vsel vm7, v13, v6  }
0x1fd: {  	v23 =	vsel vm14, v4, v62;
	v4 =	vsel vm14, v62, v4;
	v3 =	vsel vm4, v12, v3  }
0x1fe: {  	v2 =	vsel vm4, v8, v2;
	vm8 =	vgt.f32 v52, v7;
	vm15 =	vgt.f32 v23, v9  }
0x1ff: {  	v12 =	vsel vm14, v11, v51;
	v8 =	vsel vm14, v51, v11;
	vm7 =	vgt.f32 v26, v1  }
0x200: {  	v55 =	vsel vm8, v52, v7;
	v7 =	vsel vm8, v7, v52;
	v56 =	vsel vm8, v6, v41  }
0x201: {  	v6 =	vsel vm8, v41, v6;
	v25 =	vsel vm15, v9, v23;
	v9 =	vsel vm15, v23, v9  }
0x202: {  	v27 =	vsel vm15, v8, v54;
	v8 =	vsel vm15, v54, v8;
	v35 =	vsel vm7, v1, v26  }
0x203: {  	v1 =	vsel vm7, v26, v1;
	v37 =	vsel vm7, $0x2B, v63;
	vm9 =	vgt.f32 v7, v42  }
0x204: {  	vm4 =	vgt.f32 v25, v55;
	v57 =	vsel vm9, v7, v42;
	v7 =	vsel vm9, v42, v7  }
0x205: {  	v58 =	vsel vm9, v6, v43;
	v6 =	vsel vm9, v43, v6;
	v28 =	vsel vm4, v55, v25  }
0x206: {  	v29 =	vsel vm4, v8, v56;
	v8 =	vsel vm4, v56, v8;
	vm9 =	vgt.f32 v35, v5  }
0x207: {  	vm10 =	vgt.f32 v7, v44;
	vm5 =	vgt.f32 v28, v57;
	v36 =	vsel vm9, v5, v35  }
0x208: {  	v5 =	vsel vm9, v35, v5;
	v59 =	vsel vm10, v7, v44;
	v7 =	vsel vm10, v44, v7  }
0x209: {  	v61 =	vsel vm10, v6, v45;
	v6 =	vsel vm10, v45, v6;
	v30 =	vsel vm5, v57, v28  }
0x20a: {  	v31 =	vsel vm5, v28, v57;
	v32 =	vsel vm5, v8, v58;
	v8 =	vsel vm5, v58, v8  }
0x20b: {  	vm10 =	vgt.f32 v36, v4;
	vm12 =	vgt.f32 v7, v3;
	vm6 =	vgt.f32 v30, v59  }
0x20c: {  	v42 =	vld [tilespmem:s18+$0x2A00];
	v38 =	vsel vm10, v4, v36;
	v4 =	vsel vm10, v36, v4;
	v3 =	vsel vm12, v7, v3  }
0x20d: {  	v2 =	vsel vm12, v6, v2;
	v7 =	vsel vm4, v25, v55;
	v33 =	vsel vm6, v30, v59  }
0x20e: {  	v10 =	vsel vm6, v59, v30;
	v34 =	vsel vm6, v8, v61;
	v8 =	vsel vm6, v61, v8  }
0x20f: {  	v6 =	vnsel vm7, $0x2B, v63;
	vm11 =	vgt.f32 v38, v9;
	vm8 =	vgt.f32 v10, v3  }
0x210: {  	v39 =	vsel vm9, v6, v24;
	v6 =	vsel vm9, v24, v6;
	v41 =	vsel vm11, v9, v38  }
0x211: {  	v56 =	vld [tilespmem:s18+$0x2A80];
	v9 =	vsel vm11, v38, v9;
	vm15 =	vgt.f32 v42, v1;
	v3 =	vsel vm8, v10, v3  }
0x212: {  	v2 =	vsel vm8, v8, v2;
	v40 =	vsel vm10, v6, v12;
	v6 =	vsel vm10, v12, v6  }
0x213: {  	vm12 =	vgt.f32 v41, v7;
	v49 =	vsel vm15, v1, v42;
	v1 =	vsel vm15, v42, v1  }
0x214: {  	v51 =	vsel vm15, $0x2C, v37;
	v10 =	vnsel vm15, $0x2C, v37;
	v12 =	vsel vm11, v6, v27  }
0x215: {  	v6 =	vsel vm11, v27, v6;
	v43 =	vsel vm12, v7, v41;
	v7 =	vsel vm12, v41, v7  }
0x216: {  	vm5 =	vgt.f32 v49, v5;
	vm11 =	vgt.f32 v56, v1;
	v44 =	vsel vm12, v6, v29  }
0x217: {  	vm13 =	vgt.f32 v43, v31;
	v6 =	vsel vm12, v29, v6;
	v50 =	vsel vm5, v5, v49  }
0x218: {  	v5 =	vsel vm5, v49, v5;
	v52 =	vsel vm5, v10, v39;
	v10 =	vsel vm5, v39, v10  }
0x219: {  	v63 =	vsel vm11, v1, v56;
	v1 =	vsel vm11, v56, v1;
	v26 =	vsel vm11, $0x2D, v51  }
0x21a: {  	v11 =	vnsel vm11, $0x2D, v51;
	v45 =	vsel vm13, v43, v31;
	v15 =	vsel vm13, v31, v43  }
0x21b: {  	v46 =	vsel vm13, v6, v32;
	v6 =	vsel vm13, v32, v6;
	vm6 =	vgt.f32 v50, v4  }
0x21c: {  	vm13 =	vgt.f32 v63, v5;
	vm14 =	vgt.f32 v15, v33;
	v53 =	vsel vm6, v4, v50  }
0x21d: {  	v4 =	vsel vm6, v50, v4;
	v54 =	vsel vm6, v10, v40;
	v8 =	vsel vm6, v40, v10  }
0x21e: {  	v30 =	vld [tilespmem:s18+$0x2B00];
	v25 =	vsel vm13, v5, v63;
	v5 =	vsel vm13, v63, v5;
	v28 =	vsel vm13, v11, v52  }
0x21f: {  	v11 =	vsel vm13, v52, v11;
	v47 =	vsel vm14, v15, v33;
	v14 =	vsel vm14, v33, v15  }
0x220: {  	v48 =	vsel vm14, v6, v34;
	v6 =	vsel vm14, v34, v6;
	vm7 =	vgt.f32 v53, v9  }
0x221: {  	vm14 =	vgt.f32 v25, v4;
	vm4 =	vgt.f32 v14, v3;
	v55 =	vsel vm7, v9, v53  }
0x222: {  	v9 =	vsel vm7, v53, v9;
	v57 =	vsel vm7, v8, v12;
	v8 =	vsel vm7, v12, v8  }
0x223: {  	v27 =	vsel vm14, v4, v25;
	v4 =	vsel vm14, v25, v4;
	vm7 =	vgt.f32 v30, v1  }
0x224: {  	v3 =	vsel vm4, v14, v3;
	v2 =	vsel vm4, v6, v2;
	vm8 =	vgt.f32 v55, v7  }
0x225: {  	vm15 =	vgt.f32 v27, v9;
	v14 =	vsel vm14, v11, v54;
	v6 =	vsel vm14, v54, v11  }
0x226: {  	v39 =	vsel vm7, v1, v30;
	v1 =	vsel vm7, v30, v1;
	v41 =	vsel vm7, $0x2E, v26  }
0x227: {  	v58 =	vsel vm8, v55, v7;
	v7 =	vsel vm8, v7, v55;
	v59 =	vsel vm8, v8, v44  }
0x228: {  	v8 =	vsel vm8, v44, v8;
	v29 =	vsel vm15, v9, v27;
	v9 =	vsel vm15, v27, v9  }
0x229: {  	v31 =	vsel vm15, v6, v57;
	v6 =	vsel vm15, v57, v6;
	vm9 =	vgt.f32 v7, v45  }
0x22a: {  	vm4 =	vgt.f32 v29, v58;
	v60 =	vsel vm9, v7, v45;
	v7 =	vsel vm9, v45, v7  }
0x22b: {  	v61 =	vsel vm9, v8, v46;
	v8 =	vsel vm9, v46, v8;
	v32 =	vsel vm4, v58, v29  }
0x22c: {  	v33 =	vsel vm4, v6, v59;
	v6 =	vsel vm4, v59, v6;
	vm9 =	vgt.f32 v39, v5  }
0x22d: {  	vm10 =	vgt.f32 v7, v47;
	vm5 =	vgt.f32 v32, v60;
	v40 =	vsel vm9, v5, v39  }
0x22e: {  	v5 =	vsel vm9, v39, v5;
	v62 =	vsel vm10, v7, v47;
	v7 =	vsel vm10, v47, v7  }
0x22f: {  	v24 =	vsel vm10, v8, v48;
	v8 =	vsel vm10, v48, v8;
	v34 =	vsel vm5, v60, v32  }
0x230: {  	v35 =	vsel vm5, v32, v60;
	v36 =	vsel vm5, v6, v61;
	v6 =	vsel vm5, v61, v6  }
0x231: {  	vm10 =	vgt.f32 v40, v4;
	vm12 =	vgt.f32 v7, v3;
	vm6 =	vgt.f32 v34, v62  }
0x232: {  	v46 =	vld [tilespmem:s18+$0x2B80];
	v42 =	vsel vm10, v4, v40;
	v4 =	vsel vm10, v40, v4;
	v3 =	vsel vm12, v7, v3  }
0x233: {  	v2 =	vsel vm12, v8, v2;
	v7 =	vsel vm4, v29, v58;
	v37 =	vsel vm6, v34, v62  }
0x234: {  	v10 =	vsel vm6, v62, v34;
	v38 =	vsel vm6, v6, v24;
	v6 =	vsel vm6, v24, v6  }
0x235: {  	v8 =	vnsel vm7, $0x2E, v26;
	vm11 =	vgt.f32 v42, v9;
	vm8 =	vgt.f32 v10, v3  }
0x236: {  	v43 =	vsel vm9, v8, v28;
	v8 =	vsel vm9, v28, v8;
	v45 =	vsel vm11, v9, v42  }
0x237: {  	v60 =	vld [tilespmem:s18+$0x3000];
	v9 =	vsel vm11, v42, v9;
	vm15 =	vgt.f32 v46, v1;
	v3 =	vsel vm8, v10, v3  }
0x238: {  	v2 =	vsel vm8, v6, v2;
	v44 =	vsel vm10, v8, v14;
	v8 =	vsel vm10, v14, v8  }
0x239: {  	vm12 =	vgt.f32 v45, v7;
	v53 =	vsel vm15, v1, v46;
	v1 =	vsel vm15, v46, v1  }
0x23a: {  	v55 =	vsel vm15, $0x2F, v41;
	v10 =	vnsel vm15, $0x2F, v41;
	v14 =	vsel vm11, v8, v31  }
0x23b: {  	v8 =	vsel vm11, v31, v8;
	v47 =	vsel vm12, v7, v45;
	v7 =	vsel vm12, v45, v7  }
0x23c: {  	vm5 =	vgt.f32 v53, v5;
	vm11 =	vgt.f32 v60, v1;
	v48 =	vsel vm12, v8, v33  }
0x23d: {  	vm13 =	vgt.f32 v47, v35;
	v8 =	vsel vm12, v33, v8;
	v54 =	vsel vm5, v5, v53  }
0x23e: {  	v5 =	vsel vm5, v53, v5;
	v56 =	vsel vm5, v10, v43;
	v10 =	vsel vm5, v43, v10  }
0x23f: {  	v27 =	vsel vm11, v1, v60;
	v1 =	vsel vm11, v60, v1;
	v30 =	vsel vm11, $0x30, v55  }
0x240: {  	v11 =	vnsel vm11, $0x30, v55;
	v49 =	vsel vm13, v47, v35;
	v15 =	vsel vm13, v35, v47  }
0x241: {  	v50 =	vsel vm13, v8, v36;
	v8 =	vsel vm13, v36, v8;
	vm6 =	vgt.f32 v54, v4  }
0x242: {  	vm13 =	vgt.f32 v27, v5;
	vm14 =	vgt.f32 v15, v37;
	v57 =	vsel vm6, v4, v54  }
0x243: {  	v4 =	vsel vm6, v54, v4;
	v58 =	vsel vm6, v10, v44;
	v6 =	vsel vm6, v44, v10  }
0x244: {  	v34 =	vld [tilespmem:s18+$0x3080];
	v29 =	vsel vm13, v5, v27;
	v5 =	vsel vm13, v27, v5;
	v32 =	vsel vm13, v11, v56  }
0x245: {  	v11 =	vsel vm13, v56, v11;
	v51 =	vsel vm14, v15, v37;
	v13 =	vsel vm14, v37, v15  }
0x246: {  	v52 =	vsel vm14, v8, v38;
	v8 =	vsel vm14, v38, v8;
	vm7 =	vgt.f32 v57, v9  }
0x247: {  	vm14 =	vgt.f32 v29, v4;
	vm4 =	vgt.f32 v13, v3;
	v59 =	vsel vm7, v9, v57  }
0x248: {  	v9 =	vsel vm7, v57, v9;
	v61 =	vsel vm7, v6, v14;
	v6 =	vsel vm7, v14, v6  }
0x249: {  	v31 =	vsel vm14, v4, v29;
	v4 =	vsel vm14, v29, v4;
	vm7 =	vgt.f32 v34, v1  }
0x24a: {  	v3 =	vsel vm4, v13, v3;
	v2 =	vsel vm4, v8, v2;
	vm8 =	vgt.f32 v59, v7  }
0x24b: {  	vm15 =	vgt.f32 v31, v9;
	v13 =	vsel vm14, v11, v58;
	v8 =	vsel vm14, v58, v11  }
0x24c: {  	v43 =	vsel vm7, v1, v34;
	v1 =	vsel vm7, v34, v1;
	v45 =	vsel vm7, $0x31, v30  }
0x24d: {  	v62 =	vsel vm8, v59, v7;
	v7 =	vsel vm8, v7, v59;
	v63 =	vsel vm8, v6, v48  }
0x24e: {  	v6 =	vsel vm8, v48, v6;
	v33 =	vsel vm15, v9, v31;
	v9 =	vsel vm15, v31, v9  }
0x24f: {  	v35 =	vsel vm15, v8, v61;
	v8 =	vsel vm15, v61, v8;
	vm9 =	vgt.f32 v7, v49  }
0x250: {  	vm4 =	vgt.f32 v33, v62;
	v24 =	vsel vm9, v7, v49;
	v7 =	vsel vm9, v49, v7  }
0x251: {  	v25 =	vsel vm9, v6, v50;
	v6 =	vsel vm9, v50, v6;
	v36 =	vsel vm4, v62, v33  }
0x252: {  	v37 =	vsel vm4, v8, v63;
	v8 =	vsel vm4, v63, v8;
	vm9 =	vgt.f32 v43, v5  }
0x253: {  	vm10 =	vgt.f32 v7, v51;
	vm5 =	vgt.f32 v36, v24;
	v44 =	vsel vm9, v5, v43  }
0x254: {  	v5 =	vsel vm9, v43, v5;
	v26 =	vsel vm10, v7, v51;
	v7 =	vsel vm10, v51, v7  }
0x255: {  	v28 =	vsel vm10, v6, v52;
	v6 =	vsel vm10, v52, v6;
	v38 =	vsel vm5, v24, v36  }
0x256: {  	v39 =	vsel vm5, v36, v24;
	v40 =	vsel vm5, v8, v25;
	v8 =	vsel vm5, v25, v8  }
0x257: {  	vm10 =	vgt.f32 v44, v4;
	vm12 =	vgt.f32 v7, v3;
	vm6 =	vgt.f32 v38, v26  }
0x258: {  	v50 =	vld [tilespmem:s18+$0x3100];
	v46 =	vsel vm10, v4, v44;
	v4 =	vsel vm10, v44, v4;
	v3 =	vsel vm12, v7, v3  }
0x259: {  	v2 =	vsel vm12, v6, v2;
	v7 =	vsel vm4, v33, v62;
	v41 =	vsel vm6, v38, v26  }
0x25a: {  	v10 =	vsel vm6, v26, v38;
	v42 =	vsel vm6, v8, v28;
	v8 =	vsel vm6, v28, v8  }
0x25b: {  	v6 =	vnsel vm7, $0x31, v30;
	vm11 =	vgt.f32 v46, v9;
	vm8 =	vgt.f32 v10, v3  }
0x25c: {  	v47 =	vsel vm9, v6, v32;
	v6 =	vsel vm9, v32, v6;
	v49 =	vsel vm11, v9, v46  }
0x25d: {  	v24 =	vld [tilespmem:s18+$0x3180];
	v9 =	vsel vm11, v46, v9;
	vm15 =	vgt.f32 v50, v1;
	v3 =	vsel vm8, v10, v3  }
0x25e: {  	v2 =	vsel vm8, v8, v2;
	v48 =	vsel vm10, v6, v13;
	v6 =	vsel vm10, v13, v6  }
0x25f: {  	vm12 =	vgt.f32 v49, v7;
	v57 =	vsel vm15, v1, v50;
	v1 =	vsel vm15, v50, v1  }
0x260: {  	v59 =	vsel vm15, $0x32, v45;
	v10 =	vnsel vm15, $0x32, v45;
	v13 =	vsel vm11, v6, v35  }
0x261: {  	v6 =	vsel vm11, v35, v6;
	v51 =	vsel vm12, v7, v49;
	v7 =	vsel vm12, v49, v7  }
0x262: {  	vm5 =	vgt.f32 v57, v5;
	vm11 =	vgt.f32 v24, v1;
	v52 =	vsel vm12, v6, v37  }
0x263: {  	vm13 =	vgt.f32 v51, v39;
	v6 =	vsel vm12, v37, v6;
	v58 =	vsel vm5, v5, v57  }
0x264: {  	v5 =	vsel vm5, v57, v5;
	v60 =	vsel vm5, v10, v47;
	v10 =	vsel vm5, v47, v10  }
0x265: {  	v31 =	vsel vm11, v1, v24;
	v1 =	vsel vm11, v24, v1;
	v34 =	vsel vm11, $0x33, v59  }
0x266: {  	v11 =	vnsel vm11, $0x33, v59;
	v53 =	vsel vm13, v51, v39;
	v15 =	vsel vm13, v39, v51  }
0x267: {  	v54 =	vsel vm13, v6, v40;
	v6 =	vsel vm13, v40, v6;
	vm6 =	vgt.f32 v58, v4  }
0x268: {  	vm13 =	vgt.f32 v31, v5;
	vm14 =	vgt.f32 v15, v41;
	v61 =	vsel vm6, v4, v58  }
0x269: {  	v4 =	vsel vm6, v58, v4;
	v62 =	vsel vm6, v10, v48;
	v8 =	vsel vm6, v48, v10  }
0x26a: {  	v38 =	vld [tilespmem:s18+$0x3200];
	v33 =	vsel vm13, v5, v31;
	v5 =	vsel vm13, v31, v5;
	v36 =	vsel vm13, v11, v60  }
0x26b: {  	v11 =	vsel vm13, v60, v11;
	v55 =	vsel vm14, v15, v41;
	v12 =	vsel vm14, v41, v15  }
0x26c: {  	v56 =	vsel vm14, v6, v42;
	v6 =	vsel vm14, v42, v6;
	vm7 =	vgt.f32 v61, v9  }
0x26d: {  	vm14 =	vgt.f32 v33, v4;
	vm4 =	vgt.f32 v12, v3;
	v63 =	vsel vm7, v9, v61  }
0x26e: {  	v9 =	vsel vm7, v61, v9;
	v25 =	vsel vm7, v8, v13;
	v8 =	vsel vm7, v13, v8  }
0x26f: {  	v35 =	vsel vm14, v4, v33;
	v4 =	vsel vm14, v33, v4;
	vm7 =	vgt.f32 v38, v1  }
0x270: {  	v3 =	vsel vm4, v12, v3;
	v2 =	vsel vm4, v6, v2;
	vm8 =	vgt.f32 v63, v7  }
0x271: {  	vm15 =	vgt.f32 v35, v9;
	v12 =	vsel vm14, v11, v62;
	v6 =	vsel vm14, v62, v11  }
0x272: {  	v47 =	vsel vm7, v1, v38;
	v1 =	vsel vm7, v38, v1;
	v49 =	vsel vm7, $0x34, v34  }
0x273: {  	v26 =	vsel vm8, v63, v7;
	v7 =	vsel vm8, v7, v63;
	v27 =	vsel vm8, v8, v52  }
0x274: {  	v8 =	vsel vm8, v52, v8;
	v37 =	vsel vm15, v9, v35;
	v9 =	vsel vm15, v35, v9  }
0x275: {  	v39 =	vsel vm15, v6, v25;
	v6 =	vsel vm15, v25, v6;
	vm9 =	vgt.f32 v7, v53  }
0x276: {  	vm4 =	vgt.f32 v37, v26;
	v28 =	vsel vm9, v7, v53;
	v7 =	vsel vm9, v53, v7  }
0x277: {  	v29 =	vsel vm9, v8, v54;
	v8 =	vsel vm9, v54, v8;
	v40 =	vsel vm4, v26, v37  }
0x278: {  	v41 =	vsel vm4, v6, v27;
	v6 =	vsel vm4, v27, v6;
	vm9 =	vgt.f32 v47, v5  }
0x279: {  	vm10 =	vgt.f32 v7, v55;
	vm5 =	vgt.f32 v40, v28;
	v48 =	vsel vm9, v5, v47  }
0x27a: {  	v5 =	vsel vm9, v47, v5;
	v30 =	vsel vm10, v7, v55;
	v7 =	vsel vm10, v55, v7  }
0x27b: {  	v32 =	vsel vm10, v8, v56;
	v8 =	vsel vm10, v56, v8;
	v42 =	vsel vm5, v28, v40  }
0x27c: {  	v43 =	vsel vm5, v40, v28;
	v44 =	vsel vm5, v6, v29;
	v6 =	vsel vm5, v29, v6  }
0x27d: {  	vm10 =	vgt.f32 v48, v4;
	vm12 =	vgt.f32 v7, v3;
	vm6 =	vgt.f32 v42, v30  }
0x27e: {  	v54 =	vld [tilespmem:s18+$0x3280];
	v50 =	vsel vm10, v4, v48;
	v4 =	vsel vm10, v48, v4;
	v3 =	vsel vm12, v7, v3  }
0x27f: {  	v2 =	vsel vm12, v8, v2;
	v7 =	vsel vm4, v37, v26;
	v45 =	vsel vm6, v42, v30  }
0x280: {  	v10 =	vsel vm6, v30, v42;
	v46 =	vsel vm6, v6, v32;
	v6 =	vsel vm6, v32, v6  }
0x281: {  	v8 =	vnsel vm7, $0x34, v34;
	vm11 =	vgt.f32 v50, v9;
	vm8 =	vgt.f32 v10, v3  }
0x282: {  	v51 =	vsel vm9, v8, v36;
	v8 =	vsel vm9, v36, v8;
	v53 =	vsel vm11, v9, v50  }
0x283: {  	v28 =	vld [tilespmem:s18+$0x3300];
	v9 =	vsel vm11, v50, v9;
	vm15 =	vgt.f32 v54, v1;
	v3 =	vsel vm8, v10, v3  }
0x284: {  	v2 =	vsel vm8, v6, v2;
	v52 =	vsel vm10, v8, v12;
	v8 =	vsel vm10, v12, v8  }
0x285: {  	vm12 =	vgt.f32 v53, v7;
	v61 =	vsel vm15, v1, v54;
	v1 =	vsel vm15, v54, v1  }
0x286: {  	v63 =	vsel vm15, $0x35, v49;
	v10 =	vnsel vm15, $0x35, v49;
	v12 =	vsel vm11, v8, v39  }
0x287: {  	v8 =	vsel vm11, v39, v8;
	v55 =	vsel vm12, v7, v53;
	v7 =	vsel vm12, v53, v7  }
0x288: {  	vm5 =	vgt.f32 v61, v5;
	vm11 =	vgt.f32 v28, v1;
	v56 =	vsel vm12, v8, v41  }
0x289: {  	vm13 =	vgt.f32 v55, v43;
	v8 =	vsel vm12, v41, v8;
	v62 =	vsel vm5, v5, v61  }
0x28a: {  	v5 =	vsel vm5, v61, v5;
	v24 =	vsel vm5, v10, v51;
	v10 =	vsel vm5, v51, v10  }
0x28b: {  	v35 =	vsel vm11, v1, v28;
	v1 =	vsel vm11, v28, v1;
	v38 =	vsel vm11, $0x36, v63  }
0x28c: {  	v11 =	vnsel vm11, $0x36, v63;
	v57 =	vsel vm13, v55, v43;
	v15 =	vsel vm13, v43, v55  }
0x28d: {  	v58 =	vsel vm13, v8, v44;
	v8 =	vsel vm13, v44, v8;
	vm6 =	vgt.f32 v62, v4  }
0x28e: {  	vm13 =	vgt.f32 v35, v5;
	vm14 =	vgt.f32 v15, v45;
	v25 =	vsel vm6, v4, v62  }
0x28f: {  	v4 =	vsel vm6, v62, v4;
	v26 =	vsel vm6, v10, v52;
	v6 =	vsel vm6, v52, v10  }
0x290: {  	v42 =	vld [tilespmem:s18+$0x3380];
	v37 =	vsel vm13, v5, v35;
	v5 =	vsel vm13, v35, v5;
	v40 =	vsel vm13, v11, v24  }
0x291: {  	v11 =	vsel vm13, v24, v11;
	v59 =	vsel vm14, v15, v45;
	v14 =	vsel vm14, v45, v15  }
0x292: {  	v60 =	vsel vm14, v8, v46;
	v8 =	vsel vm14, v46, v8;
	vm7 =	vgt.f32 v25, v9  }
0x293: {  	vm14 =	vgt.f32 v37, v4;
	vm4 =	vgt.f32 v14, v3;
	v27 =	vsel vm7, v9, v25  }
0x294: {  	v9 =	vsel vm7, v25, v9;
	v29 =	vsel vm7, v6, v12;
	v6 =	vsel vm7, v12, v6  }
0x295: {  	v39 =	vsel vm14, v4, v37;
	v4 =	vsel vm14, v37, v4;
	vm7 =	vgt.f32 v42, v1  }
0x296: {  	v3 =	vsel vm4, v14, v3;
	v2 =	vsel vm4, v8, v2;
	vm8 =	vgt.f32 v27, v7  }
0x297: {  	vm15 =	vgt.f32 v39, v9;
	v14 =	vsel vm14, v11, v26;
	v8 =	vsel vm14, v26, v11  }
0x298: {  	v51 =	vsel vm7, v1, v42;
	v1 =	vsel vm7, v42, v1;
	v53 =	vsel vm7, $0x37, v38  }
0x299: {  	v30 =	vsel vm8, v27, v7;
	v7 =	vsel vm8, v7, v27;
	v31 =	vsel vm8, v6, v56  }
0x29a: {  	v6 =	vsel vm8, v56, v6;
	v41 =	vsel vm15, v9, v39;
	v9 =	vsel vm15, v39, v9  }
0x29b: {  	v43 =	vsel vm15, v8, v29;
	v8 =	vsel vm15, v29, v8;
	vm9 =	vgt.f32 v7, v57  }
0x29c: {  	vm4 =	vgt.f32 v41, v30;
	v32 =	vsel vm9, v7, v57;
	v7 =	vsel vm9, v57, v7  }
0x29d: {  	v33 =	vsel vm9, v6, v58;
	v6 =	vsel vm9, v58, v6;
	v44 =	vsel vm4, v30, v41  }
0x29e: {  	v45 =	vsel vm4, v8, v31;
	v8 =	vsel vm4, v31, v8;
	vm9 =	vgt.f32 v51, v5  }
0x29f: {  	vm10 =	vgt.f32 v7, v59;
	vm5 =	vgt.f32 v44, v32;
	v52 =	vsel vm9, v5, v51  }
0x2a0: {  	v5 =	vsel vm9, v51, v5;
	v34 =	vsel vm10, v7, v59;
	v7 =	vsel vm10, v59, v7  }
0x2a1: {  	v36 =	vsel vm10, v6, v60;
	v6 =	vsel vm10, v60, v6;
	v46 =	vsel vm5, v32, v44  }
0x2a2: {  	v47 =	vsel vm5, v44, v32;
	v48 =	vsel vm5, v8, v33;
	v8 =	vsel vm5, v33, v8  }
0x2a3: {  	vm10 =	vgt.f32 v52, v4;
	vm12 =	vgt.f32 v7, v3;
	vm6 =	vgt.f32 v46, v34  }
0x2a4: {  	v58 =	vld [tilespmem:s18+$0x3800];
	v54 =	vsel vm10, v4, v52;
	v4 =	vsel vm10, v52, v4;
	v3 =	vsel vm12, v7, v3  }
0x2a5: {  	v2 =	vsel vm12, v6, v2;
	v7 =	vsel vm4, v41, v30;
	v49 =	vsel vm6, v46, v34  }
0x2a6: {  	v10 =	vsel vm6, v34, v46;
	v50 =	vsel vm6, v8, v36;
	v8 =	vsel vm6, v36, v8  }
0x2a7: {  	v6 =	vnsel vm7, $0x37, v38;
	vm11 =	vgt.f32 v54, v9;
	vm8 =	vgt.f32 v10, v3  }
0x2a8: {  	v55 =	vsel vm9, v6, v40;
	v6 =	vsel vm9, v40, v6;
	v57 =	vsel vm11, v9, v54  }
0x2a9: {  	v32 =	vld [tilespmem:s18+$0x3880];
	v9 =	vsel vm11, v54, v9;
	vm15 =	vgt.f32 v58, v1;
	v3 =	vsel vm8, v10, v3  }
0x2aa: {  	v2 =	vsel vm8, v8, v2;
	v56 =	vsel vm10, v6, v14;
	v6 =	vsel vm10, v14, v6  }
0x2ab: {  	vm12 =	vgt.f32 v57, v7;
	v25 =	vsel vm15, v1, v58;
	v1 =	vsel vm15, v58, v1  }
0x2ac: {  	v27 =	vsel vm15, $0x38, v53;
	v10 =	vnsel vm15, $0x38, v53;
	v14 =	vsel vm11, v6, v43  }
0x2ad: {  	v6 =	vsel vm11, v43, v6;
	v59 =	vsel vm12, v7, v57;
	v7 =	vsel vm12, v57, v7  }
0x2ae: {  	vm5 =	vgt.f32 v25, v5;
	vm11 =	vgt.f32 v32, v1;
	v60 =	vsel vm12, v6, v45  }
0x2af: {  	vm13 =	vgt.f32 v59, v47;
	v6 =	vsel vm12, v45, v6;
	v26 =	vsel vm5, v5, v25  }
0x2b0: {  	v5 =	vsel vm5, v25, v5;
	v28 =	vsel vm5, v10, v55;
	v10 =	vsel vm5, v55, v10  }
0x2b1: {  	v39 =	vsel vm11, v1, v32;
	v42 =	vsel vm11, v32, v1;
	v1 =	vsel vm11, $0x39, v27  }
0x2b2: {  	v11 =	vnsel vm11, $0x39, v27;
	v32 =	vimm.s32 $0x0;
	v25 =	vimm.s32 $0x0  }
0x2b3: {  	v61 =	vsel vm13, v59, v47;
	v15 =	vsel vm13, v47, v59;
	v62 =	vsel vm13, v6, v48  }
0x2b4: {  	v6 =	vsel vm13, v48, v6;
	vm6 =	vgt.f32 v26, v4;
	vm13 =	vgt.f32 v39, v5  }
0x2b5: {  	vm14 =	vgt.f32 v15, v49;
	v29 =	vsel vm6, v4, v26;
	v4 =	vsel vm6, v26, v4  }
0x2b6: {  	v30 =	vsel vm6, v10, v56;
	v8 =	vsel vm6, v56, v10;
	v41 =	vsel vm13, v5, v39  }
0x2b7: {  	v5 =	vsel vm13, v39, v5;
	v44 =	vsel vm13, v11, v28;
	v11 =	vsel vm13, v28, v11  }
0x2b8: {  	v46 =	vld [tilespmem:s18+$0x3900];
	v39 =	vimm.s32 $0x0;
	v26 =	vimm.s32 $0x0;
	v63 =	vsel vm14, v15, v49  }
0x2b9: {  	v13 =	vsel vm14, v49, v15;
	v24 =	vsel vm14, v6, v50;
	v6 =	vsel vm14, v50, v6  }
0x2ba: {  	vm7 =	vgt.f32 v29, v9;
	vm14 =	vgt.f32 v41, v4;
	vm4 =	vgt.f32 v13, v3  }
0x2bb: {  	v31 =	vsel vm7, v9, v29;
	v9 =	vsel vm7, v29, v9;
	v33 =	vsel vm7, v8, v14  }
0x2bc: {  	v8 =	vsel vm7, v14, v8;
	v43 =	vsel vm14, v4, v41;
	v4 =	vsel vm14, v41, v4  }
0x2bd: {  	vm7 =	vgt.f32 v46, v42;
	v3 =	vsel vm4, v13, v3;
	v2 =	vsel vm4, v6, v2  }
0x2be: {  	v59 =	vld [tilespmem:s18+$0x3980];
	vm8 =	vgt.f32 v31, v7;
	vm15 =	vgt.f32 v43, v9;
	v13 =	vsel vm14, v11, v30  }
0x2bf: {  	v6 =	vsel vm14, v30, v11;
	v55 =	vsel vm7, v42, v46;
	v11 =	vsel vm7, v46, v42  }
0x2c0: {  	v57 =	vnsel vm7, $0x3A, v1;
	v46 =	vimm.s32 $0x0;
	v34 =	vsel vm8, v31, v7  }
0x2c1: {  	v7 =	vsel vm8, v7, v31;
	v35 =	vsel vm8, v8, v60;
	v8 =	vsel vm8, v60, v8  }
0x2c2: {  	v45 =	vsel vm15, v9, v43;
	v9 =	vsel vm15, v43, v9;
	v47 =	vsel vm15, v6, v33  }
0x2c3: {  	v6 =	vsel vm15, v33, v6;
	vm14 =	vgt.f32 v59, v11;
	v31 =	vimm.s32 $0x0  }
0x2c4: {  	v43 =	vimm.s32 $0x0;
	vm9 =	vgt.f32 v7, v61;
	vm4 =	vgt.f32 v45, v34  }
0x2c5: {  	v29 =	vsel vm14, v11, v59;
	v22 =	vsel vm14, $0xFFFFFFFF, v22;
	v11 =	vsel vm14, v59, v11  }
0x2c6: {  	v36 =	vsel vm9, v7, v61;
	v7 =	vsel vm9, v61, v7;
	v37 =	vsel vm9, v8, v62  }
0x2c7: {  	v8 =	vsel vm9, v62, v8;
	v48 =	vsel vm4, v34, v45;
	v49 =	vsel vm4, v6, v35  }
0x2c8: {  	v6 =	vsel vm4, v35, v6;
	vm9 =	vgt.f32 v55, v5;
	v35 =	vimm.s32 $0x0  }
0x2c9: {  	vm10 =	vgt.f32 v7, v63;
	vm5 =	vgt.f32 v48, v36;
	v56 =	vsel vm9, v5, v55  }
0x2ca: {  	v20 =	vsel vm9, v55, v5;
	v55 =	vimm.s32 $0x0;
	v38 =	vsel vm10, v7, v63  }
0x2cb: {  	v7 =	vsel vm10, v63, v7;
	v40 =	vsel vm10, v8, v24;
	v8 =	vsel vm10, v24, v8  }
0x2cc: {  	v50 =	vsel vm5, v36, v48;
	v51 =	vsel vm5, v48, v36;
	v52 =	vsel vm5, v6, v37  }
0x2cd: {  	v6 =	vsel vm5, v37, v6;
	vm10 =	vgt.f32 v56, v4;
	vm15 =	vgt.f32 v29, v20  }
0x2ce: {  	v37 =	vimm.s32 $0x0;
	vm12 =	vgt.f32 v7, v3;
	vm6 =	vgt.f32 v50, v38  }
0x2cf: {  	v30 =	vld [tilespmem:s18+$0x3A00];
	v58 =	vsel vm10, v4, v56;
	v60 =	vsel vm10, v56, v4;
	v23 =	vsel vm15, v20, v29  }
0x2d0: {  	v14 =	vsel vm15, v29, v20;
	v29 =	vimm.s32 $0x0;
	v3 =	vsel vm12, v7, v3  }
0x2d1: {  	v2 =	vsel vm12, v8, v2;
	v7 =	vsel vm4, v45, v34;
	v53 =	vsel vm6, v50, v38  }
0x2d2: {  	v10 =	vsel vm6, v38, v50;
	v54 =	vsel vm6, v6, v40;
	v6 =	vsel vm6, v40, v6  }
0x2d3: {  	v8 =	vsel vm9, v44, v57;
	vm11 =	vgt.f32 v58, v9;
	v34 =	vimm.s32 $0x0  }
0x2d4: {  	vm4 =	vgt.f32 v30, v11;
	vm8 =	vgt.f32 v10, v3;
	v4 =	vsel vm10, v8, v13  }
0x2d5: {  	v61 =	vsel vm10, v13, v8;
	v62 =	vsel vm11, v9, v58;
	v9 =	vsel vm11, v58, v9  }
0x2d6: {  	v8 =	vsel vm15, $0xFFFFFFFF, v31;
	v38 =	vsel vm4, v11, v30;
	v20 =	vsel vm4, $0xFFFFFFFF, v39  }
0x2d7: {  	v11 =	vsel vm4, v30, v11;
	v58 =	vimm.s32 $0x0;
	v30 =	vimm.s32 $0x0  }
0x2d8: {  	v31 =	vimm.s32 $0x0;
	v10 =	vsel vm8, v10, v3;
	v2 =	vsel vm8, v6, v2  }
0x2d9: {  	v3 =	vimm.s32 $0x0;
	v5 =	vsel vm11, v61, v47;
	vm12 =	vgt.f32 v62, v7  }
0x2da: {  	v13 =	vsel vm11, v47, v61;
	vm8 =	vgt.f32 v23, v60;
	v47 =	vimm.s32 $0x0  }
0x2db: {  	v61 =	vimm.s32 $0x0;
	v3 =	vsel vm7, $0xFFFFFFFF, v3;
	v63 =	vsel vm12, v62, v7  }
0x2dc: {  	v7 =	vsel vm12, v7, v62;
	v6 =	vsel vm12, v13, v49;
	v27 =	vsel vm12, v49, v13  }
0x2dd: {  	[tilespmem:$0x1FE50] =	vst v8;
	v8 =	vsel vm8, $0xFFFFFFFF, v32;
	v33 =	vsel vm8, v60, v23;
	v18 =	vsel vm8, v23, v60  }
0x2de: {  	vm12 =	vgt.f32 v38, v14;
	[tilespmem:$0x1FE20] =	vst v3;
	v3 =	vsel vm9, v57, v44;
	vm13 =	vgt.f32 v7, v51  }
0x2df: {  	vm10 =	vgt.f32 v33, v9;
	v42 =	vsel vm12, v14, v38;
	v23 =	vsel vm12, $0xFFFFFFFF, v43  }
0x2e0: {  	v44 =	vimm.s32 $0x0;
	v14 =	vsel vm12, v38, v14;
	v57 =	vimm.s32 $0x0  }
0x2e1: {  	v28 =	vsel vm13, v7, v51;
	v17 =	vsel vm13, v51, v7;
	v7 =	vsel vm13, v27, v52  }
0x2e2: {  	v19 =	vsel vm13, v52, v27;
	v36 =	vsel vm10, v9, v33;
	v9 =	vsel vm10, v33, v9  }
0x2e3: {  	vm15 =	vgt.f32 v42, v18;
	v51 =	vimm.s32 $0x0;
	v33 =	vimm.s32 $0x0  }
0x2e4: {  	[tilespmem:$0x1FEB0] =	vst v23;
	vm7 =	vgt.f32 v17, v53;
	vm11 =	vgt.f32 v36, v63;
	v23 =	vsel vm15, $0xFFFFFFFF, v46  }
0x2e5: {  	v48 =	vsel vm15, v18, v42;
	v24 =	vsel vm7, v17, v53;
	v12 =	vsel vm7, v53, v17  }
0x2e6: {  	[tilespmem:$0x1FE60] =	vst v8;
	v8 =	vsel vm7, v19, v54;
	v16 =	vsel vm7, v54, v19;
	v40 =	vsel vm11, v63, v36  }
0x2e7: {  	v41 =	vld [tilespmem:s18+$0x3A80];
	v53 =	vimm.s32 $0x0;
	v17 =	vsel vm15, v42, v18;
	vm9 =	vgt.f32 v12, v10  }
0x2e8: {  	v42 =	vimm.s32 $0x0;
	vm13 =	vgt.f32 v40, v28;
	v19 =	vsel vm9, $0xFFFFFFFF, v34  }
0x2e9: {  	v10 =	vsel vm9, v12, v10;
	v12 =	vsel vm11, v36, v63;
	vm14 =	vmmov vm13  }
0x2ea: {  	v15 =	vsel vm13, $0xFFFFFFFF, v44;
	v45 =	vsel vm13, v28, v40;
	vm9 =	vgt.f32 v48, v9  }
0x2eb: {  	[tilespmem:$0x1FE30] =	vst v19;
	v19 =	vsel vm10, $0xFFFFFFFF, v35;
	v13 =	vsel vm14, v40, v28;
	vm8 =	vgt.f32 v45, v24  }
0x2ec: {  	[tilespmem:$0x1FE90] =	vst v20;
	v50 =	vsel vm9, v9, v48;
	vm10 =	vgt.f32 v41, v11;
	v9 =	vsel vm9, v48, v9  }
0x2ed: {  	v40 =	vimm.s32 $0x0;
	[tilespmem:$0x1FE70] =	vst v19;
	v19 =	vsel vm11, $0xFFFFFFFF, v37;
	v20 =	vsel vm8, $0xFFFFFFFF, v47  }
0x2ee: {  	[tilespmem:$0x1FEA0] =	vst v15;
	v49 =	vsel vm8, v45, v24;
	v15 =	vsel vm8, v24, v45;
	v24 =	vsel vm9, $0xFFFFFFFF, v51  }
0x2ef: {  	v62 =	vld [tilespmem:s18+$0x3B00];
	vm5 =	vgt.f32 v50, v12;
	v52 =	vsel vm10, v11, v41;
	vm11 =	vmmov vm10  }
0x2f0: {  	v37 =	vimm.s32 $0x0;
	[tilespmem:$0x1FEF0] =	vst v24;
	v24 =	vsel vm10, $0xFFFFFFFF, v53;
	v54 =	vsel vm5, v12, v50  }
0x2f1: {  	vm12 =	vgt.f32 v52, v14;
	vm13 =	vgt.f32 v15, v10;
	v12 =	vsel vm5, v50, v12  }
0x2f2: {  	v11 =	vsel vm11, v41, v11;
	v50 =	vimm.s32 $0x0;
	[tilespmem:$0x1FF30] =	vst v24;
	v24 =	vsel vm5, $0xFFFFFFFF, v55  }
0x2f3: {  	v56 =	vsel vm12, v14, v52;
	v25 =	vsel vm12, $0xFFFFFFFF, v25;
	vm6 =	vgt.f32 v54, v13  }
0x2f4: {  	v36 =	vld [tilespmem:s18+$0x3B80];
	v10 =	vsel vm13, v15, v10;
	v14 =	vsel vm12, v52, v14;
	vm9 =	vgt.f32 v62, v11  }
0x2f5: {  	[tilespmem:$0x1FF50] =	vst v25;
	v25 =	vsel vm13, $0xFFFFFFFF, v57;
	v59 =	vsel vm6, v13, v54;
	vm14 =	vgt.f32 v56, v17  }
0x2f6: {  	v13 =	vsel vm6, v54, v13;
	v35 =	vsel vm9, v11, v62;
	v11 =	vsel vm9, v62, v11  }
0x2f7: {  	v57 =	vimm.s32 $0x0;
	[tilespmem:$0x1FEE0] =	vst v25;
	v25 =	vsel vm6, $0xFFFFFFFF, v58;
	v60 =	vsel vm14, v17, v56  }
0x2f8: {  	vm7 =	vgt.f32 v59, v49;
	v17 =	vsel vm14, v56, v17;
	vm13 =	vgt.f32 v35, v14  }
0x2f9: {  	vm2 =	vgt.f32 v36, v11;
	[tilespmem:$0x1FF10] =	vst v25;
	v25 =	vsel vm14, $0xFFFFFFFF, v61;
	v26 =	vsel vm7, $0xFFFFFFFF, v26  }
0x2fa: {  	v63 =	vsel vm7, v49, v59;
	vm4 =	vgt.f32 v60, v9;
	v15 =	vsel vm7, v59, v49  }
0x2fb: {  	v39 =	vsel vm13, v14, v35;
	v14 =	vsel vm13, v35, v14;
	v44 =	vsel vm2, v11, v36  }
0x2fc: {  	v11 =	vsel vm2, v36, v11;
	[tilespmem:$0x1FF20] =	vst v26;
	v28 =	vsel vm4, v9, v60;
	v26 =	vsel vm4, $0xFFFFFFFF, v29  }
0x2fd: {  	[tilespmem:$0x1FE40] =	vst v22;
	vm0 =	vgt.f32 v63, v10;
	v9 =	vsel vm4, v60, v9;
	vm10 =	vgt.f32 v39, v17  }
0x2fe: {  	v62 =	vld [tilespmem:$0x1FE40];
	vm3 =	vgt.f32 v44, v14;
	v60 =	vimm.s32 $0x0;
	[tilespmem:$0x1FF70] =	vst v26;
	v26 =	vsel vm0, $0xFFFFFFFF, v30  }
0x2ff: {  	v10 =	vsel vm0, v63, v10;
	vm15 =	vgt.f32 v28, v12;
	v41 =	vsel vm10, v17, v39  }
0x300: {  	v17 =	vsel vm10, v39, v17;
	v45 =	vsel vm3, v44, v14;
	v14 =	vsel vm3, v14, v44  }
0x301: {  	v22 =	vsel vm15, $0xFFFFFFFF, v31;
	v32 =	vsel vm15, v12, v28;
	v12 =	vsel vm15, v28, v12  }
0x302: {  	vm11 =	vgt.f32 v41, v9;
	v47 =	vadd.f32 v45, v11;
	vm4 =	vgt.f32 v14, v17  }
0x303: {  	vm1 =	vnez.u8 v62;
	vm5 =	vgt.f32 v32, v13;
	v43 =	vsel vm11, v41, v9  }
0x304: {  	v9 =	vsel vm11, v9, v41;
	v48 =	vsel vm4, v14, v17;
	v34 =	vsel vm5, v13, v32  }
0x305: {  	v14 =	vsel vm4, v17, v14;
	v21 =	vsel vm5, $0xFFFFFFFF, v33;
	vm6 =	vgt.f32 v34, v15  }
0x306: {  	v63 =	vld [tilespmem:$0x1FE50];
	v13 =	vsel vm5, v32, v13;
	vm5 =	vgt.f32 v14, v43;
	v38 =	vsel vm6, v15, v34  }
0x307: {  	v49 =	vadd.f32 v48, v47;
	v51 =	vsel vm5, v14, v43;
	vm7 =	vgt.f32 v38, v10  }
0x308: {  	[tilespmem:$0x1FEC0] =	vst v20;
	v14 =	vsel vm5, v43, v14;
	v18 =	vsel vm6, $0xFFFFFFFF, v37;
	v20 =	vsel vm7, $0xFFFFFFFF, v40  }
0x309: {  	v15 =	vsel vm6, v34, v15;
	[tilespmem:$0x1FFD0] =	vst v20;
	v20 =	vsel vm11, $0xFFFFFFFF, v42;
	vm11 =	vgt.f32 v9, v12  }
0x30a: {  	v53 =	vadd.f32 v51, v49;
	v46 =	vsel vm11, v9, v12;
	v9 =	vsel vm11, v12, v9  }
0x30b: {  	vm0 =	vnez.u8 v63;
	v10 =	vsel vm7, v38, v10;
	vm12 =	vgt.f32 v9, v13  }
0x30c: {  	[tilespmem:$0x1FF90] =	vst v21;
	vm6 =	vgt.f32 v14, v46;
	v21 =	vsel vm12, $0xFFFFFFFF, v50;
	v52 =	vsel vm12, v9, v13  }
0x30d: {  	v59 =	vld [tilespmem:$0x1FE20];
	v9 =	vsel vm12, v13, v9;
	v54 =	vsel vm6, v14, v46;
	v14 =	vsel vm6, v46, v14  }
0x30e: {  	[tilespmem:$0x1FE80] =	vst v19;
	v61 =	vld [tilespmem:$0x1FE30];
	vm15 =	vgt.f32 v9, v15;
	v13 =	vadd.f32 v54, v53;
	vm7 =	vgt.f32 v14, v52  }
0x30f: {  	[tilespmem:$0x1FF00] =	vst v24;
	v24 =	vld [tilespmem:$0x1FE90];
	v55 =	vsel vm15, v9, v15;
	v9 =	vsel vm15, v15, v9;
	v56 =	vsel vm7, v14, v52  }
0x310: {  	[tilespmem:$0x1FF60] =	vst v25;
	v25 =	vld [tilespmem:$0x1FEA0];
	v14 =	vsel vm7, v52, v14;
	v13 =	vadd.f32 v56, v13;
	vm14 =	vgt.f32 v9, v10  }
0x311: {  	[tilespmem:$0x1FFA0] =	vst v20;
	v20 =	vld [tilespmem:$0x1FE60];
	vm8 =	vgt.f32 v14, v55;
	v19 =	vsel vm14, $0xFFFFFFFF, v57;
	v9 =	vsel vm14, v9, v10  }
0x312: {  	[tilespmem:$0x1FED0] =	vst v23;
	v58 =	vsel vm8, v14, v55;
	v14 =	vsel vm8, v55, v14;
	vm14 =	vnez.u8 v59  }
0x313: {  	[tilespmem:$0x1FF80] =	vst v22;
	v22 =	vld [tilespmem:$0x1FE70];
	v1 =	vsel vm14, $0x3A, v1;
	vm12 =	vgt.f32 v14, v9;
	vm14 =	vnez.u8 v61  }
0x314: {  	v23 =	vld [tilespmem:$0x1FE80];
	[tilespmem:$0x1FFE0] =	vst v19;
	v13 =	vadd.f32 v58, v13;
	v19 =	vsel vm12, $0xFFFFFFFF, v60;
	v2 =	vsel vm14, v16, v2  }
0x315: {  	v28 =	vld [tilespmem:$0x1FED0];
	v9 =	vsel vm12, v14, v9;
	v14 =	vnsel vm1, $0x3B, v1;
	v1 =	vsel vm1, $0x3B, v1  }
0x316: {  	[tilespmem:$0x1FF40] =	vst v26;
	v26 =	vld [tilespmem:$0x1FEB0];
	vm1 =	vnez.u8 v20;
	vm14 =	vnez.u8 v24;
	vm12 =	vnez.u8 v25  }
0x317: {  	v30 =	vld [tilespmem:$0x1FEF0];
	v16 =	vsel vm0, v3, v14;
	v13 =	vadd.f32 v9, v13;
	v3 =	vsel vm0, v14, v3  }
0x318: {  	v27 =	vld [tilespmem:$0x1FEC0];
	vm0 =	vnez.u8 v22;
	v14 =	vsel vm1, v16, v4;
	v4 =	vsel vm1, v4, v16  }
0x319: {  	v29 =	vld [tilespmem:$0x1FEE0];
	vm1 =	vnez.u8 v23;
	v16 =	vsel vm0, v4, v5;
	v4 =	vsel vm0, v5, v4  }
0x31a: {  	v32 =	vld [tilespmem:$0x1FF00];
	(erf) = vrcp.f32 v13;
	vm0 =	vnez.u8 v28;
	v5 =	vsel vm1, v4, v6  }
0x31b: {  	v34 =	vld [tilespmem:$0x1FF20];
	v4 =	vsel vm1, v6, v4;
	v6 =	vnsel vm14, $0x3C, v1;
	vm1 =	vnez.u8 v26  }
0x31c: {  	v33 =	vld [tilespmem:$0x1FF10];
	v1 =	vsel vm14, $0x3C, v1;
	vm14 =	vnez.u8 v30;
	v13 =	vsel vm12, v4, v7  }
0x31d: {  	v36 =	vld [tilespmem:$0x1FF40];
	v4 =	vsel vm12, v7, v4;
	v7 =	vsel vm1, v3, v6;
	vm12 =	vnez.u8 v27  }
0x31e: {  	v35 =	vld [tilespmem:$0x1FF30];
	[tilespmem:$0x1FFF0] =	vst v19;
	v3 =	vsel vm1, v6, v3;
	v19 =	vsel vm12, v4, v8;
	v4 =	vsel vm12, v8, v4  }
0x31f: {  	v8 =	vsel vm0, v14, v7;
	vm12 =	vnez.u8 v29;
	v31 =	vsel vm0, v7, v14  }
0x320: {  	v37 =	vld [tilespmem:$0x1FF50];
	vm0 =	vnez.u8 v34;
	v2 =	vsel vm12, v4, v2;
	v4 =	vsel vm14, v16, v8  }
0x321: {  	vm12 =	vnez.u8 v32;
	v8 =	vsel vm14, v8, v16;
	vm14 =	vnez.u8 v33  }
0x322: {  	v7 =	vsel vm12, v5, v4;
	v4 =	vsel vm12, v4, v5;
	vm12 =	vnez.u8 v36  }
0x323: {  	v5 =	vsel vm14, v13, v7;
	v7 =	vsel vm14, v7, v13;
	vm14 =	vnez.u8 v35  }
0x324: {  	v38 =	vld [tilespmem:$0x1FF60];
	v13 =	vsel vm0, v19, v5;
	v14 =	vnsel vm14, $0x3D, v1;
	v5 =	vsel vm0, v5, v19  }
0x325: {  	v42 =	vld [tilespmem:$0x1FF80];
	vm0 =	vnez.u8 v37;
	v1 =	vsel vm14, $0x3D, v1;
	v2 =	vsel vm12, v13, v2  }
0x326: {  	v40 =	vld [tilespmem:$0x1FF70];
	v13 =	vsel vm0, v3, v14;
	v3 =	vsel vm0, v14, v3;
	v41 =	vsel vm9, $0x3E, v1;
	v39 =	vpop (erf)  }
0x327: {  	[tilespmem:$0x1FFB0] =	vst v18;
	v1 =	vnsel vm9, $0x3E, v1;
	v43 =	vsel vm2, $0x3F, v41;
	v11 =	vmul.f32 v39, v11  }
0x328: {  	v44 =	vnsel vm2, $0x3F, v41;
	v18 =	vmul.f32 v39, v45;
	[tilespmem:s18+$0x4800] =	vst v43;
	v45 =	vsel vm13, v1, v3  }
0x329: {  	v49 =	vld [tilespmem:$0x1FFA0];
	v1 =	vsel vm13, v3, v1;
	v3 =	vsel vm3, v44, v45;
	[tilespmem:s18+$0x4000] =	vst v11  }
0x32a: {  	vm1 =	vnez.u8 v38;
	vm14 =	vnez.u8 v42;
	[tilespmem:s20+$0x4800] =	vst v3;
	v3 =	vld [tilespmem:$0x1FF90]  }
0x32b: {  	vm12 =	vnez.u8 v40;
	v14 =	vsel vm1, v31, v13;
	v6 =	vsel vm1, v13, v31  }
0x32c: {  	v13 =	vsel vm12, v14, v8;
	v8 =	vsel vm12, v8, v14;
	v12 =	vmul.f32 v39, v48  }
0x32d: {  	v48 =	vmul.f32 v39, v51;
	v51 =	vmul.f32 v39, v54;
	v19 =	vsel vm14, v8, v4  }
0x32e: {  	[tilespmem:$0x1FFC0] =	vst v21;
	v53 =	vld [tilespmem:$0x1FFB0];
	v4 =	vsel vm14, v4, v8;
	v46 =	vsel vm10, v1, v6;
	v1 =	vsel vm10, v6, v1  }
0x32f: {  	v57 =	vld [tilespmem:$0x1FFC0];
	v47 =	vsel vm3, v45, v44;
	vm10 =	vnez.u8 v49;
	[tilespmem:s20+$0x4000] =	vst v18;
	vm9 =	vnez.u8 v3  }
0x330: {  	v8 =	vsel vm4, v47, v46;
	v6 =	vsel vm4, v46, v47;
	[tilespmem:s18+$0x4100] =	vst v12;
	v3 =	vsel vm9, v4, v7  }
0x331: {  	[tilespmem:s18+$0x4900] =	vst v8;
	v4 =	vsel vm9, v7, v4;
	v7 =	vsel vm10, v1, v13;
	v1 =	vsel vm10, v13, v1  }
0x332: {  	v55 =	vmul.f32 v39, v56;
	[tilespmem:s31+$0x4000] =	vst v48;
	v50 =	vsel vm5, v6, v7;
	v52 =	vsel vm11, v1, v19  }
0x333: {  	v1 =	vsel vm11, v19, v1;
	v6 =	vsel vm5, v7, v6;
	vm11 =	vnez.u8 v53;
	[tilespmem:s31+$0x4800] =	vst v50  }
0x334: {  	vm12 =	vnez.u8 v57;
	v7 =	vsel vm11, v4, v5;
	v54 =	vsel vm6, v6, v52;
	[tilespmem:s18+$0x4200] =	vst v51  }
0x335: {  	v56 =	vsel vm6, v52, v6;
	v6 =	vsel vm12, v1, v3;
	v1 =	vsel vm12, v3, v1;
	[tilespmem:s18+$0x4A00] =	vst v54  }
0x336: {  	v59 =	vld [tilespmem:$0x1FFD0];
	v3 =	vsel vm7, v56, v6;
	v60 =	vsel vm7, v6, v56;
	v61 =	vsel vm15, v1, v7;
	[tilespmem:s21+$0x4000] =	vst v55  }
0x337: {  	v63 =	vld [tilespmem:$0x1FFE0];
	[tilespmem:s21+$0x4800] =	vst v3;
	v3 =	vsel vm8, v60, v61  }
0x338: {  	[tilespmem:s18+$0x4B00] =	vst v3;
	v3 =	vld [tilespmem:$0x1FFF0];
	_ =	sdelay $0x1  }
0x339: {  	p0 =	sne.s32 s17, $0xF0;
	v58 =	vmul.f32 v39, v58  }
.Ltmp0:
0x33a: {  	vm13 =	vnez.u8 v59;
	v62 =	vmul.f32 v39, v9;
	v4 =	vsel vm11, v5, v4;
	(pc) =	sbr.rel @p0 .LBB2_3-.Ltmp0, $4  }
0x33b: {  	vm14 =	vnez.u8 v63;
	v2 =	vsel vm13, v4, v2;
	v1 =	vsel vm15, v7, v1  }
0x33c: {  	v1 =	vsel vm14, v1, v2;
	v2 =	vsel vm8, v61, v60;
	[tilespmem:s18+$0x4300] =	vst v58;
	vm15 =	vnez.u8 v3  }
0x33d: {  	[tilespmem:s22+$0x4000] =	vst v62;
	v1 =	vsel vm15, v2, v1  }
0x33e: {  	s16 =	sadd.s32 $0x80, s16;
	s17 =	sadd.s32 $0x10, s17;
	[tilespmem:s22+$0x4800] =	vst v1  }
0x33f: {  	s16 =	sadd.s32 s1, s15  }
0x340: {  	[hbm4b:s16+s3] =	stream.linear.scatter [tilespmem:s11], [sflag:$0x1], $0x800, $0x38;
	[tilespmem:$0x5000] =	vst v63  }
0x341: {  	s14 =	sadd.s32 $0x1, s14;
	_ =	swait.ge [sflag:s10], $0x800  }
0x342: {  	p0 =	sne.s32 s14, $0x4;
	[sflag:s10] =	ssyncset.done $0x0  }
.Ltmp1:
0x343: {  	s31 =	sadd.s32 s2, s15;
	[sflag:s10] =	ssyncadd.s32 $0xFFFFF800;
	(pc) =	sbr.rel @p0 .LBB2_2-.Ltmp1, $4  }
0x344: {  	[hbm4b:s31+s3] =	stream.linear.scatter [tilespmem:s12], [sflag:$0x1], $0x800, $0x38;
	[tilespmem:$0x5000] =	vst v63  }
0x345: {  	_ =	swait.ge [sflag:s10], $0x800  }
0x346: {  	[sflag:s10] =	ssyncset.done $0x0  }
0x347: {  	[sflag:s10] =	ssyncadd.s32 $0xFFFFF800  }
0x348: {  	s13 =	sadd.s32 $0x1, s13  }
0x349: {  	p0 =	sne.s32 s13, s7  }
.Ltmp2:
0x34a: {  	_ = 	snop;
	(pc) =	sbr.rel @p0 .LBB2_1-.Ltmp2, $1  }
0x34b: {  	_ =	sdelay $0x3  }
0x34c: {  	_ =	sfence.sel $0x180000  }
0x34d: {  	[bflag:$0x0] =	sbarrier.arrive $0xFFFF  }
0x34e: {  	p0 =	sne.s32 s4, $0x0;
	_ =	strace $0x90000047  }
0x34f: {  	s0 =	sadd.s32 @!p0 $0x100000, s0;
	[bflag:$0x2] =	sbarrier.arrive $0xFFFF  }
0x350: {  	[sflag:s0] =	ssyncadd.tile.s32 @!p0 $0x1;
	_ =	shalt  }
.Lfunc_end2:
_tile_overlayer_lowered:
.L_overlay_start_2:
0x351: {  	(tag) =	ssettag $0x2  }
0x352: {  	s0 =	rddreg [dreg:$0x0];
	s2 =	stileid.u32  }
0x353: {  	s1 =	rddreg [dreg:$0x1];
	p0 =	sne.s32 s2, $0x0  }
0x354: {  	s3 =	rddreg [dreg:$0x2];
	[bflag:$0x3] =	sbarrier.arrive $0xFFFF;
	s2 =	simm.s32 @!p0 $0x1C01  }
0x355: {  	[timem:s3], [sflag:s2] =	dma.local @!p0 [hbm:s0], s1  }
0x356: {  	s0 =	simm.s32 @!p0 $0x1  }
0x357: {  	_ =	swait.ge @!p0 [sflag:s0], s1  }
0x358: {  	s1 =	ssub.s32 @!p0 $0x0, s1;
	[sflag:s0] =	ssyncset.done @!p0 $0x0  }
0x359: {  	[sflag:s0] =	ssyncadd.s32 @!p0 s1  }
0x35a: {  	[bflag:$0x3] =	sbarrier.arrive $0xFFFF  }
0x35b: {  	_ =	shalt  }

</sc_bundles>
